<compile_context>
chip_gen: v7x
topology: tpu7x:2x2x1
jax: 0.10.2.dev20260603
libtpu: 0.0.44.dev20260713+nightly
codegen_flags: <defaults>
</compile_context>

<pallas_src>
import jax
import jax.numpy as jnp
from jax import lax
from jax.experimental import pallas as pl
from jax.experimental.pallas import tpu as pltpu
from jax.experimental.pallas import tpu_sc as plsc

N = 10000
D = 128
H1 = 64
H2 = 16

NC = 2
NS = 16
NW = NC * NS
CH = 128
IR = 16
NB = 2
NR = 2 * NB

N_ACC = 10240
RPT = N_ACC // NS
RCH = RPT // CH


def _sc_agg_body(width, count, src_hbm, dst_hbm, tbl_hbm, agg_out, cnt_out,
                 src_v, dst_v, rows_v, rows2_v, zero_v, one16_v, z16_v, tbl_sh, acc_sh,
                 cnt_sh, sems, nch):
    cid = lax.axis_index("c")
    sid = lax.axis_index("s")
    wid = sid * NC + cid
    gsem, ssem, csem = sems

    z16 = jnp.zeros((16,), jnp.float32)
    o16 = jnp.ones((16,), jnp.float32)

    TPT = N // NS
    pltpu.sync_copy(tbl_hbm.at[pl.ds(sid * TPT, TPT)],
                    tbl_sh.at[pl.ds(sid * TPT, TPT)])

    @pl.loop(0, CH)
    def _(r):
        for c in range(width // 16):
            zero_v[r, pl.ds(c * 16, 16)] = z16
        if count:
            one16_v[r, pl.ds(0, 16)] = o16
            z16_v[r, pl.ds(0, 16)] = z16

    @pl.loop(0, RCH)
    def _(k):
        base = sid * RPT + k * CH
        pltpu.sync_copy(zero_v, acc_sh.at[pl.ds(base, CH)])
        if count:
            pltpu.sync_copy(z16_v, cnt_sh.at[pl.ds(base, CH)])

    plsc.subcore_barrier()

    @pl.loop(0, nch // IR)
    def _(g):
        pltpu.sync_copy(src_hbm.at[wid, pl.ds(g * IR, IR)], src_v)
        pltpu.sync_copy(dst_hbm.at[wid, pl.ds(g * IR, IR)], dst_v)

        sdesc = [None, None]
        for jj in range(IR):
            rv = rows_v if jj % 2 == 0 else rows2_v
            if jj == 0:
                pltpu.async_copy(tbl_sh.at[src_v.at[0]], rows_v, gsem)
            pltpu.make_async_copy(tbl_sh.at[src_v.at[jj]], rv, gsem).wait()
            if jj + 1 < IR:
                nv = rows2_v if jj % 2 == 0 else rows_v
                if sdesc[(jj + 1) % 2] is not None:
                    sdesc[(jj + 1) % 2].wait()
                pltpu.async_copy(tbl_sh.at[src_v.at[jj + 1]], nv, gsem)
            sdesc[jj % 2] = pltpu.async_copy(rv, acc_sh.at[dst_v.at[jj]],
                                             ssem, add=True)
            if count:
                pltpu.async_copy(one16_v, cnt_sh.at[dst_v.at[jj]], csem,
                                 add=True)
        sdesc[(IR - 2) % 2].wait()
        sdesc[(IR - 1) % 2].wait()

    if count:
        @pl.loop(0, nch)
        def _(j):
            pltpu.make_async_copy(cnt_out.at[cid, pl.ds(0, CH)], one16_v,
                                  csem).wait()

    plsc.subcore_barrier()

    @pl.loop(0, RCH)
    def _(k):
        base = sid * RPT + k * CH
        pltpu.sync_copy(acc_sh.at[pl.ds(base, CH)], rows_v)
        pltpu.sync_copy(rows_v, agg_out.at[cid, pl.ds(base, CH)])
        if count:
            pltpu.sync_copy(cnt_sh.at[pl.ds(base, CH)], z16_v)
            pltpu.sync_copy(z16_v, cnt_out.at[cid, pl.ds(base, CH)])


def _make_sc_agg(width, count, nch):
    mesh = plsc.VectorSubcoreMesh(core_axis_name="c", subcore_axis_name="s")
    out_type = [jax.ShapeDtypeStruct((NC, N_ACC, width), jnp.float32)]
    scratch = [
        pltpu.VMEM((IR, CH), jnp.int32),
        pltpu.VMEM((IR, CH), jnp.int32),
        pltpu.VMEM((CH, width), jnp.float32),
        pltpu.VMEM((CH, width), jnp.float32),
        pltpu.VMEM((CH, width), jnp.float32),
        pltpu.VMEM((CH, 16), jnp.float32),
        pltpu.VMEM((CH, 16), jnp.float32),
        pltpu.VMEM_SHARED((N, width), jnp.float32),
        pltpu.VMEM_SHARED((N_ACC, width), jnp.float32),
        pltpu.VMEM_SHARED((N_ACC, 16), jnp.float32),
        (pltpu.SemaphoreType.DMA, pltpu.SemaphoreType.DMA,
         pltpu.SemaphoreType.DMA),
    ]
    if count:
        out_type.append(jax.ShapeDtypeStruct((NC, N_ACC, 16), jnp.float32))

    def body(src_hbm, dst_hbm, tbl_hbm, *rest):
        if count:
            agg_out, cnt_out = rest[0], rest[1]
            scr = rest[2:]
        else:
            agg_out, cnt_out = rest[0], None
            scr = rest[1:]
        _sc_agg_body(width, count, src_hbm, dst_hbm, tbl_hbm, agg_out,
                     cnt_out, *scr, nch)

    return pl.kernel(body, out_type=out_type, mesh=mesh,
                     scratch_types=scratch,
                     compiler_params=pltpu.CompilerParams(
                         use_tc_tiling_on_sc=False))


def _tc_layer1_pre(x_ref, wl_ref, wr_ref, b_ref, m1_ref, xr_ref):
    xb = x_ref[...]
    m1_ref[...] = jnp.dot(xb, wl_ref[...], preferred_element_type=jnp.float32)
    xr_ref[...] = (jnp.dot(xb, wr_ref[...], preferred_element_type=jnp.float32)
                   + b_ref[...])


def _tc_layer1_post(agg_ref, cnt_ref, xr_ref, wl_ref, wr_ref, b_ref,
                    p_ref, r_ref):
    a = agg_ref[0] + agg_ref[1]
    c = cnt_ref[0, :, 0:1] + cnt_ref[1, :, 0:1]
    mean = a / jnp.maximum(c, 1.0)
    h = jnp.maximum(mean + xr_ref[...], 0.0)
    p_ref[...] = jnp.dot(h, wl_ref[...], preferred_element_type=jnp.float32)
    r_ref[...] = (jnp.dot(h, wr_ref[...], preferred_element_type=jnp.float32)
                  + b_ref[...])


def _tc_final(agg_ref, cnt_ref, r_ref, wfc_ref, bfc_ref, o_ref):
    a = agg_ref[0] + agg_ref[1]
    c = cnt_ref[0, :, 0:1] + cnt_ref[1, :, 0:1]
    z = a / jnp.maximum(c, 1.0) + r_ref[...]
    o_ref[...] = (jnp.dot(z, wfc_ref[...], preferred_element_type=jnp.float32)
                  + bfc_ref[...])


_BR = 1000


def _w_spec(shape):
    return pl.BlockSpec(shape, lambda i: (0,) * len(shape))


@jax.jit
def kernel(x, e, W1l, W1r, b1, W2l, W2r, b2, Wfc, bfc):
    E = e.shape[1]
    nch = -(-E // (NW * CH * IR)) * IR
    e_pad = NW * nch * CH
    src = e[0].astype(jnp.int32)
    dst = e[1].astype(jnp.int32)
    pad = e_pad - E
    src_p = jnp.concatenate([src, jnp.zeros((pad,), jnp.int32)])
    dst_p = jnp.concatenate([dst, jnp.full((pad,), N, jnp.int32)])
    src_p = src_p.reshape(NW, nch, CH)
    dst_p = dst_p.reshape(NW, nch, CH)

    b1r = b1.reshape(1, H1)
    b2r = b2.reshape(1, H2)
    wfc_p = jnp.zeros((H2, 16), jnp.float32).at[:, :2].set(Wfc)
    bfc_p = jnp.zeros((1, 16), jnp.float32).at[0, :2].set(bfc)

    grid = N // _BR

    m1, xr = pl.pallas_call(
        _tc_layer1_pre,
        grid=(grid,),
        in_specs=[pl.BlockSpec((_BR, D), lambda i: (i, 0)),
                  _w_spec((D, H1)), _w_spec((D, H1)), _w_spec((1, H1))],
        out_specs=[pl.BlockSpec((_BR, H1), lambda i: (i, 0))] * 2,
        out_shape=[jax.ShapeDtypeStruct((N, H1), jnp.float32)] * 2,
    )(x, W1l, W1r, b1r)

    agg1, cnt = _make_sc_agg(H1, True, nch)(src_p, dst_p, m1)

    p, r = pl.pallas_call(
        _tc_layer1_post,
        grid=(grid,),
        in_specs=[pl.BlockSpec((NC, _BR, H1), lambda i: (0, i, 0)),
                  pl.BlockSpec((NC, _BR, 16), lambda i: (0, i, 0)),
                  pl.BlockSpec((_BR, H1), lambda i: (i, 0)),
                  _w_spec((H1, H2)), _w_spec((H1, H2)), _w_spec((1, H2))],
        out_specs=[pl.BlockSpec((_BR, H2), lambda i: (i, 0))] * 2,
        out_shape=[jax.ShapeDtypeStruct((N, H2), jnp.float32)] * 2,
    )(agg1, cnt, xr, W2l, W2r, b2r)

    (agg2,) = _make_sc_agg(H2, False, nch)(src_p, dst_p, p)

    out16 = pl.pallas_call(
        _tc_final,
        grid=(grid,),
        in_specs=[pl.BlockSpec((NC, _BR, H2), lambda i: (0, i, 0)),
                  pl.BlockSpec((NC, _BR, 16), lambda i: (0, i, 0)),
                  pl.BlockSpec((_BR, H2), lambda i: (i, 0)),
                  _w_spec((H2, 16)), _w_spec((1, 16))],
        out_specs=pl.BlockSpec((_BR, 16), lambda i: (i, 0)),
        out_shape=jax.ShapeDtypeStruct((N, 16), jnp.float32),
    )(agg2, cnt, r, wfc_p, bfc_p)

    return out16[:, :2]

# --- scband reference (transcript-rebuilt; emitter-appended) ---
"""Pipeline reference for scband-graph-sage-34256659153681 (READ-ONLY COPY).

The authoritative reference and input builder live on the scoring server;
editing this copy changes nothing except your own understanding.
"""

import jax, jax.numpy as jnp
import numpy as np

N = 10000
E = 320000
D = 128

def setup_inputs(seed: int = 0) -> dict:
    key = jax.random.key(seed)
    ks = jax.random.split(key, 12)
    x = jax.random.normal(ks[0], (N, D), dtype=jnp.float32)
    e = jax.random.randint(ks[1], (2, E), 0, N, dtype=jnp.int64)
    s1 = 1.0 / np.sqrt(D)
    s2 = 1.0 / np.sqrt(64)
    s3 = 1.0 / np.sqrt(16)
    W1l = jax.random.uniform(ks[2], (D, 64), jnp.float32, -s1, s1)
    W1r = jax.random.uniform(ks[3], (D, 64), jnp.float32, -s1, s1)
    b1 = jax.random.uniform(ks[4], (64,), jnp.float32, -s1, s1)
    W2l = jax.random.uniform(ks[5], (64, 16), jnp.float32, -s2, s2)
    W2r = jax.random.uniform(ks[6], (64, 16), jnp.float32, -s2, s2)
    b2 = jax.random.uniform(ks[7], (16,), jnp.float32, -s2, s2)
    Wfc = jax.random.uniform(ks[8], (16, 2), jnp.float32, -s3, s3)
    bfc = jax.random.uniform(ks[9], (2,), jnp.float32, -s3, s3)
    return {"x": x, "e": e, "W1l": W1l, "W1r": W1r, "b1": b1,
            "W2l": W2l, "W2r": W2r, "b2": b2, "Wfc": Wfc, "bfc": bfc}

def _sage_conv(x, e, Wl, Wr, b):
    # PyG SAGEConv with mean aggregation: out = lin_l(mean_{j in N(i)} x_j) + lin_r(x_i)
    src = e[0]
    dst = e[1]
    n = x.shape[0]
    msgs = jnp.take(x, src, axis=0)
    agg = jax.ops.segment_sum(msgs, dst, num_segments=n)
    cnt = jax.ops.segment_sum(jnp.ones((e.shape[1],), x.dtype), dst, num_segments=n)
    mean = agg / jnp.maximum(cnt, 1.0)[:, None]
    return mean @ Wl + x @ Wr + b

def reference(x, e, W1l, W1r, b1, W2l, W2r, b2, Wfc, bfc):
    h = jax.nn.relu(_sage_conv(x, e, W1l, W1r, b1))
    h = _sage_conv(h, e, W2l, W2r, b2)
    return h @ Wfc + bfc

if __name__ == "__main__":
    import jax
    _d = setup_inputs()
    print(jax.jit(kernel)(*tuple(_d.values())))

</pallas_src>

<mosaic_0001>
#map = affine_map<(d0, d1) -> (0, 0, 0)>
#map1 = affine_map<(d0, d1) -> (0, 0)>
module attributes {stable_mosaic.version = 14 : i64} {
  func.func @body(%arg0: i32, %arg1: i32, %arg2: memref<32x80x128xi32, #tpu.memory_space<hbm>>, %arg3: memref<32x80x128xi32, #tpu.memory_space<hbm>>, %arg4: memref<10000x64xf32, #tpu.memory_space<hbm>>, %arg5: memref<2x10240x64xf32, #tpu.memory_space<hbm>>, %arg6: memref<2x10240x16xf32, #tpu.memory_space<hbm>>, %arg7: memref<16x128xi32, #tpu.memory_space<vmem>>, %arg8: memref<16x128xi32, #tpu.memory_space<vmem>>, %arg9: memref<128x64xf32, #tpu.memory_space<vmem>>, %arg10: memref<128x64xf32, #tpu.memory_space<vmem>>, %arg11: memref<128x64xf32, #tpu.memory_space<vmem>>, %arg12: memref<128x16xf32, #tpu.memory_space<vmem>>, %arg13: memref<128x16xf32, #tpu.memory_space<vmem>>, %arg14: memref<10000x64xf32, #tpu.memory_space<vmem_shared>>, %arg15: memref<10240x64xf32, #tpu.memory_space<vmem_shared>>, %arg16: memref<10240x16xf32, #tpu.memory_space<vmem_shared>>, %arg17: memref<!tpu.dma_semaphore, #tpu.memory_space<semaphore_mem>>, %arg18: memref<!tpu.dma_semaphore, #tpu.memory_space<semaphore_mem>>, %arg19: memref<!tpu.dma_semaphore, #tpu.memory_space<semaphore_mem>>) attributes {dimension_semantics = [#tpu.dimension_semantics<core_parallel>, #tpu.dimension_semantics<subcore_parallel>], iteration_bounds = array<i64: 2, 16>, scalar_prefetch = 0 : i64, scratch_operands = 13 : i64, tpu.core_type = #tpu.core_type<sc_vector_subcore>, window_params = [{transform_indices = #map}, {transform_indices = #map}, {transform_indices = #map1}, {transform_indices = #map}, {transform_indices = #map}]} {
    %mul3A = arith.constant 2 : i32
    %mul3A_0 = arith.muli %arg1, %mul3A : i32
    %add3A = arith.addi %mul3A_0, %arg0 : i32
    %broadcast_in_dim3A = arith.constant 0.000000e+00 : f32
    %broadcast_in_dim3A_1 = vector.broadcast %broadcast_in_dim3A : f32 to vector<16xf32>
    %broadcast_in_dim3A_2 = arith.constant 1.000000e+00 : f32
    %broadcast_in_dim3A_3 = vector.broadcast %broadcast_in_dim3A_2 : f32 to vector<16xf32>
    %mul3A_4 = arith.constant 625 : i32
    %mul3A_5 = arith.muli %arg1, %mul3A_4 : i32
    %mul3A_6 = arith.constant 625 : i32
    %mul3A_7 = arith.muli %arg1, %mul3A_6 : i32
    "tpu.region"() ({
      %run_scoped3A = tpu.sem_alloc : memref<!tpu.dma_semaphore, #tpu.memory_space<semaphore_mem>>
      %dma_start3A = arith.constant 0 : i32
      %dma_start3A_33 = tpu.memref_slice %arg14[%mul3A_7, %dma_start3A] : memref<10000x64xf32, #tpu.memory_space<vmem_shared>> -> memref<625x64xf32, #tpu.memory_space<vmem_shared>>
      %dma_start3A_34 = arith.constant 0 : i32
      %dma_start3A_35 = tpu.memref_slice %arg4[%mul3A_5, %dma_start3A_34] : memref<10000x64xf32, #tpu.memory_space<hbm>> -> memref<625x64xf32, #tpu.memory_space<hbm>>
      tpu.enqueue_dma source(%dma_start3A_35 : memref<625x64xf32, #tpu.memory_space<hbm>>) target(%dma_start3A_33 : memref<625x64xf32, #tpu.memory_space<vmem_shared>>) target_semaphore(%run_scoped3A : memref<!tpu.dma_semaphore, #tpu.memory_space<semaphore_mem>>)
      %dma_wait3A = arith.constant 0 : i32
      %dma_wait3A_36 = tpu.memref_slice %arg14[%mul3A_7, %dma_wait3A] : memref<10000x64xf32, #tpu.memory_space<vmem_shared>> -> memref<625x64xf32, #tpu.memory_space<vmem_shared>>
      %dma_wait3A_37 = arith.constant 0 : i32
      %dma_wait3A_38 = tpu.memref_slice %arg4[%mul3A_5, %dma_wait3A_37] : memref<10000x64xf32, #tpu.memory_space<hbm>> -> memref<625x64xf32, #tpu.memory_space<hbm>>
      tpu.wait_dma2 semaphore(%run_scoped3A : memref<!tpu.dma_semaphore, #tpu.memory_space<semaphore_mem>>) src(%dma_wait3A_38 : memref<625x64xf32, #tpu.memory_space<hbm>>) dst(%dma_wait3A_36 : memref<625x64xf32, #tpu.memory_space<vmem_shared>>)
      tpu.yield
    }) : () -> ()
    %scan3A = arith.constant 0 : i32
    %scan3A_8 = arith.constant 128 : i32
    %scan3A_9 = arith.addi %scan3A, %scan3A_8 : i32
    %scan3A_10 = arith.constant 1 : i32
    scf.for %scan3A_33 = %scan3A to %scan3A_9 step %scan3A_10  : i32 {
      %mul3A_34 = arith.constant 1 : i32
      %mul3A_35 = arith.muli %scan3A_33, %mul3A_34 : i32
      %add3A_36 = arith.constant 0 : i32
      %add3A_37 = arith.addi %add3A_36, %mul3A_35 : i32
      %swap3A = arith.index_cast %add3A_37 : i32 to index
      %swap3A_38 = arith.constant 0 : index
      %swap3A_39 = tpu.vector_load %arg11[%swap3A, %swap3A_38] {strides = array<i32>} : memref<128x64xf32, #tpu.memory_space<vmem>>, vector<1x16xf32>,
      %swap3A_40 = vector.shape_cast %swap3A_39 : vector<1x16xf32> to vector<16xf32>
      %swap3A_41 = vector.shape_cast %broadcast_in_dim3A_1 : vector<16xf32> to vector<1x16xf32>
      tpu.vector_store %arg11[%swap3A, %swap3A_38], %swap3A_41 {strides = array<i32>} : memref<128x64xf32, #tpu.memory_space<vmem>>, vector<1x16xf32>,
      %swap3A_42 = arith.index_cast %add3A_37 : i32 to index
      %swap3A_43 = arith.constant 16 : index
      %swap3A_44 = tpu.vector_load %arg11[%swap3A_42, %swap3A_43] {strides = array<i32>} : memref<128x64xf32, #tpu.memory_space<vmem>>, vector<1x16xf32>,
      %swap3A_45 = vector.shape_cast %swap3A_44 : vector<1x16xf32> to vector<16xf32>
      %swap3A_46 = vector.shape_cast %broadcast_in_dim3A_1 : vector<16xf32> to vector<1x16xf32>
      tpu.vector_store %arg11[%swap3A_42, %swap3A_43], %swap3A_46 {strides = array<i32>} : memref<128x64xf32, #tpu.memory_space<vmem>>, vector<1x16xf32>,
      %swap3A_47 = arith.index_cast %add3A_37 : i32 to index
      %swap3A_48 = arith.constant 32 : index
      %swap3A_49 = tpu.vector_load %arg11[%swap3A_47, %swap3A_48] {strides = array<i32>} : memref<128x64xf32, #tpu.memory_space<vmem>>, vector<1x16xf32>,
      %swap3A_50 = vector.shape_cast %swap3A_49 : vector<1x16xf32> to vector<16xf32>
      %swap3A_51 = vector.shape_cast %broadcast_in_dim3A_1 : vector<16xf32> to vector<1x16xf32>
      tpu.vector_store %arg11[%swap3A_47, %swap3A_48], %swap3A_51 {strides = array<i32>} : memref<128x64xf32, #tpu.memory_space<vmem>>, vector<1x16xf32>,
      %swap3A_52 = arith.index_cast %add3A_37 : i32 to index
      %swap3A_53 = arith.constant 48 : index
      %swap3A_54 = tpu.vector_load %arg11[%swap3A_52, %swap3A_53] {strides = array<i32>} : memref<128x64xf32, #tpu.memory_space<vmem>>, vector<1x16xf32>,
      %swap3A_55 = vector.shape_cast %swap3A_54 : vector<1x16xf32> to vector<16xf32>
      %swap3A_56 = vector.shape_cast %broadcast_in_dim3A_1 : vector<16xf32> to vector<1x16xf32>
      tpu.vector_store %arg11[%swap3A_52, %swap3A_53], %swap3A_56 {strides = array<i32>} : memref<128x64xf32, #tpu.memory_space<vmem>>, vector<1x16xf32>,
      %swap3A_57 = arith.index_cast %add3A_37 : i32 to index
      %swap3A_58 = arith.constant 0 : index
      %swap3A_59 = tpu.vector_load %arg12[%swap3A_57, %swap3A_58] {strides = array<i32>} : memref<128x16xf32, #tpu.memory_space<vmem>>, vector<1x16xf32>,
      %swap3A_60 = vector.shape_cast %swap3A_59 : vector<1x16xf32> to vector<16xf32>
      %swap3A_61 = vector.shape_cast %broadcast_in_dim3A_3 : vector<16xf32> to vector<1x16xf32>
      tpu.vector_store %arg12[%swap3A_57, %swap3A_58], %swap3A_61 {strides = array<i32>} : memref<128x16xf32, #tpu.memory_space<vmem>>, vector<1x16xf32>,
      %swap3A_62 = arith.index_cast %add3A_37 : i32 to index
      %swap3A_63 = arith.constant 0 : index
      %swap3A_64 = tpu.vector_load %arg13[%swap3A_62, %swap3A_63] {strides = array<i32>} : memref<128x16xf32, #tpu.memory_space<vmem>>, vector<1x16xf32>,
      %swap3A_65 = vector.shape_cast %swap3A_64 : vector<1x16xf32> to vector<16xf32>
      %swap3A_66 = vector.shape_cast %broadcast_in_dim3A_1 : vector<16xf32> to vector<1x16xf32>
      tpu.vector_store %arg13[%swap3A_62, %swap3A_63], %swap3A_66 {strides = array<i32>} : memref<128x16xf32, #tpu.memory_space<vmem>>, vector<1x16xf32>,
    }
    %scan3A_11 = arith.constant 128 : i32
    %scan3A_12 = arith.constant 0 : i32
    %scan3A_13 = arith.constant 5 : i32
    %scan3A_14 = arith.addi %scan3A_12, %scan3A_13 : i32
    %scan3A_15 = arith.constant 1 : i32
    scf.for %scan3A_33 = %scan3A_12 to %scan3A_14 step %scan3A_15  : i32 {
      %mul3A_34 = arith.constant 1 : i32
      %mul3A_35 = arith.muli %scan3A_33, %mul3A_34 : i32
      %add3A_36 = arith.constant 0 : i32
      %add3A_37 = arith.addi %add3A_36, %mul3A_35 : i32
      %mul3A_38 = arith.constant 640 : i32
      %mul3A_39 = arith.muli %arg1, %mul3A_38 : i32
      %mul3A_40 = arith.constant 128 : i32
      %mul3A_41 = arith.muli %add3A_37, %mul3A_40 : i32
      %add3A_42 = arith.addi %mul3A_39, %mul3A_41 : i32
      "tpu.region"() ({
        %run_scoped3A = tpu.sem_alloc : memref<!tpu.dma_semaphore, #tpu.memory_space<semaphore_mem>>
        %dma_start3A = arith.constant 0 : i32
        %dma_start3A_43 = tpu.memref_slice %arg15[%add3A_42, %dma_start3A] : memref<10240x64xf32, #tpu.memory_space<vmem_shared>> -> memref<128x64xf32, #tpu.memory_space<vmem_shared>>
        %dma_start3A_44 = arith.constant 0 : i32
        %dma_start3A_45 = tpu.memref_slice %arg15[%add3A_42, %dma_start3A_44] : memref<10240x64xf32, #tpu.memory_space<vmem_shared>> -> memref<128x64xf32, #tpu.memory_space<vmem_shared>>
        tpu.enqueue_dma source(%arg11 : memref<128x64xf32, #tpu.memory_space<vmem>>) target(%dma_start3A_45 : memref<128x64xf32, #tpu.memory_space<vmem_shared>>) target_semaphore(%run_scoped3A : memref<!tpu.dma_semaphore, #tpu.memory_space<semaphore_mem>>)
        %dma_wait3A = arith.constant 0 : i32
        %dma_wait3A_46 = tpu.memref_slice %arg15[%add3A_42, %dma_wait3A] : memref<10240x64xf32, #tpu.memory_space<vmem_shared>> -> memref<128x64xf32, #tpu.memory_space<vmem_shared>>
        %dma_wait3A_47 = arith.constant 0 : i32
        %dma_wait3A_48 = tpu.memref_slice %arg15[%add3A_42, %dma_wait3A_47] : memref<10240x64xf32, #tpu.memory_space<vmem_shared>> -> memref<128x64xf32, #tpu.memory_space<vmem_shared>>
        tpu.wait_dma2 semaphore(%run_scoped3A : memref<!tpu.dma_semaphore, #tpu.memory_space<semaphore_mem>>) src(%arg11 : memref<128x64xf32, #tpu.memory_space<vmem>>) dst(%dma_wait3A_48 : memref<128x64xf32, #tpu.memory_space<vmem_shared>>)
        tpu.yield
      }) : () -> ()
      "tpu.region"() ({
        %run_scoped3A = tpu.sem_alloc : memref<!tpu.dma_semaphore, #tpu.memory_space<semaphore_mem>>
        %dma_start3A = arith.constant 0 : i32
        %dma_start3A_43 = tpu.memref_slice %arg16[%add3A_42, %dma_start3A] : memref<10240x16xf32, #tpu.memory_space<vmem_shared>> -> memref<128x16xf32, #tpu.memory_space<vmem_shared>>
        %dma_start3A_44 = arith.constant 0 : i32
        %dma_start3A_45 = tpu.memref_slice %arg16[%add3A_42, %dma_start3A_44] : memref<10240x16xf32, #tpu.memory_space<vmem_shared>> -> memref<128x16xf32, #tpu.memory_space<vmem_shared>>
        tpu.enqueue_dma source(%arg13 : memref<128x16xf32, #tpu.memory_space<vmem>>) target(%dma_start3A_45 : memref<128x16xf32, #tpu.memory_space<vmem_shared>>) target_semaphore(%run_scoped3A : memref<!tpu.dma_semaphore, #tpu.memory_space<semaphore_mem>>)
        %dma_wait3A = arith.constant 0 : i32
        %dma_wait3A_46 = tpu.memref_slice %arg16[%add3A_42, %dma_wait3A] : memref<10240x16xf32, #tpu.memory_space<vmem_shared>> -> memref<128x16xf32, #tpu.memory_space<vmem_shared>>
        %dma_wait3A_47 = arith.constant 0 : i32
        %dma_wait3A_48 = tpu.memref_slice %arg16[%add3A_42, %dma_wait3A_47] : memref<10240x16xf32, #tpu.memory_space<vmem_shared>> -> memref<128x16xf32, #tpu.memory_space<vmem_shared>>
        tpu.wait_dma2 semaphore(%run_scoped3A : memref<!tpu.dma_semaphore, #tpu.memory_space<semaphore_mem>>) src(%arg13 : memref<128x16xf32, #tpu.memory_space<vmem>>) dst(%dma_wait3A_48 : memref<128x16xf32, #tpu.memory_space<vmem_shared>>)
        tpu.yield
      }) : () -> ()
    }
    %scan3A_16 = arith.constant 5 : i32
    %barrier3A = arith.constant 0 : index
    tpu.barrier barrier_id(%barrier3A)
    %scan3A_17 = arith.constant 0 : i32
    %scan3A_18 = arith.constant 5 : i32
    %scan3A_19 = arith.addi %scan3A_17, %scan3A_18 : i32
    %scan3A_20 = arith.constant 1 : i32
    scf.for %scan3A_33 = %scan3A_17 to %scan3A_19 step %scan3A_20  : i32 {
      %mul3A_34 = arith.constant 1 : i32
      %mul3A_35 = arith.muli %scan3A_33, %mul3A_34 : i32
      %add3A_36 = arith.constant 0 : i32
      %add3A_37 = arith.addi %add3A_36, %mul3A_35 : i32
      %mul3A_38 = arith.constant 16 : i32
      %mul3A_39 = arith.muli %add3A_37, %mul3A_38 : i32
      "tpu.region"() ({
        %run_scoped3A = tpu.sem_alloc : memref<!tpu.dma_semaphore, #tpu.memory_space<semaphore_mem>>
        %dma_start3A_600 = arith.constant 0 : i32
        %dma_start3A_601 = tpu.memref_slice %arg2[%add3A, %mul3A_39, %dma_start3A_600] : memref<32x80x128xi32, #tpu.memory_space<hbm>> -> memref<1x16x128xi32, #tpu.memory_space<hbm>>
        %dma_start3A_602 = tpu.memref_squeeze %dma_start3A_601 : memref<1x16x128xi32, #tpu.memory_space<hbm>> -> memref<16x128xi32, #tpu.memory_space<hbm>>
        %dma_start3A_603 = arith.constant 0 : i32
        %dma_start3A_604 = tpu.memref_slice %arg2[%add3A, %mul3A_39, %dma_start3A_603] : memref<32x80x128xi32, #tpu.memory_space<hbm>> -> memref<1x16x128xi32, #tpu.memory_space<hbm>>
        %dma_start3A_605 = tpu.memref_squeeze %dma_start3A_604 : memref<1x16x128xi32, #tpu.memory_space<hbm>> -> memref<16x128xi32, #tpu.memory_space<hbm>>
        tpu.enqueue_dma source(%dma_start3A_605 : memref<16x128xi32, #tpu.memory_space<hbm>>) target(%arg7 : memref<16x128xi32, #tpu.memory_space<vmem>>) target_semaphore(%run_scoped3A : memref<!tpu.dma_semaphore, #tpu.memory_space<semaphore_mem>>)
        %dma_wait3A_606 = arith.constant 0 : i32
        %dma_wait3A_607 = tpu.memref_slice %arg2[%add3A, %mul3A_39, %dma_wait3A_606] : memref<32x80x128xi32, #tpu.memory_space<hbm>> -> memref<1x16x128xi32, #tpu.memory_space<hbm>>
        %dma_wait3A_608 = tpu.memref_squeeze %dma_wait3A_607 : memref<1x16x128xi32, #tpu.memory_space<hbm>> -> memref<16x128xi32, #tpu.memory_space<hbm>>
        %dma_wait3A_609 = arith.constant 0 : i32
        %dma_wait3A_610 = tpu.memref_slice %arg2[%add3A, %mul3A_39, %dma_wait3A_609] : memref<32x80x128xi32, #tpu.memory_space<hbm>> -> memref<1x16x128xi32, #tpu.memory_space<hbm>>
        %dma_wait3A_611 = tpu.memref_squeeze %dma_wait3A_610 : memref<1x16x128xi32, #tpu.memory_space<hbm>> -> memref<16x128xi32, #tpu.memory_space<hbm>>
        tpu.wait_dma2 semaphore(%run_scoped3A : memref<!tpu.dma_semaphore, #tpu.memory_space<semaphore_mem>>) src(%dma_wait3A_611 : memref<16x128xi32, #tpu.memory_space<hbm>>) dst(%arg7 : memref<16x128xi32, #tpu.memory_space<vmem>>)
        tpu.yield
      }) : () -> ()
      %mul3A_40 = arith.constant 16 : i32
      %mul3A_41 = arith.muli %add3A_37, %mul3A_40 : i32
      "tpu.region"() ({
        %run_scoped3A = tpu.sem_alloc : memref<!tpu.dma_semaphore, #tpu.memory_space<semaphore_mem>>
        %dma_start3A_600 = arith.constant 0 : i32
        %dma_start3A_601 = tpu.memref_slice %arg3[%add3A, %mul3A_41, %dma_start3A_600] : memref<32x80x128xi32, #tpu.memory_space<hbm>> -> memref<1x16x128xi32, #tpu.memory_space<hbm>>
        %dma_start3A_602 = tpu.memref_squeeze %dma_start3A_601 : memref<1x16x128xi32, #tpu.memory_space<hbm>> -> memref<16x128xi32, #tpu.memory_space<hbm>>
        %dma_start3A_603 = arith.constant 0 : i32
        %dma_start3A_604 = tpu.memref_slice %arg3[%add3A, %mul3A_41, %dma_start3A_603] : memref<32x80x128xi32, #tpu.memory_space<hbm>> -> memref<1x16x128xi32, #tpu.memory_space<hbm>>
        %dma_start3A_605 = tpu.memref_squeeze %dma_start3A_604 : memref<1x16x128xi32, #tpu.memory_space<hbm>> -> memref<16x128xi32, #tpu.memory_space<hbm>>
        tpu.enqueue_dma source(%dma_start3A_605 : memref<16x128xi32, #tpu.memory_space<hbm>>) target(%arg8 : memref<16x128xi32, #tpu.memory_space<vmem>>) target_semaphore(%run_scoped3A : memref<!tpu.dma_semaphore, #tpu.memory_space<semaphore_mem>>)
        %dma_wait3A_606 = arith.constant 0 : i32
        %dma_wait3A_607 = tpu.memref_slice %arg3[%add3A, %mul3A_41, %dma_wait3A_606] : memref<32x80x128xi32, #tpu.memory_space<hbm>> -> memref<1x16x128xi32, #tpu.memory_space<hbm>>
        %dma_wait3A_608 = tpu.memref_squeeze %dma_wait3A_607 : memref<1x16x128xi32, #tpu.memory_space<hbm>> -> memref<16x128xi32, #tpu.memory_space<hbm>>
        %dma_wait3A_609 = arith.constant 0 : i32
        %dma_wait3A_610 = tpu.memref_slice %arg3[%add3A, %mul3A_41, %dma_wait3A_609] : memref<32x80x128xi32, #tpu.memory_space<hbm>> -> memref<1x16x128xi32, #tpu.memory_space<hbm>>
        %dma_wait3A_611 = tpu.memref_squeeze %dma_wait3A_610 : memref<1x16x128xi32, #tpu.memory_space<hbm>> -> memref<16x128xi32, #tpu.memory_space<hbm>>
        tpu.wait_dma2 semaphore(%run_scoped3A : memref<!tpu.dma_semaphore, #tpu.memory_space<semaphore_mem>>) src(%dma_wait3A_611 : memref<16x128xi32, #tpu.memory_space<hbm>>) dst(%arg8 : memref<16x128xi32, #tpu.memory_space<vmem>>)
        tpu.yield
      }) : () -> ()
      %dma_start3A = arith.constant 0 : i32
      %dma_start3A_42 = arith.constant 0 : i32
      %dma_start3A_43 = tpu.memref_slice %arg7[%dma_start3A, %dma_start3A_42] : memref<16x128xi32, #tpu.memory_space<vmem>> -> memref<1x128xi32, #tpu.memory_space<vmem>>
      %dma_start3A_44 = tpu.memref_squeeze %dma_start3A_43 : memref<1x128xi32, #tpu.memory_space<vmem>> -> memref<128xi32, #tpu.memory_space<vmem>>
      %dma_start3A_45 = arith.constant 0 : i32
      %dma_start3A_46 = arith.constant 0 : i32
      %dma_start3A_47 = tpu.memref_slice %arg14[%dma_start3A_45, %dma_start3A_46] : memref<10000x64xf32, #tpu.memory_space<vmem_shared>> -> memref<10000x64xf32, #tpu.memory_space<vmem_shared>>
      tpu.enqueue_indirect_dma source(%dma_start3A_47 : memref<10000x64xf32, #tpu.memory_space<vmem_shared>>) target(%arg9 : memref<128x64xf32, #tpu.memory_space<vmem>>) offsets(%dma_start3A_44 : memref<128xi32, #tpu.memory_space<vmem>>) semaphore(%arg17 : memref<!tpu.dma_semaphore, #tpu.memory_space<semaphore_mem>>)
      %dma_wait3A = arith.constant 0 : i32
      %dma_wait3A_48 = arith.constant 0 : i32
      %dma_wait3A_49 = tpu.memref_slice %arg7[%dma_wait3A, %dma_wait3A_48] : memref<16x128xi32, #tpu.memory_space<vmem>> -> memref<1x128xi32, #tpu.memory_space<vmem>>
      %dma_wait3A_50 = tpu.memref_squeeze %dma_wait3A_49 : memref<1x128xi32, #tpu.memory_space<vmem>> -> memref<128xi32, #tpu.memory_space<vmem>>
      %dma_wait3A_51 = arith.constant 0 : i32
      %dma_wait3A_52 = arith.constant 0 : i32
      %dma_wait3A_53 = tpu.memref_slice %arg14[%dma_wait3A_51, %dma_wait3A_52] : memref<10000x64xf32, #tpu.memory_space<vmem_shared>> -> memref<10000x64xf32, #tpu.memory_space<vmem_shared>>
      tpu.wait_indirect_dma semaphore(%arg17 : memref<!tpu.dma_semaphore, #tpu.memory_space<semaphore_mem>>) src(%dma_wait3A_53 : memref<10000x64xf32, #tpu.memory_space<vmem_shared>>) dst(%arg9 : memref<128x64xf32, #tpu.memory_space<vmem>>)
      %dma_start3A_54 = arith.constant 1 : i32
      %dma_start3A_55 = arith.constant 0 : i32
      %dma_start3A_56 = tpu.memref_slice %arg7[%dma_start3A_54, %dma_start3A_55] : memref<16x128xi32, #tpu.memory_space<vmem>> -> memref<1x128xi32, #tpu.memory_space<vmem>>
      %dma_start3A_57 = tpu.memref_squeeze %dma_start3A_56 : memref<1x128xi32, #tpu.memory_space<vmem>> -> memref<128xi32, #tpu.memory_space<vmem>>
      %dma_start3A_58 = arith.constant 0 : i32
      %dma_start3A_59 = arith.constant 0 : i32
      %dma_start3A_60 = tpu.memref_slice %arg14[%dma_start3A_58, %dma_start3A_59] : memref<10000x64xf32, #tpu.memory_space<vmem_shared>> -> memref<10000x64xf32, #tpu.memory_space<vmem_shared>>
      tpu.enqueue_indirect_dma source(%dma_start3A_60 : memref<10000x64xf32, #tpu.memory_space<vmem_shared>>) target(%arg10 : memref<128x64xf32, #tpu.memory_space<vmem>>) offsets(%dma_start3A_57 : memref<128xi32, #tpu.memory_space<vmem>>) semaphore(%arg17 : memref<!tpu.dma_semaphore, #tpu.memory_space<semaphore_mem>>)
      %dma_start3A_61 = arith.constant 0 : i32
      %dma_start3A_62 = arith.constant 0 : i32
      %dma_start3A_63 = tpu.memref_slice %arg8[%dma_start3A_61, %dma_start3A_62] : memref<16x128xi32, #tpu.memory_space<vmem>> -> memref<1x128xi32, #tpu.memory_space<vmem>>
      %dma_start3A_64 = tpu.memref_squeeze %dma_start3A_63 : memref<1x128xi32, #tpu.memory_space<vmem>> -> memref<128xi32, #tpu.memory_space<vmem>>
      %dma_start3A_65 = arith.constant 0 : i32
      %dma_start3A_66 = arith.constant 0 : i32
      %dma_start3A_67 = tpu.memref_slice %arg15[%dma_start3A_65, %dma_start3A_66] : memref<10240x64xf32, #tpu.memory_space<vmem_shared>> -> memref<10240x64xf32, #tpu.memory_space<vmem_shared>>
      tpu.enqueue_indirect_dma source(%arg9 : memref<128x64xf32, #tpu.memory_space<vmem>>) target(%dma_start3A_67 : memref<10240x64xf32, #tpu.memory_space<vmem_shared>>) offsets(%dma_start3A_64 : memref<128xi32, #tpu.memory_space<vmem>>) semaphore(%arg18 : memref<!tpu.dma_semaphore, #tpu.memory_space<semaphore_mem>>) {add = true}
      %dma_start3A_68 = arith.constant 0 : i32
      %dma_start3A_69 = arith.constant 0 : i32
      %dma_start3A_70 = tpu.memref_slice %arg8[%dma_start3A_68, %dma_start3A_69] : memref<16x128xi32, #tpu.memory_space<vmem>> -> memref<1x128xi32, #tpu.memory_space<vmem>>
      %dma_start3A_71 = tpu.memref_squeeze %dma_start3A_70 : memref<1x128xi32, #tpu.memory_space<vmem>> -> memref<128xi32, #tpu.memory_space<vmem>>
      %dma_start3A_72 = arith.constant 0 : i32
      %dma_start3A_73 = arith.constant 0 : i32
      %dma_start3A_74 = tpu.memref_slice %arg16[%dma_start3A_72, %dma_start3A_73] : memref<10240x16xf32, #tpu.memory_space<vmem_shared>> -> memref<10240x16xf32, #tpu.memory_space<vmem_shared>>
      tpu.enqueue_indirect_dma source(%arg12 : memref<128x16xf32, #tpu.memory_space<vmem>>) target(%dma_start3A_74 : memref<10240x16xf32, #tpu.memory_space<vmem_shared>>) offsets(%dma_start3A_71 : memref<128xi32, #tpu.memory_space<vmem>>) semaphore(%arg19 : memref<!tpu.dma_semaphore, #tpu.memory_space<semaphore_mem>>) {add = true}
      %dma_wait3A_75 = arith.constant 1 : i32
      %dma_wait3A_76 = arith.constant 0 : i32
      %dma_wait3A_77 = tpu.memref_slice %arg7[%dma_wait3A_75, %dma_wait3A_76] : memref<16x128xi32, #tpu.memory_space<vmem>> -> memref<1x128xi32, #tpu.memory_space<vmem>>
      %dma_wait3A_78 = tpu.memref_squeeze %dma_wait3A_77 : memref<1x128xi32, #tpu.memory_space<vmem>> -> memref<128xi32, #tpu.memory_space<vmem>>
      %dma_wait3A_79 = arith.constant 0 : i32
      %dma_wait3A_80 = arith.constant 0 : i32
      %dma_wait3A_81 = tpu.memref_slice %arg14[%dma_wait3A_79, %dma_wait3A_80] : memref<10000x64xf32, #tpu.memory_space<vmem_shared>> -> memref<10000x64xf32, #tpu.memory_space<vmem_shared>>
      tpu.wait_indirect_dma semaphore(%arg17 : memref<!tpu.dma_semaphore, #tpu.memory_space<semaphore_mem>>) src(%dma_wait3A_81 : memref<10000x64xf32, #tpu.memory_space<vmem_shared>>) dst(%arg10 : memref<128x64xf32, #tpu.memory_space<vmem>>)
      %dma_wait3A_82 = arith.constant 0 : i32
      %dma_wait3A_83 = arith.constant 0 : i32
      %dma_wait3A_84 = tpu.memref_slice %arg8[%dma_wait3A_82, %dma_wait3A_83] : memref<16x128xi32, #tpu.memory_space<vmem>> -> memref<1x128xi32, #tpu.memory_space<vmem>>
      %dma_wait3A_85 = tpu.memref_squeeze %dma_wait3A_84 : memref<1x128xi32, #tpu.memory_space<vmem>> -> memref<128xi32, #tpu.memory_space<vmem>>
      %dma_wait3A_86 = arith.constant 0 : i32
      %dma_wait3A_87 = arith.constant 0 : i32
      %dma_wait3A_88 = tpu.memref_slice %arg15[%dma_wait3A_86, %dma_wait3A_87] : memref<10240x64xf32, #tpu.memory_space<vmem_shared>> -> memref<10240x64xf32, #tpu.memory_space<vmem_shared>>
      tpu.wait_indirect_dma semaphore(%arg18 : memref<!tpu.dma_semaphore, #tpu.memory_space<semaphore_mem>>) src(%arg9 : memref<128x64xf32, #tpu.memory_space<vmem>>) dst(%dma_wait3A_88 : memref<10240x64xf32, #tpu.memory_space<vmem_shared>>)
      %dma_start3A_89 = arith.constant 2 : i32
      %dma_start3A_90 = arith.constant 0 : i32
      %dma_start3A_91 = tpu.memref_slice %arg7[%dma_start3A_89, %dma_start3A_90] : memref<16x128xi32, #tpu.memory_space<vmem>> -> memref<1x128xi32, #tpu.memory_space<vmem>>
      %dma_start3A_92 = tpu.memref_squeeze %dma_start3A_91 : memref<1x128xi32, #tpu.memory_space<vmem>> -> memref<128xi32, #tpu.memory_space<vmem>>
      %dma_start3A_93 = arith.constant 0 : i32
      %dma_start3A_94 = arith.constant 0 : i32
      %dma_start3A_95 = tpu.memref_slice %arg14[%dma_start3A_93, %dma_start3A_94] : memref<10000x64xf32, #tpu.memory_space<vmem_shared>> -> memref<10000x64xf32, #tpu.memory_space<vmem_shared>>
      tpu.enqueue_indirect_dma source(%dma_start3A_95 : memref<10000x64xf32, #tpu.memory_space<vmem_shared>>) target(%arg9 : memref<128x64xf32, #tpu.memory_space<vmem>>) offsets(%dma_start3A_92 : memref<128xi32, #tpu.memory_space<vmem>>) semaphore(%arg17 : memref<!tpu.dma_semaphore, #tpu.memory_space<semaphore_mem>>)
      %dma_start3A_96 = arith.constant 1 : i32
      %dma_start3A_97 = arith.constant 0 : i32
      %dma_start3A_98 = tpu.memref_slice %arg8[%dma_start3A_96, %dma_start3A_97] : memref<16x128xi32, #tpu.memory_space<vmem>> -> memref<1x128xi32, #tpu.memory_space<vmem>>
      %dma_start3A_99 = tpu.memref_squeeze %dma_start3A_98 : memref<1x128xi32, #tpu.memory_space<vmem>> -> memref<128xi32, #tpu.memory_space<vmem>>
      %dma_start3A_100 = arith.constant 0 : i32
      %dma_start3A_101 = arith.constant 0 : i32
      %dma_start3A_102 = tpu.memref_slice %arg15[%dma_start3A_100, %dma_start3A_101] : memref<10240x64xf32, #tpu.memory_space<vmem_shared>> -> memref<10240x64xf32, #tpu.memory_space<vmem_shared>>
      tpu.enqueue_indirect_dma source(%arg10 : memref<128x64xf32, #tpu.memory_space<vmem>>) target(%dma_start3A_102 : memref<10240x64xf32, #tpu.memory_space<vmem_shared>>) offsets(%dma_start3A_99 : memref<128xi32, #tpu.memory_space<vmem>>) semaphore(%arg18 : memref<!tpu.dma_semaphore, #tpu.memory_space<semaphore_mem>>) {add = true}
      %dma_start3A_103 = arith.constant 1 : i32
      %dma_start3A_104 = arith.constant 0 : i32
      %dma_start3A_105 = tpu.memref_slice %arg8[%dma_start3A_103, %dma_start3A_104] : memref<16x128xi32, #tpu.memory_space<vmem>> -> memref<1x128xi32, #tpu.memory_space<vmem>>
      %dma_start3A_106 = tpu.memref_squeeze %dma_start3A_105 : memref<1x128xi32, #tpu.memory_space<vmem>> -> memref<128xi32, #tpu.memory_space<vmem>>
      %dma_start3A_107 = arith.constant 0 : i32
      %dma_start3A_108 = arith.constant 0 : i32
      %dma_start3A_109 = tpu.memref_slice %arg16[%dma_start3A_107, %dma_start3A_108] : memref<10240x16xf32, #tpu.memory_space<vmem_shared>> -> memref<10240x16xf32, #tpu.memory_space<vmem_shared>>
      tpu.enqueue_indirect_dma source(%arg12 : memref<128x16xf32, #tpu.memory_space<vmem>>) target(%dma_start3A_109 : memref<10240x16xf32, #tpu.memory_space<vmem_shared>>) offsets(%dma_start3A_106 : memref<128xi32, #tpu.memory_space<vmem>>) semaphore(%arg19 : memref<!tpu.dma_semaphore, #tpu.memory_space<semaphore_mem>>) {add = true}
      %dma_wait3A_110 = arith.constant 2 : i32
      %dma_wait3A_111 = arith.constant 0 : i32
      %dma_wait3A_112 = tpu.memref_slice %arg7[%dma_wait3A_110, %dma_wait3A_111] : memref<16x128xi32, #tpu.memory_space<vmem>> -> memref<1x128xi32, #tpu.memory_space<vmem>>
      %dma_wait3A_113 = tpu.memref_squeeze %dma_wait3A_112 : memref<1x128xi32, #tpu.memory_space<vmem>> -> memref<128xi32, #tpu.memory_space<vmem>>
      %dma_wait3A_114 = arith.constant 0 : i32
      %dma_wait3A_115 = arith.constant 0 : i32
      %dma_wait3A_116 = tpu.memref_slice %arg14[%dma_wait3A_114, %dma_wait3A_115] : memref<10000x64xf32, #tpu.memory_space<vmem_shared>> -> memref<10000x64xf32, #tpu.memory_space<vmem_shared>>
      tpu.wait_indirect_dma semaphore(%arg17 : memref<!tpu.dma_semaphore, #tpu.memory_space<semaphore_mem>>) src(%dma_wait3A_116 : memref<10000x64xf32, #tpu.memory_space<vmem_shared>>) dst(%arg9 : memref<128x64xf32, #tpu.memory_space<vmem>>)
      %dma_wait3A_117 = arith.constant 1 : i32
      %dma_wait3A_118 = arith.constant 0 : i32
      %dma_wait3A_119 = tpu.memref_slice %arg8[%dma_wait3A_117, %dma_wait3A_118] : memref<16x128xi32, #tpu.memory_space<vmem>> -> memref<1x128xi32, #tpu.memory_space<vmem>>
      %dma_wait3A_120 = tpu.memref_squeeze %dma_wait3A_119 : memref<1x128xi32, #tpu.memory_space<vmem>> -> memref<128xi32, #tpu.memory_space<vmem>>
      %dma_wait3A_121 = arith.constant 0 : i32
      %dma_wait3A_122 = arith.constant 0 : i32
      %dma_wait3A_123 = tpu.memref_slice %arg15[%dma_wait3A_121, %dma_wait3A_122] : memref<10240x64xf32, #tpu.memory_space<vmem_shared>> -> memref<10240x64xf32, #tpu.memory_space<vmem_shared>>
      tpu.wait_indirect_dma semaphore(%arg18 : memref<!tpu.dma_semaphore, #tpu.memory_space<semaphore_mem>>) src(%arg10 : memref<128x64xf32, #tpu.memory_space<vmem>>) dst(%dma_wait3A_123 : memref<10240x64xf32, #tpu.memory_space<vmem_shared>>)
      %dma_start3A_124 = arith.constant 3 : i32
      %dma_start3A_125 = arith.constant 0 : i32
      %dma_start3A_126 = tpu.memref_slice %arg7[%dma_start3A_124, %dma_start3A_125] : memref<16x128xi32, #tpu.memory_space<vmem>> -> memref<1x128xi32, #tpu.memory_space<vmem>>
      %dma_start3A_127 = tpu.memref_squeeze %dma_start3A_126 : memref<1x128xi32, #tpu.memory_space<vmem>> -> memref<128xi32, #tpu.memory_space<vmem>>
      %dma_start3A_128 = arith.constant 0 : i32
      %dma_start3A_129 = arith.constant 0 : i32
      %dma_start3A_130 = tpu.memref_slice %arg14[%dma_start3A_128, %dma_start3A_129] : memref<10000x64xf32, #tpu.memory_space<vmem_shared>> -> memref<10000x64xf32, #tpu.memory_space<vmem_shared>>
      tpu.enqueue_indirect_dma source(%dma_start3A_130 : memref<10000x64xf32, #tpu.memory_space<vmem_shared>>) target(%arg10 : memref<128x64xf32, #tpu.memory_space<vmem>>) offsets(%dma_start3A_127 : memref<128xi32, #tpu.memory_space<vmem>>) semaphore(%arg17 : memref<!tpu.dma_semaphore, #tpu.memory_space<semaphore_mem>>)
      %dma_start3A_131 = arith.constant 2 : i32
      %dma_start3A_132 = arith.constant 0 : i32
      %dma_start3A_133 = tpu.memref_slice %arg8[%dma_start3A_131, %dma_start3A_132] : memref<16x128xi32, #tpu.memory_space<vmem>> -> memref<1x128xi32, #tpu.memory_space<vmem>>
      %dma_start3A_134 = tpu.memref_squeeze %dma_start3A_133 : memref<1x128xi32, #tpu.memory_space<vmem>> -> memref<128xi32, #tpu.memory_space<vmem>>
      %dma_start3A_135 = arith.constant 0 : i32
      %dma_start3A_136 = arith.constant 0 : i32
      %dma_start3A_137 = tpu.memref_slice %arg15[%dma_start3A_135, %dma_start3A_136] : memref<10240x64xf32, #tpu.memory_space<vmem_shared>> -> memref<10240x64xf32, #tpu.memory_space<vmem_shared>>
      tpu.enqueue_indirect_dma source(%arg9 : memref<128x64xf32, #tpu.memory_space<vmem>>) target(%dma_start3A_137 : memref<10240x64xf32, #tpu.memory_space<vmem_shared>>) offsets(%dma_start3A_134 : memref<128xi32, #tpu.memory_space<vmem>>) semaphore(%arg18 : memref<!tpu.dma_semaphore, #tpu.memory_space<semaphore_mem>>) {add = true}
      %dma_start3A_138 = arith.constant 2 : i32
      %dma_start3A_139 = arith.constant 0 : i32
      %dma_start3A_140 = tpu.memref_slice %arg8[%dma_start3A_138, %dma_start3A_139] : memref<16x128xi32, #tpu.memory_space<vmem>> -> memref<1x128xi32, #tpu.memory_space<vmem>>
      %dma_start3A_141 = tpu.memref_squeeze %dma_start3A_140 : memref<1x128xi32, #tpu.memory_space<vmem>> -> memref<128xi32, #tpu.memory_space<vmem>>
      %dma_start3A_142 = arith.constant 0 : i32
      %dma_start3A_143 = arith.constant 0 : i32
      %dma_start3A_144 = tpu.memref_slice %arg16[%dma_start3A_142, %dma_start3A_143] : memref<10240x16xf32, #tpu.memory_space<vmem_shared>> -> memref<10240x16xf32, #tpu.memory_space<vmem_shared>>
      tpu.enqueue_indirect_dma source(%arg12 : memref<128x16xf32, #tpu.memory_space<vmem>>) target(%dma_start3A_144 : memref<10240x16xf32, #tpu.memory_space<vmem_shared>>) offsets(%dma_start3A_141 : memref<128xi32, #tpu.memory_space<vmem>>) semaphore(%arg19 : memref<!tpu.dma_semaphore, #tpu.memory_space<semaphore_mem>>) {add = true}
      %dma_wait3A_145 = arith.constant 3 : i32
      %dma_wait3A_146 = arith.constant 0 : i32
      %dma_wait3A_147 = tpu.memref_slice %arg7[%dma_wait3A_145, %dma_wait3A_146] : memref<16x128xi32, #tpu.memory_space<vmem>> -> memref<1x128xi32, #tpu.memory_space<vmem>>
      %dma_wait3A_148 = tpu.memref_squeeze %dma_wait3A_147 : memref<1x128xi32, #tpu.memory_space<vmem>> -> memref<128xi32, #tpu.memory_space<vmem>>
      %dma_wait3A_149 = arith.constant 0 : i32
      %dma_wait3A_150 = arith.constant 0 : i32
      %dma_wait3A_151 = tpu.memref_slice %arg14[%dma_wait3A_149, %dma_wait3A_150] : memref<10000x64xf32, #tpu.memory_space<vmem_shared>> -> memref<10000x64xf32, #tpu.memory_space<vmem_shared>>
      tpu.wait_indirect_dma semaphore(%arg17 : memref<!tpu.dma_semaphore, #tpu.memory_space<semaphore_mem>>) src(%dma_wait3A_151 : memref<10000x64xf32, #tpu.memory_space<vmem_shared>>) dst(%arg10 : memref<128x64xf32, #tpu.memory_space<vmem>>)
      %dma_wait3A_152 = arith.constant 2 : i32
      %dma_wait3A_153 = arith.constant 0 : i32
      %dma_wait3A_154 = tpu.memref_slice %arg8[%dma_wait3A_152, %dma_wait3A_153] : memref<16x128xi32, #tpu.memory_space<vmem>> -> memref<1x128xi32, #tpu.memory_space<vmem>>
      %dma_wait3A_155 = tpu.memref_squeeze %dma_wait3A_154 : memref<1x128xi32, #tpu.memory_space<vmem>> -> memref<128xi32, #tpu.memory_space<vmem>>
      %dma_wait3A_156 = arith.constant 0 : i32
      %dma_wait3A_157 = arith.constant 0 : i32
      %dma_wait3A_158 = tpu.memref_slice %arg15[%dma_wait3A_156, %dma_wait3A_157] : memref<10240x64xf32, #tpu.memory_space<vmem_shared>> -> memref<10240x64xf32, #tpu.memory_space<vmem_shared>>
      tpu.wait_indirect_dma semaphore(%arg18 : memref<!tpu.dma_semaphore, #tpu.memory_space<semaphore_mem>>) src(%arg9 : memref<128x64xf32, #tpu.memory_space<vmem>>) dst(%dma_wait3A_158 : memref<10240x64xf32, #tpu.memory_space<vmem_shared>>)
      %dma_start3A_159 = arith.constant 4 : i32
      %dma_start3A_160 = arith.constant 0 : i32
      %dma_start3A_161 = tpu.memref_slice %arg7[%dma_start3A_159, %dma_start3A_160] : memref<16x128xi32, #tpu.memory_space<vmem>> -> memref<1x128xi32, #tpu.memory_space<vmem>>
      %dma_start3A_162 = tpu.memref_squeeze %dma_start3A_161 : memref<1x128xi32, #tpu.memory_space<vmem>> -> memref<128xi32, #tpu.memory_space<vmem>>
      %dma_start3A_163 = arith.constant 0 : i32
      %dma_start3A_164 = arith.constant 0 : i32
      %dma_start3A_165 = tpu.memref_slice %arg14[%dma_start3A_163, %dma_start3A_164] : memref<10000x64xf32, #tpu.memory_space<vmem_shared>> -> memref<10000x64xf32, #tpu.memory_space<vmem_shared>>
      tpu.enqueue_indirect_dma source(%dma_start3A_165 : memref<10000x64xf32, #tpu.memory_space<vmem_shared>>) target(%arg9 : memref<128x64xf32, #tpu.memory_space<vmem>>) offsets(%dma_start3A_162 : memref<128xi32, #tpu.memory_space<vmem>>) semaphore(%arg17 : memref<!tpu.dma_semaphore, #tpu.memory_space<semaphore_mem>>)
      %dma_start3A_166 = arith.constant 3 : i32
      %dma_start3A_167 = arith.constant 0 : i32
      %dma_start3A_168 = tpu.memref_slice %arg8[%dma_start3A_166, %dma_start3A_167] : memref<16x128xi32, #tpu.memory_space<vmem>> -> memref<1x128xi32, #tpu.memory_space<vmem>>
      %dma_start3A_169 = tpu.memref_squeeze %dma_start3A_168 : memref<1x128xi32, #tpu.memory_space<vmem>> -> memref<128xi32, #tpu.memory_space<vmem>>
      %dma_start3A_170 = arith.constant 0 : i32
      %dma_start3A_171 = arith.constant 0 : i32
      %dma_start3A_172 = tpu.memref_slice %arg15[%dma_start3A_170, %dma_start3A_171] : memref<10240x64xf32, #tpu.memory_space<vmem_shared>> -> memref<10240x64xf32, #tpu.memory_space<vmem_shared>>
      tpu.enqueue_indirect_dma source(%arg10 : memref<128x64xf32, #tpu.memory_space<vmem>>) target(%dma_start3A_172 : memref<10240x64xf32, #tpu.memory_space<vmem_shared>>) offsets(%dma_start3A_169 : memref<128xi32, #tpu.memory_space<vmem>>) semaphore(%arg18 : memref<!tpu.dma_semaphore, #tpu.memory_space<semaphore_mem>>) {add = true}
      %dma_start3A_173 = arith.constant 3 : i32
      %dma_start3A_174 = arith.constant 0 : i32
      %dma_start3A_175 = tpu.memref_slice %arg8[%dma_start3A_173, %dma_start3A_174] : memref<16x128xi32, #tpu.memory_space<vmem>> -> memref<1x128xi32, #tpu.memory_space<vmem>>
      %dma_start3A_176 = tpu.memref_squeeze %dma_start3A_175 : memref<1x128xi32, #tpu.memory_space<vmem>> -> memref<128xi32, #tpu.memory_space<vmem>>
      %dma_start3A_177 = arith.constant 0 : i32
      %dma_start3A_178 = arith.constant 0 : i32
      %dma_start3A_179 = tpu.memref_slice %arg16[%dma_start3A_177, %dma_start3A_178] : memref<10240x16xf32, #tpu.memory_space<vmem_shared>> -> memref<10240x16xf32, #tpu.memory_space<vmem_shared>>
      tpu.enqueue_indirect_dma source(%arg12 : memref<128x16xf32, #tpu.memory_space<vmem>>) target(%dma_start3A_179 : memref<10240x16xf32, #tpu.memory_space<vmem_shared>>) offsets(%dma_start3A_176 : memref<128xi32, #tpu.memory_space<vmem>>) semaphore(%arg19 : memref<!tpu.dma_semaphore, #tpu.memory_space<semaphore_mem>>) {add = true}
      %dma_wait3A_180 = arith.constant 4 : i32
      %dma_wait3A_181 = arith.constant 0 : i32
      %dma_wait3A_182 = tpu.memref_slice %arg7[%dma_wait3A_180, %dma_wait3A_181] : memref<16x128xi32, #tpu.memory_space<vmem>> -> memref<1x128xi32, #tpu.memory_space<vmem>>
      %dma_wait3A_183 = tpu.memref_squeeze %dma_wait3A_182 : memref<1x128xi32, #tpu.memory_space<vmem>> -> memref<128xi32, #tpu.memory_space<vmem>>
      %dma_wait3A_184 = arith.constant 0 : i32
      %dma_wait3A_185 = arith.constant 0 : i32
      %dma_wait3A_186 = tpu.memref_slice %arg14[%dma_wait3A_184, %dma_wait3A_185] : memref<10000x64xf32, #tpu.memory_space<vmem_shared>> -> memref<10000x64xf32, #tpu.memory_space<vmem_shared>>
      tpu.wait_indirect_dma semaphore(%arg17 : memref<!tpu.dma_semaphore, #tpu.memory_space<semaphore_mem>>) src(%dma_wait3A_186 : memref<10000x64xf32, #tpu.memory_space<vmem_shared>>) dst(%arg9 : memref<128x64xf32, #tpu.memory_space<vmem>>)
      %dma_wait3A_187 = arith.constant 3 : i32
      %dma_wait3A_188 = arith.constant 0 : i32
      %dma_wait3A_189 = tpu.memref_slice %arg8[%dma_wait3A_187, %dma_wait3A_188] : memref<16x128xi32, #tpu.memory_space<vmem>> -> memref<1x128xi32, #tpu.memory_space<vmem>>
      %dma_wait3A_190 = tpu.memref_squeeze %dma_wait3A_189 : memref<1x128xi32, #tpu.memory_space<vmem>> -> memref<128xi32, #tpu.memory_space<vmem>>
      %dma_wait3A_191 = arith.constant 0 : i32
      %dma_wait3A_192 = arith.constant 0 : i32
      %dma_wait3A_193 = tpu.memref_slice %arg15[%dma_wait3A_191, %dma_wait3A_192] : memref<10240x64xf32, #tpu.memory_space<vmem_shared>> -> memref<10240x64xf32, #tpu.memory_space<vmem_shared>>
      tpu.wait_indirect_dma semaphore(%arg18 : memref<!tpu.dma_semaphore, #tpu.memory_space<semaphore_mem>>) src(%arg10 : memref<128x64xf32, #tpu.memory_space<vmem>>) dst(%dma_wait3A_193 : memref<10240x64xf32, #tpu.memory_space<vmem_shared>>)
      %dma_start3A_194 = arith.constant 5 : i32
      %dma_start3A_195 = arith.constant 0 : i32
      %dma_start3A_196 = tpu.memref_slice %arg7[%dma_start3A_194, %dma_start3A_195] : memref<16x128xi32, #tpu.memory_space<vmem>> -> memref<1x128xi32, #tpu.memory_space<vmem>>
      %dma_start3A_197 = tpu.memref_squeeze %dma_start3A_196 : memref<1x128xi32, #tpu.memory_space<vmem>> -> memref<128xi32, #tpu.memory_space<vmem>>
      %dma_start3A_198 = arith.constant 0 : i32
      %dma_start3A_199 = arith.constant 0 : i32
      %dma_start3A_200 = tpu.memref_slice %arg14[%dma_start3A_198, %dma_start3A_199] : memref<10000x64xf32, #tpu.memory_space<vmem_shared>> -> memref<10000x64xf32, #tpu.memory_space<vmem_shared>>
      tpu.enqueue_indirect_dma source(%dma_start3A_200 : memref<10000x64xf32, #tpu.memory_space<vmem_shared>>) target(%arg10 : memref<128x64xf32, #tpu.memory_space<vmem>>) offsets(%dma_start3A_197 : memref<128xi32, #tpu.memory_space<vmem>>) semaphore(%arg17 : memref<!tpu.dma_semaphore, #tpu.memory_space<semaphore_mem>>)
      %dma_start3A_201 = arith.constant 4 : i32
      %dma_start3A_202 = arith.constant 0 : i32
      %dma_start3A_203 = tpu.memref_slice %arg8[%dma_start3A_201, %dma_start3A_202] : memref<16x128xi32, #tpu.memory_space<vmem>> -> memref<1x128xi32, #tpu.memory_space<vmem>>
      %dma_start3A_204 = tpu.memref_squeeze %dma_start3A_203 : memref<1x128xi32, #tpu.memory_space<vmem>> -> memref<128xi32, #tpu.memory_space<vmem>>
      %dma_start3A_205 = arith.constant 0 : i32
      %dma_start3A_206 = arith.constant 0 : i32
      %dma_start3A_207 = tpu.memref_slice %arg15[%dma_start3A_205, %dma_start3A_206] : memref<10240x64xf32, #tpu.memory_space<vmem_shared>> -> memref<10240x64xf32, #tpu.memory_space<vmem_shared>>
      tpu.enqueue_indirect_dma source(%arg9 : memref<128x64xf32, #tpu.memory_space<vmem>>) target(%dma_start3A_207 : memref<10240x64xf32, #tpu.memory_space<vmem_shared>>) offsets(%dma_start3A_204 : memref<128xi32, #tpu.memory_space<vmem>>) semaphore(%arg18 : memref<!tpu.dma_semaphore, #tpu.memory_space<semaphore_mem>>) {add = true}
      %dma_start3A_208 = arith.constant 4 : i32
      %dma_start3A_209 = arith.constant 0 : i32
      %dma_start3A_210 = tpu.memref_slice %arg8[%dma_start3A_208, %dma_start3A_209] : memref<16x128xi32, #tpu.memory_space<vmem>> -> memref<1x128xi32, #tpu.memory_space<vmem>>
      %dma_start3A_211 = tpu.memref_squeeze %dma_start3A_210 : memref<1x128xi32, #tpu.memory_space<vmem>> -> memref<128xi32, #tpu.memory_space<vmem>>
      %dma_start3A_212 = arith.constant 0 : i32
      %dma_start3A_213 = arith.constant 0 : i32
      %dma_start3A_214 = tpu.memref_slice %arg16[%dma_start3A_212, %dma_start3A_213] : memref<10240x16xf32, #tpu.memory_space<vmem_shared>> -> memref<10240x16xf32, #tpu.memory_space<vmem_shared>>
      tpu.enqueue_indirect_dma source(%arg12 : memref<128x16xf32, #tpu.memory_space<vmem>>) target(%dma_start3A_214 : memref<10240x16xf32, #tpu.memory_space<vmem_shared>>) offsets(%dma_start3A_211 : memref<128xi32, #tpu.memory_space<vmem>>) semaphore(%arg19 : memref<!tpu.dma_semaphore, #tpu.memory_space<semaphore_mem>>) {add = true}
      %dma_wait3A_215 = arith.constant 5 : i32
      %dma_wait3A_216 = arith.constant 0 : i32
      %dma_wait3A_217 = tpu.memref_slice %arg7[%dma_wait3A_215, %dma_wait3A_216] : memref<16x128xi32, #tpu.memory_space<vmem>> -> memref<1x128xi32, #tpu.memory_space<vmem>>
      %dma_wait3A_218 = tpu.memref_squeeze %dma_wait3A_217 : memref<1x128xi32, #tpu.memory_space<vmem>> -> memref<128xi32, #tpu.memory_space<vmem>>
      %dma_wait3A_219 = arith.constant 0 : i32
      %dma_wait3A_220 = arith.constant 0 : i32
      %dma_wait3A_221 = tpu.memref_slice %arg14[%dma_wait3A_219, %dma_wait3A_220] : memref<10000x64xf32, #tpu.memory_space<vmem_shared>> -> memref<10000x64xf32, #tpu.memory_space<vmem_shared>>
      tpu.wait_indirect_dma semaphore(%arg17 : memref<!tpu.dma_semaphore, #tpu.memory_space<semaphore_mem>>) src(%dma_wait3A_221 : memref<10000x64xf32, #tpu.memory_space<vmem_shared>>) dst(%arg10 : memref<128x64xf32, #tpu.memory_space<vmem>>)
      %dma_wait3A_222 = arith.constant 4 : i32
      %dma_wait3A_223 = arith.constant 0 : i32
      %dma_wait3A_224 = tpu.memref_slice %arg8[%dma_wait3A_222, %dma_wait3A_223] : memref<16x128xi32, #tpu.memory_space<vmem>> -> memref<1x128xi32, #tpu.memory_space<vmem>>
      %dma_wait3A_225 = tpu.memref_squeeze %dma_wait3A_224 : memref<1x128xi32, #tpu.memory_space<vmem>> -> memref<128xi32, #tpu.memory_space<vmem>>
      %dma_wait3A_226 = arith.constant 0 : i32
      %dma_wait3A_227 = arith.constant 0 : i32
      %dma_wait3A_228 = tpu.memref_slice %arg15[%dma_wait3A_226, %dma_wait3A_227] : memref<10240x64xf32, #tpu.memory_space<vmem_shared>> -> memref<10240x64xf32, #tpu.memory_space<vmem_shared>>
      tpu.wait_indirect_dma semaphore(%arg18 : memref<!tpu.dma_semaphore, #tpu.memory_space<semaphore_mem>>) src(%arg9 : memref<128x64xf32, #tpu.memory_space<vmem>>) dst(%dma_wait3A_228 : memref<10240x64xf32, #tpu.memory_space<vmem_shared>>)
      %dma_start3A_229 = arith.constant 6 : i32
      %dma_start3A_230 = arith.constant 0 : i32
      %dma_start3A_231 = tpu.memref_slice %arg7[%dma_start3A_229, %dma_start3A_230] : memref<16x128xi32, #tpu.memory_space<vmem>> -> memref<1x128xi32, #tpu.memory_space<vmem>>
      %dma_start3A_232 = tpu.memref_squeeze %dma_start3A_231 : memref<1x128xi32, #tpu.memory_space<vmem>> -> memref<128xi32, #tpu.memory_space<vmem>>
      %dma_start3A_233 = arith.constant 0 : i32
      %dma_start3A_234 = arith.constant 0 : i32
      %dma_start3A_235 = tpu.memref_slice %arg14[%dma_start3A_233, %dma_start3A_234] : memref<10000x64xf32, #tpu.memory_space<vmem_shared>> -> memref<10000x64xf32, #tpu.memory_space<vmem_shared>>
      tpu.enqueue_indirect_dma source(%dma_start3A_235 : memref<10000x64xf32, #tpu.memory_space<vmem_shared>>) target(%arg9 : memref<128x64xf32, #tpu.memory_space<vmem>>) offsets(%dma_start3A_232 : memref<128xi32, #tpu.memory_space<vmem>>) semaphore(%arg17 : memref<!tpu.dma_semaphore, #tpu.memory_space<semaphore_mem>>)
      %dma_start3A_236 = arith.constant 5 : i32
      %dma_start3A_237 = arith.constant 0 : i32
      %dma_start3A_238 = tpu.memref_slice %arg8[%dma_start3A_236, %dma_start3A_237] : memref<16x128xi32, #tpu.memory_space<vmem>> -> memref<1x128xi32, #tpu.memory_space<vmem>>
      %dma_start3A_239 = tpu.memref_squeeze %dma_start3A_238 : memref<1x128xi32, #tpu.memory_space<vmem>> -> memref<128xi32, #tpu.memory_space<vmem>>
      %dma_start3A_240 = arith.constant 0 : i32
      %dma_start3A_241 = arith.constant 0 : i32
      %dma_start3A_242 = tpu.memref_slice %arg15[%dma_start3A_240, %dma_start3A_241] : memref<10240x64xf32, #tpu.memory_space<vmem_shared>> -> memref<10240x64xf32, #tpu.memory_space<vmem_shared>>
      tpu.enqueue_indirect_dma source(%arg10 : memref<128x64xf32, #tpu.memory_space<vmem>>) target(%dma_start3A_242 : memref<10240x64xf32, #tpu.memory_space<vmem_shared>>) offsets(%dma_start3A_239 : memref<128xi32, #tpu.memory_space<vmem>>) semaphore(%arg18 : memref<!tpu.dma_semaphore, #tpu.memory_space<semaphore_mem>>) {add = true}
      %dma_start3A_243 = arith.constant 5 : i32
      %dma_start3A_244 = arith.constant 0 : i32
      %dma_start3A_245 = tpu.memref_slice %arg8[%dma_start3A_243, %dma_start3A_244] : memref<16x128xi32, #tpu.memory_space<vmem>> -> memref<1x128xi32, #tpu.memory_space<vmem>>
      %dma_start3A_246 = tpu.memref_squeeze %dma_start3A_245 : memref<1x128xi32, #tpu.memory_space<vmem>> -> memref<128xi32, #tpu.memory_space<vmem>>
      %dma_start3A_247 = arith.constant 0 : i32
      %dma_start3A_248 = arith.constant 0 : i32
      %dma_start3A_249 = tpu.memref_slice %arg16[%dma_start3A_247, %dma_start3A_248] : memref<10240x16xf32, #tpu.memory_space<vmem_shared>> -> memref<10240x16xf32, #tpu.memory_space<vmem_shared>>
      tpu.enqueue_indirect_dma source(%arg12 : memref<128x16xf32, #tpu.memory_space<vmem>>) target(%dma_start3A_249 : memref<10240x16xf32, #tpu.memory_space<vmem_shared>>) offsets(%dma_start3A_246 : memref<128xi32, #tpu.memory_space<vmem>>) semaphore(%arg19 : memref<!tpu.dma_semaphore, #tpu.memory_space<semaphore_mem>>) {add = true}
      %dma_wait3A_250 = arith.constant 6 : i32
      %dma_wait3A_251 = arith.constant 0 : i32
      %dma_wait3A_252 = tpu.memref_slice %arg7[%dma_wait3A_250, %dma_wait3A_251] : memref<16x128xi32, #tpu.memory_space<vmem>> -> memref<1x128xi32, #tpu.memory_space<vmem>>
      %dma_wait3A_253 = tpu.memref_squeeze %dma_wait3A_252 : memref<1x128xi32, #tpu.memory_space<vmem>> -> memref<128xi32, #tpu.memory_space<vmem>>
      %dma_wait3A_254 = arith.constant 0 : i32
      %dma_wait3A_255 = arith.constant 0 : i32
      %dma_wait3A_256 = tpu.memref_slice %arg14[%dma_wait3A_254, %dma_wait3A_255] : memref<10000x64xf32, #tpu.memory_space<vmem_shared>> -> memref<10000x64xf32, #tpu.memory_space<vmem_shared>>
      tpu.wait_indirect_dma semaphore(%arg17 : memref<!tpu.dma_semaphore, #tpu.memory_space<semaphore_mem>>) src(%dma_wait3A_256 : memref<10000x64xf32, #tpu.memory_space<vmem_shared>>) dst(%arg9 : memref<128x64xf32, #tpu.memory_space<vmem>>)
      %dma_wait3A_257 = arith.constant 5 : i32
      %dma_wait3A_258 = arith.constant 0 : i32
      %dma_wait3A_259 = tpu.memref_slice %arg8[%dma_wait3A_257, %dma_wait3A_258] : memref<16x128xi32, #tpu.memory_space<vmem>> -> memref<1x128xi32, #tpu.memory_space<vmem>>
      %dma_wait3A_260 = tpu.memref_squeeze %dma_wait3A_259 : memref<1x128xi32, #tpu.memory_space<vmem>> -> memref<128xi32, #tpu.memory_space<vmem>>
      %dma_wait3A_261 = arith.constant 0 : i32
      %dma_wait3A_262 = arith.constant 0 : i32
      %dma_wait3A_263 = tpu.memref_slice %arg15[%dma_wait3A_261, %dma_wait3A_262] : memref<10240x64xf32, #tpu.memory_space<vmem_shared>> -> memref<10240x64xf32, #tpu.memory_space<vmem_shared>>
      tpu.wait_indirect_dma semaphore(%arg18 : memref<!tpu.dma_semaphore, #tpu.memory_space<semaphore_mem>>) src(%arg10 : memref<128x64xf32, #tpu.memory_space<vmem>>) dst(%dma_wait3A_263 : memref<10240x64xf32, #tpu.memory_space<vmem_shared>>)
      %dma_start3A_264 = arith.constant 7 : i32
      %dma_start3A_265 = arith.constant 0 : i32
      %dma_start3A_266 = tpu.memref_slice %arg7[%dma_start3A_264, %dma_start3A_265] : memref<16x128xi32, #tpu.memory_space<vmem>> -> memref<1x128xi32, #tpu.memory_space<vmem>>
      %dma_start3A_267 = tpu.memref_squeeze %dma_start3A_266 : memref<1x128xi32, #tpu.memory_space<vmem>> -> memref<128xi32, #tpu.memory_space<vmem>>
      %dma_start3A_268 = arith.constant 0 : i32
      %dma_start3A_269 = arith.constant 0 : i32
      %dma_start3A_270 = tpu.memref_slice %arg14[%dma_start3A_268, %dma_start3A_269] : memref<10000x64xf32, #tpu.memory_space<vmem_shared>> -> memref<10000x64xf32, #tpu.memory_space<vmem_shared>>
      tpu.enqueue_indirect_dma source(%dma_start3A_270 : memref<10000x64xf32, #tpu.memory_space<vmem_shared>>) target(%arg10 : memref<128x64xf32, #tpu.memory_space<vmem>>) offsets(%dma_start3A_267 : memref<128xi32, #tpu.memory_space<vmem>>) semaphore(%arg17 : memref<!tpu.dma_semaphore, #tpu.memory_space<semaphore_mem>>)
      %dma_start3A_271 = arith.constant 6 : i32
      %dma_start3A_272 = arith.constant 0 : i32
      %dma_start3A_273 = tpu.memref_slice %arg8[%dma_start3A_271, %dma_start3A_272] : memref<16x128xi32, #tpu.memory_space<vmem>> -> memref<1x128xi32, #tpu.memory_space<vmem>>
      %dma_start3A_274 = tpu.memref_squeeze %dma_start3A_273 : memref<1x128xi32, #tpu.memory_space<vmem>> -> memref<128xi32, #tpu.memory_space<vmem>>
      %dma_start3A_275 = arith.constant 0 : i32
      %dma_start3A_276 = arith.constant 0 : i32
      %dma_start3A_277 = tpu.memref_slice %arg15[%dma_start3A_275, %dma_start3A_276] : memref<10240x64xf32, #tpu.memory_space<vmem_shared>> -> memref<10240x64xf32, #tpu.memory_space<vmem_shared>>
      tpu.enqueue_indirect_dma source(%arg9 : memref<128x64xf32, #tpu.memory_space<vmem>>) target(%dma_start3A_277 : memref<10240x64xf32, #tpu.memory_space<vmem_shared>>) offsets(%dma_start3A_274 : memref<128xi32, #tpu.memory_space<vmem>>) semaphore(%arg18 : memref<!tpu.dma_semaphore, #tpu.memory_space<semaphore_mem>>) {add = true}
      %dma_start3A_278 = arith.constant 6 : i32
      %dma_start3A_279 = arith.constant 0 : i32
      %dma_start3A_280 = tpu.memref_slice %arg8[%dma_start3A_278, %dma_start3A_279] : memref<16x128xi32, #tpu.memory_space<vmem>> -> memref<1x128xi32, #tpu.memory_space<vmem>>
      %dma_start3A_281 = tpu.memref_squeeze %dma_start3A_280 : memref<1x128xi32, #tpu.memory_space<vmem>> -> memref<128xi32, #tpu.memory_space<vmem>>
      %dma_start3A_282 = arith.constant 0 : i32
      %dma_start3A_283 = arith.constant 0 : i32
      %dma_start3A_284 = tpu.memref_slice %arg16[%dma_start3A_282, %dma_start3A_283] : memref<10240x16xf32, #tpu.memory_space<vmem_shared>> -> memref<10240x16xf32, #tpu.memory_space<vmem_shared>>
      tpu.enqueue_indirect_dma source(%arg12 : memref<128x16xf32, #tpu.memory_space<vmem>>) target(%dma_start3A_284 : memref<10240x16xf32, #tpu.memory_space<vmem_shared>>) offsets(%dma_start3A_281 : memref<128xi32, #tpu.memory_space<vmem>>) semaphore(%arg19 : memref<!tpu.dma_semaphore, #tpu.memory_space<semaphore_mem>>) {add = true}
      %dma_wait3A_285 = arith.constant 7 : i32
      %dma_wait3A_286 = arith.constant 0 : i32
      %dma_wait3A_287 = tpu.memref_slice %arg7[%dma_wait3A_285, %dma_wait3A_286] : memref<16x128xi32, #tpu.memory_space<vmem>> -> memref<1x128xi32, #tpu.memory_space<vmem>>
      %dma_wait3A_288 = tpu.memref_squeeze %dma_wait3A_287 : memref<1x128xi32, #tpu.memory_space<vmem>> -> memref<128xi32, #tpu.memory_space<vmem>>
      %dma_wait3A_289 = arith.constant 0 : i32
      %dma_wait3A_290 = arith.constant 0 : i32
      %dma_wait3A_291 = tpu.memref_slice %arg14[%dma_wait3A_289, %dma_wait3A_290] : memref<10000x64xf32, #tpu.memory_space<vmem_shared>> -> memref<10000x64xf32, #tpu.memory_space<vmem_shared>>
      tpu.wait_indirect_dma semaphore(%arg17 : memref<!tpu.dma_semaphore, #tpu.memory_space<semaphore_mem>>) src(%dma_wait3A_291 : memref<10000x64xf32, #tpu.memory_space<vmem_shared>>) dst(%arg10 : memref<128x64xf32, #tpu.memory_space<vmem>>)
      %dma_wait3A_292 = arith.constant 6 : i32
      %dma_wait3A_293 = arith.constant 0 : i32
      %dma_wait3A_294 = tpu.memref_slice %arg8[%dma_wait3A_292, %dma_wait3A_293] : memref<16x128xi32, #tpu.memory_space<vmem>> -> memref<1x128xi32, #tpu.memory_space<vmem>>
      %dma_wait3A_295 = tpu.memref_squeeze %dma_wait3A_294 : memref<1x128xi32, #tpu.memory_space<vmem>> -> memref<128xi32, #tpu.memory_space<vmem>>
      %dma_wait3A_296 = arith.constant 0 : i32
      %dma_wait3A_297 = arith.constant 0 : i32
      %dma_wait3A_298 = tpu.memref_slice %arg15[%dma_wait3A_296, %dma_wait3A_297] : memref<10240x64xf32, #tpu.memory_space<vmem_shared>> -> memref<10240x64xf32, #tpu.memory_space<vmem_shared>>
      tpu.wait_indirect_dma semaphore(%arg18 : memref<!tpu.dma_semaphore, #tpu.memory_space<semaphore_mem>>) src(%arg9 : memref<128x64xf32, #tpu.memory_space<vmem>>) dst(%dma_wait3A_298 : memref<10240x64xf32, #tpu.memory_space<vmem_shared>>)
      %dma_start3A_299 = arith.constant 8 : i32
      %dma_start3A_300 = arith.constant 0 : i32
      %dma_start3A_301 = tpu.memref_slice %arg7[%dma_start3A_299, %dma_start3A_300] : memref<16x128xi32, #tpu.memory_space<vmem>> -> memref<1x128xi32, #tpu.memory_space<vmem>>
      %dma_start3A_302 = tpu.memref_squeeze %dma_start3A_301 : memref<1x128xi32, #tpu.memory_space<vmem>> -> memref<128xi32, #tpu.memory_space<vmem>>
      %dma_start3A_303 = arith.constant 0 : i32
      %dma_start3A_304 = arith.constant 0 : i32
      %dma_start3A_305 = tpu.memref_slice %arg14[%dma_start3A_303, %dma_start3A_304] : memref<10000x64xf32, #tpu.memory_space<vmem_shared>> -> memref<10000x64xf32, #tpu.memory_space<vmem_shared>>
      tpu.enqueue_indirect_dma source(%dma_start3A_305 : memref<10000x64xf32, #tpu.memory_space<vmem_shared>>) target(%arg9 : memref<128x64xf32, #tpu.memory_space<vmem>>) offsets(%dma_start3A_302 : memref<128xi32, #tpu.memory_space<vmem>>) semaphore(%arg17 : memref<!tpu.dma_semaphore, #tpu.memory_space<semaphore_mem>>)
      %dma_start3A_306 = arith.constant 7 : i32
      %dma_start3A_307 = arith.constant 0 : i32
      %dma_start3A_308 = tpu.memref_slice %arg8[%dma_start3A_306, %dma_start3A_307] : memref<16x128xi32, #tpu.memory_space<vmem>> -> memref<1x128xi32, #tpu.memory_space<vmem>>
      %dma_start3A_309 = tpu.memref_squeeze %dma_start3A_308 : memref<1x128xi32, #tpu.memory_space<vmem>> -> memref<128xi32, #tpu.memory_space<vmem>>
      %dma_start3A_310 = arith.constant 0 : i32
      %dma_start3A_311 = arith.constant 0 : i32
      %dma_start3A_312 = tpu.memref_slice %arg15[%dma_start3A_310, %dma_start3A_311] : memref<10240x64xf32, #tpu.memory_space<vmem_shared>> -> memref<10240x64xf32, #tpu.memory_space<vmem_shared>>
      tpu.enqueue_indirect_dma source(%arg10 : memref<128x64xf32, #tpu.memory_space<vmem>>) target(%dma_start3A_312 : memref<10240x64xf32, #tpu.memory_space<vmem_shared>>) offsets(%dma_start3A_309 : memref<128xi32, #tpu.memory_space<vmem>>) semaphore(%arg18 : memref<!tpu.dma_semaphore, #tpu.memory_space<semaphore_mem>>) {add = true}
      %dma_start3A_313 = arith.constant 7 : i32
      %dma_start3A_314 = arith.constant 0 : i32
      %dma_start3A_315 = tpu.memref_slice %arg8[%dma_start3A_313, %dma_start3A_314] : memref<16x128xi32, #tpu.memory_space<vmem>> -> memref<1x128xi32, #tpu.memory_space<vmem>>
      %dma_start3A_316 = tpu.memref_squeeze %dma_start3A_315 : memref<1x128xi32, #tpu.memory_space<vmem>> -> memref<128xi32, #tpu.memory_space<vmem>>
      %dma_start3A_317 = arith.constant 0 : i32
      %dma_start3A_318 = arith.constant 0 : i32
      %dma_start3A_319 = tpu.memref_slice %arg16[%dma_start3A_317, %dma_start3A_318] : memref<10240x16xf32, #tpu.memory_space<vmem_shared>> -> memref<10240x16xf32, #tpu.memory_space<vmem_shared>>
      tpu.enqueue_indirect_dma source(%arg12 : memref<128x16xf32, #tpu.memory_space<vmem>>) target(%dma_start3A_319 : memref<10240x16xf32, #tpu.memory_space<vmem_shared>>) offsets(%dma_start3A_316 : memref<128xi32, #tpu.memory_space<vmem>>) semaphore(%arg19 : memref<!tpu.dma_semaphore, #tpu.memory_space<semaphore_mem>>) {add = true}
      %dma_wait3A_320 = arith.constant 8 : i32
      %dma_wait3A_321 = arith.constant 0 : i32
      %dma_wait3A_322 = tpu.memref_slice %arg7[%dma_wait3A_320, %dma_wait3A_321] : memref<16x128xi32, #tpu.memory_space<vmem>> -> memref<1x128xi32, #tpu.memory_space<vmem>>
      %dma_wait3A_323 = tpu.memref_squeeze %dma_wait3A_322 : memref<1x128xi32, #tpu.memory_space<vmem>> -> memref<128xi32, #tpu.memory_space<vmem>>
      %dma_wait3A_324 = arith.constant 0 : i32
      %dma_wait3A_325 = arith.constant 0 : i32
      %dma_wait3A_326 = tpu.memref_slice %arg14[%dma_wait3A_324, %dma_wait3A_325] : memref<10000x64xf32, #tpu.memory_space<vmem_shared>> -> memref<10000x64xf32, #tpu.memory_space<vmem_shared>>
      tpu.wait_indirect_dma semaphore(%arg17 : memref<!tpu.dma_semaphore, #tpu.memory_space<semaphore_mem>>) src(%dma_wait3A_326 : memref<10000x64xf32, #tpu.memory_space<vmem_shared>>) dst(%arg9 : memref<128x64xf32, #tpu.memory_space<vmem>>)
      %dma_wait3A_327 = arith.constant 7 : i32
      %dma_wait3A_328 = arith.constant 0 : i32
      %dma_wait3A_329 = tpu.memref_slice %arg8[%dma_wait3A_327, %dma_wait3A_328] : memref<16x128xi32, #tpu.memory_space<vmem>> -> memref<1x128xi32, #tpu.memory_space<vmem>>
      %dma_wait3A_330 = tpu.memref_squeeze %dma_wait3A_329 : memref<1x128xi32, #tpu.memory_space<vmem>> -> memref<128xi32, #tpu.memory_space<vmem>>
      %dma_wait3A_331 = arith.constant 0 : i32
      %dma_wait3A_332 = arith.constant 0 : i32
      %dma_wait3A_333 = tpu.memref_slice %arg15[%dma_wait3A_331, %dma_wait3A_332] : memref<10240x64xf32, #tpu.memory_space<vmem_shared>> -> memref<10240x64xf32, #tpu.memory_space<vmem_shared>>
      tpu.wait_indirect_dma semaphore(%arg18 : memref<!tpu.dma_semaphore, #tpu.memory_space<semaphore_mem>>) src(%arg10 : memref<128x64xf32, #tpu.memory_space<vmem>>) dst(%dma_wait3A_333 : memref<10240x64xf32, #tpu.memory_space<vmem_shared>>)
      %dma_start3A_334 = arith.constant 9 : i32
      %dma_start3A_335 = arith.constant 0 : i32
      %dma_start3A_336 = tpu.memref_slice %arg7[%dma_start3A_334, %dma_start3A_335] : memref<16x128xi32, #tpu.memory_space<vmem>> -> memref<1x128xi32, #tpu.memory_space<vmem>>
      %dma_start3A_337 = tpu.memref_squeeze %dma_start3A_336 : memref<1x128xi32, #tpu.memory_space<vmem>> -> memref<128xi32, #tpu.memory_space<vmem>>
      %dma_start3A_338 = arith.constant 0 : i32
      %dma_start3A_339 = arith.constant 0 : i32
      %dma_start3A_340 = tpu.memref_slice %arg14[%dma_start3A_338, %dma_start3A_339] : memref<10000x64xf32, #tpu.memory_space<vmem_shared>> -> memref<10000x64xf32, #tpu.memory_space<vmem_shared>>
      tpu.enqueue_indirect_dma source(%dma_start3A_340 : memref<10000x64xf32, #tpu.memory_space<vmem_shared>>) target(%arg10 : memref<128x64xf32, #tpu.memory_space<vmem>>) offsets(%dma_start3A_337 : memref<128xi32, #tpu.memory_space<vmem>>) semaphore(%arg17 : memref<!tpu.dma_semaphore, #tpu.memory_space<semaphore_mem>>)
      %dma_start3A_341 = arith.constant 8 : i32
      %dma_start3A_342 = arith.constant 0 : i32
      %dma_start3A_343 = tpu.memref_slice %arg8[%dma_start3A_341, %dma_start3A_342] : memref<16x128xi32, #tpu.memory_space<vmem>> -> memref<1x128xi32, #tpu.memory_space<vmem>>
      %dma_start3A_344 = tpu.memref_squeeze %dma_start3A_343 : memref<1x128xi32, #tpu.memory_space<vmem>> -> memref<128xi32, #tpu.memory_space<vmem>>
      %dma_start3A_345 = arith.constant 0 : i32
      %dma_start3A_346 = arith.constant 0 : i32
      %dma_start3A_347 = tpu.memref_slice %arg15[%dma_start3A_345, %dma_start3A_346] : memref<10240x64xf32, #tpu.memory_space<vmem_shared>> -> memref<10240x64xf32, #tpu.memory_space<vmem_shared>>
      tpu.enqueue_indirect_dma source(%arg9 : memref<128x64xf32, #tpu.memory_space<vmem>>) target(%dma_start3A_347 : memref<10240x64xf32, #tpu.memory_space<vmem_shared>>) offsets(%dma_start3A_344 : memref<128xi32, #tpu.memory_space<vmem>>) semaphore(%arg18 : memref<!tpu.dma_semaphore, #tpu.memory_space<semaphore_mem>>) {add = true}
      %dma_start3A_348 = arith.constant 8 : i32
      %dma_start3A_349 = arith.constant 0 : i32
      %dma_start3A_350 = tpu.memref_slice %arg8[%dma_start3A_348, %dma_start3A_349] : memref<16x128xi32, #tpu.memory_space<vmem>> -> memref<1x128xi32, #tpu.memory_space<vmem>>
      %dma_start3A_351 = tpu.memref_squeeze %dma_start3A_350 : memref<1x128xi32, #tpu.memory_space<vmem>> -> memref<128xi32, #tpu.memory_space<vmem>>
      %dma_start3A_352 = arith.constant 0 : i32
      %dma_start3A_353 = arith.constant 0 : i32
      %dma_start3A_354 = tpu.memref_slice %arg16[%dma_start3A_352, %dma_start3A_353] : memref<10240x16xf32, #tpu.memory_space<vmem_shared>> -> memref<10240x16xf32, #tpu.memory_space<vmem_shared>>
      tpu.enqueue_indirect_dma source(%arg12 : memref<128x16xf32, #tpu.memory_space<vmem>>) target(%dma_start3A_354 : memref<10240x16xf32, #tpu.memory_space<vmem_shared>>) offsets(%dma_start3A_351 : memref<128xi32, #tpu.memory_space<vmem>>) semaphore(%arg19 : memref<!tpu.dma_semaphore, #tpu.memory_space<semaphore_mem>>) {add = true}
      %dma_wait3A_355 = arith.constant 9 : i32
      %dma_wait3A_356 = arith.constant 0 : i32
      %dma_wait3A_357 = tpu.memref_slice %arg7[%dma_wait3A_355, %dma_wait3A_356] : memref<16x128xi32, #tpu.memory_space<vmem>> -> memref<1x128xi32, #tpu.memory_space<vmem>>
      %dma_wait3A_358 = tpu.memref_squeeze %dma_wait3A_357 : memref<1x128xi32, #tpu.memory_space<vmem>> -> memref<128xi32, #tpu.memory_space<vmem>>
      %dma_wait3A_359 = arith.constant 0 : i32
      %dma_wait3A_360 = arith.constant 0 : i32
      %dma_wait3A_361 = tpu.memref_slice %arg14[%dma_wait3A_359, %dma_wait3A_360] : memref<10000x64xf32, #tpu.memory_space<vmem_shared>> -> memref<10000x64xf32, #tpu.memory_space<vmem_shared>>
      tpu.wait_indirect_dma semaphore(%arg17 : memref<!tpu.dma_semaphore, #tpu.memory_space<semaphore_mem>>) src(%dma_wait3A_361 : memref<10000x64xf32, #tpu.memory_space<vmem_shared>>) dst(%arg10 : memref<128x64xf32, #tpu.memory_space<vmem>>)
      %dma_wait3A_362 = arith.constant 8 : i32
      %dma_wait3A_363 = arith.constant 0 : i32
      %dma_wait3A_364 = tpu.memref_slice %arg8[%dma_wait3A_362, %dma_wait3A_363] : memref<16x128xi32, #tpu.memory_space<vmem>> -> memref<1x128xi32, #tpu.memory_space<vmem>>
      %dma_wait3A_365 = tpu.memref_squeeze %dma_wait3A_364 : memref<1x128xi32, #tpu.memory_space<vmem>> -> memref<128xi32, #tpu.memory_space<vmem>>
      %dma_wait3A_366 = arith.constant 0 : i32
      %dma_wait3A_367 = arith.constant 0 : i32
      %dma_wait3A_368 = tpu.memref_slice %arg15[%dma_wait3A_366, %dma_wait3A_367] : memref<10240x64xf32, #tpu.memory_space<vmem_shared>> -> memref<10240x64xf32, #tpu.memory_space<vmem_shared>>
      tpu.wait_indirect_dma semaphore(%arg18 : memref<!tpu.dma_semaphore, #tpu.memory_space<semaphore_mem>>) src(%arg9 : memref<128x64xf32, #tpu.memory_space<vmem>>) dst(%dma_wait3A_368 : memref<10240x64xf32, #tpu.memory_space<vmem_shared>>)
      %dma_start3A_369 = arith.constant 10 : i32
      %dma_start3A_370 = arith.constant 0 : i32
      %dma_start3A_371 = tpu.memref_slice %arg7[%dma_start3A_369, %dma_start3A_370] : memref<16x128xi32, #tpu.memory_space<vmem>> -> memref<1x128xi32, #tpu.memory_space<vmem>>
      %dma_start3A_372 = tpu.memref_squeeze %dma_start3A_371 : memref<1x128xi32, #tpu.memory_space<vmem>> -> memref<128xi32, #tpu.memory_space<vmem>>
      %dma_start3A_373 = arith.constant 0 : i32
      %dma_start3A_374 = arith.constant 0 : i32
      %dma_start3A_375 = tpu.memref_slice %arg14[%dma_start3A_373, %dma_start3A_374] : memref<10000x64xf32, #tpu.memory_space<vmem_shared>> -> memref<10000x64xf32, #tpu.memory_space<vmem_shared>>
      tpu.enqueue_indirect_dma source(%dma_start3A_375 : memref<10000x64xf32, #tpu.memory_space<vmem_shared>>) target(%arg9 : memref<128x64xf32, #tpu.memory_space<vmem>>) offsets(%dma_start3A_372 : memref<128xi32, #tpu.memory_space<vmem>>) semaphore(%arg17 : memref<!tpu.dma_semaphore, #tpu.memory_space<semaphore_mem>>)
      %dma_start3A_376 = arith.constant 9 : i32
      %dma_start3A_377 = arith.constant 0 : i32
      %dma_start3A_378 = tpu.memref_slice %arg8[%dma_start3A_376, %dma_start3A_377] : memref<16x128xi32, #tpu.memory_space<vmem>> -> memref<1x128xi32, #tpu.memory_space<vmem>>
      %dma_start3A_379 = tpu.memref_squeeze %dma_start3A_378 : memref<1x128xi32, #tpu.memory_space<vmem>> -> memref<128xi32, #tpu.memory_space<vmem>>
      %dma_start3A_380 = arith.constant 0 : i32
      %dma_start3A_381 = arith.constant 0 : i32
      %dma_start3A_382 = tpu.memref_slice %arg15[%dma_start3A_380, %dma_start3A_381] : memref<10240x64xf32, #tpu.memory_space<vmem_shared>> -> memref<10240x64xf32, #tpu.memory_space<vmem_shared>>
      tpu.enqueue_indirect_dma source(%arg10 : memref<128x64xf32, #tpu.memory_space<vmem>>) target(%dma_start3A_382 : memref<10240x64xf32, #tpu.memory_space<vmem_shared>>) offsets(%dma_start3A_379 : memref<128xi32, #tpu.memory_space<vmem>>) semaphore(%arg18 : memref<!tpu.dma_semaphore, #tpu.memory_space<semaphore_mem>>) {add = true}
      %dma_start3A_383 = arith.constant 9 : i32
      %dma_start3A_384 = arith.constant 0 : i32
      %dma_start3A_385 = tpu.memref_slice %arg8[%dma_start3A_383, %dma_start3A_384] : memref<16x128xi32, #tpu.memory_space<vmem>> -> memref<1x128xi32, #tpu.memory_space<vmem>>
      %dma_start3A_386 = tpu.memref_squeeze %dma_start3A_385 : memref<1x128xi32, #tpu.memory_space<vmem>> -> memref<128xi32, #tpu.memory_space<vmem>>
      %dma_start3A_387 = arith.constant 0 : i32
      %dma_start3A_388 = arith.constant 0 : i32
      %dma_start3A_389 = tpu.memref_slice %arg16[%dma_start3A_387, %dma_start3A_388] : memref<10240x16xf32, #tpu.memory_space<vmem_shared>> -> memref<10240x16xf32, #tpu.memory_space<vmem_shared>>
      tpu.enqueue_indirect_dma source(%arg12 : memref<128x16xf32, #tpu.memory_space<vmem>>) target(%dma_start3A_389 : memref<10240x16xf32, #tpu.memory_space<vmem_shared>>) offsets(%dma_start3A_386 : memref<128xi32, #tpu.memory_space<vmem>>) semaphore(%arg19 : memref<!tpu.dma_semaphore, #tpu.memory_space<semaphore_mem>>) {add = true}
      %dma_wait3A_390 = arith.constant 10 : i32
      %dma_wait3A_391 = arith.constant 0 : i32
      %dma_wait3A_392 = tpu.memref_slice %arg7[%dma_wait3A_390, %dma_wait3A_391] : memref<16x128xi32, #tpu.memory_space<vmem>> -> memref<1x128xi32, #tpu.memory_space<vmem>>
      %dma_wait3A_393 = tpu.memref_squeeze %dma_wait3A_392 : memref<1x128xi32, #tpu.memory_space<vmem>> -> memref<128xi32, #tpu.memory_space<vmem>>
      %dma_wait3A_394 = arith.constant 0 : i32
      %dma_wait3A_395 = arith.constant 0 : i32
      %dma_wait3A_396 = tpu.memref_slice %arg14[%dma_wait3A_394, %dma_wait3A_395] : memref<10000x64xf32, #tpu.memory_space<vmem_shared>> -> memref<10000x64xf32, #tpu.memory_space<vmem_shared>>
      tpu.wait_indirect_dma semaphore(%arg17 : memref<!tpu.dma_semaphore, #tpu.memory_space<semaphore_mem>>) src(%dma_wait3A_396 : memref<10000x64xf32, #tpu.memory_space<vmem_shared>>) dst(%arg9 : memref<128x64xf32, #tpu.memory_space<vmem>>)
      %dma_wait3A_397 = arith.constant 9 : i32
      %dma_wait3A_398 = arith.constant 0 : i32
      %dma_wait3A_399 = tpu.memref_slice %arg8[%dma_wait3A_397, %dma_wait3A_398] : memref<16x128xi32, #tpu.memory_space<vmem>> -> memref<1x128xi32, #tpu.memory_space<vmem>>
      %dma_wait3A_400 = tpu.memref_squeeze %dma_wait3A_399 : memref<1x128xi32, #tpu.memory_space<vmem>> -> memref<128xi32, #tpu.memory_space<vmem>>
      %dma_wait3A_401 = arith.constant 0 : i32
      %dma_wait3A_402 = arith.constant 0 : i32
      %dma_wait3A_403 = tpu.memref_slice %arg15[%dma_wait3A_401, %dma_wait3A_402] : memref<10240x64xf32, #tpu.memory_space<vmem_shared>> -> memref<10240x64xf32, #tpu.memory_space<vmem_shared>>
      tpu.wait_indirect_dma semaphore(%arg18 : memref<!tpu.dma_semaphore, #tpu.memory_space<semaphore_mem>>) src(%arg10 : memref<128x64xf32, #tpu.memory_space<vmem>>) dst(%dma_wait3A_403 : memref<10240x64xf32, #tpu.memory_space<vmem_shared>>)
      %dma_start3A_404 = arith.constant 11 : i32
      %dma_start3A_405 = arith.constant 0 : i32
      %dma_start3A_406 = tpu.memref_slice %arg7[%dma_start3A_404, %dma_start3A_405] : memref<16x128xi32, #tpu.memory_space<vmem>> -> memref<1x128xi32, #tpu.memory_space<vmem>>
      %dma_start3A_407 = tpu.memref_squeeze %dma_start3A_406 : memref<1x128xi32, #tpu.memory_space<vmem>> -> memref<128xi32, #tpu.memory_space<vmem>>
      %dma_start3A_408 = arith.constant 0 : i32
      %dma_start3A_409 = arith.constant 0 : i32
      %dma_start3A_410 = tpu.memref_slice %arg14[%dma_start3A_408, %dma_start3A_409] : memref<10000x64xf32, #tpu.memory_space<vmem_shared>> -> memref<10000x64xf32, #tpu.memory_space<vmem_shared>>
      tpu.enqueue_indirect_dma source(%dma_start3A_410 : memref<10000x64xf32, #tpu.memory_space<vmem_shared>>) target(%arg10 : memref<128x64xf32, #tpu.memory_space<vmem>>) offsets(%dma_start3A_407 : memref<128xi32, #tpu.memory_space<vmem>>) semaphore(%arg17 : memref<!tpu.dma_semaphore, #tpu.memory_space<semaphore_mem>>)
      %dma_start3A_411 = arith.constant 10 : i32
      %dma_start3A_412 = arith.constant 0 : i32
      %dma_start3A_413 = tpu.memref_slice %arg8[%dma_start3A_411, %dma_start3A_412] : memref<16x128xi32, #tpu.memory_space<vmem>> -> memref<1x128xi32, #tpu.memory_space<vmem>>
      %dma_start3A_414 = tpu.memref_squeeze %dma_start3A_413 : memref<1x128xi32, #tpu.memory_space<vmem>> -> memref<128xi32, #tpu.memory_space<vmem>>
      %dma_start3A_415 = arith.constant 0 : i32
      %dma_start3A_416 = arith.constant 0 : i32
      %dma_start3A_417 = tpu.memref_slice %arg15[%dma_start3A_415, %dma_start3A_416] : memref<10240x64xf32, #tpu.memory_space<vmem_shared>> -> memref<10240x64xf32, #tpu.memory_space<vmem_shared>>
      tpu.enqueue_indirect_dma source(%arg9 : memref<128x64xf32, #tpu.memory_space<vmem>>) target(%dma_start3A_417 : memref<10240x64xf32, #tpu.memory_space<vmem_shared>>) offsets(%dma_start3A_414 : memref<128xi32, #tpu.memory_space<vmem>>) semaphore(%arg18 : memref<!tpu.dma_semaphore, #tpu.memory_space<semaphore_mem>>) {add = true}
      %dma_start3A_418 = arith.constant 10 : i32
      %dma_start3A_419 = arith.constant 0 : i32
      %dma_start3A_420 = tpu.memref_slice %arg8[%dma_start3A_418, %dma_start3A_419] : memref<16x128xi32, #tpu.memory_space<vmem>> -> memref<1x128xi32, #tpu.memory_space<vmem>>
      %dma_start3A_421 = tpu.memref_squeeze %dma_start3A_420 : memref<1x128xi32, #tpu.memory_space<vmem>> -> memref<128xi32, #tpu.memory_space<vmem>>
      %dma_start3A_422 = arith.constant 0 : i32
      %dma_start3A_423 = arith.constant 0 : i32
      %dma_start3A_424 = tpu.memref_slice %arg16[%dma_start3A_422, %dma_start3A_423] : memref<10240x16xf32, #tpu.memory_space<vmem_shared>> -> memref<10240x16xf32, #tpu.memory_space<vmem_shared>>
      tpu.enqueue_indirect_dma source(%arg12 : memref<128x16xf32, #tpu.memory_space<vmem>>) target(%dma_start3A_424 : memref<10240x16xf32, #tpu.memory_space<vmem_shared>>) offsets(%dma_start3A_421 : memref<128xi32, #tpu.memory_space<vmem>>) semaphore(%arg19 : memref<!tpu.dma_semaphore, #tpu.memory_space<semaphore_mem>>) {add = true}
      %dma_wait3A_425 = arith.constant 11 : i32
      %dma_wait3A_426 = arith.constant 0 : i32
      %dma_wait3A_427 = tpu.memref_slice %arg7[%dma_wait3A_425, %dma_wait3A_426] : memref<16x128xi32, #tpu.memory_space<vmem>> -> memref<1x128xi32, #tpu.memory_space<vmem>>
      %dma_wait3A_428 = tpu.memref_squeeze %dma_wait3A_427 : memref<1x128xi32, #tpu.memory_space<vmem>> -> memref<128xi32, #tpu.memory_space<vmem>>
      %dma_wait3A_429 = arith.constant 0 : i32
      %dma_wait3A_430 = arith.constant 0 : i32
      %dma_wait3A_431 = tpu.memref_slice %arg14[%dma_wait3A_429, %dma_wait3A_430] : memref<10000x64xf32, #tpu.memory_space<vmem_shared>> -> memref<10000x64xf32, #tpu.memory_space<vmem_shared>>
      tpu.wait_indirect_dma semaphore(%arg17 : memref<!tpu.dma_semaphore, #tpu.memory_space<semaphore_mem>>) src(%dma_wait3A_431 : memref<10000x64xf32, #tpu.memory_space<vmem_shared>>) dst(%arg10 : memref<128x64xf32, #tpu.memory_space<vmem>>)
      %dma_wait3A_432 = arith.constant 10 : i32
      %dma_wait3A_433 = arith.constant 0 : i32
      %dma_wait3A_434 = tpu.memref_slice %arg8[%dma_wait3A_432, %dma_wait3A_433] : memref<16x128xi32, #tpu.memory_space<vmem>> -> memref<1x128xi32, #tpu.memory_space<vmem>>
      %dma_wait3A_435 = tpu.memref_squeeze %dma_wait3A_434 : memref<1x128xi32, #tpu.memory_space<vmem>> -> memref<128xi32, #tpu.memory_space<vmem>>
      %dma_wait3A_436 = arith.constant 0 : i32
      %dma_wait3A_437 = arith.constant 0 : i32
      %dma_wait3A_438 = tpu.memref_slice %arg15[%dma_wait3A_436, %dma_wait3A_437] : memref<10240x64xf32, #tpu.memory_space<vmem_shared>> -> memref<10240x64xf32, #tpu.memory_space<vmem_shared>>
      tpu.wait_indirect_dma semaphore(%arg18 : memref<!tpu.dma_semaphore, #tpu.memory_space<semaphore_mem>>) src(%arg9 : memref<128x64xf32, #tpu.memory_space<vmem>>) dst(%dma_wait3A_438 : memref<10240x64xf32, #tpu.memory_space<vmem_shared>>)
      %dma_start3A_439 = arith.constant 12 : i32
      %dma_start3A_440 = arith.constant 0 : i32
      %dma_start3A_441 = tpu.memref_slice %arg7[%dma_start3A_439, %dma_start3A_440] : memref<16x128xi32, #tpu.memory_space<vmem>> -> memref<1x128xi32, #tpu.memory_space<vmem>>
      %dma_start3A_442 = tpu.memref_squeeze %dma_start3A_441 : memref<1x128xi32, #tpu.memory_space<vmem>> -> memref<128xi32, #tpu.memory_space<vmem>>
      %dma_start3A_443 = arith.constant 0 : i32
      %dma_start3A_444 = arith.constant 0 : i32
      %dma_start3A_445 = tpu.memref_slice %arg14[%dma_start3A_443, %dma_start3A_444] : memref<10000x64xf32, #tpu.memory_space<vmem_shared>> -> memref<10000x64xf32, #tpu.memory_space<vmem_shared>>
      tpu.enqueue_indirect_dma source(%dma_start3A_445 : memref<10000x64xf32, #tpu.memory_space<vmem_shared>>) target(%arg9 : memref<128x64xf32, #tpu.memory_space<vmem>>) offsets(%dma_start3A_442 : memref<128xi32, #tpu.memory_space<vmem>>) semaphore(%arg17 : memref<!tpu.dma_semaphore, #tpu.memory_space<semaphore_mem>>)
      %dma_start3A_446 = arith.constant 11 : i32
      %dma_start3A_447 = arith.constant 0 : i32
      %dma_start3A_448 = tpu.memref_slice %arg8[%dma_start3A_446, %dma_start3A_447] : memref<16x128xi32, #tpu.memory_space<vmem>> -> memref<1x128xi32, #tpu.memory_space<vmem>>
      %dma_start3A_449 = tpu.memref_squeeze %dma_start3A_448 : memref<1x128xi32, #tpu.memory_space<vmem>> -> memref<128xi32, #tpu.memory_space<vmem>>
      %dma_start3A_450 = arith.constant 0 : i32
      %dma_start3A_451 = arith.constant 0 : i32
      %dma_start3A_452 = tpu.memref_slice %arg15[%dma_start3A_450, %dma_start3A_451] : memref<10240x64xf32, #tpu.memory_space<vmem_shared>> -> memref<10240x64xf32, #tpu.memory_space<vmem_shared>>
      tpu.enqueue_indirect_dma source(%arg10 : memref<128x64xf32, #tpu.memory_space<vmem>>) target(%dma_start3A_452 : memref<10240x64xf32, #tpu.memory_space<vmem_shared>>) offsets(%dma_start3A_449 : memref<128xi32, #tpu.memory_space<vmem>>) semaphore(%arg18 : memref<!tpu.dma_semaphore, #tpu.memory_space<semaphore_mem>>) {add = true}
      %dma_start3A_453 = arith.constant 11 : i32
      %dma_start3A_454 = arith.constant 0 : i32
      %dma_start3A_455 = tpu.memref_slice %arg8[%dma_start3A_453, %dma_start3A_454] : memref<16x128xi32, #tpu.memory_space<vmem>> -> memref<1x128xi32, #tpu.memory_space<vmem>>
      %dma_start3A_456 = tpu.memref_squeeze %dma_start3A_455 : memref<1x128xi32, #tpu.memory_space<vmem>> -> memref<128xi32, #tpu.memory_space<vmem>>
      %dma_start3A_457 = arith.constant 0 : i32
      %dma_start3A_458 = arith.constant 0 : i32
      %dma_start3A_459 = tpu.memref_slice %arg16[%dma_start3A_457, %dma_start3A_458] : memref<10240x16xf32, #tpu.memory_space<vmem_shared>> -> memref<10240x16xf32, #tpu.memory_space<vmem_shared>>
      tpu.enqueue_indirect_dma source(%arg12 : memref<128x16xf32, #tpu.memory_space<vmem>>) target(%dma_start3A_459 : memref<10240x16xf32, #tpu.memory_space<vmem_shared>>) offsets(%dma_start3A_456 : memref<128xi32, #tpu.memory_space<vmem>>) semaphore(%arg19 : memref<!tpu.dma_semaphore, #tpu.memory_space<semaphore_mem>>) {add = true}
      %dma_wait3A_460 = arith.constant 12 : i32
      %dma_wait3A_461 = arith.constant 0 : i32
      %dma_wait3A_462 = tpu.memref_slice %arg7[%dma_wait3A_460, %dma_wait3A_461] : memref<16x128xi32, #tpu.memory_space<vmem>> -> memref<1x128xi32, #tpu.memory_space<vmem>>
      %dma_wait3A_463 = tpu.memref_squeeze %dma_wait3A_462 : memref<1x128xi32, #tpu.memory_space<vmem>> -> memref<128xi32, #tpu.memory_space<vmem>>
      %dma_wait3A_464 = arith.constant 0 : i32
      %dma_wait3A_465 = arith.constant 0 : i32
      %dma_wait3A_466 = tpu.memref_slice %arg14[%dma_wait3A_464, %dma_wait3A_465] : memref<10000x64xf32, #tpu.memory_space<vmem_shared>> -> memref<10000x64xf32, #tpu.memory_space<vmem_shared>>
      tpu.wait_indirect_dma semaphore(%arg17 : memref<!tpu.dma_semaphore, #tpu.memory_space<semaphore_mem>>) src(%dma_wait3A_466 : memref<10000x64xf32, #tpu.memory_space<vmem_shared>>) dst(%arg9 : memref<128x64xf32, #tpu.memory_space<vmem>>)
      %dma_wait3A_467 = arith.constant 11 : i32
      %dma_wait3A_468 = arith.constant 0 : i32
      %dma_wait3A_469 = tpu.memref_slice %arg8[%dma_wait3A_467, %dma_wait3A_468] : memref<16x128xi32, #tpu.memory_space<vmem>> -> memref<1x128xi32, #tpu.memory_space<vmem>>
      %dma_wait3A_470 = tpu.memref_squeeze %dma_wait3A_469 : memref<1x128xi32, #tpu.memory_space<vmem>> -> memref<128xi32, #tpu.memory_space<vmem>>
      %dma_wait3A_471 = arith.constant 0 : i32
      %dma_wait3A_472 = arith.constant 0 : i32
      %dma_wait3A_473 = tpu.memref_slice %arg15[%dma_wait3A_471, %dma_wait3A_472] : memref<10240x64xf32, #tpu.memory_space<vmem_shared>> -> memref<10240x64xf32, #tpu.memory_space<vmem_shared>>
      tpu.wait_indirect_dma semaphore(%arg18 : memref<!tpu.dma_semaphore, #tpu.memory_space<semaphore_mem>>) src(%arg10 : memref<128x64xf32, #tpu.memory_space<vmem>>) dst(%dma_wait3A_473 : memref<10240x64xf32, #tpu.memory_space<vmem_shared>>)
      %dma_start3A_474 = arith.constant 13 : i32
      %dma_start3A_475 = arith.constant 0 : i32
      %dma_start3A_476 = tpu.memref_slice %arg7[%dma_start3A_474, %dma_start3A_475] : memref<16x128xi32, #tpu.memory_space<vmem>> -> memref<1x128xi32, #tpu.memory_space<vmem>>
      %dma_start3A_477 = tpu.memref_squeeze %dma_start3A_476 : memref<1x128xi32, #tpu.memory_space<vmem>> -> memref<128xi32, #tpu.memory_space<vmem>>
      %dma_start3A_478 = arith.constant 0 : i32
      %dma_start3A_479 = arith.constant 0 : i32
      %dma_start3A_480 = tpu.memref_slice %arg14[%dma_start3A_478, %dma_start3A_479] : memref<10000x64xf32, #tpu.memory_space<vmem_shared>> -> memref<10000x64xf32, #tpu.memory_space<vmem_shared>>
      tpu.enqueue_indirect_dma source(%dma_start3A_480 : memref<10000x64xf32, #tpu.memory_space<vmem_shared>>) target(%arg10 : memref<128x64xf32, #tpu.memory_space<vmem>>) offsets(%dma_start3A_477 : memref<128xi32, #tpu.memory_space<vmem>>) semaphore(%arg17 : memref<!tpu.dma_semaphore, #tpu.memory_space<semaphore_mem>>)
      %dma_start3A_481 = arith.constant 12 : i32
      %dma_start3A_482 = arith.constant 0 : i32
      %dma_start3A_483 = tpu.memref_slice %arg8[%dma_start3A_481, %dma_start3A_482] : memref<16x128xi32, #tpu.memory_space<vmem>> -> memref<1x128xi32, #tpu.memory_space<vmem>>
      %dma_start3A_484 = tpu.memref_squeeze %dma_start3A_483 : memref<1x128xi32, #tpu.memory_space<vmem>> -> memref<128xi32, #tpu.memory_space<vmem>>
      %dma_start3A_485 = arith.constant 0 : i32
      %dma_start3A_486 = arith.constant 0 : i32
      %dma_start3A_487 = tpu.memref_slice %arg15[%dma_start3A_485, %dma_start3A_486] : memref<10240x64xf32, #tpu.memory_space<vmem_shared>> -> memref<10240x64xf32, #tpu.memory_space<vmem_shared>>
      tpu.enqueue_indirect_dma source(%arg9 : memref<128x64xf32, #tpu.memory_space<vmem>>) target(%dma_start3A_487 : memref<10240x64xf32, #tpu.memory_space<vmem_shared>>) offsets(%dma_start3A_484 : memref<128xi32, #tpu.memory_space<vmem>>) semaphore(%arg18 : memref<!tpu.dma_semaphore, #tpu.memory_space<semaphore_mem>>) {add = true}
      %dma_start3A_488 = arith.constant 12 : i32
      %dma_start3A_489 = arith.constant 0 : i32
      %dma_start3A_490 = tpu.memref_slice %arg8[%dma_start3A_488, %dma_start3A_489] : memref<16x128xi32, #tpu.memory_space<vmem>> -> memref<1x128xi32, #tpu.memory_space<vmem>>
      %dma_start3A_491 = tpu.memref_squeeze %dma_start3A_490 : memref<1x128xi32, #tpu.memory_space<vmem>> -> memref<128xi32, #tpu.memory_space<vmem>>
      %dma_start3A_492 = arith.constant 0 : i32
      %dma_start3A_493 = arith.constant 0 : i32
      %dma_start3A_494 = tpu.memref_slice %arg16[%dma_start3A_492, %dma_start3A_493] : memref<10240x16xf32, #tpu.memory_space<vmem_shared>> -> memref<10240x16xf32, #tpu.memory_space<vmem_shared>>
      tpu.enqueue_indirect_dma source(%arg12 : memref<128x16xf32, #tpu.memory_space<vmem>>) target(%dma_start3A_494 : memref<10240x16xf32, #tpu.memory_space<vmem_shared>>) offsets(%dma_start3A_491 : memref<128xi32, #tpu.memory_space<vmem>>) semaphore(%arg19 : memref<!tpu.dma_semaphore, #tpu.memory_space<semaphore_mem>>) {add = true}
      %dma_wait3A_495 = arith.constant 13 : i32
      %dma_wait3A_496 = arith.constant 0 : i32
      %dma_wait3A_497 = tpu.memref_slice %arg7[%dma_wait3A_495, %dma_wait3A_496] : memref<16x128xi32, #tpu.memory_space<vmem>> -> memref<1x128xi32, #tpu.memory_space<vmem>>
      %dma_wait3A_498 = tpu.memref_squeeze %dma_wait3A_497 : memref<1x128xi32, #tpu.memory_space<vmem>> -> memref<128xi32, #tpu.memory_space<vmem>>
      %dma_wait3A_499 = arith.constant 0 : i32
      %dma_wait3A_500 = arith.constant 0 : i32
      %dma_wait3A_501 = tpu.memref_slice %arg14[%dma_wait3A_499, %dma_wait3A_500] : memref<10000x64xf32, #tpu.memory_space<vmem_shared>> -> memref<10000x64xf32, #tpu.memory_space<vmem_shared>>
      tpu.wait_indirect_dma semaphore(%arg17 : memref<!tpu.dma_semaphore, #tpu.memory_space<semaphore_mem>>) src(%dma_wait3A_501 : memref<10000x64xf32, #tpu.memory_space<vmem_shared>>) dst(%arg10 : memref<128x64xf32, #tpu.memory_space<vmem>>)
      %dma_wait3A_502 = arith.constant 12 : i32
      %dma_wait3A_503 = arith.constant 0 : i32
      %dma_wait3A_504 = tpu.memref_slice %arg8[%dma_wait3A_502, %dma_wait3A_503] : memref<16x128xi32, #tpu.memory_space<vmem>> -> memref<1x128xi32, #tpu.memory_space<vmem>>
      %dma_wait3A_505 = tpu.memref_squeeze %dma_wait3A_504 : memref<1x128xi32, #tpu.memory_space<vmem>> -> memref<128xi32, #tpu.memory_space<vmem>>
      %dma_wait3A_506 = arith.constant 0 : i32
      %dma_wait3A_507 = arith.constant 0 : i32
      %dma_wait3A_508 = tpu.memref_slice %arg15[%dma_wait3A_506, %dma_wait3A_507] : memref<10240x64xf32, #tpu.memory_space<vmem_shared>> -> memref<10240x64xf32, #tpu.memory_space<vmem_shared>>
      tpu.wait_indirect_dma semaphore(%arg18 : memref<!tpu.dma_semaphore, #tpu.memory_space<semaphore_mem>>) src(%arg9 : memref<128x64xf32, #tpu.memory_space<vmem>>) dst(%dma_wait3A_508 : memref<10240x64xf32, #tpu.memory_space<vmem_shared>>)
      %dma_start3A_509 = arith.constant 14 : i32
      %dma_start3A_510 = arith.constant 0 : i32
      %dma_start3A_511 = tpu.memref_slice %arg7[%dma_start3A_509, %dma_start3A_510] : memref<16x128xi32, #tpu.memory_space<vmem>> -> memref<1x128xi32, #tpu.memory_space<vmem>>
      %dma_start3A_512 = tpu.memref_squeeze %dma_start3A_511 : memref<1x128xi32, #tpu.memory_space<vmem>> -> memref<128xi32, #tpu.memory_space<vmem>>
      %dma_start3A_513 = arith.constant 0 : i32
      %dma_start3A_514 = arith.constant 0 : i32
      %dma_start3A_515 = tpu.memref_slice %arg14[%dma_start3A_513, %dma_start3A_514] : memref<10000x64xf32, #tpu.memory_space<vmem_shared>> -> memref<10000x64xf32, #tpu.memory_space<vmem_shared>>
      tpu.enqueue_indirect_dma source(%dma_start3A_515 : memref<10000x64xf32, #tpu.memory_space<vmem_shared>>) target(%arg9 : memref<128x64xf32, #tpu.memory_space<vmem>>) offsets(%dma_start3A_512 : memref<128xi32, #tpu.memory_space<vmem>>) semaphore(%arg17 : memref<!tpu.dma_semaphore, #tpu.memory_space<semaphore_mem>>)
      %dma_start3A_516 = arith.constant 13 : i32
      %dma_start3A_517 = arith.constant 0 : i32
      %dma_start3A_518 = tpu.memref_slice %arg8[%dma_start3A_516, %dma_start3A_517] : memref<16x128xi32, #tpu.memory_space<vmem>> -> memref<1x128xi32, #tpu.memory_space<vmem>>
      %dma_start3A_519 = tpu.memref_squeeze %dma_start3A_518 : memref<1x128xi32, #tpu.memory_space<vmem>> -> memref<128xi32, #tpu.memory_space<vmem>>
      %dma_start3A_520 = arith.constant 0 : i32
      %dma_start3A_521 = arith.constant 0 : i32
      %dma_start3A_522 = tpu.memref_slice %arg15[%dma_start3A_520, %dma_start3A_521] : memref<10240x64xf32, #tpu.memory_space<vmem_shared>> -> memref<10240x64xf32, #tpu.memory_space<vmem_shared>>
      tpu.enqueue_indirect_dma source(%arg10 : memref<128x64xf32, #tpu.memory_space<vmem>>) target(%dma_start3A_522 : memref<10240x64xf32, #tpu.memory_space<vmem_shared>>) offsets(%dma_start3A_519 : memref<128xi32, #tpu.memory_space<vmem>>) semaphore(%arg18 : memref<!tpu.dma_semaphore, #tpu.memory_space<semaphore_mem>>) {add = true}
      %dma_start3A_523 = arith.constant 13 : i32
      %dma_start3A_524 = arith.constant 0 : i32
      %dma_start3A_525 = tpu.memref_slice %arg8[%dma_start3A_523, %dma_start3A_524] : memref<16x128xi32, #tpu.memory_space<vmem>> -> memref<1x128xi32, #tpu.memory_space<vmem>>
      %dma_start3A_526 = tpu.memref_squeeze %dma_start3A_525 : memref<1x128xi32, #tpu.memory_space<vmem>> -> memref<128xi32, #tpu.memory_space<vmem>>
      %dma_start3A_527 = arith.constant 0 : i32
      %dma_start3A_528 = arith.constant 0 : i32
      %dma_start3A_529 = tpu.memref_slice %arg16[%dma_start3A_527, %dma_start3A_528] : memref<10240x16xf32, #tpu.memory_space<vmem_shared>> -> memref<10240x16xf32, #tpu.memory_space<vmem_shared>>
      tpu.enqueue_indirect_dma source(%arg12 : memref<128x16xf32, #tpu.memory_space<vmem>>) target(%dma_start3A_529 : memref<10240x16xf32, #tpu.memory_space<vmem_shared>>) offsets(%dma_start3A_526 : memref<128xi32, #tpu.memory_space<vmem>>) semaphore(%arg19 : memref<!tpu.dma_semaphore, #tpu.memory_space<semaphore_mem>>) {add = true}
      %dma_wait3A_530 = arith.constant 14 : i32
      %dma_wait3A_531 = arith.constant 0 : i32
      %dma_wait3A_532 = tpu.memref_slice %arg7[%dma_wait3A_530, %dma_wait3A_531] : memref<16x128xi32, #tpu.memory_space<vmem>> -> memref<1x128xi32, #tpu.memory_space<vmem>>
      %dma_wait3A_533 = tpu.memref_squeeze %dma_wait3A_532 : memref<1x128xi32, #tpu.memory_space<vmem>> -> memref<128xi32, #tpu.memory_space<vmem>>
      %dma_wait3A_534 = arith.constant 0 : i32
      %dma_wait3A_535 = arith.constant 0 : i32
      %dma_wait3A_536 = tpu.memref_slice %arg14[%dma_wait3A_534, %dma_wait3A_535] : memref<10000x64xf32, #tpu.memory_space<vmem_shared>> -> memref<10000x64xf32, #tpu.memory_space<vmem_shared>>
      tpu.wait_indirect_dma semaphore(%arg17 : memref<!tpu.dma_semaphore, #tpu.memory_space<semaphore_mem>>) src(%dma_wait3A_536 : memref<10000x64xf32, #tpu.memory_space<vmem_shared>>) dst(%arg9 : memref<128x64xf32, #tpu.memory_space<vmem>>)
      %dma_wait3A_537 = arith.constant 13 : i32
      %dma_wait3A_538 = arith.constant 0 : i32
      %dma_wait3A_539 = tpu.memref_slice %arg8[%dma_wait3A_537, %dma_wait3A_538] : memref<16x128xi32, #tpu.memory_space<vmem>> -> memref<1x128xi32, #tpu.memory_space<vmem>>
      %dma_wait3A_540 = tpu.memref_squeeze %dma_wait3A_539 : memref<1x128xi32, #tpu.memory_space<vmem>> -> memref<128xi32, #tpu.memory_space<vmem>>
      %dma_wait3A_541 = arith.constant 0 : i32
      %dma_wait3A_542 = arith.constant 0 : i32
      %dma_wait3A_543 = tpu.memref_slice %arg15[%dma_wait3A_541, %dma_wait3A_542] : memref<10240x64xf32, #tpu.memory_space<vmem_shared>> -> memref<10240x64xf32, #tpu.memory_space<vmem_shared>>
      tpu.wait_indirect_dma semaphore(%arg18 : memref<!tpu.dma_semaphore, #tpu.memory_space<semaphore_mem>>) src(%arg10 : memref<128x64xf32, #tpu.memory_space<vmem>>) dst(%dma_wait3A_543 : memref<10240x64xf32, #tpu.memory_space<vmem_shared>>)
      %dma_start3A_544 = arith.constant 15 : i32
      %dma_start3A_545 = arith.constant 0 : i32
      %dma_start3A_546 = tpu.memref_slice %arg7[%dma_start3A_544, %dma_start3A_545] : memref<16x128xi32, #tpu.memory_space<vmem>> -> memref<1x128xi32, #tpu.memory_space<vmem>>
      %dma_start3A_547 = tpu.memref_squeeze %dma_start3A_546 : memref<1x128xi32, #tpu.memory_space<vmem>> -> memref<128xi32, #tpu.memory_space<vmem>>
      %dma_start3A_548 = arith.constant 0 : i32
      %dma_start3A_549 = arith.constant 0 : i32
      %dma_start3A_550 = tpu.memref_slice %arg14[%dma_start3A_548, %dma_start3A_549] : memref<10000x64xf32, #tpu.memory_space<vmem_shared>> -> memref<10000x64xf32, #tpu.memory_space<vmem_shared>>
      tpu.enqueue_indirect_dma source(%dma_start3A_550 : memref<10000x64xf32, #tpu.memory_space<vmem_shared>>) target(%arg10 : memref<128x64xf32, #tpu.memory_space<vmem>>) offsets(%dma_start3A_547 : memref<128xi32, #tpu.memory_space<vmem>>) semaphore(%arg17 : memref<!tpu.dma_semaphore, #tpu.memory_space<semaphore_mem>>)
      %dma_start3A_551 = arith.constant 14 : i32
      %dma_start3A_552 = arith.constant 0 : i32
      %dma_start3A_553 = tpu.memref_slice %arg8[%dma_start3A_551, %dma_start3A_552] : memref<16x128xi32, #tpu.memory_space<vmem>> -> memref<1x128xi32, #tpu.memory_space<vmem>>
      %dma_start3A_554 = tpu.memref_squeeze %dma_start3A_553 : memref<1x128xi32, #tpu.memory_space<vmem>> -> memref<128xi32, #tpu.memory_space<vmem>>
      %dma_start3A_555 = arith.constant 0 : i32
      %dma_start3A_556 = arith.constant 0 : i32
      %dma_start3A_557 = tpu.memref_slice %arg15[%dma_start3A_555, %dma_start3A_556] : memref<10240x64xf32, #tpu.memory_space<vmem_shared>> -> memref<10240x64xf32, #tpu.memory_space<vmem_shared>>
      tpu.enqueue_indirect_dma source(%arg9 : memref<128x64xf32, #tpu.memory_space<vmem>>) target(%dma_start3A_557 : memref<10240x64xf32, #tpu.memory_space<vmem_shared>>) offsets(%dma_start3A_554 : memref<128xi32, #tpu.memory_space<vmem>>) semaphore(%arg18 : memref<!tpu.dma_semaphore, #tpu.memory_space<semaphore_mem>>) {add = true}
      %dma_start3A_558 = arith.constant 14 : i32
      %dma_start3A_559 = arith.constant 0 : i32
      %dma_start3A_560 = tpu.memref_slice %arg8[%dma_start3A_558, %dma_start3A_559] : memref<16x128xi32, #tpu.memory_space<vmem>> -> memref<1x128xi32, #tpu.memory_space<vmem>>
      %dma_start3A_561 = tpu.memref_squeeze %dma_start3A_560 : memref<1x128xi32, #tpu.memory_space<vmem>> -> memref<128xi32, #tpu.memory_space<vmem>>
      %dma_start3A_562 = arith.constant 0 : i32
      %dma_start3A_563 = arith.constant 0 : i32
      %dma_start3A_564 = tpu.memref_slice %arg16[%dma_start3A_562, %dma_start3A_563] : memref<10240x16xf32, #tpu.memory_space<vmem_shared>> -> memref<10240x16xf32, #tpu.memory_space<vmem_shared>>
      tpu.enqueue_indirect_dma source(%arg12 : memref<128x16xf32, #tpu.memory_space<vmem>>) target(%dma_start3A_564 : memref<10240x16xf32, #tpu.memory_space<vmem_shared>>) offsets(%dma_start3A_561 : memref<128xi32, #tpu.memory_space<vmem>>) semaphore(%arg19 : memref<!tpu.dma_semaphore, #tpu.memory_space<semaphore_mem>>) {add = true}
      %dma_wait3A_565 = arith.constant 15 : i32
      %dma_wait3A_566 = arith.constant 0 : i32
      %dma_wait3A_567 = tpu.memref_slice %arg7[%dma_wait3A_565, %dma_wait3A_566] : memref<16x128xi32, #tpu.memory_space<vmem>> -> memref<1x128xi32, #tpu.memory_space<vmem>>
      %dma_wait3A_568 = tpu.memref_squeeze %dma_wait3A_567 : memref<1x128xi32, #tpu.memory_space<vmem>> -> memref<128xi32, #tpu.memory_space<vmem>>
      %dma_wait3A_569 = arith.constant 0 : i32
      %dma_wait3A_570 = arith.constant 0 : i32
      %dma_wait3A_571 = tpu.memref_slice %arg14[%dma_wait3A_569, %dma_wait3A_570] : memref<10000x64xf32, #tpu.memory_space<vmem_shared>> -> memref<10000x64xf32, #tpu.memory_space<vmem_shared>>
      tpu.wait_indirect_dma semaphore(%arg17 : memref<!tpu.dma_semaphore, #tpu.memory_space<semaphore_mem>>) src(%dma_wait3A_571 : memref<10000x64xf32, #tpu.memory_space<vmem_shared>>) dst(%arg10 : memref<128x64xf32, #tpu.memory_space<vmem>>)
      %dma_start3A_572 = arith.constant 15 : i32
      %dma_start3A_573 = arith.constant 0 : i32
      %dma_start3A_574 = tpu.memref_slice %arg8[%dma_start3A_572, %dma_start3A_573] : memref<16x128xi32, #tpu.memory_space<vmem>> -> memref<1x128xi32, #tpu.memory_space<vmem>>
      %dma_start3A_575 = tpu.memref_squeeze %dma_start3A_574 : memref<1x128xi32, #tpu.memory_space<vmem>> -> memref<128xi32, #tpu.memory_space<vmem>>
      %dma_start3A_576 = arith.constant 0 : i32
      %dma_start3A_577 = arith.constant 0 : i32
      %dma_start3A_578 = tpu.memref_slice %arg15[%dma_start3A_576, %dma_start3A_577] : memref<10240x64xf32, #tpu.memory_space<vmem_shared>> -> memref<10240x64xf32, #tpu.memory_space<vmem_shared>>
      tpu.enqueue_indirect_dma source(%arg10 : memref<128x64xf32, #tpu.memory_space<vmem>>) target(%dma_start3A_578 : memref<10240x64xf32, #tpu.memory_space<vmem_shared>>) offsets(%dma_start3A_575 : memref<128xi32, #tpu.memory_space<vmem>>) semaphore(%arg18 : memref<!tpu.dma_semaphore, #tpu.memory_space<semaphore_mem>>) {add = true}
      %dma_start3A_579 = arith.constant 15 : i32
      %dma_start3A_580 = arith.constant 0 : i32
      %dma_start3A_581 = tpu.memref_slice %arg8[%dma_start3A_579, %dma_start3A_580] : memref<16x128xi32, #tpu.memory_space<vmem>> -> memref<1x128xi32, #tpu.memory_space<vmem>>
      %dma_start3A_582 = tpu.memref_squeeze %dma_start3A_581 : memref<1x128xi32, #tpu.memory_space<vmem>> -> memref<128xi32, #tpu.memory_space<vmem>>
      %dma_start3A_583 = arith.constant 0 : i32
      %dma_start3A_584 = arith.constant 0 : i32
      %dma_start3A_585 = tpu.memref_slice %arg16[%dma_start3A_583, %dma_start3A_584] : memref<10240x16xf32, #tpu.memory_space<vmem_shared>> -> memref<10240x16xf32, #tpu.memory_space<vmem_shared>>
      tpu.enqueue_indirect_dma source(%arg12 : memref<128x16xf32, #tpu.memory_space<vmem>>) target(%dma_start3A_585 : memref<10240x16xf32, #tpu.memory_space<vmem_shared>>) offsets(%dma_start3A_582 : memref<128xi32, #tpu.memory_space<vmem>>) semaphore(%arg19 : memref<!tpu.dma_semaphore, #tpu.memory_space<semaphore_mem>>) {add = true}
      %dma_wait3A_586 = arith.constant 14 : i32
      %dma_wait3A_587 = arith.constant 0 : i32
      %dma_wait3A_588 = tpu.memref_slice %arg8[%dma_wait3A_586, %dma_wait3A_587] : memref<16x128xi32, #tpu.memory_space<vmem>> -> memref<1x128xi32, #tpu.memory_space<vmem>>
      %dma_wait3A_589 = tpu.memref_squeeze %dma_wait3A_588 : memref<1x128xi32, #tpu.memory_space<vmem>> -> memref<128xi32, #tpu.memory_space<vmem>>
      %dma_wait3A_590 = arith.constant 0 : i32
      %dma_wait3A_591 = arith.constant 0 : i32
      %dma_wait3A_592 = tpu.memref_slice %arg15[%dma_wait3A_590, %dma_wait3A_591] : memref<10240x64xf32, #tpu.memory_space<vmem_shared>> -> memref<10240x64xf32, #tpu.memory_space<vmem_shared>>
      tpu.wait_indirect_dma semaphore(%arg18 : memref<!tpu.dma_semaphore, #tpu.memory_space<semaphore_mem>>) src(%arg9 : memref<128x64xf32, #tpu.memory_space<vmem>>) dst(%dma_wait3A_592 : memref<10240x64xf32, #tpu.memory_space<vmem_shared>>)
      %dma_wait3A_593 = arith.constant 15 : i32
      %dma_wait3A_594 = arith.constant 0 : i32
      %dma_wait3A_595 = tpu.memref_slice %arg8[%dma_wait3A_593, %dma_wait3A_594] : memref<16x128xi32, #tpu.memory_space<vmem>> -> memref<1x128xi32, #tpu.memory_space<vmem>>
      %dma_wait3A_596 = tpu.memref_squeeze %dma_wait3A_595 : memref<1x128xi32, #tpu.memory_space<vmem>> -> memref<128xi32, #tpu.memory_space<vmem>>
      %dma_wait3A_597 = arith.constant 0 : i32
      %dma_wait3A_598 = arith.constant 0 : i32
      %dma_wait3A_599 = tpu.memref_slice %arg15[%dma_wait3A_597, %dma_wait3A_598] : memref<10240x64xf32, #tpu.memory_space<vmem_shared>> -> memref<10240x64xf32, #tpu.memory_space<vmem_shared>>
      tpu.wait_indirect_dma semaphore(%arg18 : memref<!tpu.dma_semaphore, #tpu.memory_space<semaphore_mem>>) src(%arg10 : memref<128x64xf32, #tpu.memory_space<vmem>>) dst(%dma_wait3A_599 : memref<10240x64xf32, #tpu.memory_space<vmem_shared>>)
    }
    %scan3A_21 = arith.constant 5 : i32
    %scan3A_22 = arith.constant 0 : i32
    %scan3A_23 = arith.constant 80 : i32
    %scan3A_24 = arith.addi %scan3A_22, %scan3A_23 : i32
    %scan3A_25 = arith.constant 1 : i32
    scf.for %scan3A_33 = %scan3A_22 to %scan3A_24 step %scan3A_25  : i32 {
      %mul3A_34 = arith.constant 1 : i32
      %mul3A_35 = arith.muli %scan3A_33, %mul3A_34 : i32
      %add3A_36 = arith.constant 0 : i32
      %add3A_37 = arith.addi %add3A_36, %mul3A_35 : i32
      %dma_wait3A = arith.constant 0 : i32
      %dma_wait3A_38 = arith.constant 0 : i32
      %dma_wait3A_39 = tpu.memref_slice %arg6[%arg0, %dma_wait3A, %dma_wait3A_38] : memref<2x10240x16xf32, #tpu.memory_space<hbm>> -> memref<1x128x16xf32, #tpu.memory_space<hbm>>
      %dma_wait3A_40 = tpu.memref_squeeze %dma_wait3A_39 : memref<1x128x16xf32, #tpu.memory_space<hbm>> -> memref<128x16xf32, #tpu.memory_space<hbm>>
      %dma_wait3A_41 = arith.constant 0 : i32
      %dma_wait3A_42 = arith.constant 0 : i32
      %dma_wait3A_43 = tpu.memref_slice %arg6[%arg0, %dma_wait3A_41, %dma_wait3A_42] : memref<2x10240x16xf32, #tpu.memory_space<hbm>> -> memref<1x128x16xf32, #tpu.memory_space<hbm>>
      %dma_wait3A_44 = tpu.memref_squeeze %dma_wait3A_43 : memref<1x128x16xf32, #tpu.memory_space<hbm>> -> memref<128x16xf32, #tpu.memory_space<hbm>>
      tpu.wait_dma2 semaphore(%arg19 : memref<!tpu.dma_semaphore, #tpu.memory_space<semaphore_mem>>) src(%dma_wait3A_44 : memref<128x16xf32, #tpu.memory_space<hbm>>) dst(%arg12 : memref<128x16xf32, #tpu.memory_space<vmem>>)
    }
    %scan3A_26 = arith.constant 80 : i32
    %barrier3A_27 = arith.constant 0 : index
    tpu.barrier barrier_id(%barrier3A_27)
    %scan3A_28 = arith.constant 0 : i32
    %scan3A_29 = arith.constant 5 : i32
    %scan3A_30 = arith.addi %scan3A_28, %scan3A_29 : i32
    %scan3A_31 = arith.constant 1 : i32
    scf.for %scan3A_33 = %scan3A_28 to %scan3A_30 step %scan3A_31  : i32 {
      %mul3A_34 = arith.constant 1 : i32
      %mul3A_35 = arith.muli %scan3A_33, %mul3A_34 : i32
      %add3A_36 = arith.constant 0 : i32
      %add3A_37 = arith.addi %add3A_36, %mul3A_35 : i32
      %mul3A_38 = arith.constant 640 : i32
      %mul3A_39 = arith.muli %arg1, %mul3A_38 : i32
      %mul3A_40 = arith.constant 128 : i32
      %mul3A_41 = arith.muli %add3A_37, %mul3A_40 : i32
      %add3A_42 = arith.addi %mul3A_39, %mul3A_41 : i32
      "tpu.region"() ({
        %run_scoped3A = tpu.sem_alloc : memref<!tpu.dma_semaphore, #tpu.memory_space<semaphore_mem>>
        %dma_start3A = arith.constant 0 : i32
        %dma_start3A_43 = tpu.memref_slice %arg15[%add3A_42, %dma_start3A] : memref<10240x64xf32, #tpu.memory_space<vmem_shared>> -> memref<128x64xf32, #tpu.memory_space<vmem_shared>>
        %dma_start3A_44 = arith.constant 0 : i32
        %dma_start3A_45 = tpu.memref_slice %arg15[%add3A_42, %dma_start3A_44] : memref<10240x64xf32, #tpu.memory_space<vmem_shared>> -> memref<128x64xf32, #tpu.memory_space<vmem_shared>>
        tpu.enqueue_dma source(%dma_start3A_45 : memref<128x64xf32, #tpu.memory_space<vmem_shared>>) target(%arg9 : memref<128x64xf32, #tpu.memory_space<vmem>>) target_semaphore(%run_scoped3A : memref<!tpu.dma_semaphore, #tpu.memory_space<semaphore_mem>>)
        %dma_wait3A = arith.constant 0 : i32
        %dma_wait3A_46 = tpu.memref_slice %arg15[%add3A_42, %dma_wait3A] : memref<10240x64xf32, #tpu.memory_space<vmem_shared>> -> memref<128x64xf32, #tpu.memory_space<vmem_shared>>
        %dma_wait3A_47 = arith.constant 0 : i32
        %dma_wait3A_48 = tpu.memref_slice %arg15[%add3A_42, %dma_wait3A_47] : memref<10240x64xf32, #tpu.memory_space<vmem_shared>> -> memref<128x64xf32, #tpu.memory_space<vmem_shared>>
        tpu.wait_dma2 semaphore(%run_scoped3A : memref<!tpu.dma_semaphore, #tpu.memory_space<semaphore_mem>>) src(%dma_wait3A_48 : memref<128x64xf32, #tpu.memory_space<vmem_shared>>) dst(%arg9 : memref<128x64xf32, #tpu.memory_space<vmem>>)
        tpu.yield
      }) : () -> ()
      "tpu.region"() ({
        %run_scoped3A = tpu.sem_alloc : memref<!tpu.dma_semaphore, #tpu.memory_space<semaphore_mem>>
        %dma_start3A = arith.constant 0 : i32
        %dma_start3A_43 = tpu.memref_slice %arg5[%arg0, %add3A_42, %dma_start3A] : memref<2x10240x64xf32, #tpu.memory_space<hbm>> -> memref<1x128x64xf32, #tpu.memory_space<hbm>>
        %dma_start3A_44 = tpu.memref_squeeze %dma_start3A_43 : memref<1x128x64xf32, #tpu.memory_space<hbm>> -> memref<128x64xf32, #tpu.memory_space<hbm>>
        %dma_start3A_45 = arith.constant 0 : i32
        %dma_start3A_46 = tpu.memref_slice %arg5[%arg0, %add3A_42, %dma_start3A_45] : memref<2x10240x64xf32, #tpu.memory_space<hbm>> -> memref<1x128x64xf32, #tpu.memory_space<hbm>>
        %dma_start3A_47 = tpu.memref_squeeze %dma_start3A_46 : memref<1x128x64xf32, #tpu.memory_space<hbm>> -> memref<128x64xf32, #tpu.memory_space<hbm>>
        tpu.enqueue_dma source(%arg9 : memref<128x64xf32, #tpu.memory_space<vmem>>) target(%dma_start3A_47 : memref<128x64xf32, #tpu.memory_space<hbm>>) target_semaphore(%run_scoped3A : memref<!tpu.dma_semaphore, #tpu.memory_space<semaphore_mem>>)
        %dma_wait3A = arith.constant 0 : i32
        %dma_wait3A_48 = tpu.memref_slice %arg5[%arg0, %add3A_42, %dma_wait3A] : memref<2x10240x64xf32, #tpu.memory_space<hbm>> -> memref<1x128x64xf32, #tpu.memory_space<hbm>>
        %dma_wait3A_49 = tpu.memref_squeeze %dma_wait3A_48 : memref<1x128x64xf32, #tpu.memory_space<hbm>> -> memref<128x64xf32, #tpu.memory_space<hbm>>
        %dma_wait3A_50 = arith.constant 0 : i32
        %dma_wait3A_51 = tpu.memref_slice %arg5[%arg0, %add3A_42, %dma_wait3A_50] : memref<2x10240x64xf32, #tpu.memory_space<hbm>> -> memref<1x128x64xf32, #tpu.memory_space<hbm>>
        %dma_wait3A_52 = tpu.memref_squeeze %dma_wait3A_51 : memref<1x128x64xf32, #tpu.memory_space<hbm>> -> memref<128x64xf32, #tpu.memory_space<hbm>>
        tpu.wait_dma2 semaphore(%run_scoped3A : memref<!tpu.dma_semaphore, #tpu.memory_space<semaphore_mem>>) src(%arg9 : memref<128x64xf32, #tpu.memory_space<vmem>>) dst(%dma_wait3A_52 : memref<128x64xf32, #tpu.memory_space<hbm>>)
        tpu.yield
      }) : () -> ()
      "tpu.region"() ({
        %run_scoped3A = tpu.sem_alloc : memref<!tpu.dma_semaphore, #tpu.memory_space<semaphore_mem>>
        %dma_start3A = arith.constant 0 : i32
        %dma_start3A_43 = tpu.memref_slice %arg16[%add3A_42, %dma_start3A] : memref<10240x16xf32, #tpu.memory_space<vmem_shared>> -> memref<128x16xf32, #tpu.memory_space<vmem_shared>>
        %dma_start3A_44 = arith.constant 0 : i32
        %dma_start3A_45 = tpu.memref_slice %arg16[%add3A_42, %dma_start3A_44] : memref<10240x16xf32, #tpu.memory_space<vmem_shared>> -> memref<128x16xf32, #tpu.memory_space<vmem_shared>>
        tpu.enqueue_dma source(%dma_start3A_45 : memref<128x16xf32, #tpu.memory_space<vmem_shared>>) target(%arg13 : memref<128x16xf32, #tpu.memory_space<vmem>>) target_semaphore(%run_scoped3A : memref<!tpu.dma_semaphore, #tpu.memory_space<semaphore_mem>>)
        %dma_wait3A = arith.constant 0 : i32
        %dma_wait3A_46 = tpu.memref_slice %arg16[%add3A_42, %dma_wait3A] : memref<10240x16xf32, #tpu.memory_space<vmem_shared>> -> memref<128x16xf32, #tpu.memory_space<vmem_shared>>
        %dma_wait3A_47 = arith.constant 0 : i32
        %dma_wait3A_48 = tpu.memref_slice %arg16[%add3A_42, %dma_wait3A_47] : memref<10240x16xf32, #tpu.memory_space<vmem_shared>> -> memref<128x16xf32, #tpu.memory_space<vmem_shared>>
        tpu.wait_dma2 semaphore(%run_scoped3A : memref<!tpu.dma_semaphore, #tpu.memory_space<semaphore_mem>>) src(%dma_wait3A_48 : memref<128x16xf32, #tpu.memory_space<vmem_shared>>) dst(%arg13 : memref<128x16xf32, #tpu.memory_space<vmem>>)
        tpu.yield
      }) : () -> ()
      "tpu.region"() ({
        %run_scoped3A = tpu.sem_alloc : memref<!tpu.dma_semaphore, #tpu.memory_space<semaphore_mem>>
        %dma_start3A = arith.constant 0 : i32
        %dma_start3A_43 = tpu.memref_slice %arg6[%arg0, %add3A_42, %dma_start3A] : memref<2x10240x16xf32, #tpu.memory_space<hbm>> -> memref<1x128x16xf32, #tpu.memory_space<hbm>>
        %dma_start3A_44 = tpu.memref_squeeze %dma_start3A_43 : memref<1x128x16xf32, #tpu.memory_space<hbm>> -> memref<128x16xf32, #tpu.memory_space<hbm>>
        %dma_start3A_45 = arith.constant 0 : i32
        %dma_start3A_46 = tpu.memref_slice %arg6[%arg0, %add3A_42, %dma_start3A_45] : memref<2x10240x16xf32, #tpu.memory_space<hbm>> -> memref<1x128x16xf32, #tpu.memory_space<hbm>>
        %dma_start3A_47 = tpu.memref_squeeze %dma_start3A_46 : memref<1x128x16xf32, #tpu.memory_space<hbm>> -> memref<128x16xf32, #tpu.memory_space<hbm>>
        tpu.enqueue_dma source(%arg13 : memref<128x16xf32, #tpu.memory_space<vmem>>) target(%dma_start3A_47 : memref<128x16xf32, #tpu.memory_space<hbm>>) target_semaphore(%run_scoped3A : memref<!tpu.dma_semaphore, #tpu.memory_space<semaphore_mem>>)
        %dma_wait3A = arith.constant 0 : i32
        %dma_wait3A_48 = tpu.memref_slice %arg6[%arg0, %add3A_42, %dma_wait3A] : memref<2x10240x16xf32, #tpu.memory_space<hbm>> -> memref<1x128x16xf32, #tpu.memory_space<hbm>>
        %dma_wait3A_49 = tpu.memref_squeeze %dma_wait3A_48 : memref<1x128x16xf32, #tpu.memory_space<hbm>> -> memref<128x16xf32, #tpu.memory_space<hbm>>
        %dma_wait3A_50 = arith.constant 0 : i32
        %dma_wait3A_51 = tpu.memref_slice %arg6[%arg0, %add3A_42, %dma_wait3A_50] : memref<2x10240x16xf32, #tpu.memory_space<hbm>> -> memref<1x128x16xf32, #tpu.memory_space<hbm>>
        %dma_wait3A_52 = tpu.memref_squeeze %dma_wait3A_51 : memref<1x128x16xf32, #tpu.memory_space<hbm>> -> memref<128x16xf32, #tpu.memory_space<hbm>>
        tpu.wait_dma2 semaphore(%run_scoped3A : memref<!tpu.dma_semaphore, #tpu.memory_space<semaphore_mem>>) src(%arg13 : memref<128x16xf32, #tpu.memory_space<vmem>>) dst(%dma_wait3A_52 : memref<128x16xf32, #tpu.memory_space<hbm>>)
        tpu.yield
      }) : () -> ()
    }
    %scan3A_32 = arith.constant 5 : i32
    return
  }
}

#map = affine_map<(d0, d1) -> (0, 0, 0)>
#map1 = affine_map<(d0, d1) -> (0, 0)>
module attributes {stable_mosaic.version = 14 : i64} {
  func.func @body(%arg0: i32, %arg1: i32, %arg2: memref<32x80x128xi32, #tpu.memory_space<hbm>>, %arg3: memref<32x80x128xi32, #tpu.memory_space<hbm>>, %arg4: memref<10000x16xf32, #tpu.memory_space<hbm>>, %arg5: memref<2x10240x16xf32, #tpu.memory_space<hbm>>, %arg6: memref<16x128xi32, #tpu.memory_space<vmem>>, %arg7: memref<16x128xi32, #tpu.memory_space<vmem>>, %arg8: memref<128x16xf32, #tpu.memory_space<vmem>>, %arg9: memref<128x16xf32, #tpu.memory_space<vmem>>, %arg10: memref<128x16xf32, #tpu.memory_space<vmem>>, %arg11: memref<128x16xf32, #tpu.memory_space<vmem>>, %arg12: memref<128x16xf32, #tpu.memory_space<vmem>>, %arg13: memref<10000x16xf32, #tpu.memory_space<vmem_shared>>, %arg14: memref<10240x16xf32, #tpu.memory_space<vmem_shared>>, %arg15: memref<10240x16xf32, #tpu.memory_space<vmem_shared>>, %arg16: memref<!tpu.dma_semaphore, #tpu.memory_space<semaphore_mem>>, %arg17: memref<!tpu.dma_semaphore, #tpu.memory_space<semaphore_mem>>, %arg18: memref<!tpu.dma_semaphore, #tpu.memory_space<semaphore_mem>>) attributes {dimension_semantics = [#tpu.dimension_semantics<core_parallel>, #tpu.dimension_semantics<subcore_parallel>], iteration_bounds = array<i64: 2, 16>, scalar_prefetch = 0 : i64, scratch_operands = 13 : i64, tpu.core_type = #tpu.core_type<sc_vector_subcore>, window_params = [{transform_indices = #map}, {transform_indices = #map}, {transform_indices = #map1}, {transform_indices = #map}]} {
    %mul3A = arith.constant 2 : i32
    %mul3A_0 = arith.muli %arg1, %mul3A : i32
    %add3A = arith.addi %mul3A_0, %arg0 : i32
    %broadcast_in_dim3A = arith.constant 0.000000e+00 : f32
    %broadcast_in_dim3A_1 = vector.broadcast %broadcast_in_dim3A : f32 to vector<16xf32>
    %broadcast_in_dim3A_2 = arith.constant 1.000000e+00 : f32
    %broadcast_in_dim3A_3 = vector.broadcast %broadcast_in_dim3A_2 : f32 to vector<16xf32>
    %mul3A_4 = arith.constant 625 : i32
    %mul3A_5 = arith.muli %arg1, %mul3A_4 : i32
    %mul3A_6 = arith.constant 625 : i32
    %mul3A_7 = arith.muli %arg1, %mul3A_6 : i32
    "tpu.region"() ({
      %run_scoped3A = tpu.sem_alloc : memref<!tpu.dma_semaphore, #tpu.memory_space<semaphore_mem>>
      %dma_start3A = arith.constant 0 : i32
      %dma_start3A_28 = tpu.memref_slice %arg13[%mul3A_7, %dma_start3A] : memref<10000x16xf32, #tpu.memory_space<vmem_shared>> -> memref<625x16xf32, #tpu.memory_space<vmem_shared>>
      %dma_start3A_29 = arith.constant 0 : i32
      %dma_start3A_30 = tpu.memref_slice %arg4[%mul3A_5, %dma_start3A_29] : memref<10000x16xf32, #tpu.memory_space<hbm>> -> memref<625x16xf32, #tpu.memory_space<hbm>>
      tpu.enqueue_dma source(%dma_start3A_30 : memref<625x16xf32, #tpu.memory_space<hbm>>) target(%dma_start3A_28 : memref<625x16xf32, #tpu.memory_space<vmem_shared>>) target_semaphore(%run_scoped3A : memref<!tpu.dma_semaphore, #tpu.memory_space<semaphore_mem>>)
      %dma_wait3A = arith.constant 0 : i32
      %dma_wait3A_31 = tpu.memref_slice %arg13[%mul3A_7, %dma_wait3A] : memref<10000x16xf32, #tpu.memory_space<vmem_shared>> -> memref<625x16xf32, #tpu.memory_space<vmem_shared>>
      %dma_wait3A_32 = arith.constant 0 : i32
      %dma_wait3A_33 = tpu.memref_slice %arg4[%mul3A_5, %dma_wait3A_32] : memref<10000x16xf32, #tpu.memory_space<hbm>> -> memref<625x16xf32, #tpu.memory_space<hbm>>
      tpu.wait_dma2 semaphore(%run_scoped3A : memref<!tpu.dma_semaphore, #tpu.memory_space<semaphore_mem>>) src(%dma_wait3A_33 : memref<625x16xf32, #tpu.memory_space<hbm>>) dst(%dma_wait3A_31 : memref<625x16xf32, #tpu.memory_space<vmem_shared>>)
      tpu.yield
    }) : () -> ()
    %scan3A = arith.constant 0 : i32
    %scan3A_8 = arith.constant 128 : i32
    %scan3A_9 = arith.addi %scan3A, %scan3A_8 : i32
    %scan3A_10 = arith.constant 1 : i32
    scf.for %scan3A_28 = %scan3A to %scan3A_9 step %scan3A_10  : i32 {
      %mul3A_29 = arith.constant 1 : i32
      %mul3A_30 = arith.muli %scan3A_28, %mul3A_29 : i32
      %add3A_31 = arith.constant 0 : i32
      %add3A_32 = arith.addi %add3A_31, %mul3A_30 : i32
      %swap3A = arith.index_cast %add3A_32 : i32 to index
      %swap3A_33 = arith.constant 0 : index
      %swap3A_34 = tpu.vector_load %arg10[%swap3A, %swap3A_33] {strides = array<i32>} : memref<128x16xf32, #tpu.memory_space<vmem>>, vector<1x16xf32>,
      %swap3A_35 = vector.shape_cast %swap3A_34 : vector<1x16xf32> to vector<16xf32>
      %swap3A_36 = vector.shape_cast %broadcast_in_dim3A_1 : vector<16xf32> to vector<1x16xf32>
      tpu.vector_store %arg10[%swap3A, %swap3A_33], %swap3A_36 {strides = array<i32>} : memref<128x16xf32, #tpu.memory_space<vmem>>, vector<1x16xf32>,
    }
    %scan3A_11 = arith.constant 128 : i32
    %scan3A_12 = arith.constant 0 : i32
    %scan3A_13 = arith.constant 5 : i32
    %scan3A_14 = arith.addi %scan3A_12, %scan3A_13 : i32
    %scan3A_15 = arith.constant 1 : i32
    scf.for %scan3A_28 = %scan3A_12 to %scan3A_14 step %scan3A_15  : i32 {
      %mul3A_29 = arith.constant 1 : i32
      %mul3A_30 = arith.muli %scan3A_28, %mul3A_29 : i32
      %add3A_31 = arith.constant 0 : i32
      %add3A_32 = arith.addi %add3A_31, %mul3A_30 : i32
      %mul3A_33 = arith.constant 640 : i32
      %mul3A_34 = arith.muli %arg1, %mul3A_33 : i32
      %mul3A_35 = arith.constant 128 : i32
      %mul3A_36 = arith.muli %add3A_32, %mul3A_35 : i32
      %add3A_37 = arith.addi %mul3A_34, %mul3A_36 : i32
      "tpu.region"() ({
        %run_scoped3A = tpu.sem_alloc : memref<!tpu.dma_semaphore, #tpu.memory_space<semaphore_mem>>
        %dma_start3A = arith.constant 0 : i32
        %dma_start3A_38 = tpu.memref_slice %arg14[%add3A_37, %dma_start3A] : memref<10240x16xf32, #tpu.memory_space<vmem_shared>> -> memref<128x16xf32, #tpu.memory_space<vmem_shared>>
        %dma_start3A_39 = arith.constant 0 : i32
        %dma_start3A_40 = tpu.memref_slice %arg14[%add3A_37, %dma_start3A_39] : memref<10240x16xf32, #tpu.memory_space<vmem_shared>> -> memref<128x16xf32, #tpu.memory_space<vmem_shared>>
        tpu.enqueue_dma source(%arg10 : memref<128x16xf32, #tpu.memory_space<vmem>>) target(%dma_start3A_40 : memref<128x16xf32, #tpu.memory_space<vmem_shared>>) target_semaphore(%run_scoped3A : memref<!tpu.dma_semaphore, #tpu.memory_space<semaphore_mem>>)
        %dma_wait3A = arith.constant 0 : i32
        %dma_wait3A_41 = tpu.memref_slice %arg14[%add3A_37, %dma_wait3A] : memref<10240x16xf32, #tpu.memory_space<vmem_shared>> -> memref<128x16xf32, #tpu.memory_space<vmem_shared>>
        %dma_wait3A_42 = arith.constant 0 : i32
        %dma_wait3A_43 = tpu.memref_slice %arg14[%add3A_37, %dma_wait3A_42] : memref<10240x16xf32, #tpu.memory_space<vmem_shared>> -> memref<128x16xf32, #tpu.memory_space<vmem_shared>>
        tpu.wait_dma2 semaphore(%run_scoped3A : memref<!tpu.dma_semaphore, #tpu.memory_space<semaphore_mem>>) src(%arg10 : memref<128x16xf32, #tpu.memory_space<vmem>>) dst(%dma_wait3A_43 : memref<128x16xf32, #tpu.memory_space<vmem_shared>>)
        tpu.yield
      }) : () -> ()
    }
    %scan3A_16 = arith.constant 5 : i32
    %barrier3A = arith.constant 0 : index
    tpu.barrier barrier_id(%barrier3A)
    %scan3A_17 = arith.constant 0 : i32
    %scan3A_18 = arith.constant 5 : i32
    %scan3A_19 = arith.addi %scan3A_17, %scan3A_18 : i32
    %scan3A_20 = arith.constant 1 : i32
    scf.for %scan3A_28 = %scan3A_17 to %scan3A_19 step %scan3A_20  : i32 {
      %mul3A_29 = arith.constant 1 : i32
      %mul3A_30 = arith.muli %scan3A_28, %mul3A_29 : i32
      %add3A_31 = arith.constant 0 : i32
      %add3A_32 = arith.addi %add3A_31, %mul3A_30 : i32
      %mul3A_33 = arith.constant 16 : i32
      %mul3A_34 = arith.muli %add3A_32, %mul3A_33 : i32
      "tpu.region"() ({
        %run_scoped3A = tpu.sem_alloc : memref<!tpu.dma_semaphore, #tpu.memory_space<semaphore_mem>>
        %dma_start3A_483 = arith.constant 0 : i32
        %dma_start3A_484 = tpu.memref_slice %arg2[%add3A, %mul3A_34, %dma_start3A_483] : memref<32x80x128xi32, #tpu.memory_space<hbm>> -> memref<1x16x128xi32, #tpu.memory_space<hbm>>
        %dma_start3A_485 = tpu.memref_squeeze %dma_start3A_484 : memref<1x16x128xi32, #tpu.memory_space<hbm>> -> memref<16x128xi32, #tpu.memory_space<hbm>>
        %dma_start3A_486 = arith.constant 0 : i32
        %dma_start3A_487 = tpu.memref_slice %arg2[%add3A, %mul3A_34, %dma_start3A_486] : memref<32x80x128xi32, #tpu.memory_space<hbm>> -> memref<1x16x128xi32, #tpu.memory_space<hbm>>
        %dma_start3A_488 = tpu.memref_squeeze %dma_start3A_487 : memref<1x16x128xi32, #tpu.memory_space<hbm>> -> memref<16x128xi32, #tpu.memory_space<hbm>>
        tpu.enqueue_dma source(%dma_start3A_488 : memref<16x128xi32, #tpu.memory_space<hbm>>) target(%arg6 : memref<16x128xi32, #tpu.memory_space<vmem>>) target_semaphore(%run_scoped3A : memref<!tpu.dma_semaphore, #tpu.memory_space<semaphore_mem>>)
        %dma_wait3A_489 = arith.constant 0 : i32
        %dma_wait3A_490 = tpu.memref_slice %arg2[%add3A, %mul3A_34, %dma_wait3A_489] : memref<32x80x128xi32, #tpu.memory_space<hbm>> -> memref<1x16x128xi32, #tpu.memory_space<hbm>>
        %dma_wait3A_491 = tpu.memref_squeeze %dma_wait3A_490 : memref<1x16x128xi32, #tpu.memory_space<hbm>> -> memref<16x128xi32, #tpu.memory_space<hbm>>
        %dma_wait3A_492 = arith.constant 0 : i32
        %dma_wait3A_493 = tpu.memref_slice %arg2[%add3A, %mul3A_34, %dma_wait3A_492] : memref<32x80x128xi32, #tpu.memory_space<hbm>> -> memref<1x16x128xi32, #tpu.memory_space<hbm>>
        %dma_wait3A_494 = tpu.memref_squeeze %dma_wait3A_493 : memref<1x16x128xi32, #tpu.memory_space<hbm>> -> memref<16x128xi32, #tpu.memory_space<hbm>>
        tpu.wait_dma2 semaphore(%run_scoped3A : memref<!tpu.dma_semaphore, #tpu.memory_space<semaphore_mem>>) src(%dma_wait3A_494 : memref<16x128xi32, #tpu.memory_space<hbm>>) dst(%arg6 : memref<16x128xi32, #tpu.memory_space<vmem>>)
        tpu.yield
      }) : () -> ()
      %mul3A_35 = arith.constant 16 : i32
      %mul3A_36 = arith.muli %add3A_32, %mul3A_35 : i32
      "tpu.region"() ({
        %run_scoped3A = tpu.sem_alloc : memref<!tpu.dma_semaphore, #tpu.memory_space<semaphore_mem>>
        %dma_start3A_483 = arith.constant 0 : i32
        %dma_start3A_484 = tpu.memref_slice %arg3[%add3A, %mul3A_36, %dma_start3A_483] : memref<32x80x128xi32, #tpu.memory_space<hbm>> -> memref<1x16x128xi32, #tpu.memory_space<hbm>>
        %dma_start3A_485 = tpu.memref_squeeze %dma_start3A_484 : memref<1x16x128xi32, #tpu.memory_space<hbm>> -> memref<16x128xi32, #tpu.memory_space<hbm>>
        %dma_start3A_486 = arith.constant 0 : i32
        %dma_start3A_487 = tpu.memref_slice %arg3[%add3A, %mul3A_36, %dma_start3A_486] : memref<32x80x128xi32, #tpu.memory_space<hbm>> -> memref<1x16x128xi32, #tpu.memory_space<hbm>>
        %dma_start3A_488 = tpu.memref_squeeze %dma_start3A_487 : memref<1x16x128xi32, #tpu.memory_space<hbm>> -> memref<16x128xi32, #tpu.memory_space<hbm>>
        tpu.enqueue_dma source(%dma_start3A_488 : memref<16x128xi32, #tpu.memory_space<hbm>>) target(%arg7 : memref<16x128xi32, #tpu.memory_space<vmem>>) target_semaphore(%run_scoped3A : memref<!tpu.dma_semaphore, #tpu.memory_space<semaphore_mem>>)
        %dma_wait3A_489 = arith.constant 0 : i32
        %dma_wait3A_490 = tpu.memref_slice %arg3[%add3A, %mul3A_36, %dma_wait3A_489] : memref<32x80x128xi32, #tpu.memory_space<hbm>> -> memref<1x16x128xi32, #tpu.memory_space<hbm>>
        %dma_wait3A_491 = tpu.memref_squeeze %dma_wait3A_490 : memref<1x16x128xi32, #tpu.memory_space<hbm>> -> memref<16x128xi32, #tpu.memory_space<hbm>>
        %dma_wait3A_492 = arith.constant 0 : i32
        %dma_wait3A_493 = tpu.memref_slice %arg3[%add3A, %mul3A_36, %dma_wait3A_492] : memref<32x80x128xi32, #tpu.memory_space<hbm>> -> memref<1x16x128xi32, #tpu.memory_space<hbm>>
        %dma_wait3A_494 = tpu.memref_squeeze %dma_wait3A_493 : memref<1x16x128xi32, #tpu.memory_space<hbm>> -> memref<16x128xi32, #tpu.memory_space<hbm>>
        tpu.wait_dma2 semaphore(%run_scoped3A : memref<!tpu.dma_semaphore, #tpu.memory_space<semaphore_mem>>) src(%dma_wait3A_494 : memref<16x128xi32, #tpu.memory_space<hbm>>) dst(%arg7 : memref<16x128xi32, #tpu.memory_space<vmem>>)
        tpu.yield
      }) : () -> ()
      %dma_start3A = arith.constant 0 : i32
      %dma_start3A_37 = arith.constant 0 : i32
      %dma_start3A_38 = tpu.memref_slice %arg6[%dma_start3A, %dma_start3A_37] : memref<16x128xi32, #tpu.memory_space<vmem>> -> memref<1x128xi32, #tpu.memory_space<vmem>>
      %dma_start3A_39 = tpu.memref_squeeze %dma_start3A_38 : memref<1x128xi32, #tpu.memory_space<vmem>> -> memref<128xi32, #tpu.memory_space<vmem>>
      %dma_start3A_40 = arith.constant 0 : i32
      %dma_start3A_41 = arith.constant 0 : i32
      %dma_start3A_42 = tpu.memref_slice %arg13[%dma_start3A_40, %dma_start3A_41] : memref<10000x16xf32, #tpu.memory_space<vmem_shared>> -> memref<10000x16xf32, #tpu.memory_space<vmem_shared>>
      tpu.enqueue_indirect_dma source(%dma_start3A_42 : memref<10000x16xf32, #tpu.memory_space<vmem_shared>>) target(%arg8 : memref<128x16xf32, #tpu.memory_space<vmem>>) offsets(%dma_start3A_39 : memref<128xi32, #tpu.memory_space<vmem>>) semaphore(%arg16 : memref<!tpu.dma_semaphore, #tpu.memory_space<semaphore_mem>>)
      %dma_wait3A = arith.constant 0 : i32
      %dma_wait3A_43 = arith.constant 0 : i32
      %dma_wait3A_44 = tpu.memref_slice %arg6[%dma_wait3A, %dma_wait3A_43] : memref<16x128xi32, #tpu.memory_space<vmem>> -> memref<1x128xi32, #tpu.memory_space<vmem>>
      %dma_wait3A_45 = tpu.memref_squeeze %dma_wait3A_44 : memref<1x128xi32, #tpu.memory_space<vmem>> -> memref<128xi32, #tpu.memory_space<vmem>>
      %dma_wait3A_46 = arith.constant 0 : i32
      %dma_wait3A_47 = arith.constant 0 : i32
      %dma_wait3A_48 = tpu.memref_slice %arg13[%dma_wait3A_46, %dma_wait3A_47] : memref<10000x16xf32, #tpu.memory_space<vmem_shared>> -> memref<10000x16xf32, #tpu.memory_space<vmem_shared>>
      tpu.wait_indirect_dma semaphore(%arg16 : memref<!tpu.dma_semaphore, #tpu.memory_space<semaphore_mem>>) src(%dma_wait3A_48 : memref<10000x16xf32, #tpu.memory_space<vmem_shared>>) dst(%arg8 : memref<128x16xf32, #tpu.memory_space<vmem>>)
      %dma_start3A_49 = arith.constant 1 : i32
      %dma_start3A_50 = arith.constant 0 : i32
      %dma_start3A_51 = tpu.memref_slice %arg6[%dma_start3A_49, %dma_start3A_50] : memref<16x128xi32, #tpu.memory_space<vmem>> -> memref<1x128xi32, #tpu.memory_space<vmem>>
      %dma_start3A_52 = tpu.memref_squeeze %dma_start3A_51 : memref<1x128xi32, #tpu.memory_space<vmem>> -> memref<128xi32, #tpu.memory_space<vmem>>
      %dma_start3A_53 = arith.constant 0 : i32
      %dma_start3A_54 = arith.constant 0 : i32
      %dma_start3A_55 = tpu.memref_slice %arg13[%dma_start3A_53, %dma_start3A_54] : memref<10000x16xf32, #tpu.memory_space<vmem_shared>> -> memref<10000x16xf32, #tpu.memory_space<vmem_shared>>
      tpu.enqueue_indirect_dma source(%dma_start3A_55 : memref<10000x16xf32, #tpu.memory_space<vmem_shared>>) target(%arg9 : memref<128x16xf32, #tpu.memory_space<vmem>>) offsets(%dma_start3A_52 : memref<128xi32, #tpu.memory_space<vmem>>) semaphore(%arg16 : memref<!tpu.dma_semaphore, #tpu.memory_space<semaphore_mem>>)
      %dma_start3A_56 = arith.constant 0 : i32
      %dma_start3A_57 = arith.constant 0 : i32
      %dma_start3A_58 = tpu.memref_slice %arg7[%dma_start3A_56, %dma_start3A_57] : memref<16x128xi32, #tpu.memory_space<vmem>> -> memref<1x128xi32, #tpu.memory_space<vmem>>
      %dma_start3A_59 = tpu.memref_squeeze %dma_start3A_58 : memref<1x128xi32, #tpu.memory_space<vmem>> -> memref<128xi32, #tpu.memory_space<vmem>>
      %dma_start3A_60 = arith.constant 0 : i32
      %dma_start3A_61 = arith.constant 0 : i32
      %dma_start3A_62 = tpu.memref_slice %arg14[%dma_start3A_60, %dma_start3A_61] : memref<10240x16xf32, #tpu.memory_space<vmem_shared>> -> memref<10240x16xf32, #tpu.memory_space<vmem_shared>>
      tpu.enqueue_indirect_dma source(%arg8 : memref<128x16xf32, #tpu.memory_space<vmem>>) target(%dma_start3A_62 : memref<10240x16xf32, #tpu.memory_space<vmem_shared>>) offsets(%dma_start3A_59 : memref<128xi32, #tpu.memory_space<vmem>>) semaphore(%arg17 : memref<!tpu.dma_semaphore, #tpu.memory_space<semaphore_mem>>) {add = true}
      %dma_wait3A_63 = arith.constant 1 : i32
      %dma_wait3A_64 = arith.constant 0 : i32
      %dma_wait3A_65 = tpu.memref_slice %arg6[%dma_wait3A_63, %dma_wait3A_64] : memref<16x128xi32, #tpu.memory_space<vmem>> -> memref<1x128xi32, #tpu.memory_space<vmem>>
      %dma_wait3A_66 = tpu.memref_squeeze %dma_wait3A_65 : memref<1x128xi32, #tpu.memory_space<vmem>> -> memref<128xi32, #tpu.memory_space<vmem>>
      %dma_wait3A_67 = arith.constant 0 : i32
      %dma_wait3A_68 = arith.constant 0 : i32
      %dma_wait3A_69 = tpu.memref_slice %arg13[%dma_wait3A_67, %dma_wait3A_68] : memref<10000x16xf32, #tpu.memory_space<vmem_shared>> -> memref<10000x16xf32, #tpu.memory_space<vmem_shared>>
      tpu.wait_indirect_dma semaphore(%arg16 : memref<!tpu.dma_semaphore, #tpu.memory_space<semaphore_mem>>) src(%dma_wait3A_69 : memref<10000x16xf32, #tpu.memory_space<vmem_shared>>) dst(%arg9 : memref<128x16xf32, #tpu.memory_space<vmem>>)
      %dma_wait3A_70 = arith.constant 0 : i32
      %dma_wait3A_71 = arith.constant 0 : i32
      %dma_wait3A_72 = tpu.memref_slice %arg7[%dma_wait3A_70, %dma_wait3A_71] : memref<16x128xi32, #tpu.memory_space<vmem>> -> memref<1x128xi32, #tpu.memory_space<vmem>>
      %dma_wait3A_73 = tpu.memref_squeeze %dma_wait3A_72 : memref<1x128xi32, #tpu.memory_space<vmem>> -> memref<128xi32, #tpu.memory_space<vmem>>
      %dma_wait3A_74 = arith.constant 0 : i32
      %dma_wait3A_75 = arith.constant 0 : i32
      %dma_wait3A_76 = tpu.memref_slice %arg14[%dma_wait3A_74, %dma_wait3A_75] : memref<10240x16xf32, #tpu.memory_space<vmem_shared>> -> memref<10240x16xf32, #tpu.memory_space<vmem_shared>>
      tpu.wait_indirect_dma semaphore(%arg17 : memref<!tpu.dma_semaphore, #tpu.memory_space<semaphore_mem>>) src(%arg8 : memref<128x16xf32, #tpu.memory_space<vmem>>) dst(%dma_wait3A_76 : memref<10240x16xf32, #tpu.memory_space<vmem_shared>>)
      %dma_start3A_77 = arith.constant 2 : i32
      %dma_start3A_78 = arith.constant 0 : i32
      %dma_start3A_79 = tpu.memref_slice %arg6[%dma_start3A_77, %dma_start3A_78] : memref<16x128xi32, #tpu.memory_space<vmem>> -> memref<1x128xi32, #tpu.memory_space<vmem>>
      %dma_start3A_80 = tpu.memref_squeeze %dma_start3A_79 : memref<1x128xi32, #tpu.memory_space<vmem>> -> memref<128xi32, #tpu.memory_space<vmem>>
      %dma_start3A_81 = arith.constant 0 : i32
      %dma_start3A_82 = arith.constant 0 : i32
      %dma_start3A_83 = tpu.memref_slice %arg13[%dma_start3A_81, %dma_start3A_82] : memref<10000x16xf32, #tpu.memory_space<vmem_shared>> -> memref<10000x16xf32, #tpu.memory_space<vmem_shared>>
      tpu.enqueue_indirect_dma source(%dma_start3A_83 : memref<10000x16xf32, #tpu.memory_space<vmem_shared>>) target(%arg8 : memref<128x16xf32, #tpu.memory_space<vmem>>) offsets(%dma_start3A_80 : memref<128xi32, #tpu.memory_space<vmem>>) semaphore(%arg16 : memref<!tpu.dma_semaphore, #tpu.memory_space<semaphore_mem>>)
      %dma_start3A_84 = arith.constant 1 : i32
      %dma_start3A_85 = arith.constant 0 : i32
      %dma_start3A_86 = tpu.memref_slice %arg7[%dma_start3A_84, %dma_start3A_85] : memref<16x128xi32, #tpu.memory_space<vmem>> -> memref<1x128xi32, #tpu.memory_space<vmem>>
      %dma_start3A_87 = tpu.memref_squeeze %dma_start3A_86 : memref<1x128xi32, #tpu.memory_space<vmem>> -> memref<128xi32, #tpu.memory_space<vmem>>
      %dma_start3A_88 = arith.constant 0 : i32
      %dma_start3A_89 = arith.constant 0 : i32
      %dma_start3A_90 = tpu.memref_slice %arg14[%dma_start3A_88, %dma_start3A_89] : memref<10240x16xf32, #tpu.memory_space<vmem_shared>> -> memref<10240x16xf32, #tpu.memory_space<vmem_shared>>
      tpu.enqueue_indirect_dma source(%arg9 : memref<128x16xf32, #tpu.memory_space<vmem>>) target(%dma_start3A_90 : memref<10240x16xf32, #tpu.memory_space<vmem_shared>>) offsets(%dma_start3A_87 : memref<128xi32, #tpu.memory_space<vmem>>) semaphore(%arg17 : memref<!tpu.dma_semaphore, #tpu.memory_space<semaphore_mem>>) {add = true}
      %dma_wait3A_91 = arith.constant 2 : i32
      %dma_wait3A_92 = arith.constant 0 : i32
      %dma_wait3A_93 = tpu.memref_slice %arg6[%dma_wait3A_91, %dma_wait3A_92] : memref<16x128xi32, #tpu.memory_space<vmem>> -> memref<1x128xi32, #tpu.memory_space<vmem>>
      %dma_wait3A_94 = tpu.memref_squeeze %dma_wait3A_93 : memref<1x128xi32, #tpu.memory_space<vmem>> -> memref<128xi32, #tpu.memory_space<vmem>>
      %dma_wait3A_95 = arith.constant 0 : i32
      %dma_wait3A_96 = arith.constant 0 : i32
      %dma_wait3A_97 = tpu.memref_slice %arg13[%dma_wait3A_95, %dma_wait3A_96] : memref<10000x16xf32, #tpu.memory_space<vmem_shared>> -> memref<10000x16xf32, #tpu.memory_space<vmem_shared>>
      tpu.wait_indirect_dma semaphore(%arg16 : memref<!tpu.dma_semaphore, #tpu.memory_space<semaphore_mem>>) src(%dma_wait3A_97 : memref<10000x16xf32, #tpu.memory_space<vmem_shared>>) dst(%arg8 : memref<128x16xf32, #tpu.memory_space<vmem>>)
      %dma_wait3A_98 = arith.constant 1 : i32
      %dma_wait3A_99 = arith.constant 0 : i32
      %dma_wait3A_100 = tpu.memref_slice %arg7[%dma_wait3A_98, %dma_wait3A_99] : memref<16x128xi32, #tpu.memory_space<vmem>> -> memref<1x128xi32, #tpu.memory_space<vmem>>
      %dma_wait3A_101 = tpu.memref_squeeze %dma_wait3A_100 : memref<1x128xi32, #tpu.memory_space<vmem>> -> memref<128xi32, #tpu.memory_space<vmem>>
      %dma_wait3A_102 = arith.constant 0 : i32
      %dma_wait3A_103 = arith.constant 0 : i32
      %dma_wait3A_104 = tpu.memref_slice %arg14[%dma_wait3A_102, %dma_wait3A_103] : memref<10240x16xf32, #tpu.memory_space<vmem_shared>> -> memref<10240x16xf32, #tpu.memory_space<vmem_shared>>
      tpu.wait_indirect_dma semaphore(%arg17 : memref<!tpu.dma_semaphore, #tpu.memory_space<semaphore_mem>>) src(%arg9 : memref<128x16xf32, #tpu.memory_space<vmem>>) dst(%dma_wait3A_104 : memref<10240x16xf32, #tpu.memory_space<vmem_shared>>)
      %dma_start3A_105 = arith.constant 3 : i32
      %dma_start3A_106 = arith.constant 0 : i32
      %dma_start3A_107 = tpu.memref_slice %arg6[%dma_start3A_105, %dma_start3A_106] : memref<16x128xi32, #tpu.memory_space<vmem>> -> memref<1x128xi32, #tpu.memory_space<vmem>>
      %dma_start3A_108 = tpu.memref_squeeze %dma_start3A_107 : memref<1x128xi32, #tpu.memory_space<vmem>> -> memref<128xi32, #tpu.memory_space<vmem>>
      %dma_start3A_109 = arith.constant 0 : i32
      %dma_start3A_110 = arith.constant 0 : i32
      %dma_start3A_111 = tpu.memref_slice %arg13[%dma_start3A_109, %dma_start3A_110] : memref<10000x16xf32, #tpu.memory_space<vmem_shared>> -> memref<10000x16xf32, #tpu.memory_space<vmem_shared>>
      tpu.enqueue_indirect_dma source(%dma_start3A_111 : memref<10000x16xf32, #tpu.memory_space<vmem_shared>>) target(%arg9 : memref<128x16xf32, #tpu.memory_space<vmem>>) offsets(%dma_start3A_108 : memref<128xi32, #tpu.memory_space<vmem>>) semaphore(%arg16 : memref<!tpu.dma_semaphore, #tpu.memory_space<semaphore_mem>>)
      %dma_start3A_112 = arith.constant 2 : i32
      %dma_start3A_113 = arith.constant 0 : i32
      %dma_start3A_114 = tpu.memref_slice %arg7[%dma_start3A_112, %dma_start3A_113] : memref<16x128xi32, #tpu.memory_space<vmem>> -> memref<1x128xi32, #tpu.memory_space<vmem>>
      %dma_start3A_115 = tpu.memref_squeeze %dma_start3A_114 : memref<1x128xi32, #tpu.memory_space<vmem>> -> memref<128xi32, #tpu.memory_space<vmem>>
      %dma_start3A_116 = arith.constant 0 : i32
      %dma_start3A_117 = arith.constant 0 : i32
      %dma_start3A_118 = tpu.memref_slice %arg14[%dma_start3A_116, %dma_start3A_117] : memref<10240x16xf32, #tpu.memory_space<vmem_shared>> -> memref<10240x16xf32, #tpu.memory_space<vmem_shared>>
      tpu.enqueue_indirect_dma source(%arg8 : memref<128x16xf32, #tpu.memory_space<vmem>>) target(%dma_start3A_118 : memref<10240x16xf32, #tpu.memory_space<vmem_shared>>) offsets(%dma_start3A_115 : memref<128xi32, #tpu.memory_space<vmem>>) semaphore(%arg17 : memref<!tpu.dma_semaphore, #tpu.memory_space<semaphore_mem>>) {add = true}
      %dma_wait3A_119 = arith.constant 3 : i32
      %dma_wait3A_120 = arith.constant 0 : i32
      %dma_wait3A_121 = tpu.memref_slice %arg6[%dma_wait3A_119, %dma_wait3A_120] : memref<16x128xi32, #tpu.memory_space<vmem>> -> memref<1x128xi32, #tpu.memory_space<vmem>>
      %dma_wait3A_122 = tpu.memref_squeeze %dma_wait3A_121 : memref<1x128xi32, #tpu.memory_space<vmem>> -> memref<128xi32, #tpu.memory_space<vmem>>
      %dma_wait3A_123 = arith.constant 0 : i32
      %dma_wait3A_124 = arith.constant 0 : i32
      %dma_wait3A_125 = tpu.memref_slice %arg13[%dma_wait3A_123, %dma_wait3A_124] : memref<10000x16xf32, #tpu.memory_space<vmem_shared>> -> memref<10000x16xf32, #tpu.memory_space<vmem_shared>>
      tpu.wait_indirect_dma semaphore(%arg16 : memref<!tpu.dma_semaphore, #tpu.memory_space<semaphore_mem>>) src(%dma_wait3A_125 : memref<10000x16xf32, #tpu.memory_space<vmem_shared>>) dst(%arg9 : memref<128x16xf32, #tpu.memory_space<vmem>>)
      %dma_wait3A_126 = arith.constant 2 : i32
      %dma_wait3A_127 = arith.constant 0 : i32
      %dma_wait3A_128 = tpu.memref_slice %arg7[%dma_wait3A_126, %dma_wait3A_127] : memref<16x128xi32, #tpu.memory_space<vmem>> -> memref<1x128xi32, #tpu.memory_space<vmem>>
      %dma_wait3A_129 = tpu.memref_squeeze %dma_wait3A_128 : memref<1x128xi32, #tpu.memory_space<vmem>> -> memref<128xi32, #tpu.memory_space<vmem>>
      %dma_wait3A_130 = arith.constant 0 : i32
      %dma_wait3A_131 = arith.constant 0 : i32
      %dma_wait3A_132 = tpu.memref_slice %arg14[%dma_wait3A_130, %dma_wait3A_131] : memref<10240x16xf32, #tpu.memory_space<vmem_shared>> -> memref<10240x16xf32, #tpu.memory_space<vmem_shared>>
      tpu.wait_indirect_dma semaphore(%arg17 : memref<!tpu.dma_semaphore, #tpu.memory_space<semaphore_mem>>) src(%arg8 : memref<128x16xf32, #tpu.memory_space<vmem>>) dst(%dma_wait3A_132 : memref<10240x16xf32, #tpu.memory_space<vmem_shared>>)
      %dma_start3A_133 = arith.constant 4 : i32
      %dma_start3A_134 = arith.constant 0 : i32
      %dma_start3A_135 = tpu.memref_slice %arg6[%dma_start3A_133, %dma_start3A_134] : memref<16x128xi32, #tpu.memory_space<vmem>> -> memref<1x128xi32, #tpu.memory_space<vmem>>
      %dma_start3A_136 = tpu.memref_squeeze %dma_start3A_135 : memref<1x128xi32, #tpu.memory_space<vmem>> -> memref<128xi32, #tpu.memory_space<vmem>>
      %dma_start3A_137 = arith.constant 0 : i32
      %dma_start3A_138 = arith.constant 0 : i32
      %dma_start3A_139 = tpu.memref_slice %arg13[%dma_start3A_137, %dma_start3A_138] : memref<10000x16xf32, #tpu.memory_space<vmem_shared>> -> memref<10000x16xf32, #tpu.memory_space<vmem_shared>>
      tpu.enqueue_indirect_dma source(%dma_start3A_139 : memref<10000x16xf32, #tpu.memory_space<vmem_shared>>) target(%arg8 : memref<128x16xf32, #tpu.memory_space<vmem>>) offsets(%dma_start3A_136 : memref<128xi32, #tpu.memory_space<vmem>>) semaphore(%arg16 : memref<!tpu.dma_semaphore, #tpu.memory_space<semaphore_mem>>)
      %dma_start3A_140 = arith.constant 3 : i32
      %dma_start3A_141 = arith.constant 0 : i32
      %dma_start3A_142 = tpu.memref_slice %arg7[%dma_start3A_140, %dma_start3A_141] : memref<16x128xi32, #tpu.memory_space<vmem>> -> memref<1x128xi32, #tpu.memory_space<vmem>>
      %dma_start3A_143 = tpu.memref_squeeze %dma_start3A_142 : memref<1x128xi32, #tpu.memory_space<vmem>> -> memref<128xi32, #tpu.memory_space<vmem>>
      %dma_start3A_144 = arith.constant 0 : i32
      %dma_start3A_145 = arith.constant 0 : i32
      %dma_start3A_146 = tpu.memref_slice %arg14[%dma_start3A_144, %dma_start3A_145] : memref<10240x16xf32, #tpu.memory_space<vmem_shared>> -> memref<10240x16xf32, #tpu.memory_space<vmem_shared>>
      tpu.enqueue_indirect_dma source(%arg9 : memref<128x16xf32, #tpu.memory_space<vmem>>) target(%dma_start3A_146 : memref<10240x16xf32, #tpu.memory_space<vmem_shared>>) offsets(%dma_start3A_143 : memref<128xi32, #tpu.memory_space<vmem>>) semaphore(%arg17 : memref<!tpu.dma_semaphore, #tpu.memory_space<semaphore_mem>>) {add = true}
      %dma_wait3A_147 = arith.constant 4 : i32
      %dma_wait3A_148 = arith.constant 0 : i32
      %dma_wait3A_149 = tpu.memref_slice %arg6[%dma_wait3A_147, %dma_wait3A_148] : memref<16x128xi32, #tpu.memory_space<vmem>> -> memref<1x128xi32, #tpu.memory_space<vmem>>
      %dma_wait3A_150 = tpu.memref_squeeze %dma_wait3A_149 : memref<1x128xi32, #tpu.memory_space<vmem>> -> memref<128xi32, #tpu.memory_space<vmem>>
      %dma_wait3A_151 = arith.constant 0 : i32
      %dma_wait3A_152 = arith.constant 0 : i32
      %dma_wait3A_153 = tpu.memref_slice %arg13[%dma_wait3A_151, %dma_wait3A_152] : memref<10000x16xf32, #tpu.memory_space<vmem_shared>> -> memref<10000x16xf32, #tpu.memory_space<vmem_shared>>
      tpu.wait_indirect_dma semaphore(%arg16 : memref<!tpu.dma_semaphore, #tpu.memory_space<semaphore_mem>>) src(%dma_wait3A_153 : memref<10000x16xf32, #tpu.memory_space<vmem_shared>>) dst(%arg8 : memref<128x16xf32, #tpu.memory_space<vmem>>)
      %dma_wait3A_154 = arith.constant 3 : i32
      %dma_wait3A_155 = arith.constant 0 : i32
      %dma_wait3A_156 = tpu.memref_slice %arg7[%dma_wait3A_154, %dma_wait3A_155] : memref<16x128xi32, #tpu.memory_space<vmem>> -> memref<1x128xi32, #tpu.memory_space<vmem>>
      %dma_wait3A_157 = tpu.memref_squeeze %dma_wait3A_156 : memref<1x128xi32, #tpu.memory_space<vmem>> -> memref<128xi32, #tpu.memory_space<vmem>>
      %dma_wait3A_158 = arith.constant 0 : i32
      %dma_wait3A_159 = arith.constant 0 : i32
      %dma_wait3A_160 = tpu.memref_slice %arg14[%dma_wait3A_158, %dma_wait3A_159] : memref<10240x16xf32, #tpu.memory_space<vmem_shared>> -> memref<10240x16xf32, #tpu.memory_space<vmem_shared>>
      tpu.wait_indirect_dma semaphore(%arg17 : memref<!tpu.dma_semaphore, #tpu.memory_space<semaphore_mem>>) src(%arg9 : memref<128x16xf32, #tpu.memory_space<vmem>>) dst(%dma_wait3A_160 : memref<10240x16xf32, #tpu.memory_space<vmem_shared>>)
      %dma_start3A_161 = arith.constant 5 : i32
      %dma_start3A_162 = arith.constant 0 : i32
      %dma_start3A_163 = tpu.memref_slice %arg6[%dma_start3A_161, %dma_start3A_162] : memref<16x128xi32, #tpu.memory_space<vmem>> -> memref<1x128xi32, #tpu.memory_space<vmem>>
      %dma_start3A_164 = tpu.memref_squeeze %dma_start3A_163 : memref<1x128xi32, #tpu.memory_space<vmem>> -> memref<128xi32, #tpu.memory_space<vmem>>
      %dma_start3A_165 = arith.constant 0 : i32
      %dma_start3A_166 = arith.constant 0 : i32
      %dma_start3A_167 = tpu.memref_slice %arg13[%dma_start3A_165, %dma_start3A_166] : memref<10000x16xf32, #tpu.memory_space<vmem_shared>> -> memref<10000x16xf32, #tpu.memory_space<vmem_shared>>
      tpu.enqueue_indirect_dma source(%dma_start3A_167 : memref<10000x16xf32, #tpu.memory_space<vmem_shared>>) target(%arg9 : memref<128x16xf32, #tpu.memory_space<vmem>>) offsets(%dma_start3A_164 : memref<128xi32, #tpu.memory_space<vmem>>) semaphore(%arg16 : memref<!tpu.dma_semaphore, #tpu.memory_space<semaphore_mem>>)
      %dma_start3A_168 = arith.constant 4 : i32
      %dma_start3A_169 = arith.constant 0 : i32
      %dma_start3A_170 = tpu.memref_slice %arg7[%dma_start3A_168, %dma_start3A_169] : memref<16x128xi32, #tpu.memory_space<vmem>> -> memref<1x128xi32, #tpu.memory_space<vmem>>
      %dma_start3A_171 = tpu.memref_squeeze %dma_start3A_170 : memref<1x128xi32, #tpu.memory_space<vmem>> -> memref<128xi32, #tpu.memory_space<vmem>>
      %dma_start3A_172 = arith.constant 0 : i32
      %dma_start3A_173 = arith.constant 0 : i32
      %dma_start3A_174 = tpu.memref_slice %arg14[%dma_start3A_172, %dma_start3A_173] : memref<10240x16xf32, #tpu.memory_space<vmem_shared>> -> memref<10240x16xf32, #tpu.memory_space<vmem_shared>>
      tpu.enqueue_indirect_dma source(%arg8 : memref<128x16xf32, #tpu.memory_space<vmem>>) target(%dma_start3A_174 : memref<10240x16xf32, #tpu.memory_space<vmem_shared>>) offsets(%dma_start3A_171 : memref<128xi32, #tpu.memory_space<vmem>>) semaphore(%arg17 : memref<!tpu.dma_semaphore, #tpu.memory_space<semaphore_mem>>) {add = true}
      %dma_wait3A_175 = arith.constant 5 : i32
      %dma_wait3A_176 = arith.constant 0 : i32
      %dma_wait3A_177 = tpu.memref_slice %arg6[%dma_wait3A_175, %dma_wait3A_176] : memref<16x128xi32, #tpu.memory_space<vmem>> -> memref<1x128xi32, #tpu.memory_space<vmem>>
      %dma_wait3A_178 = tpu.memref_squeeze %dma_wait3A_177 : memref<1x128xi32, #tpu.memory_space<vmem>> -> memref<128xi32, #tpu.memory_space<vmem>>
      %dma_wait3A_179 = arith.constant 0 : i32
      %dma_wait3A_180 = arith.constant 0 : i32
      %dma_wait3A_181 = tpu.memref_slice %arg13[%dma_wait3A_179, %dma_wait3A_180] : memref<10000x16xf32, #tpu.memory_space<vmem_shared>> -> memref<10000x16xf32, #tpu.memory_space<vmem_shared>>
      tpu.wait_indirect_dma semaphore(%arg16 : memref<!tpu.dma_semaphore, #tpu.memory_space<semaphore_mem>>) src(%dma_wait3A_181 : memref<10000x16xf32, #tpu.memory_space<vmem_shared>>) dst(%arg9 : memref<128x16xf32, #tpu.memory_space<vmem>>)
      %dma_wait3A_182 = arith.constant 4 : i32
      %dma_wait3A_183 = arith.constant 0 : i32
      %dma_wait3A_184 = tpu.memref_slice %arg7[%dma_wait3A_182, %dma_wait3A_183] : memref<16x128xi32, #tpu.memory_space<vmem>> -> memref<1x128xi32, #tpu.memory_space<vmem>>
      %dma_wait3A_185 = tpu.memref_squeeze %dma_wait3A_184 : memref<1x128xi32, #tpu.memory_space<vmem>> -> memref<128xi32, #tpu.memory_space<vmem>>
      %dma_wait3A_186 = arith.constant 0 : i32
      %dma_wait3A_187 = arith.constant 0 : i32
      %dma_wait3A_188 = tpu.memref_slice %arg14[%dma_wait3A_186, %dma_wait3A_187] : memref<10240x16xf32, #tpu.memory_space<vmem_shared>> -> memref<10240x16xf32, #tpu.memory_space<vmem_shared>>
      tpu.wait_indirect_dma semaphore(%arg17 : memref<!tpu.dma_semaphore, #tpu.memory_space<semaphore_mem>>) src(%arg8 : memref<128x16xf32, #tpu.memory_space<vmem>>) dst(%dma_wait3A_188 : memref<10240x16xf32, #tpu.memory_space<vmem_shared>>)
      %dma_start3A_189 = arith.constant 6 : i32
      %dma_start3A_190 = arith.constant 0 : i32
      %dma_start3A_191 = tpu.memref_slice %arg6[%dma_start3A_189, %dma_start3A_190] : memref<16x128xi32, #tpu.memory_space<vmem>> -> memref<1x128xi32, #tpu.memory_space<vmem>>
      %dma_start3A_192 = tpu.memref_squeeze %dma_start3A_191 : memref<1x128xi32, #tpu.memory_space<vmem>> -> memref<128xi32, #tpu.memory_space<vmem>>
      %dma_start3A_193 = arith.constant 0 : i32
      %dma_start3A_194 = arith.constant 0 : i32
      %dma_start3A_195 = tpu.memref_slice %arg13[%dma_start3A_193, %dma_start3A_194] : memref<10000x16xf32, #tpu.memory_space<vmem_shared>> -> memref<10000x16xf32, #tpu.memory_space<vmem_shared>>
      tpu.enqueue_indirect_dma source(%dma_start3A_195 : memref<10000x16xf32, #tpu.memory_space<vmem_shared>>) target(%arg8 : memref<128x16xf32, #tpu.memory_space<vmem>>) offsets(%dma_start3A_192 : memref<128xi32, #tpu.memory_space<vmem>>) semaphore(%arg16 : memref<!tpu.dma_semaphore, #tpu.memory_space<semaphore_mem>>)
      %dma_start3A_196 = arith.constant 5 : i32
      %dma_start3A_197 = arith.constant 0 : i32
      %dma_start3A_198 = tpu.memref_slice %arg7[%dma_start3A_196, %dma_start3A_197] : memref<16x128xi32, #tpu.memory_space<vmem>> -> memref<1x128xi32, #tpu.memory_space<vmem>>
      %dma_start3A_199 = tpu.memref_squeeze %dma_start3A_198 : memref<1x128xi32, #tpu.memory_space<vmem>> -> memref<128xi32, #tpu.memory_space<vmem>>
      %dma_start3A_200 = arith.constant 0 : i32
      %dma_start3A_201 = arith.constant 0 : i32
      %dma_start3A_202 = tpu.memref_slice %arg14[%dma_start3A_200, %dma_start3A_201] : memref<10240x16xf32, #tpu.memory_space<vmem_shared>> -> memref<10240x16xf32, #tpu.memory_space<vmem_shared>>
      tpu.enqueue_indirect_dma source(%arg9 : memref<128x16xf32, #tpu.memory_space<vmem>>) target(%dma_start3A_202 : memref<10240x16xf32, #tpu.memory_space<vmem_shared>>) offsets(%dma_start3A_199 : memref<128xi32, #tpu.memory_space<vmem>>) semaphore(%arg17 : memref<!tpu.dma_semaphore, #tpu.memory_space<semaphore_mem>>) {add = true}
      %dma_wait3A_203 = arith.constant 6 : i32
      %dma_wait3A_204 = arith.constant 0 : i32
      %dma_wait3A_205 = tpu.memref_slice %arg6[%dma_wait3A_203, %dma_wait3A_204] : memref<16x128xi32, #tpu.memory_space<vmem>> -> memref<1x128xi32, #tpu.memory_space<vmem>>
      %dma_wait3A_206 = tpu.memref_squeeze %dma_wait3A_205 : memref<1x128xi32, #tpu.memory_space<vmem>> -> memref<128xi32, #tpu.memory_space<vmem>>
      %dma_wait3A_207 = arith.constant 0 : i32
      %dma_wait3A_208 = arith.constant 0 : i32
      %dma_wait3A_209 = tpu.memref_slice %arg13[%dma_wait3A_207, %dma_wait3A_208] : memref<10000x16xf32, #tpu.memory_space<vmem_shared>> -> memref<10000x16xf32, #tpu.memory_space<vmem_shared>>
      tpu.wait_indirect_dma semaphore(%arg16 : memref<!tpu.dma_semaphore, #tpu.memory_space<semaphore_mem>>) src(%dma_wait3A_209 : memref<10000x16xf32, #tpu.memory_space<vmem_shared>>) dst(%arg8 : memref<128x16xf32, #tpu.memory_space<vmem>>)
      %dma_wait3A_210 = arith.constant 5 : i32
      %dma_wait3A_211 = arith.constant 0 : i32
      %dma_wait3A_212 = tpu.memref_slice %arg7[%dma_wait3A_210, %dma_wait3A_211] : memref<16x128xi32, #tpu.memory_space<vmem>> -> memref<1x128xi32, #tpu.memory_space<vmem>>
      %dma_wait3A_213 = tpu.memref_squeeze %dma_wait3A_212 : memref<1x128xi32, #tpu.memory_space<vmem>> -> memref<128xi32, #tpu.memory_space<vmem>>
      %dma_wait3A_214 = arith.constant 0 : i32
      %dma_wait3A_215 = arith.constant 0 : i32
      %dma_wait3A_216 = tpu.memref_slice %arg14[%dma_wait3A_214, %dma_wait3A_215] : memref<10240x16xf32, #tpu.memory_space<vmem_shared>> -> memref<10240x16xf32, #tpu.memory_space<vmem_shared>>
      tpu.wait_indirect_dma semaphore(%arg17 : memref<!tpu.dma_semaphore, #tpu.memory_space<semaphore_mem>>) src(%arg9 : memref<128x16xf32, #tpu.memory_space<vmem>>) dst(%dma_wait3A_216 : memref<10240x16xf32, #tpu.memory_space<vmem_shared>>)
      %dma_start3A_217 = arith.constant 7 : i32
      %dma_start3A_218 = arith.constant 0 : i32
      %dma_start3A_219 = tpu.memref_slice %arg6[%dma_start3A_217, %dma_start3A_218] : memref<16x128xi32, #tpu.memory_space<vmem>> -> memref<1x128xi32, #tpu.memory_space<vmem>>
      %dma_start3A_220 = tpu.memref_squeeze %dma_start3A_219 : memref<1x128xi32, #tpu.memory_space<vmem>> -> memref<128xi32, #tpu.memory_space<vmem>>
      %dma_start3A_221 = arith.constant 0 : i32
      %dma_start3A_222 = arith.constant 0 : i32
      %dma_start3A_223 = tpu.memref_slice %arg13[%dma_start3A_221, %dma_start3A_222] : memref<10000x16xf32, #tpu.memory_space<vmem_shared>> -> memref<10000x16xf32, #tpu.memory_space<vmem_shared>>
      tpu.enqueue_indirect_dma source(%dma_start3A_223 : memref<10000x16xf32, #tpu.memory_space<vmem_shared>>) target(%arg9 : memref<128x16xf32, #tpu.memory_space<vmem>>) offsets(%dma_start3A_220 : memref<128xi32, #tpu.memory_space<vmem>>) semaphore(%arg16 : memref<!tpu.dma_semaphore, #tpu.memory_space<semaphore_mem>>)
      %dma_start3A_224 = arith.constant 6 : i32
      %dma_start3A_225 = arith.constant 0 : i32
      %dma_start3A_226 = tpu.memref_slice %arg7[%dma_start3A_224, %dma_start3A_225] : memref<16x128xi32, #tpu.memory_space<vmem>> -> memref<1x128xi32, #tpu.memory_space<vmem>>
      %dma_start3A_227 = tpu.memref_squeeze %dma_start3A_226 : memref<1x128xi32, #tpu.memory_space<vmem>> -> memref<128xi32, #tpu.memory_space<vmem>>
      %dma_start3A_228 = arith.constant 0 : i32
      %dma_start3A_229 = arith.constant 0 : i32
      %dma_start3A_230 = tpu.memref_slice %arg14[%dma_start3A_228, %dma_start3A_229] : memref<10240x16xf32, #tpu.memory_space<vmem_shared>> -> memref<10240x16xf32, #tpu.memory_space<vmem_shared>>
      tpu.enqueue_indirect_dma source(%arg8 : memref<128x16xf32, #tpu.memory_space<vmem>>) target(%dma_start3A_230 : memref<10240x16xf32, #tpu.memory_space<vmem_shared>>) offsets(%dma_start3A_227 : memref<128xi32, #tpu.memory_space<vmem>>) semaphore(%arg17 : memref<!tpu.dma_semaphore, #tpu.memory_space<semaphore_mem>>) {add = true}
      %dma_wait3A_231 = arith.constant 7 : i32
      %dma_wait3A_232 = arith.constant 0 : i32
      %dma_wait3A_233 = tpu.memref_slice %arg6[%dma_wait3A_231, %dma_wait3A_232] : memref<16x128xi32, #tpu.memory_space<vmem>> -> memref<1x128xi32, #tpu.memory_space<vmem>>
      %dma_wait3A_234 = tpu.memref_squeeze %dma_wait3A_233 : memref<1x128xi32, #tpu.memory_space<vmem>> -> memref<128xi32, #tpu.memory_space<vmem>>
      %dma_wait3A_235 = arith.constant 0 : i32
      %dma_wait3A_236 = arith.constant 0 : i32
      %dma_wait3A_237 = tpu.memref_slice %arg13[%dma_wait3A_235, %dma_wait3A_236] : memref<10000x16xf32, #tpu.memory_space<vmem_shared>> -> memref<10000x16xf32, #tpu.memory_space<vmem_shared>>
      tpu.wait_indirect_dma semaphore(%arg16 : memref<!tpu.dma_semaphore, #tpu.memory_space<semaphore_mem>>) src(%dma_wait3A_237 : memref<10000x16xf32, #tpu.memory_space<vmem_shared>>) dst(%arg9 : memref<128x16xf32, #tpu.memory_space<vmem>>)
      %dma_wait3A_238 = arith.constant 6 : i32
      %dma_wait3A_239 = arith.constant 0 : i32
      %dma_wait3A_240 = tpu.memref_slice %arg7[%dma_wait3A_238, %dma_wait3A_239] : memref<16x128xi32, #tpu.memory_space<vmem>> -> memref<1x128xi32, #tpu.memory_space<vmem>>
      %dma_wait3A_241 = tpu.memref_squeeze %dma_wait3A_240 : memref<1x128xi32, #tpu.memory_space<vmem>> -> memref<128xi32, #tpu.memory_space<vmem>>
      %dma_wait3A_242 = arith.constant 0 : i32
      %dma_wait3A_243 = arith.constant 0 : i32
      %dma_wait3A_244 = tpu.memref_slice %arg14[%dma_wait3A_242, %dma_wait3A_243] : memref<10240x16xf32, #tpu.memory_space<vmem_shared>> -> memref<10240x16xf32, #tpu.memory_space<vmem_shared>>
      tpu.wait_indirect_dma semaphore(%arg17 : memref<!tpu.dma_semaphore, #tpu.memory_space<semaphore_mem>>) src(%arg8 : memref<128x16xf32, #tpu.memory_space<vmem>>) dst(%dma_wait3A_244 : memref<10240x16xf32, #tpu.memory_space<vmem_shared>>)
      %dma_start3A_245 = arith.constant 8 : i32
      %dma_start3A_246 = arith.constant 0 : i32
      %dma_start3A_247 = tpu.memref_slice %arg6[%dma_start3A_245, %dma_start3A_246] : memref<16x128xi32, #tpu.memory_space<vmem>> -> memref<1x128xi32, #tpu.memory_space<vmem>>
      %dma_start3A_248 = tpu.memref_squeeze %dma_start3A_247 : memref<1x128xi32, #tpu.memory_space<vmem>> -> memref<128xi32, #tpu.memory_space<vmem>>
      %dma_start3A_249 = arith.constant 0 : i32
      %dma_start3A_250 = arith.constant 0 : i32
      %dma_start3A_251 = tpu.memref_slice %arg13[%dma_start3A_249, %dma_start3A_250] : memref<10000x16xf32, #tpu.memory_space<vmem_shared>> -> memref<10000x16xf32, #tpu.memory_space<vmem_shared>>
      tpu.enqueue_indirect_dma source(%dma_start3A_251 : memref<10000x16xf32, #tpu.memory_space<vmem_shared>>) target(%arg8 : memref<128x16xf32, #tpu.memory_space<vmem>>) offsets(%dma_start3A_248 : memref<128xi32, #tpu.memory_space<vmem>>) semaphore(%arg16 : memref<!tpu.dma_semaphore, #tpu.memory_space<semaphore_mem>>)
      %dma_start3A_252 = arith.constant 7 : i32
      %dma_start3A_253 = arith.constant 0 : i32
      %dma_start3A_254 = tpu.memref_slice %arg7[%dma_start3A_252, %dma_start3A_253] : memref<16x128xi32, #tpu.memory_space<vmem>> -> memref<1x128xi32, #tpu.memory_space<vmem>>
      %dma_start3A_255 = tpu.memref_squeeze %dma_start3A_254 : memref<1x128xi32, #tpu.memory_space<vmem>> -> memref<128xi32, #tpu.memory_space<vmem>>
      %dma_start3A_256 = arith.constant 0 : i32
      %dma_start3A_257 = arith.constant 0 : i32
      %dma_start3A_258 = tpu.memref_slice %arg14[%dma_start3A_256, %dma_start3A_257] : memref<10240x16xf32, #tpu.memory_space<vmem_shared>> -> memref<10240x16xf32, #tpu.memory_space<vmem_shared>>
      tpu.enqueue_indirect_dma source(%arg9 : memref<128x16xf32, #tpu.memory_space<vmem>>) target(%dma_start3A_258 : memref<10240x16xf32, #tpu.memory_space<vmem_shared>>) offsets(%dma_start3A_255 : memref<128xi32, #tpu.memory_space<vmem>>) semaphore(%arg17 : memref<!tpu.dma_semaphore, #tpu.memory_space<semaphore_mem>>) {add = true}
      %dma_wait3A_259 = arith.constant 8 : i32
      %dma_wait3A_260 = arith.constant 0 : i32
      %dma_wait3A_261 = tpu.memref_slice %arg6[%dma_wait3A_259, %dma_wait3A_260] : memref<16x128xi32, #tpu.memory_space<vmem>> -> memref<1x128xi32, #tpu.memory_space<vmem>>
      %dma_wait3A_262 = tpu.memref_squeeze %dma_wait3A_261 : memref<1x128xi32, #tpu.memory_space<vmem>> -> memref<128xi32, #tpu.memory_space<vmem>>
      %dma_wait3A_263 = arith.constant 0 : i32
      %dma_wait3A_264 = arith.constant 0 : i32
      %dma_wait3A_265 = tpu.memref_slice %arg13[%dma_wait3A_263, %dma_wait3A_264] : memref<10000x16xf32, #tpu.memory_space<vmem_shared>> -> memref<10000x16xf32, #tpu.memory_space<vmem_shared>>
      tpu.wait_indirect_dma semaphore(%arg16 : memref<!tpu.dma_semaphore, #tpu.memory_space<semaphore_mem>>) src(%dma_wait3A_265 : memref<10000x16xf32, #tpu.memory_space<vmem_shared>>) dst(%arg8 : memref<128x16xf32, #tpu.memory_space<vmem>>)
      %dma_wait3A_266 = arith.constant 7 : i32
      %dma_wait3A_267 = arith.constant 0 : i32
      %dma_wait3A_268 = tpu.memref_slice %arg7[%dma_wait3A_266, %dma_wait3A_267] : memref<16x128xi32, #tpu.memory_space<vmem>> -> memref<1x128xi32, #tpu.memory_space<vmem>>
      %dma_wait3A_269 = tpu.memref_squeeze %dma_wait3A_268 : memref<1x128xi32, #tpu.memory_space<vmem>> -> memref<128xi32, #tpu.memory_space<vmem>>
      %dma_wait3A_270 = arith.constant 0 : i32
      %dma_wait3A_271 = arith.constant 0 : i32
      %dma_wait3A_272 = tpu.memref_slice %arg14[%dma_wait3A_270, %dma_wait3A_271] : memref<10240x16xf32, #tpu.memory_space<vmem_shared>> -> memref<10240x16xf32, #tpu.memory_space<vmem_shared>>
      tpu.wait_indirect_dma semaphore(%arg17 : memref<!tpu.dma_semaphore, #tpu.memory_space<semaphore_mem>>) src(%arg9 : memref<128x16xf32, #tpu.memory_space<vmem>>) dst(%dma_wait3A_272 : memref<10240x16xf32, #tpu.memory_space<vmem_shared>>)
      %dma_start3A_273 = arith.constant 9 : i32
      %dma_start3A_274 = arith.constant 0 : i32
      %dma_start3A_275 = tpu.memref_slice %arg6[%dma_start3A_273, %dma_start3A_274] : memref<16x128xi32, #tpu.memory_space<vmem>> -> memref<1x128xi32, #tpu.memory_space<vmem>>
      %dma_start3A_276 = tpu.memref_squeeze %dma_start3A_275 : memref<1x128xi32, #tpu.memory_space<vmem>> -> memref<128xi32, #tpu.memory_space<vmem>>
      %dma_start3A_277 = arith.constant 0 : i32
      %dma_start3A_278 = arith.constant 0 : i32
      %dma_start3A_279 = tpu.memref_slice %arg13[%dma_start3A_277, %dma_start3A_278] : memref<10000x16xf32, #tpu.memory_space<vmem_shared>> -> memref<10000x16xf32, #tpu.memory_space<vmem_shared>>
      tpu.enqueue_indirect_dma source(%dma_start3A_279 : memref<10000x16xf32, #tpu.memory_space<vmem_shared>>) target(%arg9 : memref<128x16xf32, #tpu.memory_space<vmem>>) offsets(%dma_start3A_276 : memref<128xi32, #tpu.memory_space<vmem>>) semaphore(%arg16 : memref<!tpu.dma_semaphore, #tpu.memory_space<semaphore_mem>>)
      %dma_start3A_280 = arith.constant 8 : i32
      %dma_start3A_281 = arith.constant 0 : i32
      %dma_start3A_282 = tpu.memref_slice %arg7[%dma_start3A_280, %dma_start3A_281] : memref<16x128xi32, #tpu.memory_space<vmem>> -> memref<1x128xi32, #tpu.memory_space<vmem>>
      %dma_start3A_283 = tpu.memref_squeeze %dma_start3A_282 : memref<1x128xi32, #tpu.memory_space<vmem>> -> memref<128xi32, #tpu.memory_space<vmem>>
      %dma_start3A_284 = arith.constant 0 : i32
      %dma_start3A_285 = arith.constant 0 : i32
      %dma_start3A_286 = tpu.memref_slice %arg14[%dma_start3A_284, %dma_start3A_285] : memref<10240x16xf32, #tpu.memory_space<vmem_shared>> -> memref<10240x16xf32, #tpu.memory_space<vmem_shared>>
      tpu.enqueue_indirect_dma source(%arg8 : memref<128x16xf32, #tpu.memory_space<vmem>>) target(%dma_start3A_286 : memref<10240x16xf32, #tpu.memory_space<vmem_shared>>) offsets(%dma_start3A_283 : memref<128xi32, #tpu.memory_space<vmem>>) semaphore(%arg17 : memref<!tpu.dma_semaphore, #tpu.memory_space<semaphore_mem>>) {add = true}
      %dma_wait3A_287 = arith.constant 9 : i32
      %dma_wait3A_288 = arith.constant 0 : i32
      %dma_wait3A_289 = tpu.memref_slice %arg6[%dma_wait3A_287, %dma_wait3A_288] : memref<16x128xi32, #tpu.memory_space<vmem>> -> memref<1x128xi32, #tpu.memory_space<vmem>>
      %dma_wait3A_290 = tpu.memref_squeeze %dma_wait3A_289 : memref<1x128xi32, #tpu.memory_space<vmem>> -> memref<128xi32, #tpu.memory_space<vmem>>
      %dma_wait3A_291 = arith.constant 0 : i32
      %dma_wait3A_292 = arith.constant 0 : i32
      %dma_wait3A_293 = tpu.memref_slice %arg13[%dma_wait3A_291, %dma_wait3A_292] : memref<10000x16xf32, #tpu.memory_space<vmem_shared>> -> memref<10000x16xf32, #tpu.memory_space<vmem_shared>>
      tpu.wait_indirect_dma semaphore(%arg16 : memref<!tpu.dma_semaphore, #tpu.memory_space<semaphore_mem>>) src(%dma_wait3A_293 : memref<10000x16xf32, #tpu.memory_space<vmem_shared>>) dst(%arg9 : memref<128x16xf32, #tpu.memory_space<vmem>>)
      %dma_wait3A_294 = arith.constant 8 : i32
      %dma_wait3A_295 = arith.constant 0 : i32
      %dma_wait3A_296 = tpu.memref_slice %arg7[%dma_wait3A_294, %dma_wait3A_295] : memref<16x128xi32, #tpu.memory_space<vmem>> -> memref<1x128xi32, #tpu.memory_space<vmem>>
      %dma_wait3A_297 = tpu.memref_squeeze %dma_wait3A_296 : memref<1x128xi32, #tpu.memory_space<vmem>> -> memref<128xi32, #tpu.memory_space<vmem>>
      %dma_wait3A_298 = arith.constant 0 : i32
      %dma_wait3A_299 = arith.constant 0 : i32
      %dma_wait3A_300 = tpu.memref_slice %arg14[%dma_wait3A_298, %dma_wait3A_299] : memref<10240x16xf32, #tpu.memory_space<vmem_shared>> -> memref<10240x16xf32, #tpu.memory_space<vmem_shared>>
      tpu.wait_indirect_dma semaphore(%arg17 : memref<!tpu.dma_semaphore, #tpu.memory_space<semaphore_mem>>) src(%arg8 : memref<128x16xf32, #tpu.memory_space<vmem>>) dst(%dma_wait3A_300 : memref<10240x16xf32, #tpu.memory_space<vmem_shared>>)
      %dma_start3A_301 = arith.constant 10 : i32
      %dma_start3A_302 = arith.constant 0 : i32
      %dma_start3A_303 = tpu.memref_slice %arg6[%dma_start3A_301, %dma_start3A_302] : memref<16x128xi32, #tpu.memory_space<vmem>> -> memref<1x128xi32, #tpu.memory_space<vmem>>
      %dma_start3A_304 = tpu.memref_squeeze %dma_start3A_303 : memref<1x128xi32, #tpu.memory_space<vmem>> -> memref<128xi32, #tpu.memory_space<vmem>>
      %dma_start3A_305 = arith.constant 0 : i32
      %dma_start3A_306 = arith.constant 0 : i32
      %dma_start3A_307 = tpu.memref_slice %arg13[%dma_start3A_305, %dma_start3A_306] : memref<10000x16xf32, #tpu.memory_space<vmem_shared>> -> memref<10000x16xf32, #tpu.memory_space<vmem_shared>>
      tpu.enqueue_indirect_dma source(%dma_start3A_307 : memref<10000x16xf32, #tpu.memory_space<vmem_shared>>) target(%arg8 : memref<128x16xf32, #tpu.memory_space<vmem>>) offsets(%dma_start3A_304 : memref<128xi32, #tpu.memory_space<vmem>>) semaphore(%arg16 : memref<!tpu.dma_semaphore, #tpu.memory_space<semaphore_mem>>)
      %dma_start3A_308 = arith.constant 9 : i32
      %dma_start3A_309 = arith.constant 0 : i32
      %dma_start3A_310 = tpu.memref_slice %arg7[%dma_start3A_308, %dma_start3A_309] : memref<16x128xi32, #tpu.memory_space<vmem>> -> memref<1x128xi32, #tpu.memory_space<vmem>>
      %dma_start3A_311 = tpu.memref_squeeze %dma_start3A_310 : memref<1x128xi32, #tpu.memory_space<vmem>> -> memref<128xi32, #tpu.memory_space<vmem>>
      %dma_start3A_312 = arith.constant 0 : i32
      %dma_start3A_313 = arith.constant 0 : i32
      %dma_start3A_314 = tpu.memref_slice %arg14[%dma_start3A_312, %dma_start3A_313] : memref<10240x16xf32, #tpu.memory_space<vmem_shared>> -> memref<10240x16xf32, #tpu.memory_space<vmem_shared>>
      tpu.enqueue_indirect_dma source(%arg9 : memref<128x16xf32, #tpu.memory_space<vmem>>) target(%dma_start3A_314 : memref<10240x16xf32, #tpu.memory_space<vmem_shared>>) offsets(%dma_start3A_311 : memref<128xi32, #tpu.memory_space<vmem>>) semaphore(%arg17 : memref<!tpu.dma_semaphore, #tpu.memory_space<semaphore_mem>>) {add = true}
      %dma_wait3A_315 = arith.constant 10 : i32
      %dma_wait3A_316 = arith.constant 0 : i32
      %dma_wait3A_317 = tpu.memref_slice %arg6[%dma_wait3A_315, %dma_wait3A_316] : memref<16x128xi32, #tpu.memory_space<vmem>> -> memref<1x128xi32, #tpu.memory_space<vmem>>
      %dma_wait3A_318 = tpu.memref_squeeze %dma_wait3A_317 : memref<1x128xi32, #tpu.memory_space<vmem>> -> memref<128xi32, #tpu.memory_space<vmem>>
      %dma_wait3A_319 = arith.constant 0 : i32
      %dma_wait3A_320 = arith.constant 0 : i32
      %dma_wait3A_321 = tpu.memref_slice %arg13[%dma_wait3A_319, %dma_wait3A_320] : memref<10000x16xf32, #tpu.memory_space<vmem_shared>> -> memref<10000x16xf32, #tpu.memory_space<vmem_shared>>
      tpu.wait_indirect_dma semaphore(%arg16 : memref<!tpu.dma_semaphore, #tpu.memory_space<semaphore_mem>>) src(%dma_wait3A_321 : memref<10000x16xf32, #tpu.memory_space<vmem_shared>>) dst(%arg8 : memref<128x16xf32, #tpu.memory_space<vmem>>)
      %dma_wait3A_322 = arith.constant 9 : i32
      %dma_wait3A_323 = arith.constant 0 : i32
      %dma_wait3A_324 = tpu.memref_slice %arg7[%dma_wait3A_322, %dma_wait3A_323] : memref<16x128xi32, #tpu.memory_space<vmem>> -> memref<1x128xi32, #tpu.memory_space<vmem>>
      %dma_wait3A_325 = tpu.memref_squeeze %dma_wait3A_324 : memref<1x128xi32, #tpu.memory_space<vmem>> -> memref<128xi32, #tpu.memory_space<vmem>>
      %dma_wait3A_326 = arith.constant 0 : i32
      %dma_wait3A_327 = arith.constant 0 : i32
      %dma_wait3A_328 = tpu.memref_slice %arg14[%dma_wait3A_326, %dma_wait3A_327] : memref<10240x16xf32, #tpu.memory_space<vmem_shared>> -> memref<10240x16xf32, #tpu.memory_space<vmem_shared>>
      tpu.wait_indirect_dma semaphore(%arg17 : memref<!tpu.dma_semaphore, #tpu.memory_space<semaphore_mem>>) src(%arg9 : memref<128x16xf32, #tpu.memory_space<vmem>>) dst(%dma_wait3A_328 : memref<10240x16xf32, #tpu.memory_space<vmem_shared>>)
      %dma_start3A_329 = arith.constant 11 : i32
      %dma_start3A_330 = arith.constant 0 : i32
      %dma_start3A_331 = tpu.memref_slice %arg6[%dma_start3A_329, %dma_start3A_330] : memref<16x128xi32, #tpu.memory_space<vmem>> -> memref<1x128xi32, #tpu.memory_space<vmem>>
      %dma_start3A_332 = tpu.memref_squeeze %dma_start3A_331 : memref<1x128xi32, #tpu.memory_space<vmem>> -> memref<128xi32, #tpu.memory_space<vmem>>
      %dma_start3A_333 = arith.constant 0 : i32
      %dma_start3A_334 = arith.constant 0 : i32
      %dma_start3A_335 = tpu.memref_slice %arg13[%dma_start3A_333, %dma_start3A_334] : memref<10000x16xf32, #tpu.memory_space<vmem_shared>> -> memref<10000x16xf32, #tpu.memory_space<vmem_shared>>
      tpu.enqueue_indirect_dma source(%dma_start3A_335 : memref<10000x16xf32, #tpu.memory_space<vmem_shared>>) target(%arg9 : memref<128x16xf32, #tpu.memory_space<vmem>>) offsets(%dma_start3A_332 : memref<128xi32, #tpu.memory_space<vmem>>) semaphore(%arg16 : memref<!tpu.dma_semaphore, #tpu.memory_space<semaphore_mem>>)
      %dma_start3A_336 = arith.constant 10 : i32
      %dma_start3A_337 = arith.constant 0 : i32
      %dma_start3A_338 = tpu.memref_slice %arg7[%dma_start3A_336, %dma_start3A_337] : memref<16x128xi32, #tpu.memory_space<vmem>> -> memref<1x128xi32, #tpu.memory_space<vmem>>
      %dma_start3A_339 = tpu.memref_squeeze %dma_start3A_338 : memref<1x128xi32, #tpu.memory_space<vmem>> -> memref<128xi32, #tpu.memory_space<vmem>>
      %dma_start3A_340 = arith.constant 0 : i32
      %dma_start3A_341 = arith.constant 0 : i32
      %dma_start3A_342 = tpu.memref_slice %arg14[%dma_start3A_340, %dma_start3A_341] : memref<10240x16xf32, #tpu.memory_space<vmem_shared>> -> memref<10240x16xf32, #tpu.memory_space<vmem_shared>>
      tpu.enqueue_indirect_dma source(%arg8 : memref<128x16xf32, #tpu.memory_space<vmem>>) target(%dma_start3A_342 : memref<10240x16xf32, #tpu.memory_space<vmem_shared>>) offsets(%dma_start3A_339 : memref<128xi32, #tpu.memory_space<vmem>>) semaphore(%arg17 : memref<!tpu.dma_semaphore, #tpu.memory_space<semaphore_mem>>) {add = true}
      %dma_wait3A_343 = arith.constant 11 : i32
      %dma_wait3A_344 = arith.constant 0 : i32
      %dma_wait3A_345 = tpu.memref_slice %arg6[%dma_wait3A_343, %dma_wait3A_344] : memref<16x128xi32, #tpu.memory_space<vmem>> -> memref<1x128xi32, #tpu.memory_space<vmem>>
      %dma_wait3A_346 = tpu.memref_squeeze %dma_wait3A_345 : memref<1x128xi32, #tpu.memory_space<vmem>> -> memref<128xi32, #tpu.memory_space<vmem>>
      %dma_wait3A_347 = arith.constant 0 : i32
      %dma_wait3A_348 = arith.constant 0 : i32
      %dma_wait3A_349 = tpu.memref_slice %arg13[%dma_wait3A_347, %dma_wait3A_348] : memref<10000x16xf32, #tpu.memory_space<vmem_shared>> -> memref<10000x16xf32, #tpu.memory_space<vmem_shared>>
      tpu.wait_indirect_dma semaphore(%arg16 : memref<!tpu.dma_semaphore, #tpu.memory_space<semaphore_mem>>) src(%dma_wait3A_349 : memref<10000x16xf32, #tpu.memory_space<vmem_shared>>) dst(%arg9 : memref<128x16xf32, #tpu.memory_space<vmem>>)
      %dma_wait3A_350 = arith.constant 10 : i32
      %dma_wait3A_351 = arith.constant 0 : i32
      %dma_wait3A_352 = tpu.memref_slice %arg7[%dma_wait3A_350, %dma_wait3A_351] : memref<16x128xi32, #tpu.memory_space<vmem>> -> memref<1x128xi32, #tpu.memory_space<vmem>>
      %dma_wait3A_353 = tpu.memref_squeeze %dma_wait3A_352 : memref<1x128xi32, #tpu.memory_space<vmem>> -> memref<128xi32, #tpu.memory_space<vmem>>
      %dma_wait3A_354 = arith.constant 0 : i32
      %dma_wait3A_355 = arith.constant 0 : i32
      %dma_wait3A_356 = tpu.memref_slice %arg14[%dma_wait3A_354, %dma_wait3A_355] : memref<10240x16xf32, #tpu.memory_space<vmem_shared>> -> memref<10240x16xf32, #tpu.memory_space<vmem_shared>>
      tpu.wait_indirect_dma semaphore(%arg17 : memref<!tpu.dma_semaphore, #tpu.memory_space<semaphore_mem>>) src(%arg8 : memref<128x16xf32, #tpu.memory_space<vmem>>) dst(%dma_wait3A_356 : memref<10240x16xf32, #tpu.memory_space<vmem_shared>>)
      %dma_start3A_357 = arith.constant 12 : i32
      %dma_start3A_358 = arith.constant 0 : i32
      %dma_start3A_359 = tpu.memref_slice %arg6[%dma_start3A_357, %dma_start3A_358] : memref<16x128xi32, #tpu.memory_space<vmem>> -> memref<1x128xi32, #tpu.memory_space<vmem>>
      %dma_start3A_360 = tpu.memref_squeeze %dma_start3A_359 : memref<1x128xi32, #tpu.memory_space<vmem>> -> memref<128xi32, #tpu.memory_space<vmem>>
      %dma_start3A_361 = arith.constant 0 : i32
      %dma_start3A_362 = arith.constant 0 : i32
      %dma_start3A_363 = tpu.memref_slice %arg13[%dma_start3A_361, %dma_start3A_362] : memref<10000x16xf32, #tpu.memory_space<vmem_shared>> -> memref<10000x16xf32, #tpu.memory_space<vmem_shared>>
      tpu.enqueue_indirect_dma source(%dma_start3A_363 : memref<10000x16xf32, #tpu.memory_space<vmem_shared>>) target(%arg8 : memref<128x16xf32, #tpu.memory_space<vmem>>) offsets(%dma_start3A_360 : memref<128xi32, #tpu.memory_space<vmem>>) semaphore(%arg16 : memref<!tpu.dma_semaphore, #tpu.memory_space<semaphore_mem>>)
      %dma_start3A_364 = arith.constant 11 : i32
      %dma_start3A_365 = arith.constant 0 : i32
      %dma_start3A_366 = tpu.memref_slice %arg7[%dma_start3A_364, %dma_start3A_365] : memref<16x128xi32, #tpu.memory_space<vmem>> -> memref<1x128xi32, #tpu.memory_space<vmem>>
      %dma_start3A_367 = tpu.memref_squeeze %dma_start3A_366 : memref<1x128xi32, #tpu.memory_space<vmem>> -> memref<128xi32, #tpu.memory_space<vmem>>
      %dma_start3A_368 = arith.constant 0 : i32
      %dma_start3A_369 = arith.constant 0 : i32
      %dma_start3A_370 = tpu.memref_slice %arg14[%dma_start3A_368, %dma_start3A_369] : memref<10240x16xf32, #tpu.memory_space<vmem_shared>> -> memref<10240x16xf32, #tpu.memory_space<vmem_shared>>
      tpu.enqueue_indirect_dma source(%arg9 : memref<128x16xf32, #tpu.memory_space<vmem>>) target(%dma_start3A_370 : memref<10240x16xf32, #tpu.memory_space<vmem_shared>>) offsets(%dma_start3A_367 : memref<128xi32, #tpu.memory_space<vmem>>) semaphore(%arg17 : memref<!tpu.dma_semaphore, #tpu.memory_space<semaphore_mem>>) {add = true}
      %dma_wait3A_371 = arith.constant 12 : i32
      %dma_wait3A_372 = arith.constant 0 : i32
      %dma_wait3A_373 = tpu.memref_slice %arg6[%dma_wait3A_371, %dma_wait3A_372] : memref<16x128xi32, #tpu.memory_space<vmem>> -> memref<1x128xi32, #tpu.memory_space<vmem>>
      %dma_wait3A_374 = tpu.memref_squeeze %dma_wait3A_373 : memref<1x128xi32, #tpu.memory_space<vmem>> -> memref<128xi32, #tpu.memory_space<vmem>>
      %dma_wait3A_375 = arith.constant 0 : i32
      %dma_wait3A_376 = arith.constant 0 : i32
      %dma_wait3A_377 = tpu.memref_slice %arg13[%dma_wait3A_375, %dma_wait3A_376] : memref<10000x16xf32, #tpu.memory_space<vmem_shared>> -> memref<10000x16xf32, #tpu.memory_space<vmem_shared>>
      tpu.wait_indirect_dma semaphore(%arg16 : memref<!tpu.dma_semaphore, #tpu.memory_space<semaphore_mem>>) src(%dma_wait3A_377 : memref<10000x16xf32, #tpu.memory_space<vmem_shared>>) dst(%arg8 : memref<128x16xf32, #tpu.memory_space<vmem>>)
      %dma_wait3A_378 = arith.constant 11 : i32
      %dma_wait3A_379 = arith.constant 0 : i32
      %dma_wait3A_380 = tpu.memref_slice %arg7[%dma_wait3A_378, %dma_wait3A_379] : memref<16x128xi32, #tpu.memory_space<vmem>> -> memref<1x128xi32, #tpu.memory_space<vmem>>
      %dma_wait3A_381 = tpu.memref_squeeze %dma_wait3A_380 : memref<1x128xi32, #tpu.memory_space<vmem>> -> memref<128xi32, #tpu.memory_space<vmem>>
      %dma_wait3A_382 = arith.constant 0 : i32
      %dma_wait3A_383 = arith.constant 0 : i32
      %dma_wait3A_384 = tpu.memref_slice %arg14[%dma_wait3A_382, %dma_wait3A_383] : memref<10240x16xf32, #tpu.memory_space<vmem_shared>> -> memref<10240x16xf32, #tpu.memory_space<vmem_shared>>
      tpu.wait_indirect_dma semaphore(%arg17 : memref<!tpu.dma_semaphore, #tpu.memory_space<semaphore_mem>>) src(%arg9 : memref<128x16xf32, #tpu.memory_space<vmem>>) dst(%dma_wait3A_384 : memref<10240x16xf32, #tpu.memory_space<vmem_shared>>)
      %dma_start3A_385 = arith.constant 13 : i32
      %dma_start3A_386 = arith.constant 0 : i32
      %dma_start3A_387 = tpu.memref_slice %arg6[%dma_start3A_385, %dma_start3A_386] : memref<16x128xi32, #tpu.memory_space<vmem>> -> memref<1x128xi32, #tpu.memory_space<vmem>>
      %dma_start3A_388 = tpu.memref_squeeze %dma_start3A_387 : memref<1x128xi32, #tpu.memory_space<vmem>> -> memref<128xi32, #tpu.memory_space<vmem>>
      %dma_start3A_389 = arith.constant 0 : i32
      %dma_start3A_390 = arith.constant 0 : i32
      %dma_start3A_391 = tpu.memref_slice %arg13[%dma_start3A_389, %dma_start3A_390] : memref<10000x16xf32, #tpu.memory_space<vmem_shared>> -> memref<10000x16xf32, #tpu.memory_space<vmem_shared>>
      tpu.enqueue_indirect_dma source(%dma_start3A_391 : memref<10000x16xf32, #tpu.memory_space<vmem_shared>>) target(%arg9 : memref<128x16xf32, #tpu.memory_space<vmem>>) offsets(%dma_start3A_388 : memref<128xi32, #tpu.memory_space<vmem>>) semaphore(%arg16 : memref<!tpu.dma_semaphore, #tpu.memory_space<semaphore_mem>>)
      %dma_start3A_392 = arith.constant 12 : i32
      %dma_start3A_393 = arith.constant 0 : i32
      %dma_start3A_394 = tpu.memref_slice %arg7[%dma_start3A_392, %dma_start3A_393] : memref<16x128xi32, #tpu.memory_space<vmem>> -> memref<1x128xi32, #tpu.memory_space<vmem>>
      %dma_start3A_395 = tpu.memref_squeeze %dma_start3A_394 : memref<1x128xi32, #tpu.memory_space<vmem>> -> memref<128xi32, #tpu.memory_space<vmem>>
      %dma_start3A_396 = arith.constant 0 : i32
      %dma_start3A_397 = arith.constant 0 : i32
      %dma_start3A_398 = tpu.memref_slice %arg14[%dma_start3A_396, %dma_start3A_397] : memref<10240x16xf32, #tpu.memory_space<vmem_shared>> -> memref<10240x16xf32, #tpu.memory_space<vmem_shared>>
      tpu.enqueue_indirect_dma source(%arg8 : memref<128x16xf32, #tpu.memory_space<vmem>>) target(%dma_start3A_398 : memref<10240x16xf32, #tpu.memory_space<vmem_shared>>) offsets(%dma_start3A_395 : memref<128xi32, #tpu.memory_space<vmem>>) semaphore(%arg17 : memref<!tpu.dma_semaphore, #tpu.memory_space<semaphore_mem>>) {add = true}
      %dma_wait3A_399 = arith.constant 13 : i32
      %dma_wait3A_400 = arith.constant 0 : i32
      %dma_wait3A_401 = tpu.memref_slice %arg6[%dma_wait3A_399, %dma_wait3A_400] : memref<16x128xi32, #tpu.memory_space<vmem>> -> memref<1x128xi32, #tpu.memory_space<vmem>>
      %dma_wait3A_402 = tpu.memref_squeeze %dma_wait3A_401 : memref<1x128xi32, #tpu.memory_space<vmem>> -> memref<128xi32, #tpu.memory_space<vmem>>
      %dma_wait3A_403 = arith.constant 0 : i32
      %dma_wait3A_404 = arith.constant 0 : i32
      %dma_wait3A_405 = tpu.memref_slice %arg13[%dma_wait3A_403, %dma_wait3A_404] : memref<10000x16xf32, #tpu.memory_space<vmem_shared>> -> memref<10000x16xf32, #tpu.memory_space<vmem_shared>>
      tpu.wait_indirect_dma semaphore(%arg16 : memref<!tpu.dma_semaphore, #tpu.memory_space<semaphore_mem>>) src(%dma_wait3A_405 : memref<10000x16xf32, #tpu.memory_space<vmem_shared>>) dst(%arg9 : memref<128x16xf32, #tpu.memory_space<vmem>>)
      %dma_wait3A_406 = arith.constant 12 : i32
      %dma_wait3A_407 = arith.constant 0 : i32
      %dma_wait3A_408 = tpu.memref_slice %arg7[%dma_wait3A_406, %dma_wait3A_407] : memref<16x128xi32, #tpu.memory_space<vmem>> -> memref<1x128xi32, #tpu.memory_space<vmem>>
      %dma_wait3A_409 = tpu.memref_squeeze %dma_wait3A_408 : memref<1x128xi32, #tpu.memory_space<vmem>> -> memref<128xi32, #tpu.memory_space<vmem>>
      %dma_wait3A_410 = arith.constant 0 : i32
      %dma_wait3A_411 = arith.constant 0 : i32
      %dma_wait3A_412 = tpu.memref_slice %arg14[%dma_wait3A_410, %dma_wait3A_411] : memref<10240x16xf32, #tpu.memory_space<vmem_shared>> -> memref<10240x16xf32, #tpu.memory_space<vmem_shared>>
      tpu.wait_indirect_dma semaphore(%arg17 : memref<!tpu.dma_semaphore, #tpu.memory_space<semaphore_mem>>) src(%arg8 : memref<128x16xf32, #tpu.memory_space<vmem>>) dst(%dma_wait3A_412 : memref<10240x16xf32, #tpu.memory_space<vmem_shared>>)
      %dma_start3A_413 = arith.constant 14 : i32
      %dma_start3A_414 = arith.constant 0 : i32
      %dma_start3A_415 = tpu.memref_slice %arg6[%dma_start3A_413, %dma_start3A_414] : memref<16x128xi32, #tpu.memory_space<vmem>> -> memref<1x128xi32, #tpu.memory_space<vmem>>
      %dma_start3A_416 = tpu.memref_squeeze %dma_start3A_415 : memref<1x128xi32, #tpu.memory_space<vmem>> -> memref<128xi32, #tpu.memory_space<vmem>>
      %dma_start3A_417 = arith.constant 0 : i32
      %dma_start3A_418 = arith.constant 0 : i32
      %dma_start3A_419 = tpu.memref_slice %arg13[%dma_start3A_417, %dma_start3A_418] : memref<10000x16xf32, #tpu.memory_space<vmem_shared>> -> memref<10000x16xf32, #tpu.memory_space<vmem_shared>>
      tpu.enqueue_indirect_dma source(%dma_start3A_419 : memref<10000x16xf32, #tpu.memory_space<vmem_shared>>) target(%arg8 : memref<128x16xf32, #tpu.memory_space<vmem>>) offsets(%dma_start3A_416 : memref<128xi32, #tpu.memory_space<vmem>>) semaphore(%arg16 : memref<!tpu.dma_semaphore, #tpu.memory_space<semaphore_mem>>)
      %dma_start3A_420 = arith.constant 13 : i32
      %dma_start3A_421 = arith.constant 0 : i32
      %dma_start3A_422 = tpu.memref_slice %arg7[%dma_start3A_420, %dma_start3A_421] : memref<16x128xi32, #tpu.memory_space<vmem>> -> memref<1x128xi32, #tpu.memory_space<vmem>>
      %dma_start3A_423 = tpu.memref_squeeze %dma_start3A_422 : memref<1x128xi32, #tpu.memory_space<vmem>> -> memref<128xi32, #tpu.memory_space<vmem>>
      %dma_start3A_424 = arith.constant 0 : i32
      %dma_start3A_425 = arith.constant 0 : i32
      %dma_start3A_426 = tpu.memref_slice %arg14[%dma_start3A_424, %dma_start3A_425] : memref<10240x16xf32, #tpu.memory_space<vmem_shared>> -> memref<10240x16xf32, #tpu.memory_space<vmem_shared>>
      tpu.enqueue_indirect_dma source(%arg9 : memref<128x16xf32, #tpu.memory_space<vmem>>) target(%dma_start3A_426 : memref<10240x16xf32, #tpu.memory_space<vmem_shared>>) offsets(%dma_start3A_423 : memref<128xi32, #tpu.memory_space<vmem>>) semaphore(%arg17 : memref<!tpu.dma_semaphore, #tpu.memory_space<semaphore_mem>>) {add = true}
      %dma_wait3A_427 = arith.constant 14 : i32
      %dma_wait3A_428 = arith.constant 0 : i32
      %dma_wait3A_429 = tpu.memref_slice %arg6[%dma_wait3A_427, %dma_wait3A_428] : memref<16x128xi32, #tpu.memory_space<vmem>> -> memref<1x128xi32, #tpu.memory_space<vmem>>
      %dma_wait3A_430 = tpu.memref_squeeze %dma_wait3A_429 : memref<1x128xi32, #tpu.memory_space<vmem>> -> memref<128xi32, #tpu.memory_space<vmem>>
      %dma_wait3A_431 = arith.constant 0 : i32
      %dma_wait3A_432 = arith.constant 0 : i32
      %dma_wait3A_433 = tpu.memref_slice %arg13[%dma_wait3A_431, %dma_wait3A_432] : memref<10000x16xf32, #tpu.memory_space<vmem_shared>> -> memref<10000x16xf32, #tpu.memory_space<vmem_shared>>
      tpu.wait_indirect_dma semaphore(%arg16 : memref<!tpu.dma_semaphore, #tpu.memory_space<semaphore_mem>>) src(%dma_wait3A_433 : memref<10000x16xf32, #tpu.memory_space<vmem_shared>>) dst(%arg8 : memref<128x16xf32, #tpu.memory_space<vmem>>)
      %dma_wait3A_434 = arith.constant 13 : i32
      %dma_wait3A_435 = arith.constant 0 : i32
      %dma_wait3A_436 = tpu.memref_slice %arg7[%dma_wait3A_434, %dma_wait3A_435] : memref<16x128xi32, #tpu.memory_space<vmem>> -> memref<1x128xi32, #tpu.memory_space<vmem>>
      %dma_wait3A_437 = tpu.memref_squeeze %dma_wait3A_436 : memref<1x128xi32, #tpu.memory_space<vmem>> -> memref<128xi32, #tpu.memory_space<vmem>>
      %dma_wait3A_438 = arith.constant 0 : i32
      %dma_wait3A_439 = arith.constant 0 : i32
      %dma_wait3A_440 = tpu.memref_slice %arg14[%dma_wait3A_438, %dma_wait3A_439] : memref<10240x16xf32, #tpu.memory_space<vmem_shared>> -> memref<10240x16xf32, #tpu.memory_space<vmem_shared>>
      tpu.wait_indirect_dma semaphore(%arg17 : memref<!tpu.dma_semaphore, #tpu.memory_space<semaphore_mem>>) src(%arg9 : memref<128x16xf32, #tpu.memory_space<vmem>>) dst(%dma_wait3A_440 : memref<10240x16xf32, #tpu.memory_space<vmem_shared>>)
      %dma_start3A_441 = arith.constant 15 : i32
      %dma_start3A_442 = arith.constant 0 : i32
      %dma_start3A_443 = tpu.memref_slice %arg6[%dma_start3A_441, %dma_start3A_442] : memref<16x128xi32, #tpu.memory_space<vmem>> -> memref<1x128xi32, #tpu.memory_space<vmem>>
      %dma_start3A_444 = tpu.memref_squeeze %dma_start3A_443 : memref<1x128xi32, #tpu.memory_space<vmem>> -> memref<128xi32, #tpu.memory_space<vmem>>
      %dma_start3A_445 = arith.constant 0 : i32
      %dma_start3A_446 = arith.constant 0 : i32
      %dma_start3A_447 = tpu.memref_slice %arg13[%dma_start3A_445, %dma_start3A_446] : memref<10000x16xf32, #tpu.memory_space<vmem_shared>> -> memref<10000x16xf32, #tpu.memory_space<vmem_shared>>
      tpu.enqueue_indirect_dma source(%dma_start3A_447 : memref<10000x16xf32, #tpu.memory_space<vmem_shared>>) target(%arg9 : memref<128x16xf32, #tpu.memory_space<vmem>>) offsets(%dma_start3A_444 : memref<128xi32, #tpu.memory_space<vmem>>) semaphore(%arg16 : memref<!tpu.dma_semaphore, #tpu.memory_space<semaphore_mem>>)
      %dma_start3A_448 = arith.constant 14 : i32
      %dma_start3A_449 = arith.constant 0 : i32
      %dma_start3A_450 = tpu.memref_slice %arg7[%dma_start3A_448, %dma_start3A_449] : memref<16x128xi32, #tpu.memory_space<vmem>> -> memref<1x128xi32, #tpu.memory_space<vmem>>
      %dma_start3A_451 = tpu.memref_squeeze %dma_start3A_450 : memref<1x128xi32, #tpu.memory_space<vmem>> -> memref<128xi32, #tpu.memory_space<vmem>>
      %dma_start3A_452 = arith.constant 0 : i32
      %dma_start3A_453 = arith.constant 0 : i32
      %dma_start3A_454 = tpu.memref_slice %arg14[%dma_start3A_452, %dma_start3A_453] : memref<10240x16xf32, #tpu.memory_space<vmem_shared>> -> memref<10240x16xf32, #tpu.memory_space<vmem_shared>>
      tpu.enqueue_indirect_dma source(%arg8 : memref<128x16xf32, #tpu.memory_space<vmem>>) target(%dma_start3A_454 : memref<10240x16xf32, #tpu.memory_space<vmem_shared>>) offsets(%dma_start3A_451 : memref<128xi32, #tpu.memory_space<vmem>>) semaphore(%arg17 : memref<!tpu.dma_semaphore, #tpu.memory_space<semaphore_mem>>) {add = true}
      %dma_wait3A_455 = arith.constant 15 : i32
      %dma_wait3A_456 = arith.constant 0 : i32
      %dma_wait3A_457 = tpu.memref_slice %arg6[%dma_wait3A_455, %dma_wait3A_456] : memref<16x128xi32, #tpu.memory_space<vmem>> -> memref<1x128xi32, #tpu.memory_space<vmem>>
      %dma_wait3A_458 = tpu.memref_squeeze %dma_wait3A_457 : memref<1x128xi32, #tpu.memory_space<vmem>> -> memref<128xi32, #tpu.memory_space<vmem>>
      %dma_wait3A_459 = arith.constant 0 : i32
      %dma_wait3A_460 = arith.constant 0 : i32
      %dma_wait3A_461 = tpu.memref_slice %arg13[%dma_wait3A_459, %dma_wait3A_460] : memref<10000x16xf32, #tpu.memory_space<vmem_shared>> -> memref<10000x16xf32, #tpu.memory_space<vmem_shared>>
      tpu.wait_indirect_dma semaphore(%arg16 : memref<!tpu.dma_semaphore, #tpu.memory_space<semaphore_mem>>) src(%dma_wait3A_461 : memref<10000x16xf32, #tpu.memory_space<vmem_shared>>) dst(%arg9 : memref<128x16xf32, #tpu.memory_space<vmem>>)
      %dma_start3A_462 = arith.constant 15 : i32
      %dma_start3A_463 = arith.constant 0 : i32
      %dma_start3A_464 = tpu.memref_slice %arg7[%dma_start3A_462, %dma_start3A_463] : memref<16x128xi32, #tpu.memory_space<vmem>> -> memref<1x128xi32, #tpu.memory_space<vmem>>
      %dma_start3A_465 = tpu.memref_squeeze %dma_start3A_464 : memref<1x128xi32, #tpu.memory_space<vmem>> -> memref<128xi32, #tpu.memory_space<vmem>>
      %dma_start3A_466 = arith.constant 0 : i32
      %dma_start3A_467 = arith.constant 0 : i32
      %dma_start3A_468 = tpu.memref_slice %arg14[%dma_start3A_466, %dma_start3A_467] : memref<10240x16xf32, #tpu.memory_space<vmem_shared>> -> memref<10240x16xf32, #tpu.memory_space<vmem_shared>>
      tpu.enqueue_indirect_dma source(%arg9 : memref<128x16xf32, #tpu.memory_space<vmem>>) target(%dma_start3A_468 : memref<10240x16xf32, #tpu.memory_space<vmem_shared>>) offsets(%dma_start3A_465 : memref<128xi32, #tpu.memory_space<vmem>>) semaphore(%arg17 : memref<!tpu.dma_semaphore, #tpu.memory_space<semaphore_mem>>) {add = true}
      %dma_wait3A_469 = arith.constant 14 : i32
      %dma_wait3A_470 = arith.constant 0 : i32
      %dma_wait3A_471 = tpu.memref_slice %arg7[%dma_wait3A_469, %dma_wait3A_470] : memref<16x128xi32, #tpu.memory_space<vmem>> -> memref<1x128xi32, #tpu.memory_space<vmem>>
      %dma_wait3A_472 = tpu.memref_squeeze %dma_wait3A_471 : memref<1x128xi32, #tpu.memory_space<vmem>> -> memref<128xi32, #tpu.memory_space<vmem>>
      %dma_wait3A_473 = arith.constant 0 : i32
      %dma_wait3A_474 = arith.constant 0 : i32
      %dma_wait3A_475 = tpu.memref_slice %arg14[%dma_wait3A_473, %dma_wait3A_474] : memref<10240x16xf32, #tpu.memory_space<vmem_shared>> -> memref<10240x16xf32, #tpu.memory_space<vmem_shared>>
      tpu.wait_indirect_dma semaphore(%arg17 : memref<!tpu.dma_semaphore, #tpu.memory_space<semaphore_mem>>) src(%arg8 : memref<128x16xf32, #tpu.memory_space<vmem>>) dst(%dma_wait3A_475 : memref<10240x16xf32, #tpu.memory_space<vmem_shared>>)
      %dma_wait3A_476 = arith.constant 15 : i32
      %dma_wait3A_477 = arith.constant 0 : i32
      %dma_wait3A_478 = tpu.memref_slice %arg7[%dma_wait3A_476, %dma_wait3A_477] : memref<16x128xi32, #tpu.memory_space<vmem>> -> memref<1x128xi32, #tpu.memory_space<vmem>>
      %dma_wait3A_479 = tpu.memref_squeeze %dma_wait3A_478 : memref<1x128xi32, #tpu.memory_space<vmem>> -> memref<128xi32, #tpu.memory_space<vmem>>
      %dma_wait3A_480 = arith.constant 0 : i32
      %dma_wait3A_481 = arith.constant 0 : i32
      %dma_wait3A_482 = tpu.memref_slice %arg14[%dma_wait3A_480, %dma_wait3A_481] : memref<10240x16xf32, #tpu.memory_space<vmem_shared>> -> memref<10240x16xf32, #tpu.memory_space<vmem_shared>>
      tpu.wait_indirect_dma semaphore(%arg17 : memref<!tpu.dma_semaphore, #tpu.memory_space<semaphore_mem>>) src(%arg9 : memref<128x16xf32, #tpu.memory_space<vmem>>) dst(%dma_wait3A_482 : memref<10240x16xf32, #tpu.memory_space<vmem_shared>>)
    }
    %scan3A_21 = arith.constant 5 : i32
    %barrier3A_22 = arith.constant 0 : index
    tpu.barrier barrier_id(%barrier3A_22)
    %scan3A_23 = arith.constant 0 : i32
    %scan3A_24 = arith.constant 5 : i32
    %scan3A_25 = arith.addi %scan3A_23, %scan3A_24 : i32
    %scan3A_26 = arith.constant 1 : i32
    scf.for %scan3A_28 = %scan3A_23 to %scan3A_25 step %scan3A_26  : i32 {
      %mul3A_29 = arith.constant 1 : i32
      %mul3A_30 = arith.muli %scan3A_28, %mul3A_29 : i32
      %add3A_31 = arith.constant 0 : i32
      %add3A_32 = arith.addi %add3A_31, %mul3A_30 : i32
      %mul3A_33 = arith.constant 640 : i32
      %mul3A_34 = arith.muli %arg1, %mul3A_33 : i32
      %mul3A_35 = arith.constant 128 : i32
      %mul3A_36 = arith.muli %add3A_32, %mul3A_35 : i32
      %add3A_37 = arith.addi %mul3A_34, %mul3A_36 : i32
      "tpu.region"() ({
        %run_scoped3A = tpu.sem_alloc : memref<!tpu.dma_semaphore, #tpu.memory_space<semaphore_mem>>
        %dma_start3A = arith.constant 0 : i32
        %dma_start3A_38 = tpu.memref_slice %arg14[%add3A_37, %dma_start3A] : memref<10240x16xf32, #tpu.memory_space<vmem_shared>> -> memref<128x16xf32, #tpu.memory_space<vmem_shared>>
        %dma_start3A_39 = arith.constant 0 : i32
        %dma_start3A_40 = tpu.memref_slice %arg14[%add3A_37, %dma_start3A_39] : memref<10240x16xf32, #tpu.memory_space<vmem_shared>> -> memref<128x16xf32, #tpu.memory_space<vmem_shared>>
        tpu.enqueue_dma source(%dma_start3A_40 : memref<128x16xf32, #tpu.memory_space<vmem_shared>>) target(%arg8 : memref<128x16xf32, #tpu.memory_space<vmem>>) target_semaphore(%run_scoped3A : memref<!tpu.dma_semaphore, #tpu.memory_space<semaphore_mem>>)
        %dma_wait3A = arith.constant 0 : i32
        %dma_wait3A_41 = tpu.memref_slice %arg14[%add3A_37, %dma_wait3A] : memref<10240x16xf32, #tpu.memory_space<vmem_shared>> -> memref<128x16xf32, #tpu.memory_space<vmem_shared>>
        %dma_wait3A_42 = arith.constant 0 : i32
        %dma_wait3A_43 = tpu.memref_slice %arg14[%add3A_37, %dma_wait3A_42] : memref<10240x16xf32, #tpu.memory_space<vmem_shared>> -> memref<128x16xf32, #tpu.memory_space<vmem_shared>>
        tpu.wait_dma2 semaphore(%run_scoped3A : memref<!tpu.dma_semaphore, #tpu.memory_space<semaphore_mem>>) src(%dma_wait3A_43 : memref<128x16xf32, #tpu.memory_space<vmem_shared>>) dst(%arg8 : memref<128x16xf32, #tpu.memory_space<vmem>>)
        tpu.yield
      }) : () -> ()
      "tpu.region"() ({
        %run_scoped3A = tpu.sem_alloc : memref<!tpu.dma_semaphore, #tpu.memory_space<semaphore_mem>>
        %dma_start3A = arith.constant 0 : i32
        %dma_start3A_38 = tpu.memref_slice %arg5[%arg0, %add3A_37, %dma_start3A] : memref<2x10240x16xf32, #tpu.memory_space<hbm>> -> memref<1x128x16xf32, #tpu.memory_space<hbm>>
        %dma_start3A_39 = tpu.memref_squeeze %dma_start3A_38 : memref<1x128x16xf32, #tpu.memory_space<hbm>> -> memref<128x16xf32, #tpu.memory_space<hbm>>
        %dma_start3A_40 = arith.constant 0 : i32
        %dma_start3A_41 = tpu.memref_slice %arg5[%arg0, %add3A_37, %dma_start3A_40] : memref<2x10240x16xf32, #tpu.memory_space<hbm>> -> memref<1x128x16xf32, #tpu.memory_space<hbm>>
        %dma_start3A_42 = tpu.memref_squeeze %dma_start3A_41 : memref<1x128x16xf32, #tpu.memory_space<hbm>> -> memref<128x16xf32, #tpu.memory_space<hbm>>
        tpu.enqueue_dma source(%arg8 : memref<128x16xf32, #tpu.memory_space<vmem>>) target(%dma_start3A_42 : memref<128x16xf32, #tpu.memory_space<hbm>>) target_semaphore(%run_scoped3A : memref<!tpu.dma_semaphore, #tpu.memory_space<semaphore_mem>>)
        %dma_wait3A = arith.constant 0 : i32
        %dma_wait3A_43 = tpu.memref_slice %arg5[%arg0, %add3A_37, %dma_wait3A] : memref<2x10240x16xf32, #tpu.memory_space<hbm>> -> memref<1x128x16xf32, #tpu.memory_space<hbm>>
        %dma_wait3A_44 = tpu.memref_squeeze %dma_wait3A_43 : memref<1x128x16xf32, #tpu.memory_space<hbm>> -> memref<128x16xf32, #tpu.memory_space<hbm>>
        %dma_wait3A_45 = arith.constant 0 : i32
        %dma_wait3A_46 = tpu.memref_slice %arg5[%arg0, %add3A_37, %dma_wait3A_45] : memref<2x10240x16xf32, #tpu.memory_space<hbm>> -> memref<1x128x16xf32, #tpu.memory_space<hbm>>
        %dma_wait3A_47 = tpu.memref_squeeze %dma_wait3A_46 : memref<1x128x16xf32, #tpu.memory_space<hbm>> -> memref<128x16xf32, #tpu.memory_space<hbm>>
        tpu.wait_dma2 semaphore(%run_scoped3A : memref<!tpu.dma_semaphore, #tpu.memory_space<semaphore_mem>>) src(%arg8 : memref<128x16xf32, #tpu.memory_space<vmem>>) dst(%dma_wait3A_47 : memref<128x16xf32, #tpu.memory_space<hbm>>)
        tpu.yield
      }) : () -> ()
    }
    %scan3A_27 = arith.constant 5 : i32
    return
  }
}

module attributes {stable_mosaic.version = 14 : i64} {
  func.func @_tc_layer1_pre(%arg0: i32, %arg1: memref<1000x128xf32, #tpu.memory_space<vmem>>, %arg2: memref<128x64xf32, #tpu.memory_space<vmem>>, %arg3: memref<128x64xf32, #tpu.memory_space<vmem>>, %arg4: memref<1x64xf32, #tpu.memory_space<vmem>>, %arg5: memref<1000x64xf32, #tpu.memory_space<vmem>>, %arg6: memref<1000x64xf32, #tpu.memory_space<vmem>>) attributes {dimension_semantics = [#tpu.dimension_semantics<arbitrary>], iteration_bounds = array<i64: 10>, scalar_prefetch = 0 : i64, scratch_operands = 0 : i64, tpu.core_type = #tpu.core_type<tc>, window_params = [{transform_indices = @transform_0, window_bounds = array<i64: 1000, 128>}, {pipeline_mode = #tpu.pipeline_mode<synchronous>, transform_indices = @transform_1, window_bounds = array<i64: 128, 64>}, {pipeline_mode = #tpu.pipeline_mode<synchronous>, transform_indices = @transform_2, window_bounds = array<i64: 128, 64>}, {pipeline_mode = #tpu.pipeline_mode<synchronous>, transform_indices = @transform_3, window_bounds = array<i64: 1, 64>}, {transform_indices = @transform_4, window_bounds = array<i64: 1000, 64>}, {transform_indices = @transform_5, window_bounds = array<i64: 1000, 64>}]} {
    %get3A = arith.constant 0 : index
    %get3A_0 = arith.constant 0 : index
    %get3A_1 = vector.load %arg1[%get3A, %get3A_0] : memref<1000x128xf32, #tpu.memory_space<vmem>>, vector<1000x128xf32>
    %get3A_2 = arith.constant 0 : index
    %get3A_3 = arith.constant 0 : index
    %get3A_4 = vector.load %arg2[%get3A_2, %get3A_3] : memref<128x64xf32, #tpu.memory_space<vmem>>, vector<128x64xf32>
    %dot_general3A = arith.constant dense<0.000000e+00> : vector<1000x64xf32>
    %dot_general3A_5 = tpu.matmul %get3A_1, %get3A_4, %dot_general3A {dimension_numbers = #tpu.dot_dimension_numbers<[1], [0], [0], [1], [0, 0, 1, 1], [], []>, transpose_lhs_hint = false} : vector<1000x128xf32>, vector<128x64xf32>, vector<1000x64xf32> -> vector<1000x64xf32>
    %swap3A = arith.constant 0 : index
    %swap3A_6 = arith.constant 0 : index
    %swap3A_7 = vector.load %arg5[%swap3A, %swap3A_6] : memref<1000x64xf32, #tpu.memory_space<vmem>>, vector<1000x64xf32>
    tpu.vector_store %arg5[%swap3A, %swap3A_6], %dot_general3A_5 {strides = array<i32>} : memref<1000x64xf32, #tpu.memory_space<vmem>>, vector<1000x64xf32>,
    %get3A_8 = arith.constant 0 : index
    %get3A_9 = arith.constant 0 : index
    %get3A_10 = vector.load %arg3[%get3A_8, %get3A_9] : memref<128x64xf32, #tpu.memory_space<vmem>>, vector<128x64xf32>
    %dot_general3A_11 = arith.constant dense<0.000000e+00> : vector<1000x64xf32>
    %dot_general3A_12 = tpu.matmul %get3A_1, %get3A_10, %dot_general3A_11 {dimension_numbers = #tpu.dot_dimension_numbers<[1], [0], [0], [1], [0, 0, 1, 1], [], []>, transpose_lhs_hint = false} : vector<1000x128xf32>, vector<128x64xf32>, vector<1000x64xf32> -> vector<1000x64xf32>
    %get3A_13 = arith.constant 0 : index
    %get3A_14 = arith.constant 0 : index
    %get3A_15 = vector.load %arg4[%get3A_13, %get3A_14] : memref<1x64xf32, #tpu.memory_space<vmem>>, vector<1x64xf32>
    %add3A = vector.broadcast %get3A_15 : vector<1x64xf32> to vector<1000x64xf32>
    %add3A_16 = arith.addf %dot_general3A_12, %add3A : vector<1000x64xf32>
    %swap3A_17 = arith.constant 0 : index
    %swap3A_18 = arith.constant 0 : index
    %swap3A_19 = vector.load %arg6[%swap3A_17, %swap3A_18] : memref<1000x64xf32, #tpu.memory_space<vmem>>, vector<1000x64xf32>
    tpu.vector_store %arg6[%swap3A_17, %swap3A_18], %add3A_16 {strides = array<i32>} : memref<1000x64xf32, #tpu.memory_space<vmem>>, vector<1000x64xf32>,
    return
  }
  func.func @transform_0(%arg0: i32) -> (i32, i32) {
    %c0_i32 = arith.constant 0 : i32
    %c0_i32_0 = arith.constant 0 : i32
    return %arg0, %c0_i32 : i32, i32
  }
  func.func @transform_1(%arg0: i32) -> (i32, i32) {
    %c0_i32 = arith.constant 0 : i32
    %c0_i32_0 = arith.constant 0 : i32
    %c0_i32_1 = arith.constant 0 : i32
    return %c0_i32, %c0_i32_0 : i32, i32
  }
  func.func @transform_2(%arg0: i32) -> (i32, i32) {
    %c0_i32 = arith.constant 0 : i32
    %c0_i32_0 = arith.constant 0 : i32
    %c0_i32_1 = arith.constant 0 : i32
    return %c0_i32, %c0_i32_0 : i32, i32
  }
  func.func @transform_3(%arg0: i32) -> (i32, i32) {
    %c0_i32 = arith.constant 0 : i32
    %c0_i32_0 = arith.constant 0 : i32
    %c0_i32_1 = arith.constant 0 : i32
    return %c0_i32, %c0_i32_0 : i32, i32
  }
  func.func @transform_4(%arg0: i32) -> (i32, i32) {
    %c0_i32 = arith.constant 0 : i32
    %c0_i32_0 = arith.constant 0 : i32
    return %arg0, %c0_i32 : i32, i32
  }
  func.func @transform_5(%arg0: i32) -> (i32, i32) {
    %c0_i32 = arith.constant 0 : i32
    %c0_i32_0 = arith.constant 0 : i32
    return %arg0, %c0_i32 : i32, i32
  }
}

module attributes {stable_mosaic.version = 14 : i64} {
  func.func @_tc_layer1_post(%arg0: i32, %arg1: memref<2x1000x64xf32, #tpu.memory_space<vmem>>, %arg2: memref<2x1000x16xf32, #tpu.memory_space<vmem>>, %arg3: memref<1000x64xf32, #tpu.memory_space<vmem>>, %arg4: memref<64x16xf32, #tpu.memory_space<vmem>>, %arg5: memref<64x16xf32, #tpu.memory_space<vmem>>, %arg6: memref<1x16xf32, #tpu.memory_space<vmem>>, %arg7: memref<1000x16xf32, #tpu.memory_space<vmem>>, %arg8: memref<1000x16xf32, #tpu.memory_space<vmem>>) attributes {dimension_semantics = [#tpu.dimension_semantics<arbitrary>], iteration_bounds = array<i64: 10>, scalar_prefetch = 0 : i64, scratch_operands = 0 : i64, tpu.core_type = #tpu.core_type<tc>, window_params = [{transform_indices = @transform_0, window_bounds = array<i64: 2, 1000, 64>}, {transform_indices = @transform_1, window_bounds = array<i64: 2, 1000, 16>}, {transform_indices = @transform_2, window_bounds = array<i64: 1000, 64>}, {pipeline_mode = #tpu.pipeline_mode<synchronous>, transform_indices = @transform_3, window_bounds = array<i64: 64, 16>}, {pipeline_mode = #tpu.pipeline_mode<synchronous>, transform_indices = @transform_4, window_bounds = array<i64: 64, 16>}, {pipeline_mode = #tpu.pipeline_mode<synchronous>, transform_indices = @transform_5, window_bounds = array<i64: 1, 16>}, {transform_indices = @transform_6, window_bounds = array<i64: 1000, 16>}, {transform_indices = @transform_7, window_bounds = array<i64: 1000, 16>}]} {
    %get3A = arith.constant 0 : index
    %get3A_0 = arith.constant 0 : index
    %get3A_1 = arith.constant 0 : index
    %get3A_2 = vector.load %arg1[%get3A, %get3A_0, %get3A_1] : memref<2x1000x64xf32, #tpu.memory_space<vmem>>, vector<1x1000x64xf32>
    %get3A_3 = vector.shape_cast %get3A_2 : vector<1x1000x64xf32> to vector<1000x64xf32>
    %get3A_4 = arith.constant 1 : index
    %get3A_5 = arith.constant 0 : index
    %get3A_6 = arith.constant 0 : index
    %get3A_7 = vector.load %arg1[%get3A_4, %get3A_5, %get3A_6] : memref<2x1000x64xf32, #tpu.memory_space<vmem>>, vector<1x1000x64xf32>
    %get3A_8 = vector.shape_cast %get3A_7 : vector<1x1000x64xf32> to vector<1000x64xf32>
    %add3A = arith.addf %get3A_3, %get3A_8 : vector<1000x64xf32>
    %get3A_9 = arith.constant 0 : index
    %get3A_10 = arith.constant 0 : index
    %get3A_11 = arith.constant 0 : index
    %get3A_12 = vector.load %arg2[%get3A_9, %get3A_10, %get3A_11] : memref<2x1000x16xf32, #tpu.memory_space<vmem>>, vector<1x1000x1xf32>
    %get3A_13 = vector.shape_cast %get3A_12 : vector<1x1000x1xf32> to vector<1000x1xf32>
    %get3A_14 = arith.constant 1 : index
    %get3A_15 = arith.constant 0 : index
    %get3A_16 = arith.constant 0 : index
    %get3A_17 = vector.load %arg2[%get3A_14, %get3A_15, %get3A_16] : memref<2x1000x16xf32, #tpu.memory_space<vmem>>, vector<1x1000x1xf32>
    %get3A_18 = vector.shape_cast %get3A_17 : vector<1x1000x1xf32> to vector<1000x1xf32>
    %add3A_19 = arith.addf %get3A_13, %get3A_18 : vector<1000x1xf32>
    %max3A = arith.constant 1.000000e+00 : f32
    %max3A_20 = vector.broadcast %max3A : f32 to vector<1000x1xf32>
    %max3A_21 = arith.maximumf %add3A_19, %max3A_20 : vector<1000x1xf32>
    %div3A = vector.broadcast %max3A_21 : vector<1000x1xf32> to vector<1000x64xf32>
    %div3A_22 = arith.divf %add3A, %div3A : vector<1000x64xf32>
    %get3A_23 = arith.constant 0 : index
    %get3A_24 = arith.constant 0 : index
    %get3A_25 = vector.load %arg3[%get3A_23, %get3A_24] : memref<1000x64xf32, #tpu.memory_space<vmem>>, vector<1000x64xf32>
    %add3A_26 = arith.addf %div3A_22, %get3A_25 : vector<1000x64xf32>
    %max3A_27 = arith.constant 0.000000e+00 : f32
    %max3A_28 = vector.broadcast %max3A_27 : f32 to vector<1000x64xf32>
    %max3A_29 = arith.maximumf %add3A_26, %max3A_28 : vector<1000x64xf32>
    %get3A_30 = arith.constant 0 : index
    %get3A_31 = arith.constant 0 : index
    %get3A_32 = vector.load %arg4[%get3A_30, %get3A_31] : memref<64x16xf32, #tpu.memory_space<vmem>>, vector<64x16xf32>
    %dot_general3A = arith.constant dense<0.000000e+00> : vector<1000x16xf32>
    %dot_general3A_33 = tpu.matmul %max3A_29, %get3A_32, %dot_general3A {dimension_numbers = #tpu.dot_dimension_numbers<[1], [0], [0], [1], [0, 0, 1, 1], [], []>, transpose_lhs_hint = false} : vector<1000x64xf32>, vector<64x16xf32>, vector<1000x16xf32> -> vector<1000x16xf32>
    %swap3A = arith.constant 0 : index
    %swap3A_34 = arith.constant 0 : index
    %swap3A_35 = vector.load %arg7[%swap3A, %swap3A_34] : memref<1000x16xf32, #tpu.memory_space<vmem>>, vector<1000x16xf32>
    tpu.vector_store %arg7[%swap3A, %swap3A_34], %dot_general3A_33 {strides = array<i32>} : memref<1000x16xf32, #tpu.memory_space<vmem>>, vector<1000x16xf32>,
    %get3A_36 = arith.constant 0 : index
    %get3A_37 = arith.constant 0 : index
    %get3A_38 = vector.load %arg5[%get3A_36, %get3A_37] : memref<64x16xf32, #tpu.memory_space<vmem>>, vector<64x16xf32>
    %dot_general3A_39 = arith.constant dense<0.000000e+00> : vector<1000x16xf32>
    %dot_general3A_40 = tpu.matmul %max3A_29, %get3A_38, %dot_general3A_39 {dimension_numbers = #tpu.dot_dimension_numbers<[1], [0], [0], [1], [0, 0, 1, 1], [], []>, transpose_lhs_hint = false} : vector<1000x64xf32>, vector<64x16xf32>, vector<1000x16xf32> -> vector<1000x16xf32>
    %get3A_41 = arith.constant 0 : index
    %get3A_42 = arith.constant 0 : index
    %get3A_43 = vector.load %arg6[%get3A_41, %get3A_42] : memref<1x16xf32, #tpu.memory_space<vmem>>, vector<1x16xf32>
    %add3A_44 = vector.broadcast %get3A_43 : vector<1x16xf32> to vector<1000x16xf32>
    %add3A_45 = arith.addf %dot_general3A_40, %add3A_44 : vector<1000x16xf32>
    %swap3A_46 = arith.constant 0 : index
    %swap3A_47 = arith.constant 0 : index
    %swap3A_48 = vector.load %arg8[%swap3A_46, %swap3A_47] : memref<1000x16xf32, #tpu.memory_space<vmem>>, vector<1000x16xf32>
    tpu.vector_store %arg8[%swap3A_46, %swap3A_47], %add3A_45 {strides = array<i32>} : memref<1000x16xf32, #tpu.memory_space<vmem>>, vector<1000x16xf32>,
    return
  }
  func.func @transform_0(%arg0: i32) -> (i32, i32, i32) {
    %c0_i32 = arith.constant 0 : i32
    %c0_i32_0 = arith.constant 0 : i32
    %c0_i32_1 = arith.constant 0 : i32
    return %c0_i32, %arg0, %c0_i32_0 : i32, i32, i32
  }
  func.func @transform_1(%arg0: i32) -> (i32, i32, i32) {
    %c0_i32 = arith.constant 0 : i32
    %c0_i32_0 = arith.constant 0 : i32
    %c0_i32_1 = arith.constant 0 : i32
    return %c0_i32, %arg0, %c0_i32_0 : i32, i32, i32
  }
  func.func @transform_2(%arg0: i32) -> (i32, i32) {
    %c0_i32 = arith.constant 0 : i32
    %c0_i32_0 = arith.constant 0 : i32
    return %arg0, %c0_i32 : i32, i32
  }
  func.func @transform_3(%arg0: i32) -> (i32, i32) {
    %c0_i32 = arith.constant 0 : i32
    %c0_i32_0 = arith.constant 0 : i32
    %c0_i32_1 = arith.constant 0 : i32
    return %c0_i32, %c0_i32_0 : i32, i32
  }
  func.func @transform_4(%arg0: i32) -> (i32, i32) {
    %c0_i32 = arith.constant 0 : i32
    %c0_i32_0 = arith.constant 0 : i32
    %c0_i32_1 = arith.constant 0 : i32
    return %c0_i32, %c0_i32_0 : i32, i32
  }
  func.func @transform_5(%arg0: i32) -> (i32, i32) {
    %c0_i32 = arith.constant 0 : i32
    %c0_i32_0 = arith.constant 0 : i32
    %c0_i32_1 = arith.constant 0 : i32
    return %c0_i32, %c0_i32_0 : i32, i32
  }
  func.func @transform_6(%arg0: i32) -> (i32, i32) {
    %c0_i32 = arith.constant 0 : i32
    %c0_i32_0 = arith.constant 0 : i32
    return %arg0, %c0_i32 : i32, i32
  }
  func.func @transform_7(%arg0: i32) -> (i32, i32) {
    %c0_i32 = arith.constant 0 : i32
    %c0_i32_0 = arith.constant 0 : i32
    return %arg0, %c0_i32 : i32, i32
  }
}

module attributes {stable_mosaic.version = 14 : i64} {
  func.func @_tc_final(%arg0: i32, %arg1: memref<2x1000x16xf32, #tpu.memory_space<vmem>>, %arg2: memref<2x1000x16xf32, #tpu.memory_space<vmem>>, %arg3: memref<1000x16xf32, #tpu.memory_space<vmem>>, %arg4: memref<16x16xf32, #tpu.memory_space<vmem>>, %arg5: memref<1x16xf32, #tpu.memory_space<vmem>>, %arg6: memref<1000x16xf32, #tpu.memory_space<vmem>>) attributes {dimension_semantics = [#tpu.dimension_semantics<arbitrary>], iteration_bounds = array<i64: 10>, scalar_prefetch = 0 : i64, scratch_operands = 0 : i64, tpu.core_type = #tpu.core_type<tc>, window_params = [{transform_indices = @transform_0, window_bounds = array<i64: 2, 1000, 16>}, {transform_indices = @transform_1, window_bounds = array<i64: 2, 1000, 16>}, {transform_indices = @transform_2, window_bounds = array<i64: 1000, 16>}, {pipeline_mode = #tpu.pipeline_mode<synchronous>, transform_indices = @transform_3, window_bounds = array<i64: 16, 16>}, {pipeline_mode = #tpu.pipeline_mode<synchronous>, transform_indices = @transform_4, window_bounds = array<i64: 1, 16>}, {transform_indices = @transform_5, window_bounds = array<i64: 1000, 16>}]} {
    %get3A = arith.constant 0 : index
    %get3A_0 = arith.constant 0 : index
    %get3A_1 = arith.constant 0 : index
    %get3A_2 = vector.load %arg1[%get3A, %get3A_0, %get3A_1] : memref<2x1000x16xf32, #tpu.memory_space<vmem>>, vector<1x1000x16xf32>
    %get3A_3 = vector.shape_cast %get3A_2 : vector<1x1000x16xf32> to vector<1000x16xf32>
    %get3A_4 = arith.constant 1 : index
    %get3A_5 = arith.constant 0 : index
    %get3A_6 = arith.constant 0 : index
    %get3A_7 = vector.load %arg1[%get3A_4, %get3A_5, %get3A_6] : memref<2x1000x16xf32, #tpu.memory_space<vmem>>, vector<1x1000x16xf32>
    %get3A_8 = vector.shape_cast %get3A_7 : vector<1x1000x16xf32> to vector<1000x16xf32>
    %add3A = arith.addf %get3A_3, %get3A_8 : vector<1000x16xf32>
    %get3A_9 = arith.constant 0 : index
    %get3A_10 = arith.constant 0 : index
    %get3A_11 = arith.constant 0 : index
    %get3A_12 = vector.load %arg2[%get3A_9, %get3A_10, %get3A_11] : memref<2x1000x16xf32, #tpu.memory_space<vmem>>, vector<1x1000x1xf32>
    %get3A_13 = vector.shape_cast %get3A_12 : vector<1x1000x1xf32> to vector<1000x1xf32>
    %get3A_14 = arith.constant 1 : index
    %get3A_15 = arith.constant 0 : index
    %get3A_16 = arith.constant 0 : index
    %get3A_17 = vector.load %arg2[%get3A_14, %get3A_15, %get3A_16] : memref<2x1000x16xf32, #tpu.memory_space<vmem>>, vector<1x1000x1xf32>
    %get3A_18 = vector.shape_cast %get3A_17 : vector<1x1000x1xf32> to vector<1000x1xf32>
    %add3A_19 = arith.addf %get3A_13, %get3A_18 : vector<1000x1xf32>
    %max3A = arith.constant 1.000000e+00 : f32
    %max3A_20 = vector.broadcast %max3A : f32 to vector<1000x1xf32>
    %max3A_21 = arith.maximumf %add3A_19, %max3A_20 : vector<1000x1xf32>
    %div3A = vector.broadcast %max3A_21 : vector<1000x1xf32> to vector<1000x16xf32>
    %div3A_22 = arith.divf %add3A, %div3A : vector<1000x16xf32>
    %get3A_23 = arith.constant 0 : index
    %get3A_24 = arith.constant 0 : index
    %get3A_25 = vector.load %arg3[%get3A_23, %get3A_24] : memref<1000x16xf32, #tpu.memory_space<vmem>>, vector<1000x16xf32>
    %add3A_26 = arith.addf %div3A_22, %get3A_25 : vector<1000x16xf32>
    %get3A_27 = arith.constant 0 : index
    %get3A_28 = arith.constant 0 : index
    %get3A_29 = vector.load %arg4[%get3A_27, %get3A_28] : memref<16x16xf32, #tpu.memory_space<vmem>>, vector<16x16xf32>
    %dot_general3A = arith.constant dense<0.000000e+00> : vector<1000x16xf32>
    %dot_general3A_30 = tpu.matmul %add3A_26, %get3A_29, %dot_general3A {dimension_numbers = #tpu.dot_dimension_numbers<[1], [0], [0], [1], [0, 0, 1, 1], [], []>, transpose_lhs_hint = false} : vector<1000x16xf32>, vector<16x16xf32>, vector<1000x16xf32> -> vector<1000x16xf32>
    %get3A_31 = arith.constant 0 : index
    %get3A_32 = arith.constant 0 : index
    %get3A_33 = vector.load %arg5[%get3A_31, %get3A_32] : memref<1x16xf32, #tpu.memory_space<vmem>>, vector<1x16xf32>
    %add3A_34 = vector.broadcast %get3A_33 : vector<1x16xf32> to vector<1000x16xf32>
    %add3A_35 = arith.addf %dot_general3A_30, %add3A_34 : vector<1000x16xf32>
    %swap3A = arith.constant 0 : index
    %swap3A_36 = arith.constant 0 : index
    %swap3A_37 = vector.load %arg6[%swap3A, %swap3A_36] : memref<1000x16xf32, #tpu.memory_space<vmem>>, vector<1000x16xf32>
    tpu.vector_store %arg6[%swap3A, %swap3A_36], %add3A_35 {strides = array<i32>} : memref<1000x16xf32, #tpu.memory_space<vmem>>, vector<1000x16xf32>,
    return
  }
  func.func @transform_0(%arg0: i32) -> (i32, i32, i32) {
    %c0_i32 = arith.constant 0 : i32
    %c0_i32_0 = arith.constant 0 : i32
    %c0_i32_1 = arith.constant 0 : i32
    return %c0_i32, %arg0, %c0_i32_0 : i32, i32, i32
  }
  func.func @transform_1(%arg0: i32) -> (i32, i32, i32) {
    %c0_i32 = arith.constant 0 : i32
    %c0_i32_0 = arith.constant 0 : i32
    %c0_i32_1 = arith.constant 0 : i32
    return %c0_i32, %arg0, %c0_i32_0 : i32, i32, i32
  }
  func.func @transform_2(%arg0: i32) -> (i32, i32) {
    %c0_i32 = arith.constant 0 : i32
    %c0_i32_0 = arith.constant 0 : i32
    return %arg0, %c0_i32 : i32, i32
  }
  func.func @transform_3(%arg0: i32) -> (i32, i32) {
    %c0_i32 = arith.constant 0 : i32
    %c0_i32_0 = arith.constant 0 : i32
    %c0_i32_1 = arith.constant 0 : i32
    return %c0_i32, %c0_i32_0 : i32, i32
  }
  func.func @transform_4(%arg0: i32) -> (i32, i32) {
    %c0_i32 = arith.constant 0 : i32
    %c0_i32_0 = arith.constant 0 : i32
    %c0_i32_1 = arith.constant 0 : i32
    return %c0_i32, %c0_i32_0 : i32, i32
  }
  func.func @transform_5(%arg0: i32) -> (i32, i32) {
    %c0_i32 = arith.constant 0 : i32
    %c0_i32_0 = arith.constant 0 : i32
    return %arg0, %c0_i32 : i32, i32
  }
}

</mosaic_0001>

<sc_bundles>
// kernel: kernel.10.cloned.1.call-start
scs
__scs_entry_jumppad:
0x0: {  	(pc) =	sbr.rel $0x88, $3  }
0x1: {  	(tag) =	ssettag $0x0;
	lr =	simm.s32 $0x1  }
0x2: {  	[smem:$0x3F97] =	sst lr;
	_ =	strace $0xD0000000  }
0x3: {  	_ = 	snop  }
0x4: {  	_ = 	snop  }
0x5: {  	_ = 	snop  }
0x6: {  	_ = 	snop  }
0x7: {  	_ = 	snop  }
__scs_overlays_trampoline_lowered:
0x8: {  	[smem:$0x3FA6] =	sst s0  }
0x9: {  	[smem:$0x3FA7] =	sst s1  }
0xa: {  	[smem:$0x3FA8] =	sst s2  }
0xb: {  	[smem:$0x3FA9] =	sst s3  }
0xc: {  	[smem:$0x3FAA] =	sst s4  }
0xd: {  	[smem:$0x3FAB] =	sst s5  }
0xe: {  	[smem:$0x3FAC] =	sst s6  }
0xf: {  	[smem:$0x3FAD] =	sst s7  }
0x10: {  	[smem:$0x3FAE] =	sst s8  }
0x11: {  	[smem:$0x3FAF] =	sst s9;
	s0 =	simm.s32 @!p0 $0x0  }
0x12: {  	s1 =	sld [smem:$0x3F95];
	s0 =	simm.s32 @p0 $0x1  }
0x13: {  	[smem:$0x3FB0] =	sst s0;
	s0 =	simm.s32 @!p1 $0x0  }
0x14: {  	s2 =	sld [smem:$0x3F94];
	s0 =	simm.s32 @p1 $0x1  }
0x15: {  	[smem:$0x3FB1] =	sst s0;
	s0 =	simm.s32 @!p2 $0x0  }
0x16: {  	s3 =	sld [smem:$0x3FDB];
	s0 =	simm.s32 @p2 $0x1  }
0x17: {  	s4 =	simm.s32 $0x1BF5;
	[smem:$0x3FB3] =	sst s0  }
0x18: {  	s0 =	sld [smem:$0x3F96];
	_ =	swait.ge [sflag:s4], $0x0  }
0x19: {  	s7 =	sld [smem:$0x3F97]  }
0x1a: {  	s8 =	sadd.s32 $0xFFFFE003, lr  }
0x1b: {  	s9 =	sadd.s32 $0xFFFFFEF7, lr;
	s5 =	simm.s32 $0xFFFFFFFF;
	p2 =	slt.u32 s8, $0xFFFFF086  }
0x1c: {  	p1 =	slt.u32 s9, $0xF7A;
	s5 =	simm.s32 @!p2 $0x0  }
0x1d: {  	s5 =	simm.s32 @p1 $0x1;
	p0 =	seq.s32 s7, s2  }
0x1e: {  	s7 =	smul.u32 @!p0 $0xF7A, s2;
	p2 =	seq.s32 @!p0 s5, $0x0  }
0x1f: {  	s9 =	smul.u32 $0xF7A, s1;
	s8 =	simm.s32 @!p0 $0x1BF5;
	p2 =	por !p2, p0  }
0x20: {  	[sflag:s8] =	ssyncset.s32 @!p0 $0xFFFFF086;
	s6 =	sadd.s32 @!p0 s3, s7;
	s7 =	simm.s32 @!p0 $0x108  }
0x21: {  	s3 =	sadd.s32 s3, s9;
	s6 =	sadd.s32 @!p0 $0x88, s6;
	s7 =	simm.s32 @p2 $0x1082  }
0x22: {  	[simem:s7], [sflag:s8] =	dma.local @!p0 [hbm:s6], $0xF7A  }
0x23: {  	s9 =	sor.u32 $0xD0000000, s2;
	s6 =	simm.s32 $0x108;
	_ =	swait.ge @!p0 [sflag:s8], $0x0  }
0x24: {  	s3 =	sadd.s32 $0x88, s3;
	s6 =	simm.s32 @!p1 $0x1082;
	[sflag:s4] =	ssyncset.s32 $0xFFFFF086  }
0x25: {  	[simem:s6], [sflag:s4] =	dma.local [hbm:s3], $0xF7A  }
0x26: {  	[smem:$0x3F97] =	sst s1;
	(tag) =	ssettag s2;
	_ =	strace s9  }
0x27: {  	s1 =	sld [smem:$0x3FA7]  }
0x28: {  	s2 =	sld [smem:$0x3FA8]  }
0x29: {  	s4 =	sld [smem:$0x3FAA]  }
0x2a: {  	p0 =	seq.s32 s5, $0x0;
	s5 =	sld [smem:$0x3FAB]  }
0x2b: {  	s6 =	sld [smem:$0x3FAC]  }
0x2c: {  	s7 =	sld [smem:$0x3FAD]  }
0x2d: {  	s3 =	simm.s32 $0x108;
	s8 =	sld [smem:$0x3FAE]  }
0x2e: {  	s3 =	simm.s32 @!p0 $0x1082;
	s9 =	sld [smem:$0x3FAF]  }
0x2f: {  	lr =	sadd.s32 s0, s3;
	s0 =	sld [smem:$0x3FA6]  }
0x30: {  	s3 =	sld [smem:$0x3FA9]  }
0x31: {  	[smem:$0x3FB2] =	sst s10  }
0x32: {  	s10 =	sld [smem:$0x3FB0];
	_ =	sdelay $0x3  }
0x33: {  	p0 =	seq.s32 s10, $0x1;
	s10 =	sld [smem:$0x3FB2];
	_ =	sdelay $0x3  }
0x34: {  	[smem:$0x3FB2] =	sst s10  }
0x35: {  	s10 =	sld [smem:$0x3FB1];
	_ =	sdelay $0x3  }
0x36: {  	p1 =	seq.s32 s10, $0x1;
	s10 =	sld [smem:$0x3FB2];
	_ =	sdelay $0x3  }
0x37: {  	[smem:$0x3FB2] =	sst s10  }
0x38: {  	s10 =	sld [smem:$0x3FB3]  }
0x39: {  	_ = 	snop;
	(pc) =	sbr.ind lr, $3  }
0x3a: {  	_ = 	snop  }
0x3b: {  	_ = 	snop  }
0x3c: {  	p2 =	seq.s32 s10, $0x1;
	s10 =	sld [smem:$0x3FB2]  }
0x3d: {  	_ =	shalt  }
0x3e: {  	_ =	shalt  }
0x3f: {  	_ =	shalt  }
0x40: {  	_ =	shalt  }
0x41: {  	_ =	shalt  }
0x42: {  	_ =	shalt  }
0x43: {  	_ =	shalt  }
0x44: {  	_ =	shalt  }
0x45: {  	_ =	shalt  }
0x46: {  	_ =	shalt  }
0x47: {  	_ =	shalt  }
0x48: {  	_ =	shalt  }
0x49: {  	_ =	shalt  }
0x4a: {  	_ =	shalt  }
0x4b: {  	_ =	shalt  }
0x4c: {  	_ =	shalt  }
0x4d: {  	_ =	shalt  }
0x4e: {  	_ =	shalt  }
0x4f: {  	_ =	shalt  }
0x50: {  	_ =	shalt  }
0x51: {  	_ =	shalt  }
0x52: {  	_ =	shalt  }
0x53: {  	_ =	shalt  }
0x54: {  	_ =	shalt  }
0x55: {  	_ =	shalt  }
0x56: {  	_ =	shalt  }
0x57: {  	_ =	shalt  }
0x58: {  	_ =	shalt  }
0x59: {  	_ =	shalt  }
0x5a: {  	_ =	shalt  }
0x5b: {  	_ =	shalt  }
0x5c: {  	_ =	shalt  }
0x5d: {  	_ =	shalt  }
0x5e: {  	_ =	shalt  }
0x5f: {  	_ =	shalt  }
0x60: {  	_ =	shalt  }
0x61: {  	_ =	shalt  }
0x62: {  	_ =	shalt  }
0x63: {  	_ =	shalt  }
0x64: {  	_ =	shalt  }
0x65: {  	_ =	shalt  }
0x66: {  	_ =	shalt  }
0x67: {  	_ =	shalt  }
0x68: {  	_ =	shalt  }
0x69: {  	_ =	shalt  }
0x6a: {  	_ =	shalt  }
0x6b: {  	_ =	shalt  }
0x6c: {  	_ =	shalt  }
0x6d: {  	_ =	shalt  }
0x6e: {  	_ =	shalt  }
0x6f: {  	_ =	shalt  }
0x70: {  	_ =	shalt  }
0x71: {  	_ =	shalt  }
0x72: {  	_ =	shalt  }
0x73: {  	_ =	shalt  }
0x74: {  	_ =	shalt  }
0x75: {  	_ =	shalt  }
0x76: {  	_ =	shalt  }
0x77: {  	_ =	shalt  }
0x78: {  	_ =	shalt  }
0x79: {  	_ =	shalt  }
0x7a: {  	_ =	shalt  }
0x7b: {  	_ =	shalt  }
0x7c: {  	_ =	shalt  }
0x7d: {  	_ =	shalt  }
0x7e: {  	_ =	shalt  }
0x7f: {  	_ =	shalt  }
0x80: {  	_ =	shalt  }
0x81: {  	_ =	shalt  }
0x82: {  	_ =	shalt  }
0x83: {  	_ =	shalt  }
0x84: {  	_ =	shalt  }
0x85: {  	_ =	shalt  }
0x86: {  	_ =	shalt  }
0x87: {  	_ =	shalt  }
.Lfunc_end0:
.L_simem_size_0:
called_computation.1_lowered:
.L_overlay_start_0:
0x88: {  	s2 =	sld [smem:$0x3FD9]  }
0x89: {  	s3 =	sld [smem:$0x3FFE];
	_ =	sdelay $0x1  }
0x8a: {  	s1 =	srdreg.scid  }
0x8b: {  	s0 =	sand.u32 $0x1, s1  }
0x8c: {  	s16 =	sshll.u32 s0, $0xA;
	s2 =	sadd.s32 s3, s2  }
0x8d: {  	s2 =	sadd.s32 s2, s16  }
0x8e: {  	[smem:$0x3FBE] =	sst s2  }
0x8f: {  	_ = 	snop  }
0x90: {  	(tm) =	ssettm $0x1  }
0x91: {  	s17 =	sld [smem:$0x3FFB];
	_ =	sdelay $0x3  }
0x92: {  	_ =	strace s17  }
0x93: {  	s2 =	sld [smem:$0x3FFC];
	_ =	sdelay $0x3  }
0x94: {  	_ =	strace s2  }
0x95: {  	s2 =	sld [smem:$0x3FFD];
	_ =	sdelay $0x3  }
0x96: {  	_ =	strace s2  }
0x97: {  	_ =	strace $0x8FFFFFFF  }
0x98: {  	s18 =	sld [smem:$0x3FDB];
	_ =	sdelay $0x1  }
0x99: {  	s19 =	simm.s32 $_scs_section_size  }
0x9a: {  	s4 =	simm.s32 $_size__tile_overlayer_lowered;
	s5 =	simm.s32 $_tile_overlayer_lowered  }
0x9b: {  	s22 =	simm.s32 $0x1BFF;
	s21 =	sshll.u32 s5, $0x1;
	s2 =	sadd.s32 s19, s18  }
0x9c: {  	s6 =	simm.s32 $0x0;
	s20 =	sshll.u32 s4, $0x1;
	s4 =	sadd.s32 s21, s2  }
0x9d: {  	[timem:s6], [sflag:s22] =	dma.local [hbm:s4], s20  }
0x9e: {  	_ =	swait.ge [sflag:s22], s20  }
0x9f: {  	s3 =	ssub.s32 $0x0, s20;
	[sflag:s22] =	ssyncset.done $0x0  }
0xa0: {  	[sflag:s22] =	ssyncadd.s32 s3;
	_ =	sdelay $0x1  }
0xa1: {  	s23 =	simm.s32 $0x1B8B  }
0xa2: {  	_ =	swait.ge [sflag:s23], $0x1  }
0xa3: {  	[sflag:s23] =	ssyncset.done $0x0  }
0xa4: {  	s25 =	simm.s32 $0x1B8E;
	s24 =	sld [smem:$0x3FFE];
	[sflag:s23] =	ssyncadd.s32 $0xFFFFFFFF  }
0xa5: {  	s26 =	simm.s32 $execute0_lowered;
	[smem:$0x3FD2] =	sst s25  }
0xa6: {  	s4 =	sshll.u32 s26, $0x1;
	_ =	strace $0x80000049;
	[dreg:$0x1] =	wrdreg $0xFFFFFFFF  }
0xa7: {  	s28 =	simm.s32 $_size_execute0_lowered;
	s2 =	sadd.s32 s2, s4;
	[dreg:$0x0] =	wrdreg $0x0  }
0xa8: {  	s4 =	sshll.u32 s28, $0x1;
	[dreg:$0x2] =	wrdreg s2  }
0xa9: {  	[dreg:$0x3] =	wrdreg s4  }
0xaa: {  	[dreg:$0x4] =	wrdreg $0xC0  }
0xab: {  	_ =	task [dreg:s6], $0x5FFFF  }
0xac: {  	[dreg:$0x1] =	wrdreg $0xFFFFFFFF  }
0xad: {  	[dreg:$0x0] =	wrdreg $0x60  }
0xae: {  	[dreg:$0x2] =	wrdreg s24  }
0xaf: {  	[dreg:$0x3] =	wrdreg $0x28000  }
0xb0: {  	[dreg:$0x4] =	wrdreg $0x4F100  }
0xb1: {  	[dreg:$0x5] =	wrdreg $0x9  }
0xb2: {  	_ =	task.clear_ibuf [dreg:s6], $0x6FFFF;
	_ =	strace $0x90000049  }
0xb3: {  	s29 =	simm.s32 $0x9;
	_ =	strace $0x8000004B  }
0xb4: {  	_ =	swait.ge [sflag:s29], $0x1  }
0xb5: {  	[sflag:s29] =	ssyncadd.s32 $0xFFFFFFFF  }
0xb6: {  	_ =	strace $0x9000004B  }
0xb7: {  	_ =	sfence  }
0xb8: {  	s30 =	sld [smem:$0x0];
	_ =	sdelay $0x2  }
0xb9: {  	s31 =	sshll.u32 s1, $0xD;
	s1 =	sshrl.u32 s1, $0x2  }
0xba: {  	s3 =	sand.u32 $0x4000, s31;
	s1 =	sadd.s32 s1, s30  }
0xbb: {  	s0 =	sor.u32 s3, s0;
	s1 =	sshll.u32 s1, $0x11  }
0xbc: {  	s0 =	sor.u32 s1, s0  }
0xbd: {  	s0 =	sadd.s32 $0x8F2B, s0  }
0xbe: {  	[sflag:s0] =	ssyncadd.remote.s32 $0x1  }
0xbf: {  	_ =	sfence.sel $0xFFFF  }
0xc0: {  	[dreg:$0x0] =	wrdreg $0xFFFFFFFF;
	(pc) =	sbr.abs _section_cstart, $3  }
0xc1: {  	[dreg:$0x1] =	wrdreg $0xFFFFFFFF  }
0xc2: {  	_ =	task.clear_ibuf [dreg:s6], $0x2FFFF;
	_ =	strace $0x9FFFFFFF  }
0xc3: {  	(tm) =	ssettm $0x7FFFFFFF  }
tec
execute0_lowered:
.L_overlay_start_1:
0x0: {  	(tag) =	ssettag $0x1  }
0x1: {  	s0 =	rddreg [dreg:$0x0]  }
0x2: {  	s1 =	srdreg.scid;
	s2 =	rddreg [dreg:$0x1]  }
0x3: {  	s11 =	stileid.u32;
	s3 =	rddreg [dreg:$0x2];
	s4 =	simm.s32 $0x0  }
0x4: {  	s28 =	simm.s32 $0x80;
	s29 =	simm.s32 $0x1000;
	s5 =	smul.u32 $0x5000, s11  }
0x5: {  	s30 =	simm.s32 $0x1;
	s31 =	simm.s32 $0x1800;
	s7 =	smul.u32 $0x2710, s11  }
0x6: {  	s1 =	sand.u32 $0x1, s1;
	[smem:$0x7FF] =	sst s4;
	s10 =	smul.u32 $0xA000, s11  }
0x7: {  	s14 =	sshll.u32 s11, $0x6;
	s6 =	smul.u32 $0x2800, s1;
	_ =	strace $0x8000004A  }
0x8: {  	s8 =	ssub.s32 $0x2, s1;
	s1 =	smul.u32 $0x28000, s1;
	s13 =	sshrl.u32 s7, $0x3  }
0x9: {  	s9 =	sshrl.u32 s8, $0x1;
	s7 =	sadd.s32 s7, s2;
	s15 =	sshrl.u32 s10, $0x2  }
0xa: {  	s10 =	smul.u32 $0x2800, s11;
	s5 =	sadd.s32 s6, s5;
	s16 =	sadd.s32 s15, s3  }
0xb: {  	s6 =	sadd.s32 s13, s0;
	s13 =	simm.s32 $0x880;
	[dreg:$0x14] =	wrdreg s16  }
0xc: {  	s8 =	ssub.s32 s8, s9;
	s15 =	simm.s32 $0x180;
	[dreg:$0x7] =	wrdreg s13  }
0xd: {  	s5 =	sshrl.u32 s5, $0x3;
	s6 =	sadd.s32 $0x1400, s6;
	[dreg:$0x8] =	wrdreg s15  }
0xe: {  	s17 =	sadd.s32 s10, s3;
	s18 =	smax.u32 s8, $0x1;
	[dreg:$0x12] =	wrdreg s6  }
0xf: {  	s19 =	sadd.s32 $0x800, s16;
	s20 =	sadd.s32 $0x1000, s16;
	[dreg:$0x15] =	wrdreg s17  }
0x10: {  	s21 =	sadd.s32 s1, s10;
	s22 =	sadd.s32 $0x800, s10;
	[dreg:$0x16] =	wrdreg s18  }
0x11: {  	s9 =	sadd.s32 $0x1800, s16;
	s11 =	sadd.s32 $0x2000, s16;
	[dreg:$0x17] =	wrdreg s19  }
0x12: {  	s25 =	sadd.s32 $0x1000, s10;
	s12 =	sadd.s32 $0x1800, s10;
	[dreg:$0x18] =	wrdreg s20  }
0x13: {  	s16 =	simm.s32 $0x900;
	s13 =	simm.s32 $0x600;
	[dreg:$0x19] =	wrdreg s9  }
0x14: {  	s15 =	simm.s32 $0x680;
	s5 =	sadd.s32 s5, s0;
	[dreg:$0x1a] =	wrdreg s11  }
0x15: {  	s0 =	sadd.s32 $0x6400, s0;
	s6 =	sor.u32 $0x1C03, s14;
	[dreg:$0x9] =	wrdreg s16  }
0x16: {  	s23 =	sadd.s32 s1, s22;
	s8 =	sadd.s32 s22, s3;
	[dreg:$0x13] =	wrdreg s6  }
0x17: {  	s26 =	sadd.s32 s25, s3;
	s11 =	simm.s32 $0x100;
	[dreg:$0x1c] =	wrdreg s8  }
0x18: {  	s14 =	sadd.s32 s12, s3;
	s17 =	simm.s32 $0x200;
	[dreg:$0x1e] =	wrdreg s26  }
0x19: {  	s18 =	simm.s32 $0x980;
	s19 =	sadd.s32 $0x2000, s10;
	[dreg:$0x6] =	wrdreg s11  }
0x1a: {  	s20 =	simm.s32 $0x280;
	s22 =	simm.s32 $0x300;
	[smem:$0x7F9] =	sst s14  }
0x1b: {  	s10 =	simm.s32 $0xC80;
	s16 =	simm.s32 $0xE00;
	[dreg:$0xa] =	wrdreg s17  }
0x1c: {  	s6 =	sshrl.u32 s21, $0x3;
	s24 =	sshrl.u32 s23, $0x3;
	[dreg:$0xb] =	wrdreg s18  }
0x1d: {  	s9 =	sadd.s32 $0x14E00, s5;
	s5 =	sadd.s32 $0x1EE00, s5;
	[dreg:$0xc] =	wrdreg s20  }
0x1e: {  	s21 =	simm.s32 $0xA00;
	[dreg:$0xe] =	wrdreg s22;
	s23 =	simm.s32 $0xA80  }
0x1f: {  	s26 =	simm.s32 $0xB00;
	s8 =	simm.s32 $0xC00;
	[dreg:$0x4] =	wrdreg s9  }
0x20: {  	s11 =	simm.s32 $0x580;
	s14 =	simm.s32 $0xD80;
	[dreg:$0x5] =	wrdreg s5  }
0x21: {  	s17 =	simm.s32 $0x700;
	s18 =	simm.s32 $0xE80;
	[dreg:$0xd] =	wrdreg s21  }
0x22: {  	s20 =	simm.s32 $0xF00;
	s22 =	simm.s32 $0x0;
	[dreg:$0xf] =	wrdreg s23  }
0x23: {  	s6 =	sadd.s32 s0, s6;
	[dreg:$0x11] =	wrdreg s26;
	s26 =	simm.s32 $0x800  }
0x24: {  	s5 =	simm.s32 $0xB80;
	[dreg:$0x1b] =	wrdreg s6;
	s6 =	sadd.s32 s0, s24  }
0x25: {  	s9 =	simm.s32 $0x500;
	[dreg:$0x1d] =	wrdreg s6;
	s6 =	sadd.s32 s1, s25  }
0x26: {  	s21 =	simm.s32 $0xF80;
	s24 =	simm.s32 $0x380;
	s6 =	sshrl.u32 s6, $0x3  }
0x27: {  	s25 =	sshrl.u32 s7, $0x3;
	[dreg:$0x10] =	wrdreg s24;
	s6 =	sadd.s32 s0, s6  }
0x28: {  	s24 =	simm.s32 $0x3;
	[dreg:$0x1f] =	wrdreg s6;
	s6 =	sadd.s32 s1, s12  }
0x29: {  	[smem:$0x7FD] =	sst s25;
	s1 =	sadd.s32 s1, s19;
	s6 =	sshrl.u32 s6, $0x3  }
0x2a: {  	s12 =	simm.s32 $0xD00;
	s1 =	sshrl.u32 s1, $0x3;
	s6 =	sadd.s32 s0, s6  }
0x2b: {  	s0 =	sadd.s32 s0, s1;
	s1 =	simm.s32 $0x2;
	[smem:$0x7FA] =	sst s6  }
0x2c: {  	s6 =	sadd.s32 s19, s3;
	[smem:$0x7FC] =	sst s0;
	s0 =	simm.s32 $0x400  }
0x2d: {  	v0 =	vimm.f32 $0.0e+00;
	s19 =	simm.s32 $0x780;
	[smem:$0x7FB] =	sst s6;
	s6 =	simm.s32 $0x480  }
.LBB2_1:
0x2e: {  	[smem:$0x7F8] =	sst s22  }
0x2f: {  	s23 =	sld [smem:$0x7FD]  }
0x30: {  	s7 =	rddreg [dreg:$0x12]  }
0x31: {  	s25 =	rddreg [dreg:$0x13]  }
0x32: {  	[spmem:s23], [sflag:s25] =	dma.local [hbm:s7], $0x4E2  }
0x33: {  	_ =	swait.ge [sflag:s24], $0x4E2  }
0x34: {  	[sflag:s24] =	ssyncset.done $0x0  }
0x35: {  	s7 =	simm.s32 $0x40;
	s23 =	simm.s32 $0x0;
	[sflag:s24] =	ssyncadd.s32 $0xFFFFFB1E  }
.LBB2_2:
0x36: {  	p0 =	sne.s32 s7, $0x1FC0;
	[tilespmem:s23+$0x2000] =	vst v0;
	s23 =	smov.u32 s7;
	s7 =	sadd.s32 $0x40, s7  }
.Ltmp0:
0x37: {  	(pc) =	sbr.rel @p0 .LBB2_2-.Ltmp0, $2  }
0x38: {  	_ =	sdelay $0x2  }
0x39: {  	s23 =	sshra.s32 s23, $0x2  }
0x3a: {  	[tilespmem:s23+$0x2000] =	vst v0;
	s7 =	rddreg [dreg:$0x14];
	s22 =	simm.s32 $0x2000  }
0x3b: {  	[spmem:s7] =	stream.linear.scatter [tilespmem:s22], [sflag:$0x3], $0x800, $0x38;
	[tilespmem:$0x7710] =	vst v63  }
0x3c: {  	_ =	swait.ge [sflag:s24], $0x800  }
0x3d: {  	[sflag:s24] =	ssyncset.done $0x0  }
0x3e: {  	s23 =	rddreg [dreg:$0x17];
	[sflag:s24] =	ssyncadd.s32 $0xFFFFF800  }
0x3f: {  	[spmem:s23] =	stream.linear.scatter [tilespmem:s22], [sflag:$0x3], $0x800, $0x38;
	[tilespmem:$0x7710] =	vst v63  }
0x40: {  	_ =	swait.ge [sflag:s24], $0x800  }
0x41: {  	[sflag:s24] =	ssyncset.done $0x0  }
0x42: {  	s25 =	rddreg [dreg:$0x18];
	[sflag:s24] =	ssyncadd.s32 $0xFFFFF800  }
0x43: {  	[spmem:s25] =	stream.linear.scatter [tilespmem:s22], [sflag:$0x3], $0x800, $0x38;
	[tilespmem:$0x7710] =	vst v63  }
0x44: {  	_ =	swait.ge [sflag:s24], $0x800  }
0x45: {  	[sflag:s24] =	ssyncset.done $0x0  }
0x46: {  	s23 =	rddreg [dreg:$0x19];
	[sflag:s24] =	ssyncadd.s32 $0xFFFFF800  }
0x47: {  	[spmem:s23] =	stream.linear.scatter [tilespmem:s22], [sflag:$0x3], $0x800, $0x38;
	[tilespmem:$0x7710] =	vst v63  }
0x48: {  	_ =	swait.ge [sflag:s24], $0x800  }
0x49: {  	[sflag:s24] =	ssyncset.done $0x0  }
0x4a: {  	s25 =	rddreg [dreg:$0x1a];
	[sflag:s24] =	ssyncadd.s32 $0xFFFFF800  }
0x4b: {  	[spmem:s25] =	stream.linear.scatter [tilespmem:s22], [sflag:$0x3], $0x800, $0x38;
	[tilespmem:$0x7710] =	vst v63  }
0x4c: {  	_ =	swait.ge [sflag:s24], $0x800  }
0x4d: {  	[sflag:s24] =	ssyncset.done $0x0  }
0x4e: {  	[sflag:s24] =	ssyncadd.s32 $0xFFFFF800  }
0x4f: {  	[bflag:$0x0] =	sbarrier.arrive $0xFFFF  }
0x50: {  	s22 =	rddreg [dreg:$0x5]  }
0x51: {  	s7 =	sadd.s32 $0x0, s22  }
0x52: {  	[tilespmem:s4], [sflag:$0x3] =	stream.linear.gather [hbm4b:s7+s4], $0x800, $0x38;
	[tilespmem:$0x7710] =	vst v63  }
0x53: {  	_ =	swait.ge [sflag:s24], $0x800  }
0x54: {  	s23 =	rddreg [dreg:$0x4];
	[sflag:s24] =	ssyncset.done $0x0  }
0x55: {  	[sflag:s24] =	ssyncadd.s32 $0xFFFFF800;
	s7 =	sadd.s32 $0x0, s23  }
0x56: {  	[tilespmem:s26], [sflag:$0x3] =	stream.linear.gather [hbm4b:s7+s4], $0x800, $0x38;
	[tilespmem:$0x7710] =	vst v63  }
0x57: {  	_ =	swait.ge [sflag:s24], $0x800  }
0x58: {  	[sflag:s24] =	ssyncset.done $0x0  }
0x59: {  	[sflag:s24] =	ssyncadd.s32 $0xFFFFF800  }
0x5a: {  	[tilespmem:s29], [sflag:$0x1] =	stream.indirect.gather [spmem:s2], $0x10, s4, s28, $0xb8;
	[tilespmem:$0x7710] =	vst v63  }
0x5b: {  	_ =	swait.ge [sflag:s30], $0x800  }
0x5c: {  	[sflag:s30] =	ssyncset.done $0x0  }
0x5d: {  	[sflag:s30] =	ssyncadd.s32 $0xFFFFF800  }
0x5e: {  	[tilespmem:s31], [sflag:$0x1] =	stream.indirect.gather [spmem:s2], $0x10, s28, s28, $0xb8;
	[tilespmem:$0x7710] =	vst v63  }
0x5f: {  	_ = 	snop  }
0x60: {  	[spmem:s3] =	stream.indirect.scatter.add.f32 [tilespmem:s29], [sflag:$0x2], $0x10, s26, s28, $0xb8;
	[tilespmem:$0x7710] =	vst v63  }
0x61: {  	_ =	swait.ge [sflag:s30], $0x800  }
0x62: {  	[sflag:s30] =	ssyncset.done $0x0  }
0x63: {  	[sflag:s30] =	ssyncadd.s32 $0xFFFFF800  }
0x64: {  	_ =	swait.ge [sflag:s1], $0x800  }
0x65: {  	[sflag:s1] =	ssyncset.done $0x0  }
0x66: {  	s25 =	rddreg [dreg:$0x6];
	[sflag:s1] =	ssyncadd.s32 $0xFFFFF800  }
0x67: {  	[tilespmem:s29], [sflag:$0x1] =	stream.indirect.gather [spmem:s2], $0x10, s25, s28, $0xb8;
	[tilespmem:$0x7710] =	vst v63  }
0x68: {  	s22 =	rddreg [dreg:$0x7]  }
0x69: {  	[spmem:s3] =	stream.indirect.scatter.add.f32 [tilespmem:s31], [sflag:$0x2], $0x10, s22, s28, $0xb8;
	[tilespmem:$0x7710] =	vst v63  }
0x6a: {  	_ =	swait.ge [sflag:s30], $0x800  }
0x6b: {  	[sflag:s30] =	ssyncset.done $0x0  }
0x6c: {  	[sflag:s30] =	ssyncadd.s32 $0xFFFFF800  }
0x6d: {  	_ =	swait.ge [sflag:s1], $0x800  }
0x6e: {  	[sflag:s1] =	ssyncset.done $0x0  }
0x6f: {  	s25 =	rddreg [dreg:$0x8];
	[sflag:s1] =	ssyncadd.s32 $0xFFFFF800  }
0x70: {  	[tilespmem:s31], [sflag:$0x1] =	stream.indirect.gather [spmem:s2], $0x10, s25, s28, $0xb8;
	[tilespmem:$0x7710] =	vst v63  }
0x71: {  	s22 =	rddreg [dreg:$0x9]  }
0x72: {  	[spmem:s3] =	stream.indirect.scatter.add.f32 [tilespmem:s29], [sflag:$0x2], $0x10, s22, s28, $0xb8;
	[tilespmem:$0x7710] =	vst v63  }
0x73: {  	_ =	swait.ge [sflag:s30], $0x800  }
0x74: {  	[sflag:s30] =	ssyncset.done $0x0  }
0x75: {  	[sflag:s30] =	ssyncadd.s32 $0xFFFFF800  }
0x76: {  	_ =	swait.ge [sflag:s1], $0x800  }
0x77: {  	[sflag:s1] =	ssyncset.done $0x0  }
0x78: {  	s25 =	rddreg [dreg:$0xa];
	[sflag:s1] =	ssyncadd.s32 $0xFFFFF800  }
0x79: {  	[tilespmem:s29], [sflag:$0x1] =	stream.indirect.gather [spmem:s2], $0x10, s25, s28, $0xb8;
	[tilespmem:$0x7710] =	vst v63  }
0x7a: {  	s22 =	rddreg [dreg:$0xb]  }
0x7b: {  	[spmem:s3] =	stream.indirect.scatter.add.f32 [tilespmem:s31], [sflag:$0x2], $0x10, s22, s28, $0xb8;
	[tilespmem:$0x7710] =	vst v63  }
0x7c: {  	_ =	swait.ge [sflag:s30], $0x800  }
0x7d: {  	[sflag:s30] =	ssyncset.done $0x0  }
0x7e: {  	[sflag:s30] =	ssyncadd.s32 $0xFFFFF800  }
0x7f: {  	_ =	swait.ge [sflag:s1], $0x800  }
0x80: {  	[sflag:s1] =	ssyncset.done $0x0  }
0x81: {  	s25 =	rddreg [dreg:$0xc];
	[sflag:s1] =	ssyncadd.s32 $0xFFFFF800  }
0x82: {  	[tilespmem:s31], [sflag:$0x1] =	stream.indirect.gather [spmem:s2], $0x10, s25, s28, $0xb8;
	[tilespmem:$0x7710] =	vst v63  }
0x83: {  	s22 =	rddreg [dreg:$0xd]  }
0x84: {  	[spmem:s3] =	stream.indirect.scatter.add.f32 [tilespmem:s29], [sflag:$0x2], $0x10, s22, s28, $0xb8;
	[tilespmem:$0x7710] =	vst v63  }
0x85: {  	_ =	swait.ge [sflag:s30], $0x800  }
0x86: {  	[sflag:s30] =	ssyncset.done $0x0  }
0x87: {  	[sflag:s30] =	ssyncadd.s32 $0xFFFFF800  }
0x88: {  	_ =	swait.ge [sflag:s1], $0x800  }
0x89: {  	[sflag:s1] =	ssyncset.done $0x0  }
0x8a: {  	s25 =	rddreg [dreg:$0xe];
	[sflag:s1] =	ssyncadd.s32 $0xFFFFF800  }
0x8b: {  	[tilespmem:s29], [sflag:$0x1] =	stream.indirect.gather [spmem:s2], $0x10, s25, s28, $0xb8;
	[tilespmem:$0x7710] =	vst v63  }
0x8c: {  	s22 =	rddreg [dreg:$0xf]  }
0x8d: {  	[spmem:s3] =	stream.indirect.scatter.add.f32 [tilespmem:s31], [sflag:$0x2], $0x10, s22, s28, $0xb8;
	[tilespmem:$0x7710] =	vst v63  }
0x8e: {  	_ =	swait.ge [sflag:s30], $0x800  }
0x8f: {  	[sflag:s30] =	ssyncset.done $0x0  }
0x90: {  	[sflag:s30] =	ssyncadd.s32 $0xFFFFF800  }
0x91: {  	_ =	swait.ge [sflag:s1], $0x800  }
0x92: {  	[sflag:s1] =	ssyncset.done $0x0  }
0x93: {  	s23 =	rddreg [dreg:$0x10];
	[sflag:s1] =	ssyncadd.s32 $0xFFFFF800  }
0x94: {  	[tilespmem:s31], [sflag:$0x1] =	stream.indirect.gather [spmem:s2], $0x10, s23, s28, $0xb8;
	[tilespmem:$0x7710] =	vst v63  }
0x95: {  	s25 =	rddreg [dreg:$0x11]  }
0x96: {  	[spmem:s3] =	stream.indirect.scatter.add.f32 [tilespmem:s29], [sflag:$0x2], $0x10, s25, s28, $0xb8;
	[tilespmem:$0x7710] =	vst v63  }
0x97: {  	_ =	swait.ge [sflag:s30], $0x800  }
0x98: {  	[sflag:s30] =	ssyncset.done $0x0  }
0x99: {  	[sflag:s30] =	ssyncadd.s32 $0xFFFFF800  }
0x9a: {  	_ =	swait.ge [sflag:s1], $0x800  }
0x9b: {  	[sflag:s1] =	ssyncset.done $0x0  }
0x9c: {  	[sflag:s1] =	ssyncadd.s32 $0xFFFFF800  }
0x9d: {  	[tilespmem:s29], [sflag:$0x1] =	stream.indirect.gather [spmem:s2], $0x10, s0, s28, $0xb8;
	[tilespmem:$0x7710] =	vst v63  }
0x9e: {  	_ = 	snop  }
0x9f: {  	[spmem:s3] =	stream.indirect.scatter.add.f32 [tilespmem:s31], [sflag:$0x2], $0x10, s5, s28, $0xb8;
	[tilespmem:$0x7710] =	vst v63  }
0xa0: {  	_ =	swait.ge [sflag:s30], $0x800  }
0xa1: {  	[sflag:s30] =	ssyncset.done $0x0  }
0xa2: {  	[sflag:s30] =	ssyncadd.s32 $0xFFFFF800  }
0xa3: {  	_ =	swait.ge [sflag:s1], $0x800  }
0xa4: {  	[sflag:s1] =	ssyncset.done $0x0  }
0xa5: {  	[sflag:s1] =	ssyncadd.s32 $0xFFFFF800  }
0xa6: {  	[tilespmem:s31], [sflag:$0x1] =	stream.indirect.gather [spmem:s2], $0x10, s6, s28, $0xb8;
	[tilespmem:$0x7710] =	vst v63  }
0xa7: {  	_ = 	snop  }
0xa8: {  	[spmem:s3] =	stream.indirect.scatter.add.f32 [tilespmem:s29], [sflag:$0x2], $0x10, s8, s28, $0xb8;
	[tilespmem:$0x7710] =	vst v63  }
0xa9: {  	_ =	swait.ge [sflag:s30], $0x800  }
0xaa: {  	[sflag:s30] =	ssyncset.done $0x0  }
0xab: {  	[sflag:s30] =	ssyncadd.s32 $0xFFFFF800  }
0xac: {  	_ =	swait.ge [sflag:s1], $0x800  }
0xad: {  	[sflag:s1] =	ssyncset.done $0x0  }
0xae: {  	[sflag:s1] =	ssyncadd.s32 $0xFFFFF800  }
0xaf: {  	[tilespmem:s29], [sflag:$0x1] =	stream.indirect.gather [spmem:s2], $0x10, s9, s28, $0xb8;
	[tilespmem:$0x7710] =	vst v63  }
0xb0: {  	_ = 	snop  }
0xb1: {  	[spmem:s3] =	stream.indirect.scatter.add.f32 [tilespmem:s31], [sflag:$0x2], $0x10, s10, s28, $0xb8;
	[tilespmem:$0x7710] =	vst v63  }
0xb2: {  	_ =	swait.ge [sflag:s30], $0x800  }
0xb3: {  	[sflag:s30] =	ssyncset.done $0x0  }
0xb4: {  	[sflag:s30] =	ssyncadd.s32 $0xFFFFF800  }
0xb5: {  	_ =	swait.ge [sflag:s1], $0x800  }
0xb6: {  	[sflag:s1] =	ssyncset.done $0x0  }
0xb7: {  	[sflag:s1] =	ssyncadd.s32 $0xFFFFF800  }
0xb8: {  	[tilespmem:s31], [sflag:$0x1] =	stream.indirect.gather [spmem:s2], $0x10, s11, s28, $0xb8;
	[tilespmem:$0x7710] =	vst v63  }
0xb9: {  	_ = 	snop  }
0xba: {  	[spmem:s3] =	stream.indirect.scatter.add.f32 [tilespmem:s29], [sflag:$0x2], $0x10, s12, s28, $0xb8;
	[tilespmem:$0x7710] =	vst v63  }
0xbb: {  	_ =	swait.ge [sflag:s30], $0x800  }
0xbc: {  	[sflag:s30] =	ssyncset.done $0x0  }
0xbd: {  	[sflag:s30] =	ssyncadd.s32 $0xFFFFF800  }
0xbe: {  	_ =	swait.ge [sflag:s1], $0x800  }
0xbf: {  	[sflag:s1] =	ssyncset.done $0x0  }
0xc0: {  	[sflag:s1] =	ssyncadd.s32 $0xFFFFF800  }
0xc1: {  	[tilespmem:s29], [sflag:$0x1] =	stream.indirect.gather [spmem:s2], $0x10, s13, s28, $0xb8;
	[tilespmem:$0x7710] =	vst v63  }
0xc2: {  	_ = 	snop  }
0xc3: {  	[spmem:s3] =	stream.indirect.scatter.add.f32 [tilespmem:s31], [sflag:$0x2], $0x10, s14, s28, $0xb8;
	[tilespmem:$0x7710] =	vst v63  }
0xc4: {  	_ =	swait.ge [sflag:s30], $0x800  }
0xc5: {  	[sflag:s30] =	ssyncset.done $0x0  }
0xc6: {  	[sflag:s30] =	ssyncadd.s32 $0xFFFFF800  }
0xc7: {  	_ =	swait.ge [sflag:s1], $0x800  }
0xc8: {  	[sflag:s1] =	ssyncset.done $0x0  }
0xc9: {  	[sflag:s1] =	ssyncadd.s32 $0xFFFFF800  }
0xca: {  	[tilespmem:s31], [sflag:$0x1] =	stream.indirect.gather [spmem:s2], $0x10, s15, s28, $0xb8;
	[tilespmem:$0x7710] =	vst v63  }
0xcb: {  	_ = 	snop  }
0xcc: {  	[spmem:s3] =	stream.indirect.scatter.add.f32 [tilespmem:s29], [sflag:$0x2], $0x10, s16, s28, $0xb8;
	[tilespmem:$0x7710] =	vst v63  }
0xcd: {  	_ =	swait.ge [sflag:s30], $0x800  }
0xce: {  	[sflag:s30] =	ssyncset.done $0x0  }
0xcf: {  	[sflag:s30] =	ssyncadd.s32 $0xFFFFF800  }
0xd0: {  	_ =	swait.ge [sflag:s1], $0x800  }
0xd1: {  	[sflag:s1] =	ssyncset.done $0x0  }
0xd2: {  	[sflag:s1] =	ssyncadd.s32 $0xFFFFF800  }
0xd3: {  	[tilespmem:s29], [sflag:$0x1] =	stream.indirect.gather [spmem:s2], $0x10, s17, s28, $0xb8;
	[tilespmem:$0x7710] =	vst v63  }
0xd4: {  	_ = 	snop  }
0xd5: {  	[spmem:s3] =	stream.indirect.scatter.add.f32 [tilespmem:s31], [sflag:$0x2], $0x10, s18, s28, $0xb8;
	[tilespmem:$0x7710] =	vst v63  }
0xd6: {  	_ =	swait.ge [sflag:s30], $0x800  }
0xd7: {  	[sflag:s30] =	ssyncset.done $0x0  }
0xd8: {  	[sflag:s30] =	ssyncadd.s32 $0xFFFFF800  }
0xd9: {  	_ =	swait.ge [sflag:s1], $0x800  }
0xda: {  	[sflag:s1] =	ssyncset.done $0x0  }
0xdb: {  	[sflag:s1] =	ssyncadd.s32 $0xFFFFF800  }
0xdc: {  	[tilespmem:s31], [sflag:$0x1] =	stream.indirect.gather [spmem:s2], $0x10, s19, s28, $0xb8;
	[tilespmem:$0x7710] =	vst v63  }
0xdd: {  	_ = 	snop  }
0xde: {  	[spmem:s3] =	stream.indirect.scatter.add.f32 [tilespmem:s29], [sflag:$0x2], $0x10, s20, s28, $0xb8;
	[tilespmem:$0x7710] =	vst v63  }
0xdf: {  	_ =	swait.ge [sflag:s30], $0x800  }
0xe0: {  	[sflag:s30] =	ssyncset.done $0x0  }
0xe1: {  	[sflag:s30] =	ssyncadd.s32 $0xFFFFF800  }
0xe2: {  	[spmem:s3] =	stream.indirect.scatter.add.f32 [tilespmem:s31], [sflag:$0x2], $0x10, s21, s28, $0xb8;
	[tilespmem:$0x7710] =	vst v63  }
0xe3: {  	_ =	swait.ge [sflag:s1], $0x800  }
0xe4: {  	[sflag:s1] =	ssyncset.done $0x0  }
0xe5: {  	[sflag:s1] =	ssyncadd.s32 $0xFFFFF800  }
0xe6: {  	s7 =	simm.s32 $0x200;
	_ =	swait.ge [sflag:s1], $0x800  }
0xe7: {  	s23 =	simm.s32 $0x100;
	s25 =	rddreg [dreg:$0x5];
	[sflag:s1] =	ssyncset.done $0x0  }
.LBB2_4:
0xe8: {  	[sflag:s1] =	ssyncadd.s32 $0xFFFFF800;
	s25 =	sadd.s32 s23, s25  }
0xe9: {  	[tilespmem:s4], [sflag:$0x3] =	stream.linear.gather [hbm4b:s25+s4], $0x800, $0x38;
	[tilespmem:$0x7710] =	vst v63  }
0xea: {  	_ =	swait.ge [sflag:s24], $0x800  }
0xeb: {  	s25 =	rddreg [dreg:$0x4];
	[sflag:s24] =	ssyncset.done $0x0  }
0xec: {  	[sflag:s24] =	ssyncadd.s32 $0xFFFFF800;
	s25 =	sadd.s32 s23, s25  }
0xed: {  	[tilespmem:s26], [sflag:$0x3] =	stream.linear.gather [hbm4b:s25+s4], $0x800, $0x38;
	[tilespmem:$0x7710] =	vst v63  }
0xee: {  	_ =	swait.ge [sflag:s24], $0x800  }
0xef: {  	[sflag:s24] =	ssyncset.done $0x0  }
0xf0: {  	[sflag:s24] =	ssyncadd.s32 $0xFFFFF800  }
0xf1: {  	[tilespmem:s29], [sflag:$0x1] =	stream.indirect.gather [spmem:s2], $0x10, s4, s28, $0xb8;
	[tilespmem:$0x7710] =	vst v63  }
0xf2: {  	_ =	swait.ge [sflag:s30], $0x800  }
0xf3: {  	[sflag:s30] =	ssyncset.done $0x0  }
0xf4: {  	[sflag:s30] =	ssyncadd.s32 $0xFFFFF800  }
0xf5: {  	[tilespmem:s31], [sflag:$0x1] =	stream.indirect.gather [spmem:s2], $0x10, s28, s28, $0xb8;
	[tilespmem:$0x7710] =	vst v63  }
0xf6: {  	_ = 	snop  }
0xf7: {  	[spmem:s3] =	stream.indirect.scatter.add.f32 [tilespmem:s29], [sflag:$0x2], $0x10, s26, s28, $0xb8;
	[tilespmem:$0x7710] =	vst v63  }
0xf8: {  	_ =	swait.ge [sflag:s30], $0x800  }
0xf9: {  	[sflag:s30] =	ssyncset.done $0x0  }
0xfa: {  	[sflag:s30] =	ssyncadd.s32 $0xFFFFF800  }
0xfb: {  	_ =	swait.ge [sflag:s1], $0x800  }
0xfc: {  	s22 =	smov.u32 s7;
	[sflag:s1] =	ssyncset.done $0x0  }
0xfd: {  	s23 =	smov.u32 s22;
	s22 =	rddreg [dreg:$0x6];
	[sflag:s1] =	ssyncadd.s32 $0xFFFFF800  }
0xfe: {  	[tilespmem:s29], [sflag:$0x1] =	stream.indirect.gather [spmem:s2], $0x10, s22, s28, $0xb8;
	[tilespmem:$0x7710] =	vst v63  }
0xff: {  	s25 =	rddreg [dreg:$0x7]  }
0x100: {  	[spmem:s3] =	stream.indirect.scatter.add.f32 [tilespmem:s31], [sflag:$0x2], $0x10, s25, s28, $0xb8;
	[tilespmem:$0x7710] =	vst v63  }
0x101: {  	_ =	swait.ge [sflag:s30], $0x800  }
0x102: {  	[sflag:s30] =	ssyncset.done $0x0  }
0x103: {  	[sflag:s30] =	ssyncadd.s32 $0xFFFFF800  }
0x104: {  	_ =	swait.ge [sflag:s1], $0x800  }
0x105: {  	[sflag:s1] =	ssyncset.done $0x0  }
0x106: {  	s22 =	rddreg [dreg:$0x8];
	[sflag:s1] =	ssyncadd.s32 $0xFFFFF800  }
0x107: {  	[tilespmem:s31], [sflag:$0x1] =	stream.indirect.gather [spmem:s2], $0x10, s22, s28, $0xb8;
	[tilespmem:$0x7710] =	vst v63  }
0x108: {  	s25 =	rddreg [dreg:$0x9]  }
0x109: {  	[spmem:s3] =	stream.indirect.scatter.add.f32 [tilespmem:s29], [sflag:$0x2], $0x10, s25, s28, $0xb8;
	[tilespmem:$0x7710] =	vst v63  }
0x10a: {  	_ =	swait.ge [sflag:s30], $0x800  }
0x10b: {  	[sflag:s30] =	ssyncset.done $0x0  }
0x10c: {  	[sflag:s30] =	ssyncadd.s32 $0xFFFFF800  }
0x10d: {  	_ =	swait.ge [sflag:s1], $0x800  }
0x10e: {  	[sflag:s1] =	ssyncset.done $0x0  }
0x10f: {  	s22 =	rddreg [dreg:$0xa];
	[sflag:s1] =	ssyncadd.s32 $0xFFFFF800  }
0x110: {  	[tilespmem:s29], [sflag:$0x1] =	stream.indirect.gather [spmem:s2], $0x10, s22, s28, $0xb8;
	[tilespmem:$0x7710] =	vst v63  }
0x111: {  	s25 =	rddreg [dreg:$0xb]  }
0x112: {  	[spmem:s3] =	stream.indirect.scatter.add.f32 [tilespmem:s31], [sflag:$0x2], $0x10, s25, s28, $0xb8;
	[tilespmem:$0x7710] =	vst v63  }
0x113: {  	_ =	swait.ge [sflag:s30], $0x800  }
0x114: {  	[sflag:s30] =	ssyncset.done $0x0  }
0x115: {  	[sflag:s30] =	ssyncadd.s32 $0xFFFFF800  }
0x116: {  	_ =	swait.ge [sflag:s1], $0x800  }
0x117: {  	[sflag:s1] =	ssyncset.done $0x0  }
0x118: {  	s22 =	rddreg [dreg:$0xc];
	[sflag:s1] =	ssyncadd.s32 $0xFFFFF800  }
0x119: {  	[tilespmem:s31], [sflag:$0x1] =	stream.indirect.gather [spmem:s2], $0x10, s22, s28, $0xb8;
	[tilespmem:$0x7710] =	vst v63  }
0x11a: {  	s25 =	rddreg [dreg:$0xd]  }
0x11b: {  	[spmem:s3] =	stream.indirect.scatter.add.f32 [tilespmem:s29], [sflag:$0x2], $0x10, s25, s28, $0xb8;
	[tilespmem:$0x7710] =	vst v63  }
0x11c: {  	_ =	swait.ge [sflag:s30], $0x800  }
0x11d: {  	[sflag:s30] =	ssyncset.done $0x0  }
0x11e: {  	[sflag:s30] =	ssyncadd.s32 $0xFFFFF800  }
0x11f: {  	_ =	swait.ge [sflag:s1], $0x800  }
0x120: {  	[sflag:s1] =	ssyncset.done $0x0  }
0x121: {  	s22 =	rddreg [dreg:$0xe];
	[sflag:s1] =	ssyncadd.s32 $0xFFFFF800  }
0x122: {  	[tilespmem:s29], [sflag:$0x1] =	stream.indirect.gather [spmem:s2], $0x10, s22, s28, $0xb8;
	[tilespmem:$0x7710] =	vst v63  }
0x123: {  	s25 =	rddreg [dreg:$0xf]  }
0x124: {  	[spmem:s3] =	stream.indirect.scatter.add.f32 [tilespmem:s31], [sflag:$0x2], $0x10, s25, s28, $0xb8;
	[tilespmem:$0x7710] =	vst v63  }
0x125: {  	_ =	swait.ge [sflag:s30], $0x800  }
0x126: {  	[sflag:s30] =	ssyncset.done $0x0  }
0x127: {  	[sflag:s30] =	ssyncadd.s32 $0xFFFFF800  }
0x128: {  	_ =	swait.ge [sflag:s1], $0x800  }
0x129: {  	[sflag:s1] =	ssyncset.done $0x0  }
0x12a: {  	s22 =	rddreg [dreg:$0x10];
	[sflag:s1] =	ssyncadd.s32 $0xFFFFF800  }
0x12b: {  	[tilespmem:s31], [sflag:$0x1] =	stream.indirect.gather [spmem:s2], $0x10, s22, s28, $0xb8;
	[tilespmem:$0x7710] =	vst v63  }
0x12c: {  	s25 =	rddreg [dreg:$0x11]  }
0x12d: {  	[spmem:s3] =	stream.indirect.scatter.add.f32 [tilespmem:s29], [sflag:$0x2], $0x10, s25, s28, $0xb8;
	[tilespmem:$0x7710] =	vst v63  }
0x12e: {  	_ =	swait.ge [sflag:s30], $0x800  }
0x12f: {  	[sflag:s30] =	ssyncset.done $0x0  }
0x130: {  	[sflag:s30] =	ssyncadd.s32 $0xFFFFF800  }
0x131: {  	_ =	swait.ge [sflag:s1], $0x800  }
0x132: {  	[sflag:s1] =	ssyncset.done $0x0  }
0x133: {  	[sflag:s1] =	ssyncadd.s32 $0xFFFFF800  }
0x134: {  	[tilespmem:s29], [sflag:$0x1] =	stream.indirect.gather [spmem:s2], $0x10, s0, s28, $0xb8;
	[tilespmem:$0x7710] =	vst v63  }
0x135: {  	_ = 	snop  }
0x136: {  	[spmem:s3] =	stream.indirect.scatter.add.f32 [tilespmem:s31], [sflag:$0x2], $0x10, s5, s28, $0xb8;
	[tilespmem:$0x7710] =	vst v63  }
0x137: {  	_ =	swait.ge [sflag:s30], $0x800  }
0x138: {  	[sflag:s30] =	ssyncset.done $0x0  }
0x139: {  	[sflag:s30] =	ssyncadd.s32 $0xFFFFF800  }
0x13a: {  	_ =	swait.ge [sflag:s1], $0x800  }
0x13b: {  	[sflag:s1] =	ssyncset.done $0x0  }
0x13c: {  	[sflag:s1] =	ssyncadd.s32 $0xFFFFF800  }
0x13d: {  	[tilespmem:s31], [sflag:$0x1] =	stream.indirect.gather [spmem:s2], $0x10, s6, s28, $0xb8;
	[tilespmem:$0x7710] =	vst v63  }
0x13e: {  	_ = 	snop  }
0x13f: {  	[spmem:s3] =	stream.indirect.scatter.add.f32 [tilespmem:s29], [sflag:$0x2], $0x10, s8, s28, $0xb8;
	[tilespmem:$0x7710] =	vst v63  }
0x140: {  	_ =	swait.ge [sflag:s30], $0x800  }
0x141: {  	[sflag:s30] =	ssyncset.done $0x0  }
0x142: {  	[sflag:s30] =	ssyncadd.s32 $0xFFFFF800  }
0x143: {  	_ =	swait.ge [sflag:s1], $0x800  }
0x144: {  	[sflag:s1] =	ssyncset.done $0x0  }
0x145: {  	[sflag:s1] =	ssyncadd.s32 $0xFFFFF800  }
0x146: {  	[tilespmem:s29], [sflag:$0x1] =	stream.indirect.gather [spmem:s2], $0x10, s9, s28, $0xb8;
	[tilespmem:$0x7710] =	vst v63  }
0x147: {  	_ = 	snop  }
0x148: {  	[spmem:s3] =	stream.indirect.scatter.add.f32 [tilespmem:s31], [sflag:$0x2], $0x10, s10, s28, $0xb8;
	[tilespmem:$0x7710] =	vst v63  }
0x149: {  	_ =	swait.ge [sflag:s30], $0x800  }
0x14a: {  	[sflag:s30] =	ssyncset.done $0x0  }
0x14b: {  	[sflag:s30] =	ssyncadd.s32 $0xFFFFF800  }
0x14c: {  	_ =	swait.ge [sflag:s1], $0x800  }
0x14d: {  	[sflag:s1] =	ssyncset.done $0x0  }
0x14e: {  	[sflag:s1] =	ssyncadd.s32 $0xFFFFF800  }
0x14f: {  	[tilespmem:s31], [sflag:$0x1] =	stream.indirect.gather [spmem:s2], $0x10, s11, s28, $0xb8;
	[tilespmem:$0x7710] =	vst v63  }
0x150: {  	_ = 	snop  }
0x151: {  	[spmem:s3] =	stream.indirect.scatter.add.f32 [tilespmem:s29], [sflag:$0x2], $0x10, s12, s28, $0xb8;
	[tilespmem:$0x7710] =	vst v63  }
0x152: {  	_ =	swait.ge [sflag:s30], $0x800  }
0x153: {  	[sflag:s30] =	ssyncset.done $0x0  }
0x154: {  	[sflag:s30] =	ssyncadd.s32 $0xFFFFF800  }
0x155: {  	_ =	swait.ge [sflag:s1], $0x800  }
0x156: {  	[sflag:s1] =	ssyncset.done $0x0  }
0x157: {  	[sflag:s1] =	ssyncadd.s32 $0xFFFFF800  }
0x158: {  	[tilespmem:s29], [sflag:$0x1] =	stream.indirect.gather [spmem:s2], $0x10, s13, s28, $0xb8;
	[tilespmem:$0x7710] =	vst v63  }
0x159: {  	_ = 	snop  }
0x15a: {  	[spmem:s3] =	stream.indirect.scatter.add.f32 [tilespmem:s31], [sflag:$0x2], $0x10, s14, s28, $0xb8;
	[tilespmem:$0x7710] =	vst v63  }
0x15b: {  	_ =	swait.ge [sflag:s30], $0x800  }
0x15c: {  	[sflag:s30] =	ssyncset.done $0x0  }
0x15d: {  	[sflag:s30] =	ssyncadd.s32 $0xFFFFF800  }
0x15e: {  	_ =	swait.ge [sflag:s1], $0x800  }
0x15f: {  	[sflag:s1] =	ssyncset.done $0x0  }
0x160: {  	[sflag:s1] =	ssyncadd.s32 $0xFFFFF800  }
0x161: {  	[tilespmem:s31], [sflag:$0x1] =	stream.indirect.gather [spmem:s2], $0x10, s15, s28, $0xb8;
	[tilespmem:$0x7710] =	vst v63  }
0x162: {  	_ = 	snop  }
0x163: {  	[spmem:s3] =	stream.indirect.scatter.add.f32 [tilespmem:s29], [sflag:$0x2], $0x10, s16, s28, $0xb8;
	[tilespmem:$0x7710] =	vst v63  }
0x164: {  	_ =	swait.ge [sflag:s30], $0x800  }
0x165: {  	[sflag:s30] =	ssyncset.done $0x0  }
0x166: {  	[sflag:s30] =	ssyncadd.s32 $0xFFFFF800  }
0x167: {  	_ =	swait.ge [sflag:s1], $0x800  }
0x168: {  	[sflag:s1] =	ssyncset.done $0x0  }
0x169: {  	[sflag:s1] =	ssyncadd.s32 $0xFFFFF800  }
0x16a: {  	[tilespmem:s29], [sflag:$0x1] =	stream.indirect.gather [spmem:s2], $0x10, s17, s28, $0xb8;
	[tilespmem:$0x7710] =	vst v63  }
0x16b: {  	_ = 	snop  }
0x16c: {  	[spmem:s3] =	stream.indirect.scatter.add.f32 [tilespmem:s31], [sflag:$0x2], $0x10, s18, s28, $0xb8;
	[tilespmem:$0x7710] =	vst v63  }
0x16d: {  	_ =	swait.ge [sflag:s30], $0x800  }
0x16e: {  	[sflag:s30] =	ssyncset.done $0x0  }
0x16f: {  	[sflag:s30] =	ssyncadd.s32 $0xFFFFF800  }
0x170: {  	_ =	swait.ge [sflag:s1], $0x800  }
0x171: {  	[sflag:s1] =	ssyncset.done $0x0  }
0x172: {  	[sflag:s1] =	ssyncadd.s32 $0xFFFFF800  }
0x173: {  	[tilespmem:s31], [sflag:$0x1] =	stream.indirect.gather [spmem:s2], $0x10, s19, s28, $0xb8;
	[tilespmem:$0x7710] =	vst v63  }
0x174: {  	_ = 	snop  }
0x175: {  	[spmem:s3] =	stream.indirect.scatter.add.f32 [tilespmem:s29], [sflag:$0x2], $0x10, s20, s28, $0xb8;
	[tilespmem:$0x7710] =	vst v63  }
0x176: {  	_ =	swait.ge [sflag:s30], $0x800  }
0x177: {  	[sflag:s30] =	ssyncset.done $0x0  }
0x178: {  	p0 =	sne.s32 s7, $0x400;
	[sflag:s30] =	ssyncadd.s32 $0xFFFFF800  }
0x179: {  	[spmem:s3] =	stream.indirect.scatter.add.f32 [tilespmem:s31], [sflag:$0x2], $0x10, s21, s28, $0xb8;
	[tilespmem:$0x7710] =	vst v63  }
.Ltmp1:
0x17a: {  	_ =	swait.ge [sflag:s1], $0x800;
	(pc) =	sbr.rel @p0 .LBB2_4-.Ltmp1, $4  }
0x17b: {  	[sflag:s1] =	ssyncset.done $0x0  }
0x17c: {  	[sflag:s1] =	ssyncadd.s32 $0xFFFFF800  }
0x17d: {  	_ =	swait.ge [sflag:s1], $0x800  }
0x17e: {  	s7 =	sadd.s32 $0x100, s7;
	s25 =	rddreg [dreg:$0x5];
	[sflag:s1] =	ssyncset.done $0x0  }
0x17f: {  	[sflag:s1] =	ssyncadd.s32 $0xFFFFF800;
	s7 =	sadd.s32 s23, s25  }
0x180: {  	[tilespmem:s4], [sflag:$0x3] =	stream.linear.gather [hbm4b:s7+s4], $0x800, $0x38;
	[tilespmem:$0x7710] =	vst v63  }
0x181: {  	_ =	swait.ge [sflag:s24], $0x800  }
0x182: {  	s22 =	rddreg [dreg:$0x4];
	[sflag:s24] =	ssyncset.done $0x0  }
0x183: {  	[sflag:s24] =	ssyncadd.s32 $0xFFFFF800;
	s7 =	sadd.s32 s23, s22  }
0x184: {  	[tilespmem:s26], [sflag:$0x3] =	stream.linear.gather [hbm4b:s7+s4], $0x800, $0x38;
	[tilespmem:$0x7710] =	vst v63  }
0x185: {  	_ =	swait.ge [sflag:s24], $0x800  }
0x186: {  	[sflag:s24] =	ssyncset.done $0x0  }
0x187: {  	[sflag:s24] =	ssyncadd.s32 $0xFFFFF800  }
0x188: {  	[tilespmem:s29], [sflag:$0x1] =	stream.indirect.gather [spmem:s2], $0x10, s4, s28, $0xb8;
	[tilespmem:$0x7710] =	vst v63  }
0x189: {  	_ =	swait.ge [sflag:s30], $0x800  }
0x18a: {  	[sflag:s30] =	ssyncset.done $0x0  }
0x18b: {  	[sflag:s30] =	ssyncadd.s32 $0xFFFFF800  }
0x18c: {  	[tilespmem:s31], [sflag:$0x1] =	stream.indirect.gather [spmem:s2], $0x10, s28, s28, $0xb8;
	[tilespmem:$0x7710] =	vst v63  }
0x18d: {  	_ = 	snop  }
0x18e: {  	[spmem:s3] =	stream.indirect.scatter.add.f32 [tilespmem:s29], [sflag:$0x2], $0x10, s26, s28, $0xb8;
	[tilespmem:$0x7710] =	vst v63  }
0x18f: {  	_ =	swait.ge [sflag:s30], $0x800  }
0x190: {  	[sflag:s30] =	ssyncset.done $0x0  }
0x191: {  	[sflag:s30] =	ssyncadd.s32 $0xFFFFF800  }
0x192: {  	_ =	swait.ge [sflag:s1], $0x800  }
0x193: {  	[sflag:s1] =	ssyncset.done $0x0  }
0x194: {  	s25 =	rddreg [dreg:$0x6];
	[sflag:s1] =	ssyncadd.s32 $0xFFFFF800  }
0x195: {  	[tilespmem:s29], [sflag:$0x1] =	stream.indirect.gather [spmem:s2], $0x10, s25, s28, $0xb8;
	[tilespmem:$0x7710] =	vst v63  }
0x196: {  	s22 =	rddreg [dreg:$0x7]  }
0x197: {  	[spmem:s3] =	stream.indirect.scatter.add.f32 [tilespmem:s31], [sflag:$0x2], $0x10, s22, s28, $0xb8;
	[tilespmem:$0x7710] =	vst v63  }
0x198: {  	_ =	swait.ge [sflag:s30], $0x800  }
0x199: {  	[sflag:s30] =	ssyncset.done $0x0  }
0x19a: {  	[sflag:s30] =	ssyncadd.s32 $0xFFFFF800  }
0x19b: {  	_ =	swait.ge [sflag:s1], $0x800  }
0x19c: {  	[sflag:s1] =	ssyncset.done $0x0  }
0x19d: {  	s23 =	rddreg [dreg:$0x8];
	[sflag:s1] =	ssyncadd.s32 $0xFFFFF800  }
0x19e: {  	[tilespmem:s31], [sflag:$0x1] =	stream.indirect.gather [spmem:s2], $0x10, s23, s28, $0xb8;
	[tilespmem:$0x7710] =	vst v63  }
0x19f: {  	s25 =	rddreg [dreg:$0x9]  }
0x1a0: {  	[spmem:s3] =	stream.indirect.scatter.add.f32 [tilespmem:s29], [sflag:$0x2], $0x10, s25, s28, $0xb8;
	[tilespmem:$0x7710] =	vst v63  }
0x1a1: {  	_ =	swait.ge [sflag:s30], $0x800  }
0x1a2: {  	[sflag:s30] =	ssyncset.done $0x0  }
0x1a3: {  	[sflag:s30] =	ssyncadd.s32 $0xFFFFF800  }
0x1a4: {  	_ =	swait.ge [sflag:s1], $0x800  }
0x1a5: {  	[sflag:s1] =	ssyncset.done $0x0  }
0x1a6: {  	s23 =	rddreg [dreg:$0xa];
	[sflag:s1] =	ssyncadd.s32 $0xFFFFF800  }
0x1a7: {  	[tilespmem:s29], [sflag:$0x1] =	stream.indirect.gather [spmem:s2], $0x10, s23, s28, $0xb8;
	[tilespmem:$0x7710] =	vst v63  }
0x1a8: {  	s25 =	rddreg [dreg:$0xb]  }
0x1a9: {  	[spmem:s3] =	stream.indirect.scatter.add.f32 [tilespmem:s31], [sflag:$0x2], $0x10, s25, s28, $0xb8;
	[tilespmem:$0x7710] =	vst v63  }
0x1aa: {  	_ =	swait.ge [sflag:s30], $0x800  }
0x1ab: {  	[sflag:s30] =	ssyncset.done $0x0  }
0x1ac: {  	[sflag:s30] =	ssyncadd.s32 $0xFFFFF800  }
0x1ad: {  	_ =	swait.ge [sflag:s1], $0x800  }
0x1ae: {  	[sflag:s1] =	ssyncset.done $0x0  }
0x1af: {  	s23 =	rddreg [dreg:$0xc];
	[sflag:s1] =	ssyncadd.s32 $0xFFFFF800  }
0x1b0: {  	[tilespmem:s31], [sflag:$0x1] =	stream.indirect.gather [spmem:s2], $0x10, s23, s28, $0xb8;
	[tilespmem:$0x7710] =	vst v63  }
0x1b1: {  	s25 =	rddreg [dreg:$0xd]  }
0x1b2: {  	[spmem:s3] =	stream.indirect.scatter.add.f32 [tilespmem:s29], [sflag:$0x2], $0x10, s25, s28, $0xb8;
	[tilespmem:$0x7710] =	vst v63  }
0x1b3: {  	_ =	swait.ge [sflag:s30], $0x800  }
0x1b4: {  	[sflag:s30] =	ssyncset.done $0x0  }
0x1b5: {  	[sflag:s30] =	ssyncadd.s32 $0xFFFFF800  }
0x1b6: {  	_ =	swait.ge [sflag:s1], $0x800  }
0x1b7: {  	[sflag:s1] =	ssyncset.done $0x0  }
0x1b8: {  	s23 =	rddreg [dreg:$0xe];
	[sflag:s1] =	ssyncadd.s32 $0xFFFFF800  }
0x1b9: {  	[tilespmem:s29], [sflag:$0x1] =	stream.indirect.gather [spmem:s2], $0x10, s23, s28, $0xb8;
	[tilespmem:$0x7710] =	vst v63  }
0x1ba: {  	s25 =	rddreg [dreg:$0xf]  }
0x1bb: {  	[spmem:s3] =	stream.indirect.scatter.add.f32 [tilespmem:s31], [sflag:$0x2], $0x10, s25, s28, $0xb8;
	[tilespmem:$0x7710] =	vst v63  }
0x1bc: {  	_ =	swait.ge [sflag:s30], $0x800  }
0x1bd: {  	[sflag:s30] =	ssyncset.done $0x0  }
0x1be: {  	[sflag:s30] =	ssyncadd.s32 $0xFFFFF800  }
0x1bf: {  	_ =	swait.ge [sflag:s1], $0x800  }
0x1c0: {  	[sflag:s1] =	ssyncset.done $0x0  }
0x1c1: {  	s23 =	rddreg [dreg:$0x10];
	[sflag:s1] =	ssyncadd.s32 $0xFFFFF800  }
0x1c2: {  	[tilespmem:s31], [sflag:$0x1] =	stream.indirect.gather [spmem:s2], $0x10, s23, s28, $0xb8;
	[tilespmem:$0x7710] =	vst v63  }
0x1c3: {  	s25 =	rddreg [dreg:$0x11]  }
0x1c4: {  	[spmem:s3] =	stream.indirect.scatter.add.f32 [tilespmem:s29], [sflag:$0x2], $0x10, s25, s28, $0xb8;
	[tilespmem:$0x7710] =	vst v63  }
0x1c5: {  	_ =	swait.ge [sflag:s30], $0x800  }
0x1c6: {  	[sflag:s30] =	ssyncset.done $0x0  }
0x1c7: {  	[sflag:s30] =	ssyncadd.s32 $0xFFFFF800  }
0x1c8: {  	_ =	swait.ge [sflag:s1], $0x800  }
0x1c9: {  	[sflag:s1] =	ssyncset.done $0x0  }
0x1ca: {  	[sflag:s1] =	ssyncadd.s32 $0xFFFFF800  }
0x1cb: {  	[tilespmem:s29], [sflag:$0x1] =	stream.indirect.gather [spmem:s2], $0x10, s0, s28, $0xb8;
	[tilespmem:$0x7710] =	vst v63  }
0x1cc: {  	_ = 	snop  }
0x1cd: {  	[spmem:s3] =	stream.indirect.scatter.add.f32 [tilespmem:s31], [sflag:$0x2], $0x10, s5, s28, $0xb8;
	[tilespmem:$0x7710] =	vst v63  }
0x1ce: {  	_ =	swait.ge [sflag:s30], $0x800  }
0x1cf: {  	[sflag:s30] =	ssyncset.done $0x0  }
0x1d0: {  	[sflag:s30] =	ssyncadd.s32 $0xFFFFF800  }
0x1d1: {  	_ =	swait.ge [sflag:s1], $0x800  }
0x1d2: {  	[sflag:s1] =	ssyncset.done $0x0  }
0x1d3: {  	[sflag:s1] =	ssyncadd.s32 $0xFFFFF800  }
0x1d4: {  	[tilespmem:s31], [sflag:$0x1] =	stream.indirect.gather [spmem:s2], $0x10, s6, s28, $0xb8;
	[tilespmem:$0x7710] =	vst v63  }
0x1d5: {  	_ = 	snop  }
0x1d6: {  	[spmem:s3] =	stream.indirect.scatter.add.f32 [tilespmem:s29], [sflag:$0x2], $0x10, s8, s28, $0xb8;
	[tilespmem:$0x7710] =	vst v63  }
0x1d7: {  	_ =	swait.ge [sflag:s30], $0x800  }
0x1d8: {  	[sflag:s30] =	ssyncset.done $0x0  }
0x1d9: {  	[sflag:s30] =	ssyncadd.s32 $0xFFFFF800  }
0x1da: {  	_ =	swait.ge [sflag:s1], $0x800  }
0x1db: {  	[sflag:s1] =	ssyncset.done $0x0  }
0x1dc: {  	[sflag:s1] =	ssyncadd.s32 $0xFFFFF800  }
0x1dd: {  	[tilespmem:s29], [sflag:$0x1] =	stream.indirect.gather [spmem:s2], $0x10, s9, s28, $0xb8;
	[tilespmem:$0x7710] =	vst v63  }
0x1de: {  	_ = 	snop  }
0x1df: {  	[spmem:s3] =	stream.indirect.scatter.add.f32 [tilespmem:s31], [sflag:$0x2], $0x10, s10, s28, $0xb8;
	[tilespmem:$0x7710] =	vst v63  }
0x1e0: {  	_ =	swait.ge [sflag:s30], $0x800  }
0x1e1: {  	[sflag:s30] =	ssyncset.done $0x0  }
0x1e2: {  	[sflag:s30] =	ssyncadd.s32 $0xFFFFF800  }
0x1e3: {  	_ =	swait.ge [sflag:s1], $0x800  }
0x1e4: {  	[sflag:s1] =	ssyncset.done $0x0  }
0x1e5: {  	[sflag:s1] =	ssyncadd.s32 $0xFFFFF800  }
0x1e6: {  	[tilespmem:s31], [sflag:$0x1] =	stream.indirect.gather [spmem:s2], $0x10, s11, s28, $0xb8;
	[tilespmem:$0x7710] =	vst v63  }
0x1e7: {  	_ = 	snop  }
0x1e8: {  	[spmem:s3] =	stream.indirect.scatter.add.f32 [tilespmem:s29], [sflag:$0x2], $0x10, s12, s28, $0xb8;
	[tilespmem:$0x7710] =	vst v63  }
0x1e9: {  	_ =	swait.ge [sflag:s30], $0x800  }
0x1ea: {  	[sflag:s30] =	ssyncset.done $0x0  }
0x1eb: {  	[sflag:s30] =	ssyncadd.s32 $0xFFFFF800  }
0x1ec: {  	_ =	swait.ge [sflag:s1], $0x800  }
0x1ed: {  	[sflag:s1] =	ssyncset.done $0x0  }
0x1ee: {  	[sflag:s1] =	ssyncadd.s32 $0xFFFFF800  }
0x1ef: {  	[tilespmem:s29], [sflag:$0x1] =	stream.indirect.gather [spmem:s2], $0x10, s13, s28, $0xb8;
	[tilespmem:$0x7710] =	vst v63  }
0x1f0: {  	_ = 	snop  }
0x1f1: {  	[spmem:s3] =	stream.indirect.scatter.add.f32 [tilespmem:s31], [sflag:$0x2], $0x10, s14, s28, $0xb8;
	[tilespmem:$0x7710] =	vst v63  }
0x1f2: {  	_ =	swait.ge [sflag:s30], $0x800  }
0x1f3: {  	[sflag:s30] =	ssyncset.done $0x0  }
0x1f4: {  	[sflag:s30] =	ssyncadd.s32 $0xFFFFF800  }
0x1f5: {  	_ =	swait.ge [sflag:s1], $0x800  }
0x1f6: {  	[sflag:s1] =	ssyncset.done $0x0  }
0x1f7: {  	[sflag:s1] =	ssyncadd.s32 $0xFFFFF800  }
0x1f8: {  	[tilespmem:s31], [sflag:$0x1] =	stream.indirect.gather [spmem:s2], $0x10, s15, s28, $0xb8;
	[tilespmem:$0x7710] =	vst v63  }
0x1f9: {  	_ = 	snop  }
0x1fa: {  	[spmem:s3] =	stream.indirect.scatter.add.f32 [tilespmem:s29], [sflag:$0x2], $0x10, s16, s28, $0xb8;
	[tilespmem:$0x7710] =	vst v63  }
0x1fb: {  	_ =	swait.ge [sflag:s30], $0x800  }
0x1fc: {  	[sflag:s30] =	ssyncset.done $0x0  }
0x1fd: {  	[sflag:s30] =	ssyncadd.s32 $0xFFFFF800  }
0x1fe: {  	_ =	swait.ge [sflag:s1], $0x800  }
0x1ff: {  	[sflag:s1] =	ssyncset.done $0x0  }
0x200: {  	[sflag:s1] =	ssyncadd.s32 $0xFFFFF800  }
0x201: {  	[tilespmem:s29], [sflag:$0x1] =	stream.indirect.gather [spmem:s2], $0x10, s17, s28, $0xb8;
	[tilespmem:$0x7710] =	vst v63  }
0x202: {  	_ = 	snop  }
0x203: {  	[spmem:s3] =	stream.indirect.scatter.add.f32 [tilespmem:s31], [sflag:$0x2], $0x10, s18, s28, $0xb8;
	[tilespmem:$0x7710] =	vst v63  }
0x204: {  	_ =	swait.ge [sflag:s30], $0x800  }
0x205: {  	[sflag:s30] =	ssyncset.done $0x0  }
0x206: {  	[sflag:s30] =	ssyncadd.s32 $0xFFFFF800  }
0x207: {  	_ =	swait.ge [sflag:s1], $0x800  }
0x208: {  	[sflag:s1] =	ssyncset.done $0x0  }
0x209: {  	[sflag:s1] =	ssyncadd.s32 $0xFFFFF800  }
0x20a: {  	[tilespmem:s31], [sflag:$0x1] =	stream.indirect.gather [spmem:s2], $0x10, s19, s28, $0xb8;
	[tilespmem:$0x7710] =	vst v63  }
0x20b: {  	_ = 	snop  }
0x20c: {  	[spmem:s3] =	stream.indirect.scatter.add.f32 [tilespmem:s29], [sflag:$0x2], $0x10, s20, s28, $0xb8;
	[tilespmem:$0x7710] =	vst v63  }
0x20d: {  	_ =	swait.ge [sflag:s30], $0x800  }
0x20e: {  	[sflag:s30] =	ssyncset.done $0x0  }
0x20f: {  	[sflag:s30] =	ssyncadd.s32 $0xFFFFF800  }
0x210: {  	[spmem:s3] =	stream.indirect.scatter.add.f32 [tilespmem:s31], [sflag:$0x2], $0x10, s21, s28, $0xb8;
	[tilespmem:$0x7710] =	vst v63  }
0x211: {  	_ =	swait.ge [sflag:s1], $0x800  }
0x212: {  	[sflag:s1] =	ssyncset.done $0x0  }
0x213: {  	[sflag:s1] =	ssyncadd.s32 $0xFFFFF800  }
0x214: {  	_ =	swait.ge [sflag:s1], $0x800  }
0x215: {  	[sflag:s1] =	ssyncset.done $0x0  }
0x216: {  	[sflag:s1] =	ssyncadd.s32 $0xFFFFF800  }
0x217: {  	[bflag:$0x0] =	sbarrier.arrive $0xFFFF  }
0x218: {  	s22 =	rddreg [dreg:$0x15]  }
0x219: {  	[tilespmem:s29], [sflag:$0x3] =	stream.linear.gather [spmem:s22], $0x800, $0x38;
	[tilespmem:$0x7710] =	vst v63  }
0x21a: {  	_ =	swait.ge [sflag:s24], $0x800  }
0x21b: {  	[sflag:s24] =	ssyncset.done $0x0  }
0x21c: {  	s23 =	rddreg [dreg:$0x1b];
	[sflag:s24] =	ssyncadd.s32 $0xFFFFF800  }
0x21d: {  	[hbm4b:s23+s4] =	stream.linear.scatter [tilespmem:s29], [sflag:$0x3], $0x800, $0x38;
	[tilespmem:$0x7710] =	vst v63  }
0x21e: {  	_ =	swait.ge [sflag:s24], $0x800  }
0x21f: {  	[sflag:s24] =	ssyncset.done $0x0  }
0x220: {  	s25 =	rddreg [dreg:$0x1c];
	[sflag:s24] =	ssyncadd.s32 $0xFFFFF800  }
0x221: {  	[tilespmem:s29], [sflag:$0x3] =	stream.linear.gather [spmem:s25], $0x800, $0x38;
	[tilespmem:$0x7710] =	vst v63  }
0x222: {  	_ =	swait.ge [sflag:s24], $0x800  }
0x223: {  	[sflag:s24] =	ssyncset.done $0x0  }
0x224: {  	s22 =	rddreg [dreg:$0x1d];
	[sflag:s24] =	ssyncadd.s32 $0xFFFFF800  }
0x225: {  	[hbm4b:s22+s4] =	stream.linear.scatter [tilespmem:s29], [sflag:$0x3], $0x800, $0x38;
	[tilespmem:$0x7710] =	vst v63  }
0x226: {  	_ =	swait.ge [sflag:s24], $0x800  }
0x227: {  	[sflag:s24] =	ssyncset.done $0x0  }
0x228: {  	s23 =	rddreg [dreg:$0x1e];
	[sflag:s24] =	ssyncadd.s32 $0xFFFFF800  }
0x229: {  	[tilespmem:s29], [sflag:$0x3] =	stream.linear.gather [spmem:s23], $0x800, $0x38;
	[tilespmem:$0x7710] =	vst v63  }
0x22a: {  	_ =	swait.ge [sflag:s24], $0x800  }
0x22b: {  	[sflag:s24] =	ssyncset.done $0x0  }
0x22c: {  	s25 =	rddreg [dreg:$0x1f];
	[sflag:s24] =	ssyncadd.s32 $0xFFFFF800  }
0x22d: {  	[hbm4b:s25+s4] =	stream.linear.scatter [tilespmem:s29], [sflag:$0x3], $0x800, $0x38;
	[tilespmem:$0x7710] =	vst v63  }
0x22e: {  	_ =	swait.ge [sflag:s24], $0x800  }
0x22f: {  	s22 =	sld [smem:$0x7F9]  }
0x230: {  	[sflag:s24] =	ssyncset.done $0x0  }
0x231: {  	[sflag:s24] =	ssyncadd.s32 $0xFFFFF800  }
0x232: {  	[tilespmem:s29], [sflag:$0x3] =	stream.linear.gather [spmem:s22], $0x800, $0x38;
	[tilespmem:$0x7710] =	vst v63  }
0x233: {  	_ =	swait.ge [sflag:s24], $0x800  }
0x234: {  	s23 =	sld [smem:$0x7FA]  }
0x235: {  	[sflag:s24] =	ssyncset.done $0x0  }
0x236: {  	[sflag:s24] =	ssyncadd.s32 $0xFFFFF800  }
0x237: {  	[hbm4b:s23+s4] =	stream.linear.scatter [tilespmem:s29], [sflag:$0x3], $0x800, $0x38;
	[tilespmem:$0x7710] =	vst v63  }
0x238: {  	_ =	swait.ge [sflag:s24], $0x800  }
0x239: {  	s25 =	sld [smem:$0x7FB]  }
0x23a: {  	[sflag:s24] =	ssyncset.done $0x0  }
0x23b: {  	[sflag:s24] =	ssyncadd.s32 $0xFFFFF800  }
0x23c: {  	[tilespmem:s29], [sflag:$0x3] =	stream.linear.gather [spmem:s25], $0x800, $0x38;
	[tilespmem:$0x7710] =	vst v63  }
0x23d: {  	_ =	swait.ge [sflag:s24], $0x800  }
0x23e: {  	s22 =	sld [smem:$0x7FC]  }
0x23f: {  	[sflag:s24] =	ssyncset.done $0x0  }
0x240: {  	[sflag:s24] =	ssyncadd.s32 $0xFFFFF800  }
0x241: {  	[hbm4b:s22+s4] =	stream.linear.scatter [tilespmem:s29], [sflag:$0x3], $0x800, $0x38;
	[tilespmem:$0x7710] =	vst v63  }
0x242: {  	_ =	swait.ge [sflag:s24], $0x800  }
0x243: {  	s23 =	sld [smem:$0x7F8];
	_ =	sdelay $0x2  }
0x244: {  	s25 =	rddreg [dreg:$0x16];
	s22 =	sadd.s32 $0x1, s23  }
0x245: {  	p0 =	sne.s32 s22, s25  }
.Ltmp2:
0x246: {  	_ = 	snop;
	(pc) =	sbr.rel @p0 .LBB2_1-.Ltmp2, $3  }
0x247: {  	_ =	sdelay $0x1  }
0x248: {  	[sflag:s24] =	ssyncset.done $0x0  }
0x249: {  	[sflag:s24] =	ssyncadd.s32 $0xFFFFF800  }
0x24a: {  	_ =	sfence.sel $0x180000  }
0x24b: {  	[bflag:$0x0] =	sbarrier.arrive $0xFFFF  }
0x24c: {  	_ =	strace $0x9000004A  }
0x24d: {  	s0 =	stileid.u32;
	[bflag:$0x2] =	sbarrier.arrive $0xFFFF  }
0x24e: {  	p0 =	sne.s32 s0, $0x0;
	s0 =	rddreg [dreg:$0x3]  }
0x24f: {  	s0 =	sadd.s32 @!p0 $0x100000, s0  }
0x250: {  	[sflag:s0] =	ssyncadd.tile.s32 @!p0 $0x1;
	_ =	shalt  }
.Lfunc_end2:
_tile_overlayer_lowered:
.L_overlay_start_2:
0x251: {  	(tag) =	ssettag $0x2  }
0x252: {  	s0 =	rddreg [dreg:$0x0];
	s2 =	stileid.u32  }
0x253: {  	s1 =	rddreg [dreg:$0x1];
	p0 =	sne.s32 s2, $0x0  }
0x254: {  	s3 =	rddreg [dreg:$0x2];
	[bflag:$0x3] =	sbarrier.arrive $0xFFFF;
	s2 =	simm.s32 @!p0 $0x1C03  }
0x255: {  	[timem:s3], [sflag:s2] =	dma.local @!p0 [hbm:s0], s1  }
0x256: {  	s0 =	simm.s32 @!p0 $0x3  }
0x257: {  	_ =	swait.ge @!p0 [sflag:s0], s1  }
0x258: {  	s1 =	ssub.s32 @!p0 $0x0, s1;
	[sflag:s0] =	ssyncset.done @!p0 $0x0  }
0x259: {  	[sflag:s0] =	ssyncadd.s32 @!p0 s1  }
0x25a: {  	[bflag:$0x3] =	sbarrier.arrive $0xFFFF  }
0x25b: {  	_ =	shalt  }

// kernel: kernel.7.cloned.1.call-start
scs
__scs_entry_jumppad:
0x0: {  	(pc) =	sbr.rel $0x88, $3  }
0x1: {  	(tag) =	ssettag $0x0;
	lr =	simm.s32 $0x1  }
0x2: {  	[smem:$0x3F97] =	sst lr;
	_ =	strace $0xD0000000  }
0x3: {  	_ = 	snop  }
0x4: {  	_ = 	snop  }
0x5: {  	_ = 	snop  }
0x6: {  	_ = 	snop  }
0x7: {  	_ = 	snop  }
__scs_overlays_trampoline_lowered:
0x8: {  	[smem:$0x3FA6] =	sst s0  }
0x9: {  	[smem:$0x3FA7] =	sst s1  }
0xa: {  	[smem:$0x3FA8] =	sst s2  }
0xb: {  	[smem:$0x3FA9] =	sst s3  }
0xc: {  	[smem:$0x3FAA] =	sst s4  }
0xd: {  	[smem:$0x3FAB] =	sst s5  }
0xe: {  	[smem:$0x3FAC] =	sst s6  }
0xf: {  	[smem:$0x3FAD] =	sst s7  }
0x10: {  	[smem:$0x3FAE] =	sst s8  }
0x11: {  	[smem:$0x3FAF] =	sst s9;
	s0 =	simm.s32 @!p0 $0x0  }
0x12: {  	s1 =	sld [smem:$0x3F95];
	s0 =	simm.s32 @p0 $0x1  }
0x13: {  	[smem:$0x3FB0] =	sst s0;
	s0 =	simm.s32 @!p1 $0x0  }
0x14: {  	s2 =	sld [smem:$0x3F94];
	s0 =	simm.s32 @p1 $0x1  }
0x15: {  	[smem:$0x3FB1] =	sst s0;
	s0 =	simm.s32 @!p2 $0x0  }
0x16: {  	s3 =	sld [smem:$0x3FDB];
	s0 =	simm.s32 @p2 $0x1  }
0x17: {  	s4 =	simm.s32 $0x1BF5;
	[smem:$0x3FB3] =	sst s0  }
0x18: {  	s0 =	sld [smem:$0x3F96];
	_ =	swait.ge [sflag:s4], $0x0  }
0x19: {  	s7 =	sld [smem:$0x3F97]  }
0x1a: {  	s8 =	sadd.s32 $0xFFFFE003, lr  }
0x1b: {  	s9 =	sadd.s32 $0xFFFFFEF7, lr;
	s5 =	simm.s32 $0xFFFFFFFF;
	p2 =	slt.u32 s8, $0xFFFFF086  }
0x1c: {  	p1 =	slt.u32 s9, $0xF7A;
	s5 =	simm.s32 @!p2 $0x0  }
0x1d: {  	s5 =	simm.s32 @p1 $0x1;
	p0 =	seq.s32 s7, s2  }
0x1e: {  	s7 =	smul.u32 @!p0 $0xF7A, s2;
	p2 =	seq.s32 @!p0 s5, $0x0  }
0x1f: {  	s9 =	smul.u32 $0xF7A, s1;
	s8 =	simm.s32 @!p0 $0x1BF5;
	p2 =	por !p2, p0  }
0x20: {  	[sflag:s8] =	ssyncset.s32 @!p0 $0xFFFFF086;
	s6 =	sadd.s32 @!p0 s3, s7;
	s7 =	simm.s32 @!p0 $0x108  }
0x21: {  	s3 =	sadd.s32 s3, s9;
	s6 =	sadd.s32 @!p0 $0x88, s6;
	s7 =	simm.s32 @p2 $0x1082  }
0x22: {  	[simem:s7], [sflag:s8] =	dma.local @!p0 [hbm:s6], $0xF7A  }
0x23: {  	s9 =	sor.u32 $0xD0000000, s2;
	s6 =	simm.s32 $0x108;
	_ =	swait.ge @!p0 [sflag:s8], $0x0  }
0x24: {  	s3 =	sadd.s32 $0x88, s3;
	s6 =	simm.s32 @!p1 $0x1082;
	[sflag:s4] =	ssyncset.s32 $0xFFFFF086  }
0x25: {  	[simem:s6], [sflag:s4] =	dma.local [hbm:s3], $0xF7A  }
0x26: {  	[smem:$0x3F97] =	sst s1;
	(tag) =	ssettag s2;
	_ =	strace s9  }
0x27: {  	s1 =	sld [smem:$0x3FA7]  }
0x28: {  	s2 =	sld [smem:$0x3FA8]  }
0x29: {  	s4 =	sld [smem:$0x3FAA]  }
0x2a: {  	p0 =	seq.s32 s5, $0x0;
	s5 =	sld [smem:$0x3FAB]  }
0x2b: {  	s6 =	sld [smem:$0x3FAC]  }
0x2c: {  	s7 =	sld [smem:$0x3FAD]  }
0x2d: {  	s3 =	simm.s32 $0x108;
	s8 =	sld [smem:$0x3FAE]  }
0x2e: {  	s3 =	simm.s32 @!p0 $0x1082;
	s9 =	sld [smem:$0x3FAF]  }
0x2f: {  	lr =	sadd.s32 s0, s3;
	s0 =	sld [smem:$0x3FA6]  }
0x30: {  	s3 =	sld [smem:$0x3FA9]  }
0x31: {  	[smem:$0x3FB2] =	sst s10  }
0x32: {  	s10 =	sld [smem:$0x3FB0];
	_ =	sdelay $0x3  }
0x33: {  	p0 =	seq.s32 s10, $0x1;
	s10 =	sld [smem:$0x3FB2];
	_ =	sdelay $0x3  }
0x34: {  	[smem:$0x3FB2] =	sst s10  }
0x35: {  	s10 =	sld [smem:$0x3FB1];
	_ =	sdelay $0x3  }
0x36: {  	p1 =	seq.s32 s10, $0x1;
	s10 =	sld [smem:$0x3FB2];
	_ =	sdelay $0x3  }
0x37: {  	[smem:$0x3FB2] =	sst s10  }
0x38: {  	s10 =	sld [smem:$0x3FB3]  }
0x39: {  	_ = 	snop;
	(pc) =	sbr.ind lr, $3  }
0x3a: {  	_ = 	snop  }
0x3b: {  	_ = 	snop  }
0x3c: {  	p2 =	seq.s32 s10, $0x1;
	s10 =	sld [smem:$0x3FB2]  }
0x3d: {  	_ =	shalt  }
0x3e: {  	_ =	shalt  }
0x3f: {  	_ =	shalt  }
0x40: {  	_ =	shalt  }
0x41: {  	_ =	shalt  }
0x42: {  	_ =	shalt  }
0x43: {  	_ =	shalt  }
0x44: {  	_ =	shalt  }
0x45: {  	_ =	shalt  }
0x46: {  	_ =	shalt  }
0x47: {  	_ =	shalt  }
0x48: {  	_ =	shalt  }
0x49: {  	_ =	shalt  }
0x4a: {  	_ =	shalt  }
0x4b: {  	_ =	shalt  }
0x4c: {  	_ =	shalt  }
0x4d: {  	_ =	shalt  }
0x4e: {  	_ =	shalt  }
0x4f: {  	_ =	shalt  }
0x50: {  	_ =	shalt  }
0x51: {  	_ =	shalt  }
0x52: {  	_ =	shalt  }
0x53: {  	_ =	shalt  }
0x54: {  	_ =	shalt  }
0x55: {  	_ =	shalt  }
0x56: {  	_ =	shalt  }
0x57: {  	_ =	shalt  }
0x58: {  	_ =	shalt  }
0x59: {  	_ =	shalt  }
0x5a: {  	_ =	shalt  }
0x5b: {  	_ =	shalt  }
0x5c: {  	_ =	shalt  }
0x5d: {  	_ =	shalt  }
0x5e: {  	_ =	shalt  }
0x5f: {  	_ =	shalt  }
0x60: {  	_ =	shalt  }
0x61: {  	_ =	shalt  }
0x62: {  	_ =	shalt  }
0x63: {  	_ =	shalt  }
0x64: {  	_ =	shalt  }
0x65: {  	_ =	shalt  }
0x66: {  	_ =	shalt  }
0x67: {  	_ =	shalt  }
0x68: {  	_ =	shalt  }
0x69: {  	_ =	shalt  }
0x6a: {  	_ =	shalt  }
0x6b: {  	_ =	shalt  }
0x6c: {  	_ =	shalt  }
0x6d: {  	_ =	shalt  }
0x6e: {  	_ =	shalt  }
0x6f: {  	_ =	shalt  }
0x70: {  	_ =	shalt  }
0x71: {  	_ =	shalt  }
0x72: {  	_ =	shalt  }
0x73: {  	_ =	shalt  }
0x74: {  	_ =	shalt  }
0x75: {  	_ =	shalt  }
0x76: {  	_ =	shalt  }
0x77: {  	_ =	shalt  }
0x78: {  	_ =	shalt  }
0x79: {  	_ =	shalt  }
0x7a: {  	_ =	shalt  }
0x7b: {  	_ =	shalt  }
0x7c: {  	_ =	shalt  }
0x7d: {  	_ =	shalt  }
0x7e: {  	_ =	shalt  }
0x7f: {  	_ =	shalt  }
0x80: {  	_ =	shalt  }
0x81: {  	_ =	shalt  }
0x82: {  	_ =	shalt  }
0x83: {  	_ =	shalt  }
0x84: {  	_ =	shalt  }
0x85: {  	_ =	shalt  }
0x86: {  	_ =	shalt  }
0x87: {  	_ =	shalt  }
.Lfunc_end0:
.L_simem_size_0:
called_computation_lowered:
.L_overlay_start_0:
0x88: {  	s2 =	sld [smem:$0x3FD9]  }
0x89: {  	s3 =	sld [smem:$0x3FFE];
	_ =	sdelay $0x1  }
0x8a: {  	s1 =	srdreg.scid  }
0x8b: {  	s0 =	sand.u32 $0x1, s1  }
0x8c: {  	s16 =	sshll.u32 s0, $0xA;
	s2 =	sadd.s32 s3, s2  }
0x8d: {  	s2 =	sadd.s32 s2, s16  }
0x8e: {  	[smem:$0x3FBE] =	sst s2  }
0x8f: {  	_ = 	snop  }
0x90: {  	(tm) =	ssettm $0x1  }
0x91: {  	s17 =	sld [smem:$0x3FFB];
	_ =	sdelay $0x3  }
0x92: {  	_ =	strace s17  }
0x93: {  	s2 =	sld [smem:$0x3FFC];
	_ =	sdelay $0x3  }
0x94: {  	_ =	strace s2  }
0x95: {  	s2 =	sld [smem:$0x3FFD];
	_ =	sdelay $0x3  }
0x96: {  	_ =	strace s2  }
0x97: {  	_ =	strace $0x8FFFFFFF  }
0x98: {  	s18 =	sld [smem:$0x3FDB];
	_ =	sdelay $0x1  }
0x99: {  	s19 =	simm.s32 $_scs_section_size  }
0x9a: {  	s4 =	simm.s32 $_size__tile_overlayer_lowered;
	s5 =	simm.s32 $_tile_overlayer_lowered  }
0x9b: {  	s22 =	simm.s32 $0x1BFF;
	s21 =	sshll.u32 s5, $0x1;
	s2 =	sadd.s32 s19, s18  }
0x9c: {  	s6 =	simm.s32 $0x0;
	s20 =	sshll.u32 s4, $0x1;
	s4 =	sadd.s32 s21, s2  }
0x9d: {  	[timem:s6], [sflag:s22] =	dma.local [hbm:s4], s20  }
0x9e: {  	_ =	swait.ge [sflag:s22], s20  }
0x9f: {  	s3 =	ssub.s32 $0x0, s20;
	[sflag:s22] =	ssyncset.done $0x0  }
0xa0: {  	[sflag:s22] =	ssyncadd.s32 s3;
	_ =	sdelay $0x1  }
0xa1: {  	s23 =	simm.s32 $0x1B8B  }
0xa2: {  	_ =	swait.ge [sflag:s23], $0x1  }
0xa3: {  	[sflag:s23] =	ssyncset.done $0x0  }
0xa4: {  	s25 =	simm.s32 $0x1B8E;
	s24 =	sld [smem:$0x3FFE];
	[sflag:s23] =	ssyncadd.s32 $0xFFFFFFFF  }
0xa5: {  	s26 =	simm.s32 $execute0_lowered;
	[smem:$0x3FD2] =	sst s25  }
0xa6: {  	s4 =	sshll.u32 s26, $0x1;
	_ =	strace $0x80000046;
	[dreg:$0x1] =	wrdreg $0xFFFFFFFF  }
0xa7: {  	s28 =	simm.s32 $_size_execute0_lowered;
	s2 =	sadd.s32 s2, s4;
	[dreg:$0x0] =	wrdreg $0x0  }
0xa8: {  	s4 =	sshll.u32 s28, $0x1;
	[dreg:$0x2] =	wrdreg s2  }
0xa9: {  	[dreg:$0x3] =	wrdreg s4  }
0xaa: {  	[dreg:$0x4] =	wrdreg $0xC0  }
0xab: {  	_ =	task [dreg:s6], $0x5FFFF  }
0xac: {  	[dreg:$0x1] =	wrdreg $0xFFFFFFFF  }
0xad: {  	[dreg:$0x0] =	wrdreg $0x60  }
0xae: {  	[dreg:$0x2] =	wrdreg s24  }
0xaf: {  	[dreg:$0x3] =	wrdreg $0x80000  }
0xb0: {  	[dreg:$0x4] =	wrdreg $0x11C400  }
0xb1: {  	[dreg:$0x5] =	wrdreg $0x1BC400  }
0xb2: {  	[dreg:$0x6] =	wrdreg $0x9  }
0xb3: {  	_ =	task.clear_ibuf [dreg:s6], $0x7FFFF;
	_ =	strace $0x90000046  }
0xb4: {  	s29 =	simm.s32 $0x9;
	_ =	strace $0x80000048  }
0xb5: {  	_ =	swait.ge [sflag:s29], $0x1  }
0xb6: {  	[sflag:s29] =	ssyncadd.s32 $0xFFFFFFFF  }
0xb7: {  	_ =	strace $0x90000048  }
0xb8: {  	_ =	sfence  }
0xb9: {  	s30 =	sld [smem:$0x0];
	_ =	sdelay $0x2  }
0xba: {  	s31 =	sshll.u32 s1, $0xD;
	s1 =	sshrl.u32 s1, $0x2  }
0xbb: {  	s3 =	sand.u32 $0x4000, s31;
	s1 =	sadd.s32 s1, s30  }
0xbc: {  	s0 =	sor.u32 s3, s0;
	s1 =	sshll.u32 s1, $0x11  }
0xbd: {  	s0 =	sor.u32 s1, s0  }
0xbe: {  	s0 =	sadd.s32 $0x8F2B, s0  }
0xbf: {  	[sflag:s0] =	ssyncadd.remote.s32 $0x1  }
0xc0: {  	_ =	sfence.sel $0xFFFF  }
0xc1: {  	[dreg:$0x0] =	wrdreg $0xFFFFFFFF;
	(pc) =	sbr.abs _section_cstart, $3  }
0xc2: {  	[dreg:$0x1] =	wrdreg $0xFFFFFFFF  }
0xc3: {  	_ =	task.clear_ibuf [dreg:s6], $0x2FFFF;
	_ =	strace $0x9FFFFFFF  }
0xc4: {  	(tm) =	ssettm $0x7FFFFFFF  }
0xc5: {  	_ =	shalt  }
tec
execute0_lowered:
.L_overlay_start_1:
0x0: {  	(tag) =	ssettag $0x1  }
0x1: {  	s11 =	rddreg [dreg:$0x0]  }
0x2: {  	s1 =	rddreg [dreg:$0x1]  }
0x3: {  	s3 =	rddreg [dreg:$0x2]  }
0x4: {  	s0 =	srdreg.scid;
	s22 =	stileid.u32  }
0x5: {  	s4 =	rddreg [dreg:$0x3];
	s5 =	simm.s32 $0x0;
	s25 =	simm.s32 $0x100  }
0x6: {  	s26 =	simm.s32 $0x180;
	s29 =	simm.s32 $0x200;
	s21 =	smul.u32 $0x5000, s22  }
0x7: {  	s28 =	simm.s32 $0xB00;
	s2 =	sand.u32 $0x1, s0;
	s0 =	smul.u32 $0x9C40, s22  }
0x8: {  	s30 =	simm.s32 $0xB80;
	s31 =	simm.s32 $0xC00;
	s10 =	smul.u32 $0x280, s22  }
0x9: {  	[smem:$0x7FF] =	sst s5;
	s15 =	sadd.s32 $0x32E00, s11;
	s9 =	smul.u32 $0xA000, s22  }
0xa: {  	s6 =	smul.u32 $0x2800, s2;
	_ =	strace $0x80000047;
	[dreg:$0x7] =	wrdreg s25  }
0xb: {  	s7 =	ssub.s32 $0x2, s2;
	s14 =	smul.u32 $0xA0000, s2;
	[dreg:$0x8] =	wrdreg s26  }
0xc: {  	s13 =	smul.u32 $0x28000, s2;
	[dreg:$0x9] =	wrdreg s29;
	s25 =	simm.s32 $0x400  }
0xd: {  	s26 =	simm.s32 $0x480;
	s29 =	simm.s32 $0x500;
	s23 =	sshrl.u32 s7, $0x1  }
0xe: {  	s16 =	sadd.s32 $0x80, s10;
	s17 =	sadd.s32 $0x100, s10;
	[dreg:$0xd] =	wrdreg s25  }
0xf: {  	s18 =	sadd.s32 $0x180, s10;
	s19 =	sadd.s32 $0x200, s10;
	[dreg:$0xe] =	wrdreg s26  }
0x10: {  	[dreg:$0xf] =	wrdreg s29;
	s25 =	simm.s32 $0x600;
	s29 =	simm.s32 $0x680  }
0x11: {  	s6 =	sadd.s32 s6, s21;
	s2 =	sshll.u32 s17, $0x6;
	s10 =	sshll.u32 s19, $0x6  }
0x12: {  	s20 =	sadd.s32 s14, s9;
	s21 =	simm.s32 $0x280;
	[dreg:$0x11] =	wrdreg s25  }
0x13: {  	[dreg:$0x12] =	wrdreg s29;
	s17 =	sshll.u32 s17, $0x4;
	s29 =	simm.s32 $0x700  }
0x14: {  	s6 =	sshrl.u32 s6, $0x3;
	s20 =	sshrl.u32 s20, $0x3;
	[dreg:$0xa] =	wrdreg s21  }
0x15: {  	[dreg:$0x13] =	wrdreg s29;
	s8 =	sadd.s32 s6, s11;
	s20 =	sadd.s32 s15, s20  }
0x16: {  	s6 =	ssub.s32 s7, s23;
	s23 =	simm.s32 $0x300;
	[dreg:$0x15] =	wrdreg s20  }
0x17: {  	s19 =	sshll.u32 s19, $0x4;
	s12 =	sadd.s32 $0x14E00, s8;
	[dreg:$0xb] =	wrdreg s23  }
0x18: {  	s7 =	sshll.u32 s16, $0x6;
	s24 =	sadd.s32 $0x1EE00, s8;
	[dreg:$0x5] =	wrdreg s12  }
0x19: {  	s8 =	sshll.u32 s18, $0x6;
	s23 =	simm.s32 $0x580;
	[dreg:$0x6] =	wrdreg s24  }
0x1a: {  	s21 =	sadd.s32 s14, s7;
	s6 =	smax.u32 s6, $0x1;
	[dreg:$0x10] =	wrdreg s23  }
0x1b: {  	s29 =	sadd.s32 s7, s3;
	s24 =	simm.s32 $0x380;
	[smem:$0x7ED] =	sst s6  }
0x1c: {  	s12 =	smul.u32 $0x2800, s22;
	s21 =	sshrl.u32 s21, $0x3;
	[smem:$0x7F0] =	sst s29  }
0x1d: {  	s26 =	sadd.s32 s14, s8;
	s29 =	sadd.s32 s19, s4;
	[dreg:$0xc] =	wrdreg s24  }
0x1e: {  	s21 =	sadd.s32 s15, s21;
	s24 =	sadd.s32 s14, s2;
	[smem:$0x7FC] =	sst s29  }
0x1f: {  	s20 =	sshrl.u32 s26, $0x3;
	s14 =	sadd.s32 s14, s10;
	[dreg:$0x16] =	wrdreg s21  }
0x20: {  	s21 =	sshrl.u32 s24, $0x3;
	s20 =	sadd.s32 s15, s20;
	s14 =	sshrl.u32 s14, $0x3  }
0x21: {  	s24 =	sadd.s32 s13, s17;
	s21 =	sadd.s32 s15, s21;
	[dreg:$0x18] =	wrdreg s20  }
0x22: {  	s14 =	sadd.s32 s15, s14;
	s15 =	sshrl.u32 s0, $0x3;
	[dreg:$0x17] =	wrdreg s21  }
0x23: {  	s20 =	sadd.s32 s13, s12;
	s0 =	sadd.s32 s0, s1;
	[dreg:$0x19] =	wrdreg s14  }
0x24: {  	s14 =	sadd.s32 s15, s11;
	s15 =	sshll.u32 s16, $0x4;
	s11 =	sadd.s32 $0x28E00, s11  }
0x25: {  	s16 =	sshrl.u32 s20, $0x3;
	s20 =	simm.s32 $0x780;
	s0 =	sshrl.u32 s0, $0x3  }
0x26: {  	s21 =	sadd.s32 s13, s15;
	s16 =	sadd.s32 s11, s16;
	[dreg:$0x14] =	wrdreg s20  }
0x27: {  	s14 =	sadd.s32 $0x1400, s14;
	s20 =	sshrl.u32 s10, $0x2;
	[smem:$0x7FD] =	sst s0  }
0x28: {  	s0 =	simm.s32 $0xD00;
	[dreg:$0x1a] =	wrdreg s16;
	s23 =	sshrl.u32 s21, $0x3  }
0x29: {  	s21 =	sshll.u32 s22, $0x6;
	[dreg:$0x1f] =	wrdreg s14;
	s14 =	sadd.s32 s8, s3  }
0x2a: {  	s22 =	smul.u32 $0x28000, s22;
	s16 =	sadd.s32 s11, s23;
	[smem:$0x7F4] =	sst s14  }
0x2b: {  	s14 =	simm.s32 $0x1000;
	[dreg:$0x1b] =	wrdreg s16;
	s16 =	sshll.u32 s18, $0x4  }
0x2c: {  	s18 =	sshrl.u32 s24, $0x3;
	s23 =	sshrl.u32 s22, $0x2;
	s24 =	sadd.s32 s9, s3  }
0x2d: {  	s9 =	sshrl.u32 s9, $0x2;
	s22 =	sadd.s32 s20, s4;
	s20 =	simm.s32 $0x900  }
0x2e: {  	s25 =	sadd.s32 s13, s16;
	s18 =	sadd.s32 s11, s18;
	[smem:$0x7EC] =	sst s24  }
0x2f: {  	s13 =	sadd.s32 s13, s19;
	[smem:$0x7F7] =	sst s22;
	s24 =	sadd.s32 s15, s4  }
0x30: {  	s15 =	simm.s32 $0x1;
	s22 =	simm.s32 $0xF00;
	[dreg:$0x1c] =	wrdreg s18  }
0x31: {  	s26 =	sshrl.u32 s25, $0x3;
	s13 =	sshrl.u32 s13, $0x3;
	s25 =	sadd.s32 s23, s3  }
0x32: {  	s23 =	sadd.s32 s12, s4;
	[smem:$0x7F9] =	sst s24;
	s12 =	simm.s32 $0x800  }
0x33: {  	s24 =	simm.s32 $0xF80;
	s18 =	sadd.s32 s11, s26;
	[smem:$0x7EE] =	sst s25  }
0x34: {  	s11 =	sadd.s32 s11, s13;
	s26 =	sadd.s32 s9, s4;
	[smem:$0x7F8] =	sst s23  }
0x35: {  	s9 =	sshrl.u32 s7, $0x2;
	s25 =	sadd.s32 s17, s4;
	[dreg:$0x1d] =	wrdreg s18  }
0x36: {  	s17 =	simm.s32 $0x7000;
	s23 =	simm.s32 $0xA00;
	[dreg:$0x1e] =	wrdreg s11  }
0x37: {  	s7 =	simm.s32 $0xE00;
	s11 =	sor.u32 $0x1C04, s21;
	[smem:$0x7EF] =	sst s26  }
0x38: {  	s6 =	sadd.s32 s9, s4;
	s18 =	sshrl.u32 s8, $0x2;
	[smem:$0x7FA] =	sst s25  }
0x39: {  	s21 =	sadd.s32 s10, s3;
	s26 =	sadd.s32 s16, s4;
	[smem:$0x7EB] =	sst s11  }
0x3a: {  	s9 =	simm.s32 $0x4;
	s16 =	simm.s32 $0x3000;
	[smem:$0x7F1] =	sst s6  }
0x3b: {  	s25 =	simm.s32 $0xA80;
	s8 =	simm.s32 $0xE80;
	[smem:$0x7F6] =	sst s21  }
0x3c: {  	s11 =	sshrl.u32 s2, $0x2;
	s2 =	sadd.s32 s2, s3;
	[smem:$0x7FB] =	sst s26  }
0x3d: {  	s21 =	simm.s32 $0x980;
	s6 =	simm.s32 $0xD80;
	s26 =	simm.s32 $0x3  }
0x3e: {  	[smem:$0x7F2] =	sst s2;
	s13 =	sadd.s32 s11, s4;
	s2 =	sadd.s32 s18, s4  }
0x3f: {  	s18 =	simm.s32 $0x2;
	s11 =	simm.s32 $0x0;
	[smem:$0x7F3] =	sst s13  }
0x40: {  	v0 =	vimm.f32 $0.0e+00;
	v1 =	vimm.f32 $1.000000000e+00;
	[smem:$0x7F5] =	sst s2;
	s13 =	simm.s32 $0x80;
	s2 =	simm.s32 $0xC80  }
.LBB2_1:
0x41: {  	[smem:$0x7EA] =	sst s11  }
0x42: {  	s11 =	sld [smem:$0x7EB]  }
0x43: {  	s19 =	sld [smem:$0x7FD];
	_ =	sdelay $0x1  }
0x44: {  	s10 =	rddreg [dreg:$0x1f]  }
0x45: {  	[spmem:s19], [sflag:s11] =	dma.local [hbm:s10], $0x1388  }
0x46: {  	_ =	swait.ge [sflag:s9], $0x1388  }
0x47: {  	[sflag:s9] =	ssyncset.done $0x0  }
0x48: {  	s10 =	simm.s32 $0x5020;
	[sflag:s9] =	ssyncadd.s32 $0xFFFFEC78  }
0x49: {  	[tilespmem:s10+$0xFFFFFFE0] =	vst v0  }
0x4a: {  	[tilespmem:s10+$0x10] =	vst v0  }
0x4b: {  	[tilespmem:s10+$0x0] =	vst v0  }
0x4c: {  	s29 =	simm.s32 $0x40;
	s11 =	simm.s32 $0x0;
	[tilespmem:s10+$0xFFFFFFF0] =	vst v0  }
.LBB2_2:
0x4d: {  	p0 =	sne.s32 s29, $0x1FC0  }
0x4e: {  	[tilespmem:s11+$0x7000] =	vst v1;
	s10 =	sadd.s32 $0x40, s10;
	s19 =	smov.u32 s29;
	s29 =	sadd.s32 $0x40, s29  }
.Ltmp0:
0x4f: {  	[tilespmem:s11+$0x7800] =	vst v0;
	(pc) =	sbr.rel @p0 .LBB2_2-.Ltmp0, $4  }
0x50: {  	[tilespmem:s10+$0xFFFFFFE0] =	vst v0  }
0x51: {  	[tilespmem:s10+$0x10] =	vst v0  }
0x52: {  	[tilespmem:s10+$0x0] =	vst v0  }
0x53: {  	s11 =	sshra.s32 s19, $0x2;
	[tilespmem:s10+$0xFFFFFFF0] =	vst v0  }
0x54: {  	s10 =	sld [smem:$0x7EE]  }
0x55: {  	[tilespmem:s11+$0x7000] =	vst v1  }
0x56: {  	[tilespmem:s11+$0x7800] =	vst v0;
	s11 =	simm.s32 $0x5000  }
0x57: {  	[spmem:s10] =	stream.linear.scatter [tilespmem:s11], [sflag:$0x4], $0x2000, $0x38;
	[tilespmem:$0x1E440] =	vst v63  }
0x58: {  	_ =	swait.ge [sflag:s9], $0x2000  }
0x59: {  	s10 =	sld [smem:$0x7EF]  }
0x5a: {  	[sflag:s9] =	ssyncset.done $0x0  }
0x5b: {  	s19 =	simm.s32 $0x7800;
	[sflag:s9] =	ssyncadd.s32 $0xFFFFE000  }
0x5c: {  	[spmem:s10] =	stream.linear.scatter [tilespmem:s19], [sflag:$0x4], $0x800, $0x38;
	[tilespmem:$0x1E440] =	vst v63  }
0x5d: {  	_ =	swait.ge [sflag:s9], $0x800  }
0x5e: {  	s10 =	sld [smem:$0x7F0]  }
0x5f: {  	[sflag:s9] =	ssyncset.done $0x0  }
0x60: {  	[sflag:s9] =	ssyncadd.s32 $0xFFFFF800  }
0x61: {  	[spmem:s10] =	stream.linear.scatter [tilespmem:s11], [sflag:$0x4], $0x2000, $0x38;
	[tilespmem:$0x1E440] =	vst v63  }
0x62: {  	_ =	swait.ge [sflag:s9], $0x2000  }
0x63: {  	s10 =	sld [smem:$0x7F1]  }
0x64: {  	[sflag:s9] =	ssyncset.done $0x0  }
0x65: {  	[sflag:s9] =	ssyncadd.s32 $0xFFFFE000  }
0x66: {  	[spmem:s10] =	stream.linear.scatter [tilespmem:s19], [sflag:$0x4], $0x800, $0x38;
	[tilespmem:$0x1E440] =	vst v63  }
0x67: {  	_ =	swait.ge [sflag:s9], $0x800  }
0x68: {  	s10 =	sld [smem:$0x7F2]  }
0x69: {  	[sflag:s9] =	ssyncset.done $0x0  }
0x6a: {  	[sflag:s9] =	ssyncadd.s32 $0xFFFFF800  }
0x6b: {  	[spmem:s10] =	stream.linear.scatter [tilespmem:s11], [sflag:$0x4], $0x2000, $0x38;
	[tilespmem:$0x1E440] =	vst v63  }
0x6c: {  	_ =	swait.ge [sflag:s9], $0x2000  }
0x6d: {  	s10 =	sld [smem:$0x7F3]  }
0x6e: {  	[sflag:s9] =	ssyncset.done $0x0  }
0x6f: {  	[sflag:s9] =	ssyncadd.s32 $0xFFFFE000  }
0x70: {  	[spmem:s10] =	stream.linear.scatter [tilespmem:s19], [sflag:$0x4], $0x800, $0x38;
	[tilespmem:$0x1E440] =	vst v63  }
0x71: {  	_ =	swait.ge [sflag:s9], $0x800  }
0x72: {  	s10 =	sld [smem:$0x7F4]  }
0x73: {  	[sflag:s9] =	ssyncset.done $0x0  }
0x74: {  	[sflag:s9] =	ssyncadd.s32 $0xFFFFF800  }
0x75: {  	[spmem:s10] =	stream.linear.scatter [tilespmem:s11], [sflag:$0x4], $0x2000, $0x38;
	[tilespmem:$0x1E440] =	vst v63  }
0x76: {  	_ =	swait.ge [sflag:s9], $0x2000  }
0x77: {  	s10 =	sld [smem:$0x7F5]  }
0x78: {  	[sflag:s9] =	ssyncset.done $0x0  }
0x79: {  	[sflag:s9] =	ssyncadd.s32 $0xFFFFE000  }
0x7a: {  	[spmem:s10] =	stream.linear.scatter [tilespmem:s19], [sflag:$0x4], $0x800, $0x38;
	[tilespmem:$0x1E440] =	vst v63  }
0x7b: {  	_ =	swait.ge [sflag:s9], $0x800  }
0x7c: {  	s10 =	sld [smem:$0x7F6]  }
0x7d: {  	[sflag:s9] =	ssyncset.done $0x0  }
0x7e: {  	[sflag:s9] =	ssyncadd.s32 $0xFFFFF800  }
0x7f: {  	[spmem:s10] =	stream.linear.scatter [tilespmem:s11], [sflag:$0x4], $0x2000, $0x38;
	[tilespmem:$0x1E440] =	vst v63  }
0x80: {  	_ =	swait.ge [sflag:s9], $0x2000  }
0x81: {  	s11 =	sld [smem:$0x7F7]  }
0x82: {  	[sflag:s9] =	ssyncset.done $0x0  }
0x83: {  	[sflag:s9] =	ssyncadd.s32 $0xFFFFE000  }
0x84: {  	[spmem:s11] =	stream.linear.scatter [tilespmem:s19], [sflag:$0x4], $0x800, $0x38;
	[tilespmem:$0x1E440] =	vst v63  }
0x85: {  	_ =	swait.ge [sflag:s9], $0x800  }
0x86: {  	[sflag:s9] =	ssyncset.done $0x0  }
0x87: {  	[sflag:s9] =	ssyncadd.s32 $0xFFFFF800  }
0x88: {  	[bflag:$0x0] =	sbarrier.arrive $0xFFFF  }
0x89: {  	s19 =	rddreg [dreg:$0x6]  }
0x8a: {  	s10 =	sadd.s32 $0x0, s19  }
0x8b: {  	[tilespmem:s5], [sflag:$0x4] =	stream.linear.gather [hbm4b:s10+s5], $0x800, $0x38;
	[tilespmem:$0x1E440] =	vst v63  }
0x8c: {  	_ =	swait.ge [sflag:s9], $0x800  }
0x8d: {  	s11 =	rddreg [dreg:$0x5];
	[sflag:s9] =	ssyncset.done $0x0  }
0x8e: {  	[sflag:s9] =	ssyncadd.s32 $0xFFFFF800;
	s10 =	sadd.s32 $0x0, s11  }
0x8f: {  	[tilespmem:s12], [sflag:$0x4] =	stream.linear.gather [hbm4b:s10+s5], $0x800, $0x38;
	[tilespmem:$0x1E440] =	vst v63  }
0x90: {  	_ =	swait.ge [sflag:s9], $0x800  }
0x91: {  	[sflag:s9] =	ssyncset.done $0x0  }
0x92: {  	[sflag:s9] =	ssyncadd.s32 $0xFFFFF800  }
0x93: {  	[tilespmem:s14], [sflag:$0x1] =	stream.indirect.gather [spmem:s1], $0x40, s5, s13, $0xb8;
	[tilespmem:$0x1E440] =	vst v63  }
0x94: {  	_ =	swait.ge [sflag:s15], $0x2000  }
0x95: {  	[sflag:s15] =	ssyncset.done $0x0  }
0x96: {  	[sflag:s15] =	ssyncadd.s32 $0xFFFFE000  }
0x97: {  	[tilespmem:s16], [sflag:$0x1] =	stream.indirect.gather [spmem:s1], $0x40, s13, s13, $0xb8;
	[tilespmem:$0x1E440] =	vst v63  }
0x98: {  	_ = 	snop  }
0x99: {  	[spmem:s3] =	stream.indirect.scatter.add.f32 [tilespmem:s14], [sflag:$0x2], $0x40, s12, s13, $0xb8;
	[tilespmem:$0x1E440] =	vst v63  }
0x9a: {  	_ = 	snop  }
0x9b: {  	[spmem:s4] =	stream.indirect.scatter.add.f32 [tilespmem:s17], [sflag:$0x3], $0x10, s12, s13, $0xb8;
	[tilespmem:$0x1E440] =	vst v63  }
0x9c: {  	_ =	swait.ge [sflag:s15], $0x2000  }
0x9d: {  	[sflag:s15] =	ssyncset.done $0x0  }
0x9e: {  	[sflag:s15] =	ssyncadd.s32 $0xFFFFE000  }
0x9f: {  	_ =	swait.ge [sflag:s18], $0x2000  }
0xa0: {  	[sflag:s18] =	ssyncset.done $0x0  }
0xa1: {  	s19 =	rddreg [dreg:$0x7];
	[sflag:s18] =	ssyncadd.s32 $0xFFFFE000  }
0xa2: {  	[tilespmem:s14], [sflag:$0x1] =	stream.indirect.gather [spmem:s1], $0x40, s19, s13, $0xb8;
	[tilespmem:$0x1E440] =	vst v63  }
0xa3: {  	s11 =	simm.s32 $0x880  }
0xa4: {  	[spmem:s3] =	stream.indirect.scatter.add.f32 [tilespmem:s16], [sflag:$0x2], $0x40, s11, s13, $0xb8;
	[tilespmem:$0x1E440] =	vst v63  }
0xa5: {  	_ = 	snop  }
0xa6: {  	[spmem:s4] =	stream.indirect.scatter.add.f32 [tilespmem:s17], [sflag:$0x3], $0x10, s11, s13, $0xb8;
	[tilespmem:$0x1E440] =	vst v63  }
0xa7: {  	_ =	swait.ge [sflag:s15], $0x2000  }
0xa8: {  	[sflag:s15] =	ssyncset.done $0x0  }
0xa9: {  	[sflag:s15] =	ssyncadd.s32 $0xFFFFE000  }
0xaa: {  	_ =	swait.ge [sflag:s18], $0x2000  }
0xab: {  	[sflag:s18] =	ssyncset.done $0x0  }
0xac: {  	s19 =	rddreg [dreg:$0x8];
	[sflag:s18] =	ssyncadd.s32 $0xFFFFE000  }
0xad: {  	[tilespmem:s16], [sflag:$0x1] =	stream.indirect.gather [spmem:s1], $0x40, s19, s13, $0xb8;
	[tilespmem:$0x1E440] =	vst v63  }
0xae: {  	_ = 	snop  }
0xaf: {  	[spmem:s3] =	stream.indirect.scatter.add.f32 [tilespmem:s14], [sflag:$0x2], $0x40, s20, s13, $0xb8;
	[tilespmem:$0x1E440] =	vst v63  }
0xb0: {  	_ = 	snop  }
0xb1: {  	[spmem:s4] =	stream.indirect.scatter.add.f32 [tilespmem:s17], [sflag:$0x3], $0x10, s20, s13, $0xb8;
	[tilespmem:$0x1E440] =	vst v63  }
0xb2: {  	_ =	swait.ge [sflag:s15], $0x2000  }
0xb3: {  	[sflag:s15] =	ssyncset.done $0x0  }
0xb4: {  	[sflag:s15] =	ssyncadd.s32 $0xFFFFE000  }
0xb5: {  	_ =	swait.ge [sflag:s18], $0x2000  }
0xb6: {  	[sflag:s18] =	ssyncset.done $0x0  }
0xb7: {  	s11 =	rddreg [dreg:$0x9];
	[sflag:s18] =	ssyncadd.s32 $0xFFFFE000  }
0xb8: {  	[tilespmem:s14], [sflag:$0x1] =	stream.indirect.gather [spmem:s1], $0x40, s11, s13, $0xb8;
	[tilespmem:$0x1E440] =	vst v63  }
0xb9: {  	_ = 	snop  }
0xba: {  	[spmem:s3] =	stream.indirect.scatter.add.f32 [tilespmem:s16], [sflag:$0x2], $0x40, s21, s13, $0xb8;
	[tilespmem:$0x1E440] =	vst v63  }
0xbb: {  	_ = 	snop  }
0xbc: {  	[spmem:s4] =	stream.indirect.scatter.add.f32 [tilespmem:s17], [sflag:$0x3], $0x10, s21, s13, $0xb8;
	[tilespmem:$0x1E440] =	vst v63  }
0xbd: {  	_ =	swait.ge [sflag:s15], $0x2000  }
0xbe: {  	[sflag:s15] =	ssyncset.done $0x0  }
0xbf: {  	[sflag:s15] =	ssyncadd.s32 $0xFFFFE000  }
0xc0: {  	_ =	swait.ge [sflag:s18], $0x2000  }
0xc1: {  	[sflag:s18] =	ssyncset.done $0x0  }
0xc2: {  	s19 =	rddreg [dreg:$0xa];
	[sflag:s18] =	ssyncadd.s32 $0xFFFFE000  }
0xc3: {  	[tilespmem:s16], [sflag:$0x1] =	stream.indirect.gather [spmem:s1], $0x40, s19, s13, $0xb8;
	[tilespmem:$0x1E440] =	vst v63  }
0xc4: {  	_ = 	snop  }
0xc5: {  	[spmem:s3] =	stream.indirect.scatter.add.f32 [tilespmem:s14], [sflag:$0x2], $0x40, s23, s13, $0xb8;
	[tilespmem:$0x1E440] =	vst v63  }
0xc6: {  	_ = 	snop  }
0xc7: {  	[spmem:s4] =	stream.indirect.scatter.add.f32 [tilespmem:s17], [sflag:$0x3], $0x10, s23, s13, $0xb8;
	[tilespmem:$0x1E440] =	vst v63  }
0xc8: {  	_ =	swait.ge [sflag:s15], $0x2000  }
0xc9: {  	[sflag:s15] =	ssyncset.done $0x0  }
0xca: {  	[sflag:s15] =	ssyncadd.s32 $0xFFFFE000  }
0xcb: {  	_ =	swait.ge [sflag:s18], $0x2000  }
0xcc: {  	[sflag:s18] =	ssyncset.done $0x0  }
0xcd: {  	s11 =	rddreg [dreg:$0xb];
	[sflag:s18] =	ssyncadd.s32 $0xFFFFE000  }
0xce: {  	[tilespmem:s14], [sflag:$0x1] =	stream.indirect.gather [spmem:s1], $0x40, s11, s13, $0xb8;
	[tilespmem:$0x1E440] =	vst v63  }
0xcf: {  	_ = 	snop  }
0xd0: {  	[spmem:s3] =	stream.indirect.scatter.add.f32 [tilespmem:s16], [sflag:$0x2], $0x40, s25, s13, $0xb8;
	[tilespmem:$0x1E440] =	vst v63  }
0xd1: {  	_ = 	snop  }
0xd2: {  	[spmem:s4] =	stream.indirect.scatter.add.f32 [tilespmem:s17], [sflag:$0x3], $0x10, s25, s13, $0xb8;
	[tilespmem:$0x1E440] =	vst v63  }
0xd3: {  	_ =	swait.ge [sflag:s15], $0x2000  }
0xd4: {  	[sflag:s15] =	ssyncset.done $0x0  }
0xd5: {  	[sflag:s15] =	ssyncadd.s32 $0xFFFFE000  }
0xd6: {  	_ =	swait.ge [sflag:s18], $0x2000  }
0xd7: {  	[sflag:s18] =	ssyncset.done $0x0  }
0xd8: {  	s19 =	rddreg [dreg:$0xc];
	[sflag:s18] =	ssyncadd.s32 $0xFFFFE000  }
0xd9: {  	[tilespmem:s16], [sflag:$0x1] =	stream.indirect.gather [spmem:s1], $0x40, s19, s13, $0xb8;
	[tilespmem:$0x1E440] =	vst v63  }
0xda: {  	_ = 	snop  }
0xdb: {  	[spmem:s3] =	stream.indirect.scatter.add.f32 [tilespmem:s14], [sflag:$0x2], $0x40, s28, s13, $0xb8;
	[tilespmem:$0x1E440] =	vst v63  }
0xdc: {  	_ = 	snop  }
0xdd: {  	[spmem:s4] =	stream.indirect.scatter.add.f32 [tilespmem:s17], [sflag:$0x3], $0x10, s28, s13, $0xb8;
	[tilespmem:$0x1E440] =	vst v63  }
0xde: {  	_ =	swait.ge [sflag:s15], $0x2000  }
0xdf: {  	[sflag:s15] =	ssyncset.done $0x0  }
0xe0: {  	[sflag:s15] =	ssyncadd.s32 $0xFFFFE000  }
0xe1: {  	_ =	swait.ge [sflag:s18], $0x2000  }
0xe2: {  	[sflag:s18] =	ssyncset.done $0x0  }
0xe3: {  	s11 =	rddreg [dreg:$0xd];
	[sflag:s18] =	ssyncadd.s32 $0xFFFFE000  }
0xe4: {  	[tilespmem:s14], [sflag:$0x1] =	stream.indirect.gather [spmem:s1], $0x40, s11, s13, $0xb8;
	[tilespmem:$0x1E440] =	vst v63  }
0xe5: {  	_ = 	snop  }
0xe6: {  	[spmem:s3] =	stream.indirect.scatter.add.f32 [tilespmem:s16], [sflag:$0x2], $0x40, s30, s13, $0xb8;
	[tilespmem:$0x1E440] =	vst v63  }
0xe7: {  	_ = 	snop  }
0xe8: {  	[spmem:s4] =	stream.indirect.scatter.add.f32 [tilespmem:s17], [sflag:$0x3], $0x10, s30, s13, $0xb8;
	[tilespmem:$0x1E440] =	vst v63  }
0xe9: {  	_ =	swait.ge [sflag:s15], $0x2000  }
0xea: {  	[sflag:s15] =	ssyncset.done $0x0  }
0xeb: {  	[sflag:s15] =	ssyncadd.s32 $0xFFFFE000  }
0xec: {  	_ =	swait.ge [sflag:s18], $0x2000  }
0xed: {  	[sflag:s18] =	ssyncset.done $0x0  }
0xee: {  	s19 =	rddreg [dreg:$0xe];
	[sflag:s18] =	ssyncadd.s32 $0xFFFFE000  }
0xef: {  	[tilespmem:s16], [sflag:$0x1] =	stream.indirect.gather [spmem:s1], $0x40, s19, s13, $0xb8;
	[tilespmem:$0x1E440] =	vst v63  }
0xf0: {  	_ = 	snop  }
0xf1: {  	[spmem:s3] =	stream.indirect.scatter.add.f32 [tilespmem:s14], [sflag:$0x2], $0x40, s31, s13, $0xb8;
	[tilespmem:$0x1E440] =	vst v63  }
0xf2: {  	_ = 	snop  }
0xf3: {  	[spmem:s4] =	stream.indirect.scatter.add.f32 [tilespmem:s17], [sflag:$0x3], $0x10, s31, s13, $0xb8;
	[tilespmem:$0x1E440] =	vst v63  }
0xf4: {  	_ =	swait.ge [sflag:s15], $0x2000  }
0xf5: {  	[sflag:s15] =	ssyncset.done $0x0  }
0xf6: {  	[sflag:s15] =	ssyncadd.s32 $0xFFFFE000  }
0xf7: {  	_ =	swait.ge [sflag:s18], $0x2000  }
0xf8: {  	[sflag:s18] =	ssyncset.done $0x0  }
0xf9: {  	s11 =	rddreg [dreg:$0xf];
	[sflag:s18] =	ssyncadd.s32 $0xFFFFE000  }
0xfa: {  	[tilespmem:s14], [sflag:$0x1] =	stream.indirect.gather [spmem:s1], $0x40, s11, s13, $0xb8;
	[tilespmem:$0x1E440] =	vst v63  }
0xfb: {  	_ = 	snop  }
0xfc: {  	[spmem:s3] =	stream.indirect.scatter.add.f32 [tilespmem:s16], [sflag:$0x2], $0x40, s2, s13, $0xb8;
	[tilespmem:$0x1E440] =	vst v63  }
0xfd: {  	_ = 	snop  }
0xfe: {  	[spmem:s4] =	stream.indirect.scatter.add.f32 [tilespmem:s17], [sflag:$0x3], $0x10, s2, s13, $0xb8;
	[tilespmem:$0x1E440] =	vst v63  }
0xff: {  	_ =	swait.ge [sflag:s15], $0x2000  }
0x100: {  	[sflag:s15] =	ssyncset.done $0x0  }
0x101: {  	[sflag:s15] =	ssyncadd.s32 $0xFFFFE000  }
0x102: {  	_ =	swait.ge [sflag:s18], $0x2000  }
0x103: {  	[sflag:s18] =	ssyncset.done $0x0  }
0x104: {  	s19 =	rddreg [dreg:$0x10];
	[sflag:s18] =	ssyncadd.s32 $0xFFFFE000  }
0x105: {  	[tilespmem:s16], [sflag:$0x1] =	stream.indirect.gather [spmem:s1], $0x40, s19, s13, $0xb8;
	[tilespmem:$0x1E440] =	vst v63  }
0x106: {  	_ = 	snop  }
0x107: {  	[spmem:s3] =	stream.indirect.scatter.add.f32 [tilespmem:s14], [sflag:$0x2], $0x40, s0, s13, $0xb8;
	[tilespmem:$0x1E440] =	vst v63  }
0x108: {  	_ = 	snop  }
0x109: {  	[spmem:s4] =	stream.indirect.scatter.add.f32 [tilespmem:s17], [sflag:$0x3], $0x10, s0, s13, $0xb8;
	[tilespmem:$0x1E440] =	vst v63  }
0x10a: {  	_ =	swait.ge [sflag:s15], $0x2000  }
0x10b: {  	[sflag:s15] =	ssyncset.done $0x0  }
0x10c: {  	[sflag:s15] =	ssyncadd.s32 $0xFFFFE000  }
0x10d: {  	_ =	swait.ge [sflag:s18], $0x2000  }
0x10e: {  	[sflag:s18] =	ssyncset.done $0x0  }
0x10f: {  	s11 =	rddreg [dreg:$0x11];
	[sflag:s18] =	ssyncadd.s32 $0xFFFFE000  }
0x110: {  	[tilespmem:s14], [sflag:$0x1] =	stream.indirect.gather [spmem:s1], $0x40, s11, s13, $0xb8;
	[tilespmem:$0x1E440] =	vst v63  }
0x111: {  	_ = 	snop  }
0x112: {  	[spmem:s3] =	stream.indirect.scatter.add.f32 [tilespmem:s16], [sflag:$0x2], $0x40, s6, s13, $0xb8;
	[tilespmem:$0x1E440] =	vst v63  }
0x113: {  	_ = 	snop  }
0x114: {  	[spmem:s4] =	stream.indirect.scatter.add.f32 [tilespmem:s17], [sflag:$0x3], $0x10, s6, s13, $0xb8;
	[tilespmem:$0x1E440] =	vst v63  }
0x115: {  	_ =	swait.ge [sflag:s15], $0x2000  }
0x116: {  	[sflag:s15] =	ssyncset.done $0x0  }
0x117: {  	[sflag:s15] =	ssyncadd.s32 $0xFFFFE000  }
0x118: {  	_ =	swait.ge [sflag:s18], $0x2000  }
0x119: {  	[sflag:s18] =	ssyncset.done $0x0  }
0x11a: {  	s19 =	rddreg [dreg:$0x12];
	[sflag:s18] =	ssyncadd.s32 $0xFFFFE000  }
0x11b: {  	[tilespmem:s16], [sflag:$0x1] =	stream.indirect.gather [spmem:s1], $0x40, s19, s13, $0xb8;
	[tilespmem:$0x1E440] =	vst v63  }
0x11c: {  	_ = 	snop  }
0x11d: {  	[spmem:s3] =	stream.indirect.scatter.add.f32 [tilespmem:s14], [sflag:$0x2], $0x40, s7, s13, $0xb8;
	[tilespmem:$0x1E440] =	vst v63  }
0x11e: {  	_ = 	snop  }
0x11f: {  	[spmem:s4] =	stream.indirect.scatter.add.f32 [tilespmem:s17], [sflag:$0x3], $0x10, s7, s13, $0xb8;
	[tilespmem:$0x1E440] =	vst v63  }
0x120: {  	_ =	swait.ge [sflag:s15], $0x2000  }
0x121: {  	[sflag:s15] =	ssyncset.done $0x0  }
0x122: {  	[sflag:s15] =	ssyncadd.s32 $0xFFFFE000  }
0x123: {  	_ =	swait.ge [sflag:s18], $0x2000  }
0x124: {  	[sflag:s18] =	ssyncset.done $0x0  }
0x125: {  	s11 =	rddreg [dreg:$0x13];
	[sflag:s18] =	ssyncadd.s32 $0xFFFFE000  }
0x126: {  	[tilespmem:s14], [sflag:$0x1] =	stream.indirect.gather [spmem:s1], $0x40, s11, s13, $0xb8;
	[tilespmem:$0x1E440] =	vst v63  }
0x127: {  	_ = 	snop  }
0x128: {  	[spmem:s3] =	stream.indirect.scatter.add.f32 [tilespmem:s16], [sflag:$0x2], $0x40, s8, s13, $0xb8;
	[tilespmem:$0x1E440] =	vst v63  }
0x129: {  	_ = 	snop  }
0x12a: {  	[spmem:s4] =	stream.indirect.scatter.add.f32 [tilespmem:s17], [sflag:$0x3], $0x10, s8, s13, $0xb8;
	[tilespmem:$0x1E440] =	vst v63  }
0x12b: {  	_ =	swait.ge [sflag:s15], $0x2000  }
0x12c: {  	[sflag:s15] =	ssyncset.done $0x0  }
0x12d: {  	[sflag:s15] =	ssyncadd.s32 $0xFFFFE000  }
0x12e: {  	_ =	swait.ge [sflag:s18], $0x2000  }
0x12f: {  	[sflag:s18] =	ssyncset.done $0x0  }
0x130: {  	s19 =	rddreg [dreg:$0x14];
	[sflag:s18] =	ssyncadd.s32 $0xFFFFE000  }
0x131: {  	[tilespmem:s16], [sflag:$0x1] =	stream.indirect.gather [spmem:s1], $0x40, s19, s13, $0xb8;
	[tilespmem:$0x1E440] =	vst v63  }
0x132: {  	_ = 	snop  }
0x133: {  	[spmem:s3] =	stream.indirect.scatter.add.f32 [tilespmem:s14], [sflag:$0x2], $0x40, s22, s13, $0xb8;
	[tilespmem:$0x1E440] =	vst v63  }
0x134: {  	_ = 	snop  }
0x135: {  	[spmem:s4] =	stream.indirect.scatter.add.f32 [tilespmem:s17], [sflag:$0x3], $0x10, s22, s13, $0xb8;
	[tilespmem:$0x1E440] =	vst v63  }
0x136: {  	_ =	swait.ge [sflag:s15], $0x2000  }
0x137: {  	[sflag:s15] =	ssyncset.done $0x0  }
0x138: {  	[sflag:s15] =	ssyncadd.s32 $0xFFFFE000  }
0x139: {  	[spmem:s3] =	stream.indirect.scatter.add.f32 [tilespmem:s16], [sflag:$0x2], $0x40, s24, s13, $0xb8;
	[tilespmem:$0x1E440] =	vst v63  }
0x13a: {  	_ = 	snop  }
0x13b: {  	[spmem:s4] =	stream.indirect.scatter.add.f32 [tilespmem:s17], [sflag:$0x3], $0x10, s24, s13, $0xb8;
	[tilespmem:$0x1E440] =	vst v63  }
0x13c: {  	_ =	swait.ge [sflag:s18], $0x2000  }
0x13d: {  	[sflag:s18] =	ssyncset.done $0x0  }
0x13e: {  	[sflag:s18] =	ssyncadd.s32 $0xFFFFE000  }
0x13f: {  	s29 =	simm.s32 $0x200;
	_ =	swait.ge [sflag:s18], $0x2000  }
0x140: {  	s10 =	simm.s32 $0x100;
	s11 =	rddreg [dreg:$0x6];
	[sflag:s18] =	ssyncset.done $0x0  }
.LBB2_4:
0x141: {  	[sflag:s18] =	ssyncadd.s32 $0xFFFFE000;
	s11 =	sadd.s32 s10, s11  }
0x142: {  	[tilespmem:s5], [sflag:$0x4] =	stream.linear.gather [hbm4b:s11+s5], $0x800, $0x38;
	[tilespmem:$0x1E440] =	vst v63  }
0x143: {  	_ =	swait.ge [sflag:s9], $0x800  }
0x144: {  	s11 =	rddreg [dreg:$0x5];
	[sflag:s9] =	ssyncset.done $0x0  }
0x145: {  	[sflag:s9] =	ssyncadd.s32 $0xFFFFF800;
	s11 =	sadd.s32 s10, s11  }
0x146: {  	[tilespmem:s12], [sflag:$0x4] =	stream.linear.gather [hbm4b:s11+s5], $0x800, $0x38;
	[tilespmem:$0x1E440] =	vst v63  }
0x147: {  	_ =	swait.ge [sflag:s9], $0x800  }
0x148: {  	[sflag:s9] =	ssyncset.done $0x0  }
0x149: {  	[sflag:s9] =	ssyncadd.s32 $0xFFFFF800  }
0x14a: {  	[tilespmem:s14], [sflag:$0x1] =	stream.indirect.gather [spmem:s1], $0x40, s5, s13, $0xb8;
	[tilespmem:$0x1E440] =	vst v63  }
0x14b: {  	_ =	swait.ge [sflag:s15], $0x2000  }
0x14c: {  	[sflag:s15] =	ssyncset.done $0x0  }
0x14d: {  	[sflag:s15] =	ssyncadd.s32 $0xFFFFE000  }
0x14e: {  	[tilespmem:s16], [sflag:$0x1] =	stream.indirect.gather [spmem:s1], $0x40, s13, s13, $0xb8;
	[tilespmem:$0x1E440] =	vst v63  }
0x14f: {  	_ = 	snop  }
0x150: {  	[spmem:s3] =	stream.indirect.scatter.add.f32 [tilespmem:s14], [sflag:$0x2], $0x40, s12, s13, $0xb8;
	[tilespmem:$0x1E440] =	vst v63  }
0x151: {  	_ = 	snop  }
0x152: {  	[spmem:s4] =	stream.indirect.scatter.add.f32 [tilespmem:s17], [sflag:$0x3], $0x10, s12, s13, $0xb8;
	[tilespmem:$0x1E440] =	vst v63  }
0x153: {  	_ =	swait.ge [sflag:s15], $0x2000  }
0x154: {  	[sflag:s15] =	ssyncset.done $0x0  }
0x155: {  	[sflag:s15] =	ssyncadd.s32 $0xFFFFE000  }
0x156: {  	_ =	swait.ge [sflag:s18], $0x2000  }
0x157: {  	[sflag:s18] =	ssyncset.done $0x0  }
0x158: {  	s19 =	smov.u32 s29;
	s11 =	rddreg [dreg:$0x7];
	[sflag:s18] =	ssyncadd.s32 $0xFFFFE000  }
0x159: {  	[tilespmem:s14], [sflag:$0x1] =	stream.indirect.gather [spmem:s1], $0x40, s11, s13, $0xb8;
	[tilespmem:$0x1E440] =	vst v63  }
0x15a: {  	s10 =	smov.u32 s19;
	s19 =	simm.s32 $0x880  }
0x15b: {  	[spmem:s3] =	stream.indirect.scatter.add.f32 [tilespmem:s16], [sflag:$0x2], $0x40, s19, s13, $0xb8;
	[tilespmem:$0x1E440] =	vst v63  }
0x15c: {  	_ = 	snop  }
0x15d: {  	[spmem:s4] =	stream.indirect.scatter.add.f32 [tilespmem:s17], [sflag:$0x3], $0x10, s19, s13, $0xb8;
	[tilespmem:$0x1E440] =	vst v63  }
0x15e: {  	_ =	swait.ge [sflag:s15], $0x2000  }
0x15f: {  	[sflag:s15] =	ssyncset.done $0x0  }
0x160: {  	[sflag:s15] =	ssyncadd.s32 $0xFFFFE000  }
0x161: {  	_ =	swait.ge [sflag:s18], $0x2000  }
0x162: {  	[sflag:s18] =	ssyncset.done $0x0  }
0x163: {  	s11 =	rddreg [dreg:$0x8];
	[sflag:s18] =	ssyncadd.s32 $0xFFFFE000  }
0x164: {  	[tilespmem:s16], [sflag:$0x1] =	stream.indirect.gather [spmem:s1], $0x40, s11, s13, $0xb8;
	[tilespmem:$0x1E440] =	vst v63  }
0x165: {  	_ = 	snop  }
0x166: {  	[spmem:s3] =	stream.indirect.scatter.add.f32 [tilespmem:s14], [sflag:$0x2], $0x40, s20, s13, $0xb8;
	[tilespmem:$0x1E440] =	vst v63  }
0x167: {  	_ = 	snop  }
0x168: {  	[spmem:s4] =	stream.indirect.scatter.add.f32 [tilespmem:s17], [sflag:$0x3], $0x10, s20, s13, $0xb8;
	[tilespmem:$0x1E440] =	vst v63  }
0x169: {  	_ =	swait.ge [sflag:s15], $0x2000  }
0x16a: {  	[sflag:s15] =	ssyncset.done $0x0  }
0x16b: {  	[sflag:s15] =	ssyncadd.s32 $0xFFFFE000  }
0x16c: {  	_ =	swait.ge [sflag:s18], $0x2000  }
0x16d: {  	[sflag:s18] =	ssyncset.done $0x0  }
0x16e: {  	s11 =	rddreg [dreg:$0x9];
	[sflag:s18] =	ssyncadd.s32 $0xFFFFE000  }
0x16f: {  	[tilespmem:s14], [sflag:$0x1] =	stream.indirect.gather [spmem:s1], $0x40, s11, s13, $0xb8;
	[tilespmem:$0x1E440] =	vst v63  }
0x170: {  	_ = 	snop  }
0x171: {  	[spmem:s3] =	stream.indirect.scatter.add.f32 [tilespmem:s16], [sflag:$0x2], $0x40, s21, s13, $0xb8;
	[tilespmem:$0x1E440] =	vst v63  }
0x172: {  	_ = 	snop  }
0x173: {  	[spmem:s4] =	stream.indirect.scatter.add.f32 [tilespmem:s17], [sflag:$0x3], $0x10, s21, s13, $0xb8;
	[tilespmem:$0x1E440] =	vst v63  }
0x174: {  	_ =	swait.ge [sflag:s15], $0x2000  }
0x175: {  	[sflag:s15] =	ssyncset.done $0x0  }
0x176: {  	[sflag:s15] =	ssyncadd.s32 $0xFFFFE000  }
0x177: {  	_ =	swait.ge [sflag:s18], $0x2000  }
0x178: {  	[sflag:s18] =	ssyncset.done $0x0  }
0x179: {  	s11 =	rddreg [dreg:$0xa];
	[sflag:s18] =	ssyncadd.s32 $0xFFFFE000  }
0x17a: {  	[tilespmem:s16], [sflag:$0x1] =	stream.indirect.gather [spmem:s1], $0x40, s11, s13, $0xb8;
	[tilespmem:$0x1E440] =	vst v63  }
0x17b: {  	_ = 	snop  }
0x17c: {  	[spmem:s3] =	stream.indirect.scatter.add.f32 [tilespmem:s14], [sflag:$0x2], $0x40, s23, s13, $0xb8;
	[tilespmem:$0x1E440] =	vst v63  }
0x17d: {  	_ = 	snop  }
0x17e: {  	[spmem:s4] =	stream.indirect.scatter.add.f32 [tilespmem:s17], [sflag:$0x3], $0x10, s23, s13, $0xb8;
	[tilespmem:$0x1E440] =	vst v63  }
0x17f: {  	_ =	swait.ge [sflag:s15], $0x2000  }
0x180: {  	[sflag:s15] =	ssyncset.done $0x0  }
0x181: {  	[sflag:s15] =	ssyncadd.s32 $0xFFFFE000  }
0x182: {  	_ =	swait.ge [sflag:s18], $0x2000  }
0x183: {  	[sflag:s18] =	ssyncset.done $0x0  }
0x184: {  	s11 =	rddreg [dreg:$0xb];
	[sflag:s18] =	ssyncadd.s32 $0xFFFFE000  }
0x185: {  	[tilespmem:s14], [sflag:$0x1] =	stream.indirect.gather [spmem:s1], $0x40, s11, s13, $0xb8;
	[tilespmem:$0x1E440] =	vst v63  }
0x186: {  	_ = 	snop  }
0x187: {  	[spmem:s3] =	stream.indirect.scatter.add.f32 [tilespmem:s16], [sflag:$0x2], $0x40, s25, s13, $0xb8;
	[tilespmem:$0x1E440] =	vst v63  }
0x188: {  	_ = 	snop  }
0x189: {  	[spmem:s4] =	stream.indirect.scatter.add.f32 [tilespmem:s17], [sflag:$0x3], $0x10, s25, s13, $0xb8;
	[tilespmem:$0x1E440] =	vst v63  }
0x18a: {  	_ =	swait.ge [sflag:s15], $0x2000  }
0x18b: {  	[sflag:s15] =	ssyncset.done $0x0  }
0x18c: {  	[sflag:s15] =	ssyncadd.s32 $0xFFFFE000  }
0x18d: {  	_ =	swait.ge [sflag:s18], $0x2000  }
0x18e: {  	[sflag:s18] =	ssyncset.done $0x0  }
0x18f: {  	s11 =	rddreg [dreg:$0xc];
	[sflag:s18] =	ssyncadd.s32 $0xFFFFE000  }
0x190: {  	[tilespmem:s16], [sflag:$0x1] =	stream.indirect.gather [spmem:s1], $0x40, s11, s13, $0xb8;
	[tilespmem:$0x1E440] =	vst v63  }
0x191: {  	_ = 	snop  }
0x192: {  	[spmem:s3] =	stream.indirect.scatter.add.f32 [tilespmem:s14], [sflag:$0x2], $0x40, s28, s13, $0xb8;
	[tilespmem:$0x1E440] =	vst v63  }
0x193: {  	_ = 	snop  }
0x194: {  	[spmem:s4] =	stream.indirect.scatter.add.f32 [tilespmem:s17], [sflag:$0x3], $0x10, s28, s13, $0xb8;
	[tilespmem:$0x1E440] =	vst v63  }
0x195: {  	_ =	swait.ge [sflag:s15], $0x2000  }
0x196: {  	[sflag:s15] =	ssyncset.done $0x0  }
0x197: {  	[sflag:s15] =	ssyncadd.s32 $0xFFFFE000  }
0x198: {  	_ =	swait.ge [sflag:s18], $0x2000  }
0x199: {  	[sflag:s18] =	ssyncset.done $0x0  }
0x19a: {  	s11 =	rddreg [dreg:$0xd];
	[sflag:s18] =	ssyncadd.s32 $0xFFFFE000  }
0x19b: {  	[tilespmem:s14], [sflag:$0x1] =	stream.indirect.gather [spmem:s1], $0x40, s11, s13, $0xb8;
	[tilespmem:$0x1E440] =	vst v63  }
0x19c: {  	_ = 	snop  }
0x19d: {  	[spmem:s3] =	stream.indirect.scatter.add.f32 [tilespmem:s16], [sflag:$0x2], $0x40, s30, s13, $0xb8;
	[tilespmem:$0x1E440] =	vst v63  }
0x19e: {  	_ = 	snop  }
0x19f: {  	[spmem:s4] =	stream.indirect.scatter.add.f32 [tilespmem:s17], [sflag:$0x3], $0x10, s30, s13, $0xb8;
	[tilespmem:$0x1E440] =	vst v63  }
0x1a0: {  	_ =	swait.ge [sflag:s15], $0x2000  }
0x1a1: {  	[sflag:s15] =	ssyncset.done $0x0  }
0x1a2: {  	[sflag:s15] =	ssyncadd.s32 $0xFFFFE000  }
0x1a3: {  	_ =	swait.ge [sflag:s18], $0x2000  }
0x1a4: {  	[sflag:s18] =	ssyncset.done $0x0  }
0x1a5: {  	s11 =	rddreg [dreg:$0xe];
	[sflag:s18] =	ssyncadd.s32 $0xFFFFE000  }
0x1a6: {  	[tilespmem:s16], [sflag:$0x1] =	stream.indirect.gather [spmem:s1], $0x40, s11, s13, $0xb8;
	[tilespmem:$0x1E440] =	vst v63  }
0x1a7: {  	_ = 	snop  }
0x1a8: {  	[spmem:s3] =	stream.indirect.scatter.add.f32 [tilespmem:s14], [sflag:$0x2], $0x40, s31, s13, $0xb8;
	[tilespmem:$0x1E440] =	vst v63  }
0x1a9: {  	_ = 	snop  }
0x1aa: {  	[spmem:s4] =	stream.indirect.scatter.add.f32 [tilespmem:s17], [sflag:$0x3], $0x10, s31, s13, $0xb8;
	[tilespmem:$0x1E440] =	vst v63  }
0x1ab: {  	_ =	swait.ge [sflag:s15], $0x2000  }
0x1ac: {  	[sflag:s15] =	ssyncset.done $0x0  }
0x1ad: {  	[sflag:s15] =	ssyncadd.s32 $0xFFFFE000  }
0x1ae: {  	_ =	swait.ge [sflag:s18], $0x2000  }
0x1af: {  	[sflag:s18] =	ssyncset.done $0x0  }
0x1b0: {  	s11 =	rddreg [dreg:$0xf];
	[sflag:s18] =	ssyncadd.s32 $0xFFFFE000  }
0x1b1: {  	[tilespmem:s14], [sflag:$0x1] =	stream.indirect.gather [spmem:s1], $0x40, s11, s13, $0xb8;
	[tilespmem:$0x1E440] =	vst v63  }
0x1b2: {  	_ = 	snop  }
0x1b3: {  	[spmem:s3] =	stream.indirect.scatter.add.f32 [tilespmem:s16], [sflag:$0x2], $0x40, s2, s13, $0xb8;
	[tilespmem:$0x1E440] =	vst v63  }
0x1b4: {  	_ = 	snop  }
0x1b5: {  	[spmem:s4] =	stream.indirect.scatter.add.f32 [tilespmem:s17], [sflag:$0x3], $0x10, s2, s13, $0xb8;
	[tilespmem:$0x1E440] =	vst v63  }
0x1b6: {  	_ =	swait.ge [sflag:s15], $0x2000  }
0x1b7: {  	[sflag:s15] =	ssyncset.done $0x0  }
0x1b8: {  	[sflag:s15] =	ssyncadd.s32 $0xFFFFE000  }
0x1b9: {  	_ =	swait.ge [sflag:s18], $0x2000  }
0x1ba: {  	[sflag:s18] =	ssyncset.done $0x0  }
0x1bb: {  	s11 =	rddreg [dreg:$0x10];
	[sflag:s18] =	ssyncadd.s32 $0xFFFFE000  }
0x1bc: {  	[tilespmem:s16], [sflag:$0x1] =	stream.indirect.gather [spmem:s1], $0x40, s11, s13, $0xb8;
	[tilespmem:$0x1E440] =	vst v63  }
0x1bd: {  	_ = 	snop  }
0x1be: {  	[spmem:s3] =	stream.indirect.scatter.add.f32 [tilespmem:s14], [sflag:$0x2], $0x40, s0, s13, $0xb8;
	[tilespmem:$0x1E440] =	vst v63  }
0x1bf: {  	_ = 	snop  }
0x1c0: {  	[spmem:s4] =	stream.indirect.scatter.add.f32 [tilespmem:s17], [sflag:$0x3], $0x10, s0, s13, $0xb8;
	[tilespmem:$0x1E440] =	vst v63  }
0x1c1: {  	_ =	swait.ge [sflag:s15], $0x2000  }
0x1c2: {  	[sflag:s15] =	ssyncset.done $0x0  }
0x1c3: {  	[sflag:s15] =	ssyncadd.s32 $0xFFFFE000  }
0x1c4: {  	_ =	swait.ge [sflag:s18], $0x2000  }
0x1c5: {  	[sflag:s18] =	ssyncset.done $0x0  }
0x1c6: {  	s11 =	rddreg [dreg:$0x11];
	[sflag:s18] =	ssyncadd.s32 $0xFFFFE000  }
0x1c7: {  	[tilespmem:s14], [sflag:$0x1] =	stream.indirect.gather [spmem:s1], $0x40, s11, s13, $0xb8;
	[tilespmem:$0x1E440] =	vst v63  }
0x1c8: {  	_ = 	snop  }
0x1c9: {  	[spmem:s3] =	stream.indirect.scatter.add.f32 [tilespmem:s16], [sflag:$0x2], $0x40, s6, s13, $0xb8;
	[tilespmem:$0x1E440] =	vst v63  }
0x1ca: {  	_ = 	snop  }
0x1cb: {  	[spmem:s4] =	stream.indirect.scatter.add.f32 [tilespmem:s17], [sflag:$0x3], $0x10, s6, s13, $0xb8;
	[tilespmem:$0x1E440] =	vst v63  }
0x1cc: {  	_ =	swait.ge [sflag:s15], $0x2000  }
0x1cd: {  	[sflag:s15] =	ssyncset.done $0x0  }
0x1ce: {  	[sflag:s15] =	ssyncadd.s32 $0xFFFFE000  }
0x1cf: {  	_ =	swait.ge [sflag:s18], $0x2000  }
0x1d0: {  	[sflag:s18] =	ssyncset.done $0x0  }
0x1d1: {  	s11 =	rddreg [dreg:$0x12];
	[sflag:s18] =	ssyncadd.s32 $0xFFFFE000  }
0x1d2: {  	[tilespmem:s16], [sflag:$0x1] =	stream.indirect.gather [spmem:s1], $0x40, s11, s13, $0xb8;
	[tilespmem:$0x1E440] =	vst v63  }
0x1d3: {  	_ = 	snop  }
0x1d4: {  	[spmem:s3] =	stream.indirect.scatter.add.f32 [tilespmem:s14], [sflag:$0x2], $0x40, s7, s13, $0xb8;
	[tilespmem:$0x1E440] =	vst v63  }
0x1d5: {  	_ = 	snop  }
0x1d6: {  	[spmem:s4] =	stream.indirect.scatter.add.f32 [tilespmem:s17], [sflag:$0x3], $0x10, s7, s13, $0xb8;
	[tilespmem:$0x1E440] =	vst v63  }
0x1d7: {  	_ =	swait.ge [sflag:s15], $0x2000  }
0x1d8: {  	[sflag:s15] =	ssyncset.done $0x0  }
0x1d9: {  	[sflag:s15] =	ssyncadd.s32 $0xFFFFE000  }
0x1da: {  	_ =	swait.ge [sflag:s18], $0x2000  }
0x1db: {  	[sflag:s18] =	ssyncset.done $0x0  }
0x1dc: {  	s11 =	rddreg [dreg:$0x13];
	[sflag:s18] =	ssyncadd.s32 $0xFFFFE000  }
0x1dd: {  	[tilespmem:s14], [sflag:$0x1] =	stream.indirect.gather [spmem:s1], $0x40, s11, s13, $0xb8;
	[tilespmem:$0x1E440] =	vst v63  }
0x1de: {  	_ = 	snop  }
0x1df: {  	[spmem:s3] =	stream.indirect.scatter.add.f32 [tilespmem:s16], [sflag:$0x2], $0x40, s8, s13, $0xb8;
	[tilespmem:$0x1E440] =	vst v63  }
0x1e0: {  	_ = 	snop  }
0x1e1: {  	[spmem:s4] =	stream.indirect.scatter.add.f32 [tilespmem:s17], [sflag:$0x3], $0x10, s8, s13, $0xb8;
	[tilespmem:$0x1E440] =	vst v63  }
0x1e2: {  	_ =	swait.ge [sflag:s15], $0x2000  }
0x1e3: {  	[sflag:s15] =	ssyncset.done $0x0  }
0x1e4: {  	[sflag:s15] =	ssyncadd.s32 $0xFFFFE000  }
0x1e5: {  	_ =	swait.ge [sflag:s18], $0x2000  }
0x1e6: {  	[sflag:s18] =	ssyncset.done $0x0  }
0x1e7: {  	s11 =	rddreg [dreg:$0x14];
	[sflag:s18] =	ssyncadd.s32 $0xFFFFE000  }
0x1e8: {  	[tilespmem:s16], [sflag:$0x1] =	stream.indirect.gather [spmem:s1], $0x40, s11, s13, $0xb8;
	[tilespmem:$0x1E440] =	vst v63  }
0x1e9: {  	_ = 	snop  }
0x1ea: {  	[spmem:s3] =	stream.indirect.scatter.add.f32 [tilespmem:s14], [sflag:$0x2], $0x40, s22, s13, $0xb8;
	[tilespmem:$0x1E440] =	vst v63  }
0x1eb: {  	_ = 	snop  }
0x1ec: {  	[spmem:s4] =	stream.indirect.scatter.add.f32 [tilespmem:s17], [sflag:$0x3], $0x10, s22, s13, $0xb8;
	[tilespmem:$0x1E440] =	vst v63  }
0x1ed: {  	_ =	swait.ge [sflag:s15], $0x2000  }
0x1ee: {  	[sflag:s15] =	ssyncset.done $0x0  }
0x1ef: {  	[sflag:s15] =	ssyncadd.s32 $0xFFFFE000  }
0x1f0: {  	[spmem:s3] =	stream.indirect.scatter.add.f32 [tilespmem:s16], [sflag:$0x2], $0x40, s24, s13, $0xb8;
	[tilespmem:$0x1E440] =	vst v63  }
0x1f1: {  	p0 =	sne.s32 s29, $0x400  }
0x1f2: {  	[spmem:s4] =	stream.indirect.scatter.add.f32 [tilespmem:s17], [sflag:$0x3], $0x10, s24, s13, $0xb8;
	[tilespmem:$0x1E440] =	vst v63  }
.Ltmp1:
0x1f3: {  	_ =	swait.ge [sflag:s18], $0x2000;
	(pc) =	sbr.rel @p0 .LBB2_4-.Ltmp1, $4  }
0x1f4: {  	[sflag:s18] =	ssyncset.done $0x0  }
0x1f5: {  	[sflag:s18] =	ssyncadd.s32 $0xFFFFE000  }
0x1f6: {  	_ =	swait.ge [sflag:s18], $0x2000  }
0x1f7: {  	s29 =	sadd.s32 $0x100, s29;
	s11 =	rddreg [dreg:$0x6];
	[sflag:s18] =	ssyncset.done $0x0  }
0x1f8: {  	[sflag:s18] =	ssyncadd.s32 $0xFFFFE000;
	s11 =	sadd.s32 s10, s11  }
0x1f9: {  	[tilespmem:s5], [sflag:$0x4] =	stream.linear.gather [hbm4b:s11+s5], $0x800, $0x38;
	[tilespmem:$0x1E440] =	vst v63  }
0x1fa: {  	_ =	swait.ge [sflag:s9], $0x800  }
0x1fb: {  	s29 =	rddreg [dreg:$0x5];
	[sflag:s9] =	ssyncset.done $0x0  }
0x1fc: {  	s29 =	sadd.s32 s10, s29;
	[sflag:s9] =	ssyncadd.s32 $0xFFFFF800  }
0x1fd: {  	[tilespmem:s12], [sflag:$0x4] =	stream.linear.gather [hbm4b:s29+s5], $0x800, $0x38;
	[tilespmem:$0x1E440] =	vst v63  }
0x1fe: {  	_ =	swait.ge [sflag:s9], $0x800  }
0x1ff: {  	[sflag:s9] =	ssyncset.done $0x0  }
0x200: {  	[sflag:s9] =	ssyncadd.s32 $0xFFFFF800  }
0x201: {  	[tilespmem:s14], [sflag:$0x1] =	stream.indirect.gather [spmem:s1], $0x40, s5, s13, $0xb8;
	[tilespmem:$0x1E440] =	vst v63  }
0x202: {  	_ =	swait.ge [sflag:s15], $0x2000  }
0x203: {  	[sflag:s15] =	ssyncset.done $0x0  }
0x204: {  	[sflag:s15] =	ssyncadd.s32 $0xFFFFE000  }
0x205: {  	[tilespmem:s16], [sflag:$0x1] =	stream.indirect.gather [spmem:s1], $0x40, s13, s13, $0xb8;
	[tilespmem:$0x1E440] =	vst v63  }
0x206: {  	_ = 	snop  }
0x207: {  	[spmem:s3] =	stream.indirect.scatter.add.f32 [tilespmem:s14], [sflag:$0x2], $0x40, s12, s13, $0xb8;
	[tilespmem:$0x1E440] =	vst v63  }
0x208: {  	_ = 	snop  }
0x209: {  	[spmem:s4] =	stream.indirect.scatter.add.f32 [tilespmem:s17], [sflag:$0x3], $0x10, s12, s13, $0xb8;
	[tilespmem:$0x1E440] =	vst v63  }
0x20a: {  	_ =	swait.ge [sflag:s15], $0x2000  }
0x20b: {  	[sflag:s15] =	ssyncset.done $0x0  }
0x20c: {  	[sflag:s15] =	ssyncadd.s32 $0xFFFFE000  }
0x20d: {  	_ =	swait.ge [sflag:s18], $0x2000  }
0x20e: {  	[sflag:s18] =	ssyncset.done $0x0  }
0x20f: {  	s11 =	rddreg [dreg:$0x7];
	[sflag:s18] =	ssyncadd.s32 $0xFFFFE000  }
0x210: {  	[tilespmem:s14], [sflag:$0x1] =	stream.indirect.gather [spmem:s1], $0x40, s11, s13, $0xb8;
	[tilespmem:$0x1E440] =	vst v63  }
0x211: {  	_ = 	snop  }
0x212: {  	[spmem:s3] =	stream.indirect.scatter.add.f32 [tilespmem:s16], [sflag:$0x2], $0x40, s19, s13, $0xb8;
	[tilespmem:$0x1E440] =	vst v63  }
0x213: {  	_ = 	snop  }
0x214: {  	[spmem:s4] =	stream.indirect.scatter.add.f32 [tilespmem:s17], [sflag:$0x3], $0x10, s19, s13, $0xb8;
	[tilespmem:$0x1E440] =	vst v63  }
0x215: {  	_ =	swait.ge [sflag:s15], $0x2000  }
0x216: {  	[sflag:s15] =	ssyncset.done $0x0  }
0x217: {  	[sflag:s15] =	ssyncadd.s32 $0xFFFFE000  }
0x218: {  	_ =	swait.ge [sflag:s18], $0x2000  }
0x219: {  	[sflag:s18] =	ssyncset.done $0x0  }
0x21a: {  	s29 =	rddreg [dreg:$0x8];
	[sflag:s18] =	ssyncadd.s32 $0xFFFFE000  }
0x21b: {  	[tilespmem:s16], [sflag:$0x1] =	stream.indirect.gather [spmem:s1], $0x40, s29, s13, $0xb8;
	[tilespmem:$0x1E440] =	vst v63  }
0x21c: {  	_ = 	snop  }
0x21d: {  	[spmem:s3] =	stream.indirect.scatter.add.f32 [tilespmem:s14], [sflag:$0x2], $0x40, s20, s13, $0xb8;
	[tilespmem:$0x1E440] =	vst v63  }
0x21e: {  	_ = 	snop  }
0x21f: {  	[spmem:s4] =	stream.indirect.scatter.add.f32 [tilespmem:s17], [sflag:$0x3], $0x10, s20, s13, $0xb8;
	[tilespmem:$0x1E440] =	vst v63  }
0x220: {  	_ =	swait.ge [sflag:s15], $0x2000  }
0x221: {  	[sflag:s15] =	ssyncset.done $0x0  }
0x222: {  	[sflag:s15] =	ssyncadd.s32 $0xFFFFE000  }
0x223: {  	_ =	swait.ge [sflag:s18], $0x2000  }
0x224: {  	[sflag:s18] =	ssyncset.done $0x0  }
0x225: {  	s11 =	rddreg [dreg:$0x9];
	[sflag:s18] =	ssyncadd.s32 $0xFFFFE000  }
0x226: {  	[tilespmem:s14], [sflag:$0x1] =	stream.indirect.gather [spmem:s1], $0x40, s11, s13, $0xb8;
	[tilespmem:$0x1E440] =	vst v63  }
0x227: {  	_ = 	snop  }
0x228: {  	[spmem:s3] =	stream.indirect.scatter.add.f32 [tilespmem:s16], [sflag:$0x2], $0x40, s21, s13, $0xb8;
	[tilespmem:$0x1E440] =	vst v63  }
0x229: {  	_ = 	snop  }
0x22a: {  	[spmem:s4] =	stream.indirect.scatter.add.f32 [tilespmem:s17], [sflag:$0x3], $0x10, s21, s13, $0xb8;
	[tilespmem:$0x1E440] =	vst v63  }
0x22b: {  	_ =	swait.ge [sflag:s15], $0x2000  }
0x22c: {  	[sflag:s15] =	ssyncset.done $0x0  }
0x22d: {  	[sflag:s15] =	ssyncadd.s32 $0xFFFFE000  }
0x22e: {  	_ =	swait.ge [sflag:s18], $0x2000  }
0x22f: {  	[sflag:s18] =	ssyncset.done $0x0  }
0x230: {  	s19 =	rddreg [dreg:$0xa];
	[sflag:s18] =	ssyncadd.s32 $0xFFFFE000  }
0x231: {  	[tilespmem:s16], [sflag:$0x1] =	stream.indirect.gather [spmem:s1], $0x40, s19, s13, $0xb8;
	[tilespmem:$0x1E440] =	vst v63  }
0x232: {  	_ = 	snop  }
0x233: {  	[spmem:s3] =	stream.indirect.scatter.add.f32 [tilespmem:s14], [sflag:$0x2], $0x40, s23, s13, $0xb8;
	[tilespmem:$0x1E440] =	vst v63  }
0x234: {  	_ = 	snop  }
0x235: {  	[spmem:s4] =	stream.indirect.scatter.add.f32 [tilespmem:s17], [sflag:$0x3], $0x10, s23, s13, $0xb8;
	[tilespmem:$0x1E440] =	vst v63  }
0x236: {  	_ =	swait.ge [sflag:s15], $0x2000  }
0x237: {  	[sflag:s15] =	ssyncset.done $0x0  }
0x238: {  	[sflag:s15] =	ssyncadd.s32 $0xFFFFE000  }
0x239: {  	_ =	swait.ge [sflag:s18], $0x2000  }
0x23a: {  	[sflag:s18] =	ssyncset.done $0x0  }
0x23b: {  	s29 =	rddreg [dreg:$0xb];
	[sflag:s18] =	ssyncadd.s32 $0xFFFFE000  }
0x23c: {  	[tilespmem:s14], [sflag:$0x1] =	stream.indirect.gather [spmem:s1], $0x40, s29, s13, $0xb8;
	[tilespmem:$0x1E440] =	vst v63  }
0x23d: {  	_ = 	snop  }
0x23e: {  	[spmem:s3] =	stream.indirect.scatter.add.f32 [tilespmem:s16], [sflag:$0x2], $0x40, s25, s13, $0xb8;
	[tilespmem:$0x1E440] =	vst v63  }
0x23f: {  	_ = 	snop  }
0x240: {  	[spmem:s4] =	stream.indirect.scatter.add.f32 [tilespmem:s17], [sflag:$0x3], $0x10, s25, s13, $0xb8;
	[tilespmem:$0x1E440] =	vst v63  }
0x241: {  	_ =	swait.ge [sflag:s15], $0x2000  }
0x242: {  	[sflag:s15] =	ssyncset.done $0x0  }
0x243: {  	[sflag:s15] =	ssyncadd.s32 $0xFFFFE000  }
0x244: {  	_ =	swait.ge [sflag:s18], $0x2000  }
0x245: {  	[sflag:s18] =	ssyncset.done $0x0  }
0x246: {  	s11 =	rddreg [dreg:$0xc];
	[sflag:s18] =	ssyncadd.s32 $0xFFFFE000  }
0x247: {  	[tilespmem:s16], [sflag:$0x1] =	stream.indirect.gather [spmem:s1], $0x40, s11, s13, $0xb8;
	[tilespmem:$0x1E440] =	vst v63  }
0x248: {  	_ = 	snop  }
0x249: {  	[spmem:s3] =	stream.indirect.scatter.add.f32 [tilespmem:s14], [sflag:$0x2], $0x40, s28, s13, $0xb8;
	[tilespmem:$0x1E440] =	vst v63  }
0x24a: {  	_ = 	snop  }
0x24b: {  	[spmem:s4] =	stream.indirect.scatter.add.f32 [tilespmem:s17], [sflag:$0x3], $0x10, s28, s13, $0xb8;
	[tilespmem:$0x1E440] =	vst v63  }
0x24c: {  	_ =	swait.ge [sflag:s15], $0x2000  }
0x24d: {  	[sflag:s15] =	ssyncset.done $0x0  }
0x24e: {  	[sflag:s15] =	ssyncadd.s32 $0xFFFFE000  }
0x24f: {  	_ =	swait.ge [sflag:s18], $0x2000  }
0x250: {  	[sflag:s18] =	ssyncset.done $0x0  }
0x251: {  	s19 =	rddreg [dreg:$0xd];
	[sflag:s18] =	ssyncadd.s32 $0xFFFFE000  }
0x252: {  	[tilespmem:s14], [sflag:$0x1] =	stream.indirect.gather [spmem:s1], $0x40, s19, s13, $0xb8;
	[tilespmem:$0x1E440] =	vst v63  }
0x253: {  	_ = 	snop  }
0x254: {  	[spmem:s3] =	stream.indirect.scatter.add.f32 [tilespmem:s16], [sflag:$0x2], $0x40, s30, s13, $0xb8;
	[tilespmem:$0x1E440] =	vst v63  }
0x255: {  	_ = 	snop  }
0x256: {  	[spmem:s4] =	stream.indirect.scatter.add.f32 [tilespmem:s17], [sflag:$0x3], $0x10, s30, s13, $0xb8;
	[tilespmem:$0x1E440] =	vst v63  }
0x257: {  	_ =	swait.ge [sflag:s15], $0x2000  }
0x258: {  	[sflag:s15] =	ssyncset.done $0x0  }
0x259: {  	[sflag:s15] =	ssyncadd.s32 $0xFFFFE000  }
0x25a: {  	_ =	swait.ge [sflag:s18], $0x2000  }
0x25b: {  	[sflag:s18] =	ssyncset.done $0x0  }
0x25c: {  	s29 =	rddreg [dreg:$0xe];
	[sflag:s18] =	ssyncadd.s32 $0xFFFFE000  }
0x25d: {  	[tilespmem:s16], [sflag:$0x1] =	stream.indirect.gather [spmem:s1], $0x40, s29, s13, $0xb8;
	[tilespmem:$0x1E440] =	vst v63  }
0x25e: {  	_ = 	snop  }
0x25f: {  	[spmem:s3] =	stream.indirect.scatter.add.f32 [tilespmem:s14], [sflag:$0x2], $0x40, s31, s13, $0xb8;
	[tilespmem:$0x1E440] =	vst v63  }
0x260: {  	_ = 	snop  }
0x261: {  	[spmem:s4] =	stream.indirect.scatter.add.f32 [tilespmem:s17], [sflag:$0x3], $0x10, s31, s13, $0xb8;
	[tilespmem:$0x1E440] =	vst v63  }
0x262: {  	_ =	swait.ge [sflag:s15], $0x2000  }
0x263: {  	[sflag:s15] =	ssyncset.done $0x0  }
0x264: {  	[sflag:s15] =	ssyncadd.s32 $0xFFFFE000  }
0x265: {  	_ =	swait.ge [sflag:s18], $0x2000  }
0x266: {  	[sflag:s18] =	ssyncset.done $0x0  }
0x267: {  	s11 =	rddreg [dreg:$0xf];
	[sflag:s18] =	ssyncadd.s32 $0xFFFFE000  }
0x268: {  	[tilespmem:s14], [sflag:$0x1] =	stream.indirect.gather [spmem:s1], $0x40, s11, s13, $0xb8;
	[tilespmem:$0x1E440] =	vst v63  }
0x269: {  	_ = 	snop  }
0x26a: {  	[spmem:s3] =	stream.indirect.scatter.add.f32 [tilespmem:s16], [sflag:$0x2], $0x40, s2, s13, $0xb8;
	[tilespmem:$0x1E440] =	vst v63  }
0x26b: {  	_ = 	snop  }
0x26c: {  	[spmem:s4] =	stream.indirect.scatter.add.f32 [tilespmem:s17], [sflag:$0x3], $0x10, s2, s13, $0xb8;
	[tilespmem:$0x1E440] =	vst v63  }
0x26d: {  	_ =	swait.ge [sflag:s15], $0x2000  }
0x26e: {  	[sflag:s15] =	ssyncset.done $0x0  }
0x26f: {  	[sflag:s15] =	ssyncadd.s32 $0xFFFFE000  }
0x270: {  	_ =	swait.ge [sflag:s18], $0x2000  }
0x271: {  	[sflag:s18] =	ssyncset.done $0x0  }
0x272: {  	s19 =	rddreg [dreg:$0x10];
	[sflag:s18] =	ssyncadd.s32 $0xFFFFE000  }
0x273: {  	[tilespmem:s16], [sflag:$0x1] =	stream.indirect.gather [spmem:s1], $0x40, s19, s13, $0xb8;
	[tilespmem:$0x1E440] =	vst v63  }
0x274: {  	_ = 	snop  }
0x275: {  	[spmem:s3] =	stream.indirect.scatter.add.f32 [tilespmem:s14], [sflag:$0x2], $0x40, s0, s13, $0xb8;
	[tilespmem:$0x1E440] =	vst v63  }
0x276: {  	_ = 	snop  }
0x277: {  	[spmem:s4] =	stream.indirect.scatter.add.f32 [tilespmem:s17], [sflag:$0x3], $0x10, s0, s13, $0xb8;
	[tilespmem:$0x1E440] =	vst v63  }
0x278: {  	_ =	swait.ge [sflag:s15], $0x2000  }
0x279: {  	[sflag:s15] =	ssyncset.done $0x0  }
0x27a: {  	[sflag:s15] =	ssyncadd.s32 $0xFFFFE000  }
0x27b: {  	_ =	swait.ge [sflag:s18], $0x2000  }
0x27c: {  	[sflag:s18] =	ssyncset.done $0x0  }
0x27d: {  	s29 =	rddreg [dreg:$0x11];
	[sflag:s18] =	ssyncadd.s32 $0xFFFFE000  }
0x27e: {  	[tilespmem:s14], [sflag:$0x1] =	stream.indirect.gather [spmem:s1], $0x40, s29, s13, $0xb8;
	[tilespmem:$0x1E440] =	vst v63  }
0x27f: {  	_ = 	snop  }
0x280: {  	[spmem:s3] =	stream.indirect.scatter.add.f32 [tilespmem:s16], [sflag:$0x2], $0x40, s6, s13, $0xb8;
	[tilespmem:$0x1E440] =	vst v63  }
0x281: {  	_ = 	snop  }
0x282: {  	[spmem:s4] =	stream.indirect.scatter.add.f32 [tilespmem:s17], [sflag:$0x3], $0x10, s6, s13, $0xb8;
	[tilespmem:$0x1E440] =	vst v63  }
0x283: {  	_ =	swait.ge [sflag:s15], $0x2000  }
0x284: {  	[sflag:s15] =	ssyncset.done $0x0  }
0x285: {  	[sflag:s15] =	ssyncadd.s32 $0xFFFFE000  }
0x286: {  	_ =	swait.ge [sflag:s18], $0x2000  }
0x287: {  	[sflag:s18] =	ssyncset.done $0x0  }
0x288: {  	s11 =	rddreg [dreg:$0x12];
	[sflag:s18] =	ssyncadd.s32 $0xFFFFE000  }
0x289: {  	[tilespmem:s16], [sflag:$0x1] =	stream.indirect.gather [spmem:s1], $0x40, s11, s13, $0xb8;
	[tilespmem:$0x1E440] =	vst v63  }
0x28a: {  	_ = 	snop  }
0x28b: {  	[spmem:s3] =	stream.indirect.scatter.add.f32 [tilespmem:s14], [sflag:$0x2], $0x40, s7, s13, $0xb8;
	[tilespmem:$0x1E440] =	vst v63  }
0x28c: {  	_ = 	snop  }
0x28d: {  	[spmem:s4] =	stream.indirect.scatter.add.f32 [tilespmem:s17], [sflag:$0x3], $0x10, s7, s13, $0xb8;
	[tilespmem:$0x1E440] =	vst v63  }
0x28e: {  	_ =	swait.ge [sflag:s15], $0x2000  }
0x28f: {  	[sflag:s15] =	ssyncset.done $0x0  }
0x290: {  	[sflag:s15] =	ssyncadd.s32 $0xFFFFE000  }
0x291: {  	_ =	swait.ge [sflag:s18], $0x2000  }
0x292: {  	[sflag:s18] =	ssyncset.done $0x0  }
0x293: {  	s19 =	rddreg [dreg:$0x13];
	[sflag:s18] =	ssyncadd.s32 $0xFFFFE000  }
0x294: {  	[tilespmem:s14], [sflag:$0x1] =	stream.indirect.gather [spmem:s1], $0x40, s19, s13, $0xb8;
	[tilespmem:$0x1E440] =	vst v63  }
0x295: {  	_ = 	snop  }
0x296: {  	[spmem:s3] =	stream.indirect.scatter.add.f32 [tilespmem:s16], [sflag:$0x2], $0x40, s8, s13, $0xb8;
	[tilespmem:$0x1E440] =	vst v63  }
0x297: {  	_ = 	snop  }
0x298: {  	[spmem:s4] =	stream.indirect.scatter.add.f32 [tilespmem:s17], [sflag:$0x3], $0x10, s8, s13, $0xb8;
	[tilespmem:$0x1E440] =	vst v63  }
0x299: {  	_ =	swait.ge [sflag:s15], $0x2000  }
0x29a: {  	[sflag:s15] =	ssyncset.done $0x0  }
0x29b: {  	[sflag:s15] =	ssyncadd.s32 $0xFFFFE000  }
0x29c: {  	_ =	swait.ge [sflag:s18], $0x2000  }
0x29d: {  	[sflag:s18] =	ssyncset.done $0x0  }
0x29e: {  	s29 =	rddreg [dreg:$0x14];
	[sflag:s18] =	ssyncadd.s32 $0xFFFFE000  }
0x29f: {  	[tilespmem:s16], [sflag:$0x1] =	stream.indirect.gather [spmem:s1], $0x40, s29, s13, $0xb8;
	[tilespmem:$0x1E440] =	vst v63  }
0x2a0: {  	_ = 	snop  }
0x2a1: {  	[spmem:s3] =	stream.indirect.scatter.add.f32 [tilespmem:s14], [sflag:$0x2], $0x40, s22, s13, $0xb8;
	[tilespmem:$0x1E440] =	vst v63  }
0x2a2: {  	_ = 	snop  }
0x2a3: {  	[spmem:s4] =	stream.indirect.scatter.add.f32 [tilespmem:s17], [sflag:$0x3], $0x10, s22, s13, $0xb8;
	[tilespmem:$0x1E440] =	vst v63  }
0x2a4: {  	_ =	swait.ge [sflag:s15], $0x2000  }
0x2a5: {  	[sflag:s15] =	ssyncset.done $0x0  }
0x2a6: {  	[sflag:s15] =	ssyncadd.s32 $0xFFFFE000  }
0x2a7: {  	[spmem:s3] =	stream.indirect.scatter.add.f32 [tilespmem:s16], [sflag:$0x2], $0x40, s24, s13, $0xb8;
	[tilespmem:$0x1E440] =	vst v63  }
0x2a8: {  	_ = 	snop  }
0x2a9: {  	[spmem:s4] =	stream.indirect.scatter.add.f32 [tilespmem:s17], [sflag:$0x3], $0x10, s24, s13, $0xb8;
	[tilespmem:$0x1E440] =	vst v63  }
0x2aa: {  	_ =	swait.ge [sflag:s18], $0x2000  }
0x2ab: {  	[sflag:s18] =	ssyncset.done $0x0  }
0x2ac: {  	[sflag:s18] =	ssyncadd.s32 $0xFFFFE000  }
0x2ad: {  	_ =	swait.ge [sflag:s18], $0x2000  }
0x2ae: {  	[sflag:s18] =	ssyncset.done $0x0  }
0x2af: {  	[sflag:s18] =	ssyncadd.s32 $0xFFFFE000  }
0x2b0: {  	_ =	swait.ge [sflag:s26], $0x800  }
0x2b1: {  	s10 =	simm.s32 $0x4F;
	[sflag:s26] =	ssyncset.done $0x0  }
.LBB2_6:
0x2b2: {  	p0 =	sne.s32 s10, $0x1;
	s10 =	sadd.s32 $0xFFFFFFFF, s10;
	[sflag:s26] =	ssyncadd.s32 $0xFFFFF800  }
.Ltmp2:
0x2b3: {  	(pc) =	sbr.rel @p0 .LBB2_6-.Ltmp2, $3  }
0x2b4: {  	_ =	sdelay $0x1  }
0x2b5: {  	_ =	swait.ge [sflag:s26], $0x800  }
0x2b6: {  	[sflag:s26] =	ssyncset.done $0x0  }
0x2b7: {  	[sflag:s26] =	ssyncadd.s32 $0xFFFFF800  }
0x2b8: {  	[bflag:$0x0] =	sbarrier.arrive $0xFFFF  }
0x2b9: {  	s10 =	sld [smem:$0x7EC];
	_ =	sdelay $0x2  }
0x2ba: {  	[tilespmem:s14], [sflag:$0x4] =	stream.linear.gather [spmem:s10], $0x2000, $0x38;
	[tilespmem:$0x1E440] =	vst v63  }
0x2bb: {  	_ =	swait.ge [sflag:s9], $0x2000  }
0x2bc: {  	[sflag:s9] =	ssyncset.done $0x0  }
0x2bd: {  	s11 =	rddreg [dreg:$0x15];
	[sflag:s9] =	ssyncadd.s32 $0xFFFFE000  }
0x2be: {  	[hbm4b:s11+s5] =	stream.linear.scatter [tilespmem:s14], [sflag:$0x4], $0x2000, $0x38;
	[tilespmem:$0x1E440] =	vst v63  }
0x2bf: {  	_ =	swait.ge [sflag:s9], $0x2000  }
0x2c0: {  	s19 =	sld [smem:$0x7F8]  }
0x2c1: {  	[sflag:s9] =	ssyncset.done $0x0  }
0x2c2: {  	s11 =	simm.s32 $0x7800;
	[sflag:s9] =	ssyncadd.s32 $0xFFFFE000  }
0x2c3: {  	[tilespmem:s11], [sflag:$0x4] =	stream.linear.gather [spmem:s19], $0x800, $0x38;
	[tilespmem:$0x1E440] =	vst v63  }
0x2c4: {  	_ =	swait.ge [sflag:s9], $0x800  }
0x2c5: {  	[sflag:s9] =	ssyncset.done $0x0  }
0x2c6: {  	s29 =	rddreg [dreg:$0x1a];
	[sflag:s9] =	ssyncadd.s32 $0xFFFFF800  }
0x2c7: {  	[hbm4b:s29+s5] =	stream.linear.scatter [tilespmem:s11], [sflag:$0x4], $0x800, $0x38;
	[tilespmem:$0x1E440] =	vst v63  }
0x2c8: {  	_ =	swait.ge [sflag:s9], $0x800  }
0x2c9: {  	s19 =	sld [smem:$0x7F0]  }
0x2ca: {  	[sflag:s9] =	ssyncset.done $0x0  }
0x2cb: {  	[sflag:s9] =	ssyncadd.s32 $0xFFFFF800  }
0x2cc: {  	[tilespmem:s14], [sflag:$0x4] =	stream.linear.gather [spmem:s19], $0x2000, $0x38;
	[tilespmem:$0x1E440] =	vst v63  }
0x2cd: {  	_ =	swait.ge [sflag:s9], $0x2000  }
0x2ce: {  	[sflag:s9] =	ssyncset.done $0x0  }
0x2cf: {  	s29 =	rddreg [dreg:$0x16];
	[sflag:s9] =	ssyncadd.s32 $0xFFFFE000  }
0x2d0: {  	[hbm4b:s29+s5] =	stream.linear.scatter [tilespmem:s14], [sflag:$0x4], $0x2000, $0x38;
	[tilespmem:$0x1E440] =	vst v63  }
0x2d1: {  	_ =	swait.ge [sflag:s9], $0x2000  }
0x2d2: {  	s19 =	sld [smem:$0x7F9]  }
0x2d3: {  	[sflag:s9] =	ssyncset.done $0x0  }
0x2d4: {  	[sflag:s9] =	ssyncadd.s32 $0xFFFFE000  }
0x2d5: {  	[tilespmem:s11], [sflag:$0x4] =	stream.linear.gather [spmem:s19], $0x800, $0x38;
	[tilespmem:$0x1E440] =	vst v63  }
0x2d6: {  	_ =	swait.ge [sflag:s9], $0x800  }
0x2d7: {  	[sflag:s9] =	ssyncset.done $0x0  }
0x2d8: {  	s29 =	rddreg [dreg:$0x1b];
	[sflag:s9] =	ssyncadd.s32 $0xFFFFF800  }
0x2d9: {  	[hbm4b:s29+s5] =	stream.linear.scatter [tilespmem:s11], [sflag:$0x4], $0x800, $0x38;
	[tilespmem:$0x1E440] =	vst v63  }
0x2da: {  	_ =	swait.ge [sflag:s9], $0x800  }
0x2db: {  	s19 =	sld [smem:$0x7F2]  }
0x2dc: {  	[sflag:s9] =	ssyncset.done $0x0  }
0x2dd: {  	[sflag:s9] =	ssyncadd.s32 $0xFFFFF800  }
0x2de: {  	[tilespmem:s14], [sflag:$0x4] =	stream.linear.gather [spmem:s19], $0x2000, $0x38;
	[tilespmem:$0x1E440] =	vst v63  }
0x2df: {  	_ =	swait.ge [sflag:s9], $0x2000  }
0x2e0: {  	[sflag:s9] =	ssyncset.done $0x0  }
0x2e1: {  	s29 =	rddreg [dreg:$0x17];
	[sflag:s9] =	ssyncadd.s32 $0xFFFFE000  }
0x2e2: {  	[hbm4b:s29+s5] =	stream.linear.scatter [tilespmem:s14], [sflag:$0x4], $0x2000, $0x38;
	[tilespmem:$0x1E440] =	vst v63  }
0x2e3: {  	_ =	swait.ge [sflag:s9], $0x2000  }
0x2e4: {  	s19 =	sld [smem:$0x7FA]  }
0x2e5: {  	[sflag:s9] =	ssyncset.done $0x0  }
0x2e6: {  	[sflag:s9] =	ssyncadd.s32 $0xFFFFE000  }
0x2e7: {  	[tilespmem:s11], [sflag:$0x4] =	stream.linear.gather [spmem:s19], $0x800, $0x38;
	[tilespmem:$0x1E440] =	vst v63  }
0x2e8: {  	_ =	swait.ge [sflag:s9], $0x800  }
0x2e9: {  	[sflag:s9] =	ssyncset.done $0x0  }
0x2ea: {  	s29 =	rddreg [dreg:$0x1c];
	[sflag:s9] =	ssyncadd.s32 $0xFFFFF800  }
0x2eb: {  	[hbm4b:s29+s5] =	stream.linear.scatter [tilespmem:s11], [sflag:$0x4], $0x800, $0x38;
	[tilespmem:$0x1E440] =	vst v63  }
0x2ec: {  	_ =	swait.ge [sflag:s9], $0x800  }
0x2ed: {  	s19 =	sld [smem:$0x7F4]  }
0x2ee: {  	[sflag:s9] =	ssyncset.done $0x0  }
0x2ef: {  	[sflag:s9] =	ssyncadd.s32 $0xFFFFF800  }
0x2f0: {  	[tilespmem:s14], [sflag:$0x4] =	stream.linear.gather [spmem:s19], $0x2000, $0x38;
	[tilespmem:$0x1E440] =	vst v63  }
0x2f1: {  	_ =	swait.ge [sflag:s9], $0x2000  }
0x2f2: {  	[sflag:s9] =	ssyncset.done $0x0  }
0x2f3: {  	s29 =	rddreg [dreg:$0x18];
	[sflag:s9] =	ssyncadd.s32 $0xFFFFE000  }
0x2f4: {  	[hbm4b:s29+s5] =	stream.linear.scatter [tilespmem:s14], [sflag:$0x4], $0x2000, $0x38;
	[tilespmem:$0x1E440] =	vst v63  }
0x2f5: {  	_ =	swait.ge [sflag:s9], $0x2000  }
0x2f6: {  	s19 =	sld [smem:$0x7FB]  }
0x2f7: {  	[sflag:s9] =	ssyncset.done $0x0  }
0x2f8: {  	[sflag:s9] =	ssyncadd.s32 $0xFFFFE000  }
0x2f9: {  	[tilespmem:s11], [sflag:$0x4] =	stream.linear.gather [spmem:s19], $0x800, $0x38;
	[tilespmem:$0x1E440] =	vst v63  }
0x2fa: {  	_ =	swait.ge [sflag:s9], $0x800  }
0x2fb: {  	[sflag:s9] =	ssyncset.done $0x0  }
0x2fc: {  	s29 =	rddreg [dreg:$0x1d];
	[sflag:s9] =	ssyncadd.s32 $0xFFFFF800  }
0x2fd: {  	[hbm4b:s29+s5] =	stream.linear.scatter [tilespmem:s11], [sflag:$0x4], $0x800, $0x38;
	[tilespmem:$0x1E440] =	vst v63  }
0x2fe: {  	_ =	swait.ge [sflag:s9], $0x800  }
0x2ff: {  	s19 =	sld [smem:$0x7F6]  }
0x300: {  	[sflag:s9] =	ssyncset.done $0x0  }
0x301: {  	[sflag:s9] =	ssyncadd.s32 $0xFFFFF800  }
0x302: {  	[tilespmem:s14], [sflag:$0x4] =	stream.linear.gather [spmem:s19], $0x2000, $0x38;
	[tilespmem:$0x1E440] =	vst v63  }
0x303: {  	_ =	swait.ge [sflag:s9], $0x2000  }
0x304: {  	[sflag:s9] =	ssyncset.done $0x0  }
0x305: {  	s29 =	rddreg [dreg:$0x19];
	[sflag:s9] =	ssyncadd.s32 $0xFFFFE000  }
0x306: {  	[hbm4b:s29+s5] =	stream.linear.scatter [tilespmem:s14], [sflag:$0x4], $0x2000, $0x38;
	[tilespmem:$0x1E440] =	vst v63  }
0x307: {  	_ =	swait.ge [sflag:s9], $0x2000  }
0x308: {  	s19 =	sld [smem:$0x7FC]  }
0x309: {  	[sflag:s9] =	ssyncset.done $0x0  }
0x30a: {  	[sflag:s9] =	ssyncadd.s32 $0xFFFFE000  }
0x30b: {  	[tilespmem:s11], [sflag:$0x4] =	stream.linear.gather [spmem:s19], $0x800, $0x38;
	[tilespmem:$0x1E440] =	vst v63  }
0x30c: {  	_ =	swait.ge [sflag:s9], $0x800  }
0x30d: {  	[sflag:s9] =	ssyncset.done $0x0  }
0x30e: {  	s29 =	rddreg [dreg:$0x1e];
	[sflag:s9] =	ssyncadd.s32 $0xFFFFF800  }
0x30f: {  	[hbm4b:s29+s5] =	stream.linear.scatter [tilespmem:s11], [sflag:$0x4], $0x800, $0x38;
	[tilespmem:$0x1E440] =	vst v63  }
0x310: {  	_ =	swait.ge [sflag:s9], $0x800  }
0x311: {  	s19 =	sld [smem:$0x7EA]  }
0x312: {  	s29 =	sld [smem:$0x7ED];
	_ =	sdelay $0x1  }
0x313: {  	s11 =	sadd.s32 $0x1, s19  }
0x314: {  	p0 =	sne.s32 s11, s29  }
.Ltmp3:
0x315: {  	_ = 	snop;
	(pc) =	sbr.rel @p0 .LBB2_1-.Ltmp3, $3  }
0x316: {  	_ =	sdelay $0x1  }
0x317: {  	[sflag:s9] =	ssyncset.done $0x0  }
0x318: {  	[sflag:s9] =	ssyncadd.s32 $0xFFFFF800  }
0x319: {  	_ =	sfence.sel $0x180000  }
0x31a: {  	[bflag:$0x0] =	sbarrier.arrive $0xFFFF  }
0x31b: {  	_ =	strace $0x90000047  }
0x31c: {  	s0 =	stileid.u32;
	[bflag:$0x2] =	sbarrier.arrive $0xFFFF  }
0x31d: {  	p0 =	sne.s32 s0, $0x0;
	s0 =	rddreg [dreg:$0x4]  }
0x31e: {  	s0 =	sadd.s32 @!p0 $0x100000, s0  }
0x31f: {  	[sflag:s0] =	ssyncadd.tile.s32 @!p0 $0x1;
	_ =	shalt  }
.Lfunc_end2:
_tile_overlayer_lowered:
.L_overlay_start_2:
0x320: {  	(tag) =	ssettag $0x2  }
0x321: {  	s0 =	rddreg [dreg:$0x0];
	s2 =	stileid.u32  }
0x322: {  	s1 =	rddreg [dreg:$0x1];
	p0 =	sne.s32 s2, $0x0  }
0x323: {  	s3 =	rddreg [dreg:$0x2];
	[bflag:$0x3] =	sbarrier.arrive $0xFFFF;
	s2 =	simm.s32 @!p0 $0x1C04  }
0x324: {  	[timem:s3], [sflag:s2] =	dma.local @!p0 [hbm:s0], s1  }
0x325: {  	s0 =	simm.s32 @!p0 $0x4  }
0x326: {  	_ =	swait.ge @!p0 [sflag:s0], s1  }
0x327: {  	s1 =	ssub.s32 @!p0 $0x0, s1;
	[sflag:s0] =	ssyncset.done @!p0 $0x0  }
0x328: {  	[sflag:s0] =	ssyncadd.s32 @!p0 s1  }
0x329: {  	[bflag:$0x3] =	sbarrier.arrive $0xFFFF  }
0x32a: {  	_ =	shalt  }

</sc_bundles>
